<compile_context>
chip_gen: v7x
topology: tpu7x:2x2x1
jax: 0.10.2.dev20260603
libtpu: 0.0.44.dev20260713+nightly
codegen_flags: <defaults>
</compile_context>

<pallas_src>
import jax
import jax.numpy as jnp
from jax import lax
from jax.experimental import pallas as pl
from jax.experimental.pallas import tpu as pltpu
from jax.experimental.pallas import tpu_sc as plsc

N = 100000
D = 16
E = 3200000
NP = 102400
TPS = NP // 16
NP8 = NP // 8

NC = 2
NS = 16
NW = NC * NS

GW = 256
GPW = 396
GTOT = NW * GPW
EP = GTOT * GW
NR = 6
NRD = 3
GWD = 2048
GPT = EP // GWD // NS

HTPS = NP // NC // NS

_mesh = plsc.VectorSubcoreMesh(core_axis_name="c", subcore_axis_name="s")
_sc_params = pltpu.CompilerParams(use_tc_tiling_on_sc=False)


def _deg_body(dst3, zeros1, dis128, idxD, ones, degb, st, dacc, *sems):
    dsems = sems[:NRD]
    ssems = sems[NRD:]
    c = lax.axis_index("c")
    s = lax.axis_index("s")

    for k in range(GWD // 16):
        ones[pl.ds(k * 16, 16)] = jnp.ones((16,), jnp.float32)
    sl = pl.ds(s * TPS, TPS)
    pltpu.sync_copy(zeros1, dacc.at[sl])
    plsc.subcore_barrier()

    start = s * GPT

    def dld(q, g):
        return pltpu.make_async_copy(dst3.at[g], idxD.at[q], dsems[q])

    def scat(q):
        return pltpu.make_async_copy(ones, dacc.at[idxD.at[q]], ssems[q])

    def body(i, _):
        for u in range(NRD):
            w = (u + 1) % NRD

            @pl.when(i >= 1)
            def _():
                scat(u).wait()

            dld(u, start + i * NRD + u).start()
            if u == 2:
                dld(w, 0).wait()
                pltpu.async_copy(ones, dacc.at[idxD.at[w]], ssems[w],
                                 add=True)
            else:
                @pl.when(i >= 1)
                def _():
                    dld(w, 0).wait()
                    pltpu.async_copy(ones, dacc.at[idxD.at[w]], ssems[w],
                                     add=True)
        return 0

    lax.fori_loop(0, GPT // NRD, body, 0)
    for u in (1, 2):
        dld(u, 0).wait()
        pltpu.async_copy(ones, dacc.at[idxD.at[u]], ssems[u], add=True)
    for u in range(NRD):
        scat(u).wait()

    plsc.subcore_barrier()

    nbase = (c * NS + s) * HTPS
    pltpu.sync_copy(dacc.at[pl.ds(nbase, HTPS)], degb)

    def disv(v, _):
        d = degb[pl.ds(v * 16, 16)] + 1.0
        yi = jnp.int32(0x5F3759DF) - (lax.bitcast_convert_type(
            d, jnp.int32) >> 1)
        y = lax.bitcast_convert_type(yi, jnp.float32)
        for _it in range(3):
            y = y * (1.5 - 0.5 * d * y * y)
        for l in range(16):
            row = 2 * v + (l // 8)
            col = (l % 8) * 16
            st[row, pl.ds(col, 16)] = jnp.broadcast_to(y[l], (16,))
        return 0

    lax.fori_loop(0, HTPS // 16, disv, 0)
    pltpu.sync_copy(st, dis128.at[pl.ds(nbase // 8, HTPS // 8)])


_deg_kernel = pl.kernel(
    _deg_body,
    out_type=jax.ShapeDtypeStruct((NP8, 128), jnp.float32),
    mesh=_mesh,
    compiler_params=_sc_params,
    scratch_types=(
        [pltpu.VMEM((NRD, GWD), jnp.int32),
         pltpu.VMEM((GWD,), jnp.float32),
         pltpu.VMEM((HTPS,), jnp.float32),
         pltpu.VMEM((HTPS // 8, 128), jnp.float32),
         pltpu.VMEM_SHARED((NP,), jnp.float32)]
        + [pltpu.SemaphoreType.DMA] * (2 * NRD)
    ),
)


def _gs_body(src3, dst3, xs, zeros2, outa, outb, idxS, idxD,
             r0, r1, r2, r3, r4, r5, acc, *sems):
    rows = (r0, r1, r2, r3, r4, r5)
    isems = sems[:NR]
    dsems = sems[NR:2 * NR]
    gsems = sems[2 * NR:3 * NR]
    ssems = sems[3 * NR:]
    c = lax.axis_index("c")
    s = lax.axis_index("s")
    wid = s * NC + c
    start = wid * GPW

    sl = pl.ds(s * TPS, TPS)
    pltpu.sync_copy(zeros2, acc.at[sl])
    plsc.subcore_barrier()

    def ild(q, g):
        return pltpu.make_async_copy(src3.at[g], idxS.at[q], isems[q])

    def dld(q, g):
        return pltpu.make_async_copy(dst3.at[g], idxD.at[q], dsems[q])

    def gath(q):
        return pltpu.make_async_copy(xs.at[idxS.at[q]], rows[q], gsems[q])

    def scat(q):
        return pltpu.make_async_copy(rows[q], acc.at[idxD.at[q]], ssems[q])

    ild(0, start).start()
    ild(1, start + 1).start()
    ild(2, start + 2).start()

    def body(i, _):
        for u in range(NR):
            w = (u + 3) % NR
            g = start + i * NR + u

            @pl.when(i >= 1)
            def _():
                scat(u).wait()

            dld(u, g).start()
            ild(u, 0).wait()
            gath(u).start()

            def fire_prev():
                gath(w).wait()
                dld(w, 0).wait()
                pltpu.async_copy(rows[w], acc.at[idxD.at[w]], ssems[w],
                                 add=True)

            if u >= 3:
                fire_prev()

                @pl.when(i <= GPW // NR - 2)
                def _():
                    ild(w, g + 3).start()
            else:
                @pl.when(i >= 1)
                def _():
                    fire_prev()

                ild(w, g + 3).start()
        return 0

    lax.fori_loop(0, GPW // NR, body, 0)
    for u in (3, 4, 5):
        gath(u).wait()
        dld(u, 0).wait()
        pltpu.async_copy(rows[u], acc.at[idxD.at[u]], ssems[u], add=True)
    for u in range(NR):
        scat(u).wait()

    plsc.subcore_barrier()

    @pl.when(c == 0)
    def _w0():
        pltpu.sync_copy(acc.at[sl], outa.at[sl])

    @pl.when(c == 1)
    def _w1():
        pltpu.sync_copy(acc.at[sl], outb.at[sl])


_gs_kernel = pl.kernel(
    _gs_body,
    out_type=(
        jax.ShapeDtypeStruct((NP, D), jnp.float32),
        jax.ShapeDtypeStruct((NP, D), jnp.float32),
    ),
    mesh=_mesh,
    compiler_params=_sc_params,
    scratch_types=(
        [pltpu.VMEM((NR, GW), jnp.int32),
         pltpu.VMEM((NR, GW), jnp.int32)]
        + [pltpu.VMEM((GW, D), jnp.float32)] * NR
        + [pltpu.VMEM_SHARED((NP, D), jnp.float32)]
        + [pltpu.SemaphoreType.DMA] * (4 * NR)
    ),
)


BM8 = 800
GRID = NP8 // BM8

_spec_p = pl.BlockSpec((BM8, 128), lambda i: (i, 0))
_spec_w = pl.BlockSpec((128, 128), lambda i: (0, 0))
_spec_b = pl.BlockSpec((1, 128), lambda i: (0, 0))


def _tc1_body(dis, emb, wbd, xs1):
    h = jnp.dot(emb[...], wbd[...], preferred_element_type=jnp.float32)
    xs1[...] = h * dis[...]


_tc1 = pl.pallas_call(
    _tc1_body,
    grid=(GRID,),
    in_specs=[_spec_p, _spec_p, _spec_w],
    out_specs=_spec_p,
    out_shape=jax.ShapeDtypeStruct((NP8, 128), jnp.float32),
)


def _tc2_body(dis, xs1, acca, accb, wbd, bias, xs2):
    dv = dis[...]
    x2 = jnp.maximum(
        dv * (acca[...] + accb[...] + xs1[...]) + bias[...], 0.0)
    h = jnp.dot(x2, wbd[...], preferred_element_type=jnp.float32)
    xs2[...] = h * dv


_tc2 = pl.pallas_call(
    _tc2_body,
    grid=(GRID,),
    in_specs=[_spec_p, _spec_p, _spec_p, _spec_p, _spec_w, _spec_b],
    out_specs=_spec_p,
    out_shape=jax.ShapeDtypeStruct((NP8, 128), jnp.float32),
)


def _tc3_body(dis, xs2, acca, accb, bias, out):
    out[...] = dis[...] * (acca[...] + accb[...] + xs2[...]) + bias[...]


_tc3 = pl.pallas_call(
    _tc3_body,
    grid=(GRID,),
    in_specs=[_spec_p, _spec_p, _spec_p, _spec_p, _spec_b],
    out_specs=_spec_p,
    out_shape=jax.ShapeDtypeStruct((NP8, 128), jnp.float32),
)


def kernel(edge_index, emb, W1, b1, W2, b2):
    pe = EP - E
    pad_dst = N + (jnp.arange(pe, dtype=jnp.int32) % 2048)
    dstf = jnp.concatenate([edge_index[1], pad_dst])
    zeros1 = jnp.zeros((TPS,), jnp.float32)
    zeros2 = jnp.zeros((TPS, D), jnp.float32)

    dis = _deg_kernel(dstf.reshape(EP // GWD, GWD), zeros1)

    pad_src = (jnp.arange(pe, dtype=jnp.int32) % N)
    src3 = jnp.concatenate([edge_index[0], pad_src]).reshape(GTOT, GW)
    dst3 = dstf.reshape(GTOT, GW)
    eye8 = jnp.eye(8, dtype=jnp.float32)
    wbd1 = jnp.kron(eye8, W1)
    wbd2 = jnp.kron(eye8, W2)
    b1t = jnp.tile(b1, 8).reshape(1, 128)
    b2t = jnp.tile(b2, 8).reshape(1, 128)
    emb8 = jnp.pad(emb.reshape(N // 8, 128), ((0, NP8 - N // 8), (0, 0)))

    xs1 = _tc1(dis, emb8, wbd1)
    a1a, a1b = _gs_kernel(src3, dst3, xs1.reshape(NP, D), zeros2)
    xs2 = _tc2(dis, xs1, a1a.reshape(NP8, 128), a1b.reshape(NP8, 128),
               wbd2, b1t)
    a2a, a2b = _gs_kernel(src3, dst3, xs2.reshape(NP, D), zeros2)
    out = _tc3(dis, xs2, a2a.reshape(NP8, 128), a2b.reshape(NP8, 128), b2t)
    return out[:N // 8].reshape(N, D)

# --- scband reference (transcript-rebuilt; emitter-appended) ---
"""Pipeline reference for scband-gnn-66580583022905 (READ-ONLY COPY).

The authoritative reference and input builder live on the scoring server;
editing this copy changes nothing except your own understanding.
"""

import jax, jax.numpy as jnp
import numpy as np

NUM_NODES = 100000
HIDDEN_DIM = 16
NUM_EDGES = 3200000


def setup_inputs(seed: int = 0) -> dict:
    key = jax.random.key(seed)
    k1, k2, k3, k4, k5, k6 = jax.random.split(key, 6)
    edge_index = jax.random.randint(k1, (2, NUM_EDGES), 0, NUM_NODES, dtype=jnp.int64 if jax.config.jax_enable_x64 else jnp.int32).astype(jnp.int32)
    emb = jax.random.normal(k2, (NUM_NODES, HIDDEN_DIM), dtype=jnp.float32)
    s = 1.0 / np.sqrt(HIDDEN_DIM)
    W1 = jax.random.uniform(k3, (HIDDEN_DIM, HIDDEN_DIM), dtype=jnp.float32, minval=-s, maxval=s)
    b1 = jnp.zeros((HIDDEN_DIM,), dtype=jnp.float32)
    W2 = jax.random.uniform(k4, (HIDDEN_DIM, HIDDEN_DIM), dtype=jnp.float32, minval=-s, maxval=s)
    b2 = jnp.zeros((HIDDEN_DIM,), dtype=jnp.float32)
    return {"edge_index": edge_index, "emb": emb, "W1": W1, "b1": b1, "W2": W2, "b2": b2}


def gcn_conv(x, edge_index, W, b, num_nodes):
    # x' = D^-1/2 (A + I) D^-1/2 (x W) + b   (PyG GCNConv semantics)
    x = x @ W
    src = edge_index[0]
    dst = edge_index[1]
    loop = jnp.arange(num_nodes, dtype=src.dtype)
    src = jnp.concatenate([src, loop])
    dst = jnp.concatenate([dst, loop])
    deg = jnp.zeros((num_nodes,), dtype=x.dtype).at[dst].add(1.0)
    deg_inv_sqrt = jnp.where(deg > 0, deg ** -0.5, 0.0)
    norm = deg_inv_sqrt[src] * deg_inv_sqrt[dst]
    msg = x[src] * norm[:, None]
    out = jnp.zeros_like(x).at[dst].add(msg)
    return out + b


def reference(edge_index, emb, W1, b1, W2, b2):
    x = gcn_conv(emb, edge_index, W1, b1, NUM_NODES)
    x = jax.nn.relu(x)
    x = gcn_conv(x, edge_index, W2, b2, NUM_NODES)
    return x

if __name__ == "__main__":
    import jax
    _d = setup_inputs()
    print(jax.jit(kernel)(*tuple(_d.values())))

</pallas_src>

<mosaic_0001>
#map = affine_map<(d0, d1) -> (0, 0)>
module attributes {stable_mosaic.version = 14 : i64} {
  func.func @_gs_body(%arg0: i32, %arg1: i32, %arg2: memref<12672x256xi32, #tpu.memory_space<hbm>>, %arg3: memref<12672x256xi32, #tpu.memory_space<hbm>>, %arg4: memref<102400x16xf32, #tpu.memory_space<hbm>>, %arg5: memref<6400x16xf32, #tpu.memory_space<hbm>>, %arg6: memref<102400x16xf32, #tpu.memory_space<hbm>>, %arg7: memref<102400x16xf32, #tpu.memory_space<hbm>>, %arg8: memref<6x256xi32, #tpu.memory_space<vmem>>, %arg9: memref<6x256xi32, #tpu.memory_space<vmem>>, %arg10: memref<256x16xf32, #tpu.memory_space<vmem>>, %arg11: memref<256x16xf32, #tpu.memory_space<vmem>>, %arg12: memref<256x16xf32, #tpu.memory_space<vmem>>, %arg13: memref<256x16xf32, #tpu.memory_space<vmem>>, %arg14: memref<256x16xf32, #tpu.memory_space<vmem>>, %arg15: memref<256x16xf32, #tpu.memory_space<vmem>>, %arg16: memref<102400x16xf32, #tpu.memory_space<vmem_shared>>, %arg17: memref<!tpu.dma_semaphore, #tpu.memory_space<semaphore_mem>>, %arg18: memref<!tpu.dma_semaphore, #tpu.memory_space<semaphore_mem>>, %arg19: memref<!tpu.dma_semaphore, #tpu.memory_space<semaphore_mem>>, %arg20: memref<!tpu.dma_semaphore, #tpu.memory_space<semaphore_mem>>, %arg21: memref<!tpu.dma_semaphore, #tpu.memory_space<semaphore_mem>>, %arg22: memref<!tpu.dma_semaphore, #tpu.memory_space<semaphore_mem>>, %arg23: memref<!tpu.dma_semaphore, #tpu.memory_space<semaphore_mem>>, %arg24: memref<!tpu.dma_semaphore, #tpu.memory_space<semaphore_mem>>, %arg25: memref<!tpu.dma_semaphore, #tpu.memory_space<semaphore_mem>>, %arg26: memref<!tpu.dma_semaphore, #tpu.memory_space<semaphore_mem>>, %arg27: memref<!tpu.dma_semaphore, #tpu.memory_space<semaphore_mem>>, %arg28: memref<!tpu.dma_semaphore, #tpu.memory_space<semaphore_mem>>, %arg29: memref<!tpu.dma_semaphore, #tpu.memory_space<semaphore_mem>>, %arg30: memref<!tpu.dma_semaphore, #tpu.memory_space<semaphore_mem>>, %arg31: memref<!tpu.dma_semaphore, #tpu.memory_space<semaphore_mem>>, %arg32: memref<!tpu.dma_semaphore, #tpu.memory_space<semaphore_mem>>, %arg33: memref<!tpu.dma_semaphore, #tpu.memory_space<semaphore_mem>>, %arg34: memref<!tpu.dma_semaphore, #tpu.memory_space<semaphore_mem>>, %arg35: memref<!tpu.dma_semaphore, #tpu.memory_space<semaphore_mem>>, %arg36: memref<!tpu.dma_semaphore, #tpu.memory_space<semaphore_mem>>, %arg37: memref<!tpu.dma_semaphore, #tpu.memory_space<semaphore_mem>>, %arg38: memref<!tpu.dma_semaphore, #tpu.memory_space<semaphore_mem>>, %arg39: memref<!tpu.dma_semaphore, #tpu.memory_space<semaphore_mem>>, %arg40: memref<!tpu.dma_semaphore, #tpu.memory_space<semaphore_mem>>) attributes {dimension_semantics = [#tpu.dimension_semantics<core_parallel>, #tpu.dimension_semantics<subcore_parallel>], iteration_bounds = array<i64: 2, 16>, scalar_prefetch = 0 : i64, scratch_operands = 33 : i64, tpu.core_type = #tpu.core_type<sc_vector_subcore>, window_params = [{transform_indices = #map}, {transform_indices = #map}, {transform_indices = #map}, {transform_indices = #map}, {transform_indices = #map}, {transform_indices = #map}]} {
    %mul3A = arith.constant 2 : i32
    %mul3A_0 = arith.muli %arg1, %mul3A : i32
    %add3A = arith.addi %mul3A_0, %arg0 : i32
    %mul3A_1 = arith.constant 396 : i32
    %mul3A_2 = arith.muli %add3A, %mul3A_1 : i32
    %mul3A_3 = arith.constant 6400 : i32
    %mul3A_4 = arith.muli %arg1, %mul3A_3 : i32
    "tpu.region"() ({
      %run_scoped3A = tpu.sem_alloc : memref<!tpu.dma_semaphore, #tpu.memory_space<semaphore_mem>>
      %dma_start3A_186 = arith.constant 0 : i32
      %dma_start3A_187 = tpu.memref_slice %arg16[%mul3A_4, %dma_start3A_186] : memref<102400x16xf32, #tpu.memory_space<vmem_shared>> -> memref<6400x16xf32, #tpu.memory_space<vmem_shared>>
      tpu.enqueue_dma source(%arg5 : memref<6400x16xf32, #tpu.memory_space<hbm>>) target(%dma_start3A_187 : memref<6400x16xf32, #tpu.memory_space<vmem_shared>>) target_semaphore(%run_scoped3A : memref<!tpu.dma_semaphore, #tpu.memory_space<semaphore_mem>>)
      %dma_wait3A_188 = arith.constant 0 : i32
      %dma_wait3A_189 = tpu.memref_slice %arg16[%mul3A_4, %dma_wait3A_188] : memref<102400x16xf32, #tpu.memory_space<vmem_shared>> -> memref<6400x16xf32, #tpu.memory_space<vmem_shared>>
      tpu.wait_dma2 semaphore(%run_scoped3A : memref<!tpu.dma_semaphore, #tpu.memory_space<semaphore_mem>>) src(%arg5 : memref<6400x16xf32, #tpu.memory_space<hbm>>) dst(%dma_wait3A_189 : memref<6400x16xf32, #tpu.memory_space<vmem_shared>>)
      tpu.yield
    }) : () -> ()
    %barrier3A = arith.constant 0 : index
    tpu.barrier barrier_id(%barrier3A)
    %dma_start3A = arith.constant 0 : i32
    %dma_start3A_5 = arith.constant 0 : i32
    %dma_start3A_6 = tpu.memref_slice %arg8[%dma_start3A, %dma_start3A_5] : memref<6x256xi32, #tpu.memory_space<vmem>> -> memref<1x256xi32, #tpu.memory_space<vmem>>
    %dma_start3A_7 = tpu.memref_squeeze %dma_start3A_6 : memref<1x256xi32, #tpu.memory_space<vmem>> -> memref<256xi32, #tpu.memory_space<vmem>>
    %dma_start3A_8 = arith.constant 0 : i32
    %dma_start3A_9 = tpu.memref_slice %arg2[%mul3A_2, %dma_start3A_8] : memref<12672x256xi32, #tpu.memory_space<hbm>> -> memref<1x256xi32, #tpu.memory_space<hbm>>
    %dma_start3A_10 = tpu.memref_squeeze %dma_start3A_9 : memref<1x256xi32, #tpu.memory_space<hbm>> -> memref<256xi32, #tpu.memory_space<hbm>>
    %dma_start3A_11 = arith.constant 0 : i32
    %dma_start3A_12 = tpu.memref_slice %arg8[%dma_start3A, %dma_start3A_11] : memref<6x256xi32, #tpu.memory_space<vmem>> -> memref<1x256xi32, #tpu.memory_space<vmem>>
    %dma_start3A_13 = tpu.memref_squeeze %dma_start3A_12 : memref<1x256xi32, #tpu.memory_space<vmem>> -> memref<256xi32, #tpu.memory_space<vmem>>
    %dma_start3A_14 = arith.constant 0 : i32
    %dma_start3A_15 = tpu.memref_slice %arg2[%mul3A_2, %dma_start3A_14] : memref<12672x256xi32, #tpu.memory_space<hbm>> -> memref<1x256xi32, #tpu.memory_space<hbm>>
    %dma_start3A_16 = tpu.memref_squeeze %dma_start3A_15 : memref<1x256xi32, #tpu.memory_space<hbm>> -> memref<256xi32, #tpu.memory_space<hbm>>
    tpu.enqueue_dma source(%dma_start3A_16 : memref<256xi32, #tpu.memory_space<hbm>>) target(%dma_start3A_13 : memref<256xi32, #tpu.memory_space<vmem>>) target_semaphore(%arg17 : memref<!tpu.dma_semaphore, #tpu.memory_space<semaphore_mem>>)
    %add3A_17 = arith.constant 1 : i32
    %add3A_18 = arith.addi %mul3A_2, %add3A_17 : i32
    %dma_start3A_19 = arith.constant 1 : i32
    %dma_start3A_20 = arith.constant 0 : i32
    %dma_start3A_21 = tpu.memref_slice %arg8[%dma_start3A_19, %dma_start3A_20] : memref<6x256xi32, #tpu.memory_space<vmem>> -> memref<1x256xi32, #tpu.memory_space<vmem>>
    %dma_start3A_22 = tpu.memref_squeeze %dma_start3A_21 : memref<1x256xi32, #tpu.memory_space<vmem>> -> memref<256xi32, #tpu.memory_space<vmem>>
    %dma_start3A_23 = arith.constant 0 : i32
    %dma_start3A_24 = tpu.memref_slice %arg2[%add3A_18, %dma_start3A_23] : memref<12672x256xi32, #tpu.memory_space<hbm>> -> memref<1x256xi32, #tpu.memory_space<hbm>>
    %dma_start3A_25 = tpu.memref_squeeze %dma_start3A_24 : memref<1x256xi32, #tpu.memory_space<hbm>> -> memref<256xi32, #tpu.memory_space<hbm>>
    %dma_start3A_26 = arith.constant 0 : i32
    %dma_start3A_27 = tpu.memref_slice %arg8[%dma_start3A_19, %dma_start3A_26] : memref<6x256xi32, #tpu.memory_space<vmem>> -> memref<1x256xi32, #tpu.memory_space<vmem>>
    %dma_start3A_28 = tpu.memref_squeeze %dma_start3A_27 : memref<1x256xi32, #tpu.memory_space<vmem>> -> memref<256xi32, #tpu.memory_space<vmem>>
    %dma_start3A_29 = arith.constant 0 : i32
    %dma_start3A_30 = tpu.memref_slice %arg2[%add3A_18, %dma_start3A_29] : memref<12672x256xi32, #tpu.memory_space<hbm>> -> memref<1x256xi32, #tpu.memory_space<hbm>>
    %dma_start3A_31 = tpu.memref_squeeze %dma_start3A_30 : memref<1x256xi32, #tpu.memory_space<hbm>> -> memref<256xi32, #tpu.memory_space<hbm>>
    tpu.enqueue_dma source(%dma_start3A_31 : memref<256xi32, #tpu.memory_space<hbm>>) target(%dma_start3A_28 : memref<256xi32, #tpu.memory_space<vmem>>) target_semaphore(%arg18 : memref<!tpu.dma_semaphore, #tpu.memory_space<semaphore_mem>>)
    %add3A_32 = arith.constant 2 : i32
    %add3A_33 = arith.addi %mul3A_2, %add3A_32 : i32
    %dma_start3A_34 = arith.constant 2 : i32
    %dma_start3A_35 = arith.constant 0 : i32
    %dma_start3A_36 = tpu.memref_slice %arg8[%dma_start3A_34, %dma_start3A_35] : memref<6x256xi32, #tpu.memory_space<vmem>> -> memref<1x256xi32, #tpu.memory_space<vmem>>
    %dma_start3A_37 = tpu.memref_squeeze %dma_start3A_36 : memref<1x256xi32, #tpu.memory_space<vmem>> -> memref<256xi32, #tpu.memory_space<vmem>>
    %dma_start3A_38 = arith.constant 0 : i32
    %dma_start3A_39 = tpu.memref_slice %arg2[%add3A_33, %dma_start3A_38] : memref<12672x256xi32, #tpu.memory_space<hbm>> -> memref<1x256xi32, #tpu.memory_space<hbm>>
    %dma_start3A_40 = tpu.memref_squeeze %dma_start3A_39 : memref<1x256xi32, #tpu.memory_space<hbm>> -> memref<256xi32, #tpu.memory_space<hbm>>
    %dma_start3A_41 = arith.constant 0 : i32
    %dma_start3A_42 = tpu.memref_slice %arg8[%dma_start3A_34, %dma_start3A_41] : memref<6x256xi32, #tpu.memory_space<vmem>> -> memref<1x256xi32, #tpu.memory_space<vmem>>
    %dma_start3A_43 = tpu.memref_squeeze %dma_start3A_42 : memref<1x256xi32, #tpu.memory_space<vmem>> -> memref<256xi32, #tpu.memory_space<vmem>>
    %dma_start3A_44 = arith.constant 0 : i32
    %dma_start3A_45 = tpu.memref_slice %arg2[%add3A_33, %dma_start3A_44] : memref<12672x256xi32, #tpu.memory_space<hbm>> -> memref<1x256xi32, #tpu.memory_space<hbm>>
    %dma_start3A_46 = tpu.memref_squeeze %dma_start3A_45 : memref<1x256xi32, #tpu.memory_space<hbm>> -> memref<256xi32, #tpu.memory_space<hbm>>
    tpu.enqueue_dma source(%dma_start3A_46 : memref<256xi32, #tpu.memory_space<hbm>>) target(%dma_start3A_43 : memref<256xi32, #tpu.memory_space<vmem>>) target_semaphore(%arg19 : memref<!tpu.dma_semaphore, #tpu.memory_space<semaphore_mem>>)
    %scan3A = arith.constant 0 : i32
    %scan3A_47 = arith.constant 0 : i32
    %scan3A_48 = arith.constant 66 : i32
    %scan3A_49 = arith.addi %scan3A_47, %scan3A_48 : i32
    %scan3A_50 = arith.constant 1 : i32
    %scan3A_51 = scf.for %scan3A_186 = %scan3A_47 to %scan3A_49 step %scan3A_50 iter_args(%scan3A_187 = %scan3A) -> (i32)  : i32 {
      %mul3A_188 = arith.constant 6 : i32
      %mul3A_189 = arith.muli %scan3A_186, %mul3A_188 : i32
      %add3A_190 = arith.addi %mul3A_2, %mul3A_189 : i32
      %add3A_191 = arith.constant 0 : i32
      %add3A_192 = arith.addi %add3A_190, %add3A_191 : i32
      %ge3A = arith.constant 1 : i32
      %ge3A_193 = arith.cmpi sge, %scan3A_186, %ge3A : i32
      %convert_element_type3A_194 = arith.extui %ge3A_193 : i1 to i32
      %cond3A_195 = arith.constant 0 : i32
      %cond3A_196 = arith.cmpi ne, %convert_element_type3A_194, %cond3A_195 : i32
      scf.if %cond3A_196 {
        %dma_wait3A_610 = arith.constant 0 : i32
        %dma_wait3A_611 = arith.constant 0 : i32
        %dma_wait3A_612 = tpu.memref_slice %arg9[%dma_wait3A_610, %dma_wait3A_611] : memref<6x256xi32, #tpu.memory_space<vmem>> -> memref<1x256xi32, #tpu.memory_space<vmem>>
        %dma_wait3A_613 = tpu.memref_squeeze %dma_wait3A_612 : memref<1x256xi32, #tpu.memory_space<vmem>> -> memref<256xi32, #tpu.memory_space<vmem>>
        %dma_wait3A_614 = arith.constant 0 : i32
        %dma_wait3A_615 = arith.constant 0 : i32
        %dma_wait3A_616 = tpu.memref_slice %arg16[%dma_wait3A_614, %dma_wait3A_615] : memref<102400x16xf32, #tpu.memory_space<vmem_shared>> -> memref<102400x16xf32, #tpu.memory_space<vmem_shared>>
        tpu.wait_indirect_dma semaphore(%arg35 : memref<!tpu.dma_semaphore, #tpu.memory_space<semaphore_mem>>) src(%arg10 : memref<256x16xf32, #tpu.memory_space<vmem>>) dst(%dma_wait3A_616 : memref<102400x16xf32, #tpu.memory_space<vmem_shared>>)
      } else {
      }
      %dma_start3A_197 = arith.constant 0 : i32
      %dma_start3A_198 = arith.constant 0 : i32
      %dma_start3A_199 = tpu.memref_slice %arg9[%dma_start3A_197, %dma_start3A_198] : memref<6x256xi32, #tpu.memory_space<vmem>> -> memref<1x256xi32, #tpu.memory_space<vmem>>
      %dma_start3A_200 = tpu.memref_squeeze %dma_start3A_199 : memref<1x256xi32, #tpu.memory_space<vmem>> -> memref<256xi32, #tpu.memory_space<vmem>>
      %dma_start3A_201 = arith.constant 0 : i32
      %dma_start3A_202 = tpu.memref_slice %arg3[%add3A_192, %dma_start3A_201] : memref<12672x256xi32, #tpu.memory_space<hbm>> -> memref<1x256xi32, #tpu.memory_space<hbm>>
      %dma_start3A_203 = tpu.memref_squeeze %dma_start3A_202 : memref<1x256xi32, #tpu.memory_space<hbm>> -> memref<256xi32, #tpu.memory_space<hbm>>
      %dma_start3A_204 = arith.constant 0 : i32
      %dma_start3A_205 = tpu.memref_slice %arg9[%dma_start3A_197, %dma_start3A_204] : memref<6x256xi32, #tpu.memory_space<vmem>> -> memref<1x256xi32, #tpu.memory_space<vmem>>
      %dma_start3A_206 = tpu.memref_squeeze %dma_start3A_205 : memref<1x256xi32, #tpu.memory_space<vmem>> -> memref<256xi32, #tpu.memory_space<vmem>>
      %dma_start3A_207 = arith.constant 0 : i32
      %dma_start3A_208 = tpu.memref_slice %arg3[%add3A_192, %dma_start3A_207] : memref<12672x256xi32, #tpu.memory_space<hbm>> -> memref<1x256xi32, #tpu.memory_space<hbm>>
      %dma_start3A_209 = tpu.memref_squeeze %dma_start3A_208 : memref<1x256xi32, #tpu.memory_space<hbm>> -> memref<256xi32, #tpu.memory_space<hbm>>
      tpu.enqueue_dma source(%dma_start3A_209 : memref<256xi32, #tpu.memory_space<hbm>>) target(%dma_start3A_206 : memref<256xi32, #tpu.memory_space<vmem>>) target_semaphore(%arg23 : memref<!tpu.dma_semaphore, #tpu.memory_space<semaphore_mem>>)
      %dma_wait3A_210 = arith.constant 0 : i32
      %dma_wait3A_211 = arith.constant 0 : i32
      %dma_wait3A_212 = arith.constant 0 : i32
      %dma_wait3A_213 = tpu.memref_slice %arg8[%dma_wait3A_211, %dma_wait3A_212] : memref<6x256xi32, #tpu.memory_space<vmem>> -> memref<1x256xi32, #tpu.memory_space<vmem>>
      %dma_wait3A_214 = tpu.memref_squeeze %dma_wait3A_213 : memref<1x256xi32, #tpu.memory_space<vmem>> -> memref<256xi32, #tpu.memory_space<vmem>>
      %dma_wait3A_215 = arith.constant 0 : i32
      %dma_wait3A_216 = tpu.memref_slice %arg2[%dma_wait3A_210, %dma_wait3A_215] : memref<12672x256xi32, #tpu.memory_space<hbm>> -> memref<1x256xi32, #tpu.memory_space<hbm>>
      %dma_wait3A_217 = tpu.memref_squeeze %dma_wait3A_216 : memref<1x256xi32, #tpu.memory_space<hbm>> -> memref<256xi32, #tpu.memory_space<hbm>>
      %dma_wait3A_218 = arith.constant 0 : i32
      %dma_wait3A_219 = tpu.memref_slice %arg8[%dma_wait3A_211, %dma_wait3A_218] : memref<6x256xi32, #tpu.memory_space<vmem>> -> memref<1x256xi32, #tpu.memory_space<vmem>>
      %dma_wait3A_220 = tpu.memref_squeeze %dma_wait3A_219 : memref<1x256xi32, #tpu.memory_space<vmem>> -> memref<256xi32, #tpu.memory_space<vmem>>
      %dma_wait3A_221 = arith.constant 0 : i32
      %dma_wait3A_222 = tpu.memref_slice %arg2[%dma_wait3A_210, %dma_wait3A_221] : memref<12672x256xi32, #tpu.memory_space<hbm>> -> memref<1x256xi32, #tpu.memory_space<hbm>>
      %dma_wait3A_223 = tpu.memref_squeeze %dma_wait3A_222 : memref<1x256xi32, #tpu.memory_space<hbm>> -> memref<256xi32, #tpu.memory_space<hbm>>
      tpu.wait_dma2 semaphore(%arg17 : memref<!tpu.dma_semaphore, #tpu.memory_space<semaphore_mem>>) src(%dma_wait3A_223 : memref<256xi32, #tpu.memory_space<hbm>>) dst(%dma_wait3A_220 : memref<256xi32, #tpu.memory_space<vmem>>)
      %dma_start3A_224 = arith.constant 0 : i32
      %dma_start3A_225 = arith.constant 0 : i32
      %dma_start3A_226 = tpu.memref_slice %arg8[%dma_start3A_224, %dma_start3A_225] : memref<6x256xi32, #tpu.memory_space<vmem>> -> memref<1x256xi32, #tpu.memory_space<vmem>>
      %dma_start3A_227 = tpu.memref_squeeze %dma_start3A_226 : memref<1x256xi32, #tpu.memory_space<vmem>> -> memref<256xi32, #tpu.memory_space<vmem>>
      %dma_start3A_228 = arith.constant 0 : i32
      %dma_start3A_229 = arith.constant 0 : i32
      %dma_start3A_230 = tpu.memref_slice %arg4[%dma_start3A_228, %dma_start3A_229] : memref<102400x16xf32, #tpu.memory_space<hbm>> -> memref<102400x16xf32, #tpu.memory_space<hbm>>
      tpu.enqueue_indirect_dma source(%dma_start3A_230 : memref<102400x16xf32, #tpu.memory_space<hbm>>) target(%arg10 : memref<256x16xf32, #tpu.memory_space<vmem>>) offsets(%dma_start3A_227 : memref<256xi32, #tpu.memory_space<vmem>>) semaphore(%arg29 : memref<!tpu.dma_semaphore, #tpu.memory_space<semaphore_mem>>)
      %ge3A_231 = arith.constant 1 : i32
      %ge3A_232 = arith.cmpi sge, %scan3A_186, %ge3A_231 : i32
      %convert_element_type3A_233 = arith.extui %ge3A_232 : i1 to i32
      %cond3A_234 = arith.constant 0 : i32
      %cond3A_235 = arith.cmpi ne, %convert_element_type3A_233, %cond3A_234 : i32
      scf.if %cond3A_235 {
        %dma_wait3A_610 = arith.constant 3 : i32
        %dma_wait3A_611 = arith.constant 0 : i32
        %dma_wait3A_612 = tpu.memref_slice %arg8[%dma_wait3A_610, %dma_wait3A_611] : memref<6x256xi32, #tpu.memory_space<vmem>> -> memref<1x256xi32, #tpu.memory_space<vmem>>
        %dma_wait3A_613 = tpu.memref_squeeze %dma_wait3A_612 : memref<1x256xi32, #tpu.memory_space<vmem>> -> memref<256xi32, #tpu.memory_space<vmem>>
        %dma_wait3A_614 = arith.constant 0 : i32
        %dma_wait3A_615 = arith.constant 0 : i32
        %dma_wait3A_616 = tpu.memref_slice %arg4[%dma_wait3A_614, %dma_wait3A_615] : memref<102400x16xf32, #tpu.memory_space<hbm>> -> memref<102400x16xf32, #tpu.memory_space<hbm>>
        tpu.wait_indirect_dma semaphore(%arg32 : memref<!tpu.dma_semaphore, #tpu.memory_space<semaphore_mem>>) src(%dma_wait3A_616 : memref<102400x16xf32, #tpu.memory_space<hbm>>) dst(%arg13 : memref<256x16xf32, #tpu.memory_space<vmem>>)
        %dma_wait3A_617 = arith.constant 0 : i32
        %dma_wait3A_618 = arith.constant 3 : i32
        %dma_wait3A_619 = arith.constant 0 : i32
        %dma_wait3A_620 = tpu.memref_slice %arg9[%dma_wait3A_618, %dma_wait3A_619] : memref<6x256xi32, #tpu.memory_space<vmem>> -> memref<1x256xi32, #tpu.memory_space<vmem>>
        %dma_wait3A_621 = tpu.memref_squeeze %dma_wait3A_620 : memref<1x256xi32, #tpu.memory_space<vmem>> -> memref<256xi32, #tpu.memory_space<vmem>>
        %dma_wait3A_622 = arith.constant 0 : i32
        %dma_wait3A_623 = tpu.memref_slice %arg3[%dma_wait3A_617, %dma_wait3A_622] : memref<12672x256xi32, #tpu.memory_space<hbm>> -> memref<1x256xi32, #tpu.memory_space<hbm>>
        %dma_wait3A_624 = tpu.memref_squeeze %dma_wait3A_623 : memref<1x256xi32, #tpu.memory_space<hbm>> -> memref<256xi32, #tpu.memory_space<hbm>>
        %dma_wait3A_625 = arith.constant 0 : i32
        %dma_wait3A_626 = tpu.memref_slice %arg9[%dma_wait3A_618, %dma_wait3A_625] : memref<6x256xi32, #tpu.memory_space<vmem>> -> memref<1x256xi32, #tpu.memory_space<vmem>>
        %dma_wait3A_627 = tpu.memref_squeeze %dma_wait3A_626 : memref<1x256xi32, #tpu.memory_space<vmem>> -> memref<256xi32, #tpu.memory_space<vmem>>
        %dma_wait3A_628 = arith.constant 0 : i32
        %dma_wait3A_629 = tpu.memref_slice %arg3[%dma_wait3A_617, %dma_wait3A_628] : memref<12672x256xi32, #tpu.memory_space<hbm>> -> memref<1x256xi32, #tpu.memory_space<hbm>>
        %dma_wait3A_630 = tpu.memref_squeeze %dma_wait3A_629 : memref<1x256xi32, #tpu.memory_space<hbm>> -> memref<256xi32, #tpu.memory_space<hbm>>
        tpu.wait_dma2 semaphore(%arg26 : memref<!tpu.dma_semaphore, #tpu.memory_space<semaphore_mem>>) src(%dma_wait3A_630 : memref<256xi32, #tpu.memory_space<hbm>>) dst(%dma_wait3A_627 : memref<256xi32, #tpu.memory_space<vmem>>)
        %dma_start3A_631 = arith.constant 3 : i32
        %dma_start3A_632 = arith.constant 0 : i32
        %dma_start3A_633 = tpu.memref_slice %arg9[%dma_start3A_631, %dma_start3A_632] : memref<6x256xi32, #tpu.memory_space<vmem>> -> memref<1x256xi32, #tpu.memory_space<vmem>>
        %dma_start3A_634 = tpu.memref_squeeze %dma_start3A_633 : memref<1x256xi32, #tpu.memory_space<vmem>> -> memref<256xi32, #tpu.memory_space<vmem>>
        %dma_start3A_635 = arith.constant 0 : i32
        %dma_start3A_636 = arith.constant 0 : i32
        %dma_start3A_637 = tpu.memref_slice %arg16[%dma_start3A_635, %dma_start3A_636] : memref<102400x16xf32, #tpu.memory_space<vmem_shared>> -> memref<102400x16xf32, #tpu.memory_space<vmem_shared>>
        tpu.enqueue_indirect_dma source(%arg13 : memref<256x16xf32, #tpu.memory_space<vmem>>) target(%dma_start3A_637 : memref<102400x16xf32, #tpu.memory_space<vmem_shared>>) offsets(%dma_start3A_634 : memref<256xi32, #tpu.memory_space<vmem>>) semaphore(%arg38 : memref<!tpu.dma_semaphore, #tpu.memory_space<semaphore_mem>>) {add = true}
      } else {
      }
      %add3A_236 = arith.constant 3 : i32
      %add3A_237 = arith.addi %add3A_192, %add3A_236 : i32
      %dma_start3A_238 = arith.constant 3 : i32
      %dma_start3A_239 = arith.constant 0 : i32
      %dma_start3A_240 = tpu.memref_slice %arg8[%dma_start3A_238, %dma_start3A_239] : memref<6x256xi32, #tpu.memory_space<vmem>> -> memref<1x256xi32, #tpu.memory_space<vmem>>
      %dma_start3A_241 = tpu.memref_squeeze %dma_start3A_240 : memref<1x256xi32, #tpu.memory_space<vmem>> -> memref<256xi32, #tpu.memory_space<vmem>>
      %dma_start3A_242 = arith.constant 0 : i32
      %dma_start3A_243 = tpu.memref_slice %arg2[%add3A_237, %dma_start3A_242] : memref<12672x256xi32, #tpu.memory_space<hbm>> -> memref<1x256xi32, #tpu.memory_space<hbm>>
      %dma_start3A_244 = tpu.memref_squeeze %dma_start3A_243 : memref<1x256xi32, #tpu.memory_space<hbm>> -> memref<256xi32, #tpu.memory_space<hbm>>
      %dma_start3A_245 = arith.constant 0 : i32
      %dma_start3A_246 = tpu.memref_slice %arg8[%dma_start3A_238, %dma_start3A_245] : memref<6x256xi32, #tpu.memory_space<vmem>> -> memref<1x256xi32, #tpu.memory_space<vmem>>
      %dma_start3A_247 = tpu.memref_squeeze %dma_start3A_246 : memref<1x256xi32, #tpu.memory_space<vmem>> -> memref<256xi32, #tpu.memory_space<vmem>>
      %dma_start3A_248 = arith.constant 0 : i32
      %dma_start3A_249 = tpu.memref_slice %arg2[%add3A_237, %dma_start3A_248] : memref<12672x256xi32, #tpu.memory_space<hbm>> -> memref<1x256xi32, #tpu.memory_space<hbm>>
      %dma_start3A_250 = tpu.memref_squeeze %dma_start3A_249 : memref<1x256xi32, #tpu.memory_space<hbm>> -> memref<256xi32, #tpu.memory_space<hbm>>
      tpu.enqueue_dma source(%dma_start3A_250 : memref<256xi32, #tpu.memory_space<hbm>>) target(%dma_start3A_247 : memref<256xi32, #tpu.memory_space<vmem>>) target_semaphore(%arg20 : memref<!tpu.dma_semaphore, #tpu.memory_space<semaphore_mem>>)
      %mul3A_251 = arith.constant 6 : i32
      %mul3A_252 = arith.muli %scan3A_186, %mul3A_251 : i32
      %add3A_253 = arith.addi %mul3A_2, %mul3A_252 : i32
      %add3A_254 = arith.constant 1 : i32
      %add3A_255 = arith.addi %add3A_253, %add3A_254 : i32
      %ge3A_256 = arith.constant 1 : i32
      %ge3A_257 = arith.cmpi sge, %scan3A_186, %ge3A_256 : i32
      %convert_element_type3A_258 = arith.extui %ge3A_257 : i1 to i32
      %cond3A_259 = arith.constant 0 : i32
      %cond3A_260 = arith.cmpi ne, %convert_element_type3A_258, %cond3A_259 : i32
      scf.if %cond3A_260 {
        %dma_wait3A_610 = arith.constant 1 : i32
        %dma_wait3A_611 = arith.constant 0 : i32
        %dma_wait3A_612 = tpu.memref_slice %arg9[%dma_wait3A_610, %dma_wait3A_611] : memref<6x256xi32, #tpu.memory_space<vmem>> -> memref<1x256xi32, #tpu.memory_space<vmem>>
        %dma_wait3A_613 = tpu.memref_squeeze %dma_wait3A_612 : memref<1x256xi32, #tpu.memory_space<vmem>> -> memref<256xi32, #tpu.memory_space<vmem>>
        %dma_wait3A_614 = arith.constant 0 : i32
        %dma_wait3A_615 = arith.constant 0 : i32
        %dma_wait3A_616 = tpu.memref_slice %arg16[%dma_wait3A_614, %dma_wait3A_615] : memref<102400x16xf32, #tpu.memory_space<vmem_shared>> -> memref<102400x16xf32, #tpu.memory_space<vmem_shared>>
        tpu.wait_indirect_dma semaphore(%arg36 : memref<!tpu.dma_semaphore, #tpu.memory_space<semaphore_mem>>) src(%arg11 : memref<256x16xf32, #tpu.memory_space<vmem>>) dst(%dma_wait3A_616 : memref<102400x16xf32, #tpu.memory_space<vmem_shared>>)
      } else {
      }
      %dma_start3A_261 = arith.constant 1 : i32
      %dma_start3A_262 = arith.constant 0 : i32
      %dma_start3A_263 = tpu.memref_slice %arg9[%dma_start3A_261, %dma_start3A_262] : memref<6x256xi32, #tpu.memory_space<vmem>> -> memref<1x256xi32, #tpu.memory_space<vmem>>
      %dma_start3A_264 = tpu.memref_squeeze %dma_start3A_263 : memref<1x256xi32, #tpu.memory_space<vmem>> -> memref<256xi32, #tpu.memory_space<vmem>>
      %dma_start3A_265 = arith.constant 0 : i32
      %dma_start3A_266 = tpu.memref_slice %arg3[%add3A_255, %dma_start3A_265] : memref<12672x256xi32, #tpu.memory_space<hbm>> -> memref<1x256xi32, #tpu.memory_space<hbm>>
      %dma_start3A_267 = tpu.memref_squeeze %dma_start3A_266 : memref<1x256xi32, #tpu.memory_space<hbm>> -> memref<256xi32, #tpu.memory_space<hbm>>
      %dma_start3A_268 = arith.constant 0 : i32
      %dma_start3A_269 = tpu.memref_slice %arg9[%dma_start3A_261, %dma_start3A_268] : memref<6x256xi32, #tpu.memory_space<vmem>> -> memref<1x256xi32, #tpu.memory_space<vmem>>
      %dma_start3A_270 = tpu.memref_squeeze %dma_start3A_269 : memref<1x256xi32, #tpu.memory_space<vmem>> -> memref<256xi32, #tpu.memory_space<vmem>>
      %dma_start3A_271 = arith.constant 0 : i32
      %dma_start3A_272 = tpu.memref_slice %arg3[%add3A_255, %dma_start3A_271] : memref<12672x256xi32, #tpu.memory_space<hbm>> -> memref<1x256xi32, #tpu.memory_space<hbm>>
      %dma_start3A_273 = tpu.memref_squeeze %dma_start3A_272 : memref<1x256xi32, #tpu.memory_space<hbm>> -> memref<256xi32, #tpu.memory_space<hbm>>
      tpu.enqueue_dma source(%dma_start3A_273 : memref<256xi32, #tpu.memory_space<hbm>>) target(%dma_start3A_270 : memref<256xi32, #tpu.memory_space<vmem>>) target_semaphore(%arg24 : memref<!tpu.dma_semaphore, #tpu.memory_space<semaphore_mem>>)
      %dma_wait3A_274 = arith.constant 0 : i32
      %dma_wait3A_275 = arith.constant 1 : i32
      %dma_wait3A_276 = arith.constant 0 : i32
      %dma_wait3A_277 = tpu.memref_slice %arg8[%dma_wait3A_275, %dma_wait3A_276] : memref<6x256xi32, #tpu.memory_space<vmem>> -> memref<1x256xi32, #tpu.memory_space<vmem>>
      %dma_wait3A_278 = tpu.memref_squeeze %dma_wait3A_277 : memref<1x256xi32, #tpu.memory_space<vmem>> -> memref<256xi32, #tpu.memory_space<vmem>>
      %dma_wait3A_279 = arith.constant 0 : i32
      %dma_wait3A_280 = tpu.memref_slice %arg2[%dma_wait3A_274, %dma_wait3A_279] : memref<12672x256xi32, #tpu.memory_space<hbm>> -> memref<1x256xi32, #tpu.memory_space<hbm>>
      %dma_wait3A_281 = tpu.memref_squeeze %dma_wait3A_280 : memref<1x256xi32, #tpu.memory_space<hbm>> -> memref<256xi32, #tpu.memory_space<hbm>>
      %dma_wait3A_282 = arith.constant 0 : i32
      %dma_wait3A_283 = tpu.memref_slice %arg8[%dma_wait3A_275, %dma_wait3A_282] : memref<6x256xi32, #tpu.memory_space<vmem>> -> memref<1x256xi32, #tpu.memory_space<vmem>>
      %dma_wait3A_284 = tpu.memref_squeeze %dma_wait3A_283 : memref<1x256xi32, #tpu.memory_space<vmem>> -> memref<256xi32, #tpu.memory_space<vmem>>
      %dma_wait3A_285 = arith.constant 0 : i32
      %dma_wait3A_286 = tpu.memref_slice %arg2[%dma_wait3A_274, %dma_wait3A_285] : memref<12672x256xi32, #tpu.memory_space<hbm>> -> memref<1x256xi32, #tpu.memory_space<hbm>>
      %dma_wait3A_287 = tpu.memref_squeeze %dma_wait3A_286 : memref<1x256xi32, #tpu.memory_space<hbm>> -> memref<256xi32, #tpu.memory_space<hbm>>
      tpu.wait_dma2 semaphore(%arg18 : memref<!tpu.dma_semaphore, #tpu.memory_space<semaphore_mem>>) src(%dma_wait3A_287 : memref<256xi32, #tpu.memory_space<hbm>>) dst(%dma_wait3A_284 : memref<256xi32, #tpu.memory_space<vmem>>)
      %dma_start3A_288 = arith.constant 1 : i32
      %dma_start3A_289 = arith.constant 0 : i32
      %dma_start3A_290 = tpu.memref_slice %arg8[%dma_start3A_288, %dma_start3A_289] : memref<6x256xi32, #tpu.memory_space<vmem>> -> memref<1x256xi32, #tpu.memory_space<vmem>>
      %dma_start3A_291 = tpu.memref_squeeze %dma_start3A_290 : memref<1x256xi32, #tpu.memory_space<vmem>> -> memref<256xi32, #tpu.memory_space<vmem>>
      %dma_start3A_292 = arith.constant 0 : i32
      %dma_start3A_293 = arith.constant 0 : i32
      %dma_start3A_294 = tpu.memref_slice %arg4[%dma_start3A_292, %dma_start3A_293] : memref<102400x16xf32, #tpu.memory_space<hbm>> -> memref<102400x16xf32, #tpu.memory_space<hbm>>
      tpu.enqueue_indirect_dma source(%dma_start3A_294 : memref<102400x16xf32, #tpu.memory_space<hbm>>) target(%arg11 : memref<256x16xf32, #tpu.memory_space<vmem>>) offsets(%dma_start3A_291 : memref<256xi32, #tpu.memory_space<vmem>>) semaphore(%arg30 : memref<!tpu.dma_semaphore, #tpu.memory_space<semaphore_mem>>)
      %ge3A_295 = arith.constant 1 : i32
      %ge3A_296 = arith.cmpi sge, %scan3A_186, %ge3A_295 : i32
      %convert_element_type3A_297 = arith.extui %ge3A_296 : i1 to i32
      %cond3A_298 = arith.constant 0 : i32
      %cond3A_299 = arith.cmpi ne, %convert_element_type3A_297, %cond3A_298 : i32
      scf.if %cond3A_299 {
        %dma_wait3A_610 = arith.constant 4 : i32
        %dma_wait3A_611 = arith.constant 0 : i32
        %dma_wait3A_612 = tpu.memref_slice %arg8[%dma_wait3A_610, %dma_wait3A_611] : memref<6x256xi32, #tpu.memory_space<vmem>> -> memref<1x256xi32, #tpu.memory_space<vmem>>
        %dma_wait3A_613 = tpu.memref_squeeze %dma_wait3A_612 : memref<1x256xi32, #tpu.memory_space<vmem>> -> memref<256xi32, #tpu.memory_space<vmem>>
        %dma_wait3A_614 = arith.constant 0 : i32
        %dma_wait3A_615 = arith.constant 0 : i32
        %dma_wait3A_616 = tpu.memref_slice %arg4[%dma_wait3A_614, %dma_wait3A_615] : memref<102400x16xf32, #tpu.memory_space<hbm>> -> memref<102400x16xf32, #tpu.memory_space<hbm>>
        tpu.wait_indirect_dma semaphore(%arg33 : memref<!tpu.dma_semaphore, #tpu.memory_space<semaphore_mem>>) src(%dma_wait3A_616 : memref<102400x16xf32, #tpu.memory_space<hbm>>) dst(%arg14 : memref<256x16xf32, #tpu.memory_space<vmem>>)
        %dma_wait3A_617 = arith.constant 0 : i32
        %dma_wait3A_618 = arith.constant 4 : i32
        %dma_wait3A_619 = arith.constant 0 : i32
        %dma_wait3A_620 = tpu.memref_slice %arg9[%dma_wait3A_618, %dma_wait3A_619] : memref<6x256xi32, #tpu.memory_space<vmem>> -> memref<1x256xi32, #tpu.memory_space<vmem>>
        %dma_wait3A_621 = tpu.memref_squeeze %dma_wait3A_620 : memref<1x256xi32, #tpu.memory_space<vmem>> -> memref<256xi32, #tpu.memory_space<vmem>>
        %dma_wait3A_622 = arith.constant 0 : i32
        %dma_wait3A_623 = tpu.memref_slice %arg3[%dma_wait3A_617, %dma_wait3A_622] : memref<12672x256xi32, #tpu.memory_space<hbm>> -> memref<1x256xi32, #tpu.memory_space<hbm>>
        %dma_wait3A_624 = tpu.memref_squeeze %dma_wait3A_623 : memref<1x256xi32, #tpu.memory_space<hbm>> -> memref<256xi32, #tpu.memory_space<hbm>>
        %dma_wait3A_625 = arith.constant 0 : i32
        %dma_wait3A_626 = tpu.memref_slice %arg9[%dma_wait3A_618, %dma_wait3A_625] : memref<6x256xi32, #tpu.memory_space<vmem>> -> memref<1x256xi32, #tpu.memory_space<vmem>>
        %dma_wait3A_627 = tpu.memref_squeeze %dma_wait3A_626 : memref<1x256xi32, #tpu.memory_space<vmem>> -> memref<256xi32, #tpu.memory_space<vmem>>
        %dma_wait3A_628 = arith.constant 0 : i32
        %dma_wait3A_629 = tpu.memref_slice %arg3[%dma_wait3A_617, %dma_wait3A_628] : memref<12672x256xi32, #tpu.memory_space<hbm>> -> memref<1x256xi32, #tpu.memory_space<hbm>>
        %dma_wait3A_630 = tpu.memref_squeeze %dma_wait3A_629 : memref<1x256xi32, #tpu.memory_space<hbm>> -> memref<256xi32, #tpu.memory_space<hbm>>
        tpu.wait_dma2 semaphore(%arg27 : memref<!tpu.dma_semaphore, #tpu.memory_space<semaphore_mem>>) src(%dma_wait3A_630 : memref<256xi32, #tpu.memory_space<hbm>>) dst(%dma_wait3A_627 : memref<256xi32, #tpu.memory_space<vmem>>)
        %dma_start3A_631 = arith.constant 4 : i32
        %dma_start3A_632 = arith.constant 0 : i32
        %dma_start3A_633 = tpu.memref_slice %arg9[%dma_start3A_631, %dma_start3A_632] : memref<6x256xi32, #tpu.memory_space<vmem>> -> memref<1x256xi32, #tpu.memory_space<vmem>>
        %dma_start3A_634 = tpu.memref_squeeze %dma_start3A_633 : memref<1x256xi32, #tpu.memory_space<vmem>> -> memref<256xi32, #tpu.memory_space<vmem>>
        %dma_start3A_635 = arith.constant 0 : i32
        %dma_start3A_636 = arith.constant 0 : i32
        %dma_start3A_637 = tpu.memref_slice %arg16[%dma_start3A_635, %dma_start3A_636] : memref<102400x16xf32, #tpu.memory_space<vmem_shared>> -> memref<102400x16xf32, #tpu.memory_space<vmem_shared>>
        tpu.enqueue_indirect_dma source(%arg14 : memref<256x16xf32, #tpu.memory_space<vmem>>) target(%dma_start3A_637 : memref<102400x16xf32, #tpu.memory_space<vmem_shared>>) offsets(%dma_start3A_634 : memref<256xi32, #tpu.memory_space<vmem>>) semaphore(%arg39 : memref<!tpu.dma_semaphore, #tpu.memory_space<semaphore_mem>>) {add = true}
      } else {
      }
      %add3A_300 = arith.constant 3 : i32
      %add3A_301 = arith.addi %add3A_255, %add3A_300 : i32
      %dma_start3A_302 = arith.constant 4 : i32
      %dma_start3A_303 = arith.constant 0 : i32
      %dma_start3A_304 = tpu.memref_slice %arg8[%dma_start3A_302, %dma_start3A_303] : memref<6x256xi32, #tpu.memory_space<vmem>> -> memref<1x256xi32, #tpu.memory_space<vmem>>
      %dma_start3A_305 = tpu.memref_squeeze %dma_start3A_304 : memref<1x256xi32, #tpu.memory_space<vmem>> -> memref<256xi32, #tpu.memory_space<vmem>>
      %dma_start3A_306 = arith.constant 0 : i32
      %dma_start3A_307 = tpu.memref_slice %arg2[%add3A_301, %dma_start3A_306] : memref<12672x256xi32, #tpu.memory_space<hbm>> -> memref<1x256xi32, #tpu.memory_space<hbm>>
      %dma_start3A_308 = tpu.memref_squeeze %dma_start3A_307 : memref<1x256xi32, #tpu.memory_space<hbm>> -> memref<256xi32, #tpu.memory_space<hbm>>
      %dma_start3A_309 = arith.constant 0 : i32
      %dma_start3A_310 = tpu.memref_slice %arg8[%dma_start3A_302, %dma_start3A_309] : memref<6x256xi32, #tpu.memory_space<vmem>> -> memref<1x256xi32, #tpu.memory_space<vmem>>
      %dma_start3A_311 = tpu.memref_squeeze %dma_start3A_310 : memref<1x256xi32, #tpu.memory_space<vmem>> -> memref<256xi32, #tpu.memory_space<vmem>>
      %dma_start3A_312 = arith.constant 0 : i32
      %dma_start3A_313 = tpu.memref_slice %arg2[%add3A_301, %dma_start3A_312] : memref<12672x256xi32, #tpu.memory_space<hbm>> -> memref<1x256xi32, #tpu.memory_space<hbm>>
      %dma_start3A_314 = tpu.memref_squeeze %dma_start3A_313 : memref<1x256xi32, #tpu.memory_space<hbm>> -> memref<256xi32, #tpu.memory_space<hbm>>
      tpu.enqueue_dma source(%dma_start3A_314 : memref<256xi32, #tpu.memory_space<hbm>>) target(%dma_start3A_311 : memref<256xi32, #tpu.memory_space<vmem>>) target_semaphore(%arg21 : memref<!tpu.dma_semaphore, #tpu.memory_space<semaphore_mem>>)
      %mul3A_315 = arith.constant 6 : i32
      %mul3A_316 = arith.muli %scan3A_186, %mul3A_315 : i32
      %add3A_317 = arith.addi %mul3A_2, %mul3A_316 : i32
      %add3A_318 = arith.constant 2 : i32
      %add3A_319 = arith.addi %add3A_317, %add3A_318 : i32
      %ge3A_320 = arith.constant 1 : i32
      %ge3A_321 = arith.cmpi sge, %scan3A_186, %ge3A_320 : i32
      %convert_element_type3A_322 = arith.extui %ge3A_321 : i1 to i32
      %cond3A_323 = arith.constant 0 : i32
      %cond3A_324 = arith.cmpi ne, %convert_element_type3A_322, %cond3A_323 : i32
      scf.if %cond3A_324 {
        %dma_wait3A_610 = arith.constant 2 : i32
        %dma_wait3A_611 = arith.constant 0 : i32
        %dma_wait3A_612 = tpu.memref_slice %arg9[%dma_wait3A_610, %dma_wait3A_611] : memref<6x256xi32, #tpu.memory_space<vmem>> -> memref<1x256xi32, #tpu.memory_space<vmem>>
        %dma_wait3A_613 = tpu.memref_squeeze %dma_wait3A_612 : memref<1x256xi32, #tpu.memory_space<vmem>> -> memref<256xi32, #tpu.memory_space<vmem>>
        %dma_wait3A_614 = arith.constant 0 : i32
        %dma_wait3A_615 = arith.constant 0 : i32
        %dma_wait3A_616 = tpu.memref_slice %arg16[%dma_wait3A_614, %dma_wait3A_615] : memref<102400x16xf32, #tpu.memory_space<vmem_shared>> -> memref<102400x16xf32, #tpu.memory_space<vmem_shared>>
        tpu.wait_indirect_dma semaphore(%arg37 : memref<!tpu.dma_semaphore, #tpu.memory_space<semaphore_mem>>) src(%arg12 : memref<256x16xf32, #tpu.memory_space<vmem>>) dst(%dma_wait3A_616 : memref<102400x16xf32, #tpu.memory_space<vmem_shared>>)
      } else {
      }
      %dma_start3A_325 = arith.constant 2 : i32
      %dma_start3A_326 = arith.constant 0 : i32
      %dma_start3A_327 = tpu.memref_slice %arg9[%dma_start3A_325, %dma_start3A_326] : memref<6x256xi32, #tpu.memory_space<vmem>> -> memref<1x256xi32, #tpu.memory_space<vmem>>
      %dma_start3A_328 = tpu.memref_squeeze %dma_start3A_327 : memref<1x256xi32, #tpu.memory_space<vmem>> -> memref<256xi32, #tpu.memory_space<vmem>>
      %dma_start3A_329 = arith.constant 0 : i32
      %dma_start3A_330 = tpu.memref_slice %arg3[%add3A_319, %dma_start3A_329] : memref<12672x256xi32, #tpu.memory_space<hbm>> -> memref<1x256xi32, #tpu.memory_space<hbm>>
      %dma_start3A_331 = tpu.memref_squeeze %dma_start3A_330 : memref<1x256xi32, #tpu.memory_space<hbm>> -> memref<256xi32, #tpu.memory_space<hbm>>
      %dma_start3A_332 = arith.constant 0 : i32
      %dma_start3A_333 = tpu.memref_slice %arg9[%dma_start3A_325, %dma_start3A_332] : memref<6x256xi32, #tpu.memory_space<vmem>> -> memref<1x256xi32, #tpu.memory_space<vmem>>
      %dma_start3A_334 = tpu.memref_squeeze %dma_start3A_333 : memref<1x256xi32, #tpu.memory_space<vmem>> -> memref<256xi32, #tpu.memory_space<vmem>>
      %dma_start3A_335 = arith.constant 0 : i32
      %dma_start3A_336 = tpu.memref_slice %arg3[%add3A_319, %dma_start3A_335] : memref<12672x256xi32, #tpu.memory_space<hbm>> -> memref<1x256xi32, #tpu.memory_space<hbm>>
      %dma_start3A_337 = tpu.memref_squeeze %dma_start3A_336 : memref<1x256xi32, #tpu.memory_space<hbm>> -> memref<256xi32, #tpu.memory_space<hbm>>
      tpu.enqueue_dma source(%dma_start3A_337 : memref<256xi32, #tpu.memory_space<hbm>>) target(%dma_start3A_334 : memref<256xi32, #tpu.memory_space<vmem>>) target_semaphore(%arg25 : memref<!tpu.dma_semaphore, #tpu.memory_space<semaphore_mem>>)
      %dma_wait3A_338 = arith.constant 0 : i32
      %dma_wait3A_339 = arith.constant 2 : i32
      %dma_wait3A_340 = arith.constant 0 : i32
      %dma_wait3A_341 = tpu.memref_slice %arg8[%dma_wait3A_339, %dma_wait3A_340] : memref<6x256xi32, #tpu.memory_space<vmem>> -> memref<1x256xi32, #tpu.memory_space<vmem>>
      %dma_wait3A_342 = tpu.memref_squeeze %dma_wait3A_341 : memref<1x256xi32, #tpu.memory_space<vmem>> -> memref<256xi32, #tpu.memory_space<vmem>>
      %dma_wait3A_343 = arith.constant 0 : i32
      %dma_wait3A_344 = tpu.memref_slice %arg2[%dma_wait3A_338, %dma_wait3A_343] : memref<12672x256xi32, #tpu.memory_space<hbm>> -> memref<1x256xi32, #tpu.memory_space<hbm>>
      %dma_wait3A_345 = tpu.memref_squeeze %dma_wait3A_344 : memref<1x256xi32, #tpu.memory_space<hbm>> -> memref<256xi32, #tpu.memory_space<hbm>>
      %dma_wait3A_346 = arith.constant 0 : i32
      %dma_wait3A_347 = tpu.memref_slice %arg8[%dma_wait3A_339, %dma_wait3A_346] : memref<6x256xi32, #tpu.memory_space<vmem>> -> memref<1x256xi32, #tpu.memory_space<vmem>>
      %dma_wait3A_348 = tpu.memref_squeeze %dma_wait3A_347 : memref<1x256xi32, #tpu.memory_space<vmem>> -> memref<256xi32, #tpu.memory_space<vmem>>
      %dma_wait3A_349 = arith.constant 0 : i32
      %dma_wait3A_350 = tpu.memref_slice %arg2[%dma_wait3A_338, %dma_wait3A_349] : memref<12672x256xi32, #tpu.memory_space<hbm>> -> memref<1x256xi32, #tpu.memory_space<hbm>>
      %dma_wait3A_351 = tpu.memref_squeeze %dma_wait3A_350 : memref<1x256xi32, #tpu.memory_space<hbm>> -> memref<256xi32, #tpu.memory_space<hbm>>
      tpu.wait_dma2 semaphore(%arg19 : memref<!tpu.dma_semaphore, #tpu.memory_space<semaphore_mem>>) src(%dma_wait3A_351 : memref<256xi32, #tpu.memory_space<hbm>>) dst(%dma_wait3A_348 : memref<256xi32, #tpu.memory_space<vmem>>)
      %dma_start3A_352 = arith.constant 2 : i32
      %dma_start3A_353 = arith.constant 0 : i32
      %dma_start3A_354 = tpu.memref_slice %arg8[%dma_start3A_352, %dma_start3A_353] : memref<6x256xi32, #tpu.memory_space<vmem>> -> memref<1x256xi32, #tpu.memory_space<vmem>>
      %dma_start3A_355 = tpu.memref_squeeze %dma_start3A_354 : memref<1x256xi32, #tpu.memory_space<vmem>> -> memref<256xi32, #tpu.memory_space<vmem>>
      %dma_start3A_356 = arith.constant 0 : i32
      %dma_start3A_357 = arith.constant 0 : i32
      %dma_start3A_358 = tpu.memref_slice %arg4[%dma_start3A_356, %dma_start3A_357] : memref<102400x16xf32, #tpu.memory_space<hbm>> -> memref<102400x16xf32, #tpu.memory_space<hbm>>
      tpu.enqueue_indirect_dma source(%dma_start3A_358 : memref<102400x16xf32, #tpu.memory_space<hbm>>) target(%arg12 : memref<256x16xf32, #tpu.memory_space<vmem>>) offsets(%dma_start3A_355 : memref<256xi32, #tpu.memory_space<vmem>>) semaphore(%arg31 : memref<!tpu.dma_semaphore, #tpu.memory_space<semaphore_mem>>)
      %ge3A_359 = arith.constant 1 : i32
      %ge3A_360 = arith.cmpi sge, %scan3A_186, %ge3A_359 : i32
      %convert_element_type3A_361 = arith.extui %ge3A_360 : i1 to i32
      %cond3A_362 = arith.constant 0 : i32
      %cond3A_363 = arith.cmpi ne, %convert_element_type3A_361, %cond3A_362 : i32
      scf.if %cond3A_363 {
        %dma_wait3A_610 = arith.constant 5 : i32
        %dma_wait3A_611 = arith.constant 0 : i32
        %dma_wait3A_612 = tpu.memref_slice %arg8[%dma_wait3A_610, %dma_wait3A_611] : memref<6x256xi32, #tpu.memory_space<vmem>> -> memref<1x256xi32, #tpu.memory_space<vmem>>
        %dma_wait3A_613 = tpu.memref_squeeze %dma_wait3A_612 : memref<1x256xi32, #tpu.memory_space<vmem>> -> memref<256xi32, #tpu.memory_space<vmem>>
        %dma_wait3A_614 = arith.constant 0 : i32
        %dma_wait3A_615 = arith.constant 0 : i32
        %dma_wait3A_616 = tpu.memref_slice %arg4[%dma_wait3A_614, %dma_wait3A_615] : memref<102400x16xf32, #tpu.memory_space<hbm>> -> memref<102400x16xf32, #tpu.memory_space<hbm>>
        tpu.wait_indirect_dma semaphore(%arg34 : memref<!tpu.dma_semaphore, #tpu.memory_space<semaphore_mem>>) src(%dma_wait3A_616 : memref<102400x16xf32, #tpu.memory_space<hbm>>) dst(%arg15 : memref<256x16xf32, #tpu.memory_space<vmem>>)
        %dma_wait3A_617 = arith.constant 0 : i32
        %dma_wait3A_618 = arith.constant 5 : i32
        %dma_wait3A_619 = arith.constant 0 : i32
        %dma_wait3A_620 = tpu.memref_slice %arg9[%dma_wait3A_618, %dma_wait3A_619] : memref<6x256xi32, #tpu.memory_space<vmem>> -> memref<1x256xi32, #tpu.memory_space<vmem>>
        %dma_wait3A_621 = tpu.memref_squeeze %dma_wait3A_620 : memref<1x256xi32, #tpu.memory_space<vmem>> -> memref<256xi32, #tpu.memory_space<vmem>>
        %dma_wait3A_622 = arith.constant 0 : i32
        %dma_wait3A_623 = tpu.memref_slice %arg3[%dma_wait3A_617, %dma_wait3A_622] : memref<12672x256xi32, #tpu.memory_space<hbm>> -> memref<1x256xi32, #tpu.memory_space<hbm>>
        %dma_wait3A_624 = tpu.memref_squeeze %dma_wait3A_623 : memref<1x256xi32, #tpu.memory_space<hbm>> -> memref<256xi32, #tpu.memory_space<hbm>>
        %dma_wait3A_625 = arith.constant 0 : i32
        %dma_wait3A_626 = tpu.memref_slice %arg9[%dma_wait3A_618, %dma_wait3A_625] : memref<6x256xi32, #tpu.memory_space<vmem>> -> memref<1x256xi32, #tpu.memory_space<vmem>>
        %dma_wait3A_627 = tpu.memref_squeeze %dma_wait3A_626 : memref<1x256xi32, #tpu.memory_space<vmem>> -> memref<256xi32, #tpu.memory_space<vmem>>
        %dma_wait3A_628 = arith.constant 0 : i32
        %dma_wait3A_629 = tpu.memref_slice %arg3[%dma_wait3A_617, %dma_wait3A_628] : memref<12672x256xi32, #tpu.memory_space<hbm>> -> memref<1x256xi32, #tpu.memory_space<hbm>>
        %dma_wait3A_630 = tpu.memref_squeeze %dma_wait3A_629 : memref<1x256xi32, #tpu.memory_space<hbm>> -> memref<256xi32, #tpu.memory_space<hbm>>
        tpu.wait_dma2 semaphore(%arg28 : memref<!tpu.dma_semaphore, #tpu.memory_space<semaphore_mem>>) src(%dma_wait3A_630 : memref<256xi32, #tpu.memory_space<hbm>>) dst(%dma_wait3A_627 : memref<256xi32, #tpu.memory_space<vmem>>)
        %dma_start3A_631 = arith.constant 5 : i32
        %dma_start3A_632 = arith.constant 0 : i32
        %dma_start3A_633 = tpu.memref_slice %arg9[%dma_start3A_631, %dma_start3A_632] : memref<6x256xi32, #tpu.memory_space<vmem>> -> memref<1x256xi32, #tpu.memory_space<vmem>>
        %dma_start3A_634 = tpu.memref_squeeze %dma_start3A_633 : memref<1x256xi32, #tpu.memory_space<vmem>> -> memref<256xi32, #tpu.memory_space<vmem>>
        %dma_start3A_635 = arith.constant 0 : i32
        %dma_start3A_636 = arith.constant 0 : i32
        %dma_start3A_637 = tpu.memref_slice %arg16[%dma_start3A_635, %dma_start3A_636] : memref<102400x16xf32, #tpu.memory_space<vmem_shared>> -> memref<102400x16xf32, #tpu.memory_space<vmem_shared>>
        tpu.enqueue_indirect_dma source(%arg15 : memref<256x16xf32, #tpu.memory_space<vmem>>) target(%dma_start3A_637 : memref<102400x16xf32, #tpu.memory_space<vmem_shared>>) offsets(%dma_start3A_634 : memref<256xi32, #tpu.memory_space<vmem>>) semaphore(%arg40 : memref<!tpu.dma_semaphore, #tpu.memory_space<semaphore_mem>>) {add = true}
      } else {
      }
      %add3A_364 = arith.constant 3 : i32
      %add3A_365 = arith.addi %add3A_319, %add3A_364 : i32
      %dma_start3A_366 = arith.constant 5 : i32
      %dma_start3A_367 = arith.constant 0 : i32
      %dma_start3A_368 = tpu.memref_slice %arg8[%dma_start3A_366, %dma_start3A_367] : memref<6x256xi32, #tpu.memory_space<vmem>> -> memref<1x256xi32, #tpu.memory_space<vmem>>
      %dma_start3A_369 = tpu.memref_squeeze %dma_start3A_368 : memref<1x256xi32, #tpu.memory_space<vmem>> -> memref<256xi32, #tpu.memory_space<vmem>>
      %dma_start3A_370 = arith.constant 0 : i32
      %dma_start3A_371 = tpu.memref_slice %arg2[%add3A_365, %dma_start3A_370] : memref<12672x256xi32, #tpu.memory_space<hbm>> -> memref<1x256xi32, #tpu.memory_space<hbm>>
      %dma_start3A_372 = tpu.memref_squeeze %dma_start3A_371 : memref<1x256xi32, #tpu.memory_space<hbm>> -> memref<256xi32, #tpu.memory_space<hbm>>
      %dma_start3A_373 = arith.constant 0 : i32
      %dma_start3A_374 = tpu.memref_slice %arg8[%dma_start3A_366, %dma_start3A_373] : memref<6x256xi32, #tpu.memory_space<vmem>> -> memref<1x256xi32, #tpu.memory_space<vmem>>
      %dma_start3A_375 = tpu.memref_squeeze %dma_start3A_374 : memref<1x256xi32, #tpu.memory_space<vmem>> -> memref<256xi32, #tpu.memory_space<vmem>>
      %dma_start3A_376 = arith.constant 0 : i32
      %dma_start3A_377 = tpu.memref_slice %arg2[%add3A_365, %dma_start3A_376] : memref<12672x256xi32, #tpu.memory_space<hbm>> -> memref<1x256xi32, #tpu.memory_space<hbm>>
      %dma_start3A_378 = tpu.memref_squeeze %dma_start3A_377 : memref<1x256xi32, #tpu.memory_space<hbm>> -> memref<256xi32, #tpu.memory_space<hbm>>
      tpu.enqueue_dma source(%dma_start3A_378 : memref<256xi32, #tpu.memory_space<hbm>>) target(%dma_start3A_375 : memref<256xi32, #tpu.memory_space<vmem>>) target_semaphore(%arg22 : memref<!tpu.dma_semaphore, #tpu.memory_space<semaphore_mem>>)
      %mul3A_379 = arith.constant 6 : i32
      %mul3A_380 = arith.muli %scan3A_186, %mul3A_379 : i32
      %add3A_381 = arith.addi %mul3A_2, %mul3A_380 : i32
      %add3A_382 = arith.constant 3 : i32
      %add3A_383 = arith.addi %add3A_381, %add3A_382 : i32
      %ge3A_384 = arith.constant 1 : i32
      %ge3A_385 = arith.cmpi sge, %scan3A_186, %ge3A_384 : i32
      %convert_element_type3A_386 = arith.extui %ge3A_385 : i1 to i32
      %cond3A_387 = arith.constant 0 : i32
      %cond3A_388 = arith.cmpi ne, %convert_element_type3A_386, %cond3A_387 : i32
      scf.if %cond3A_388 {
        %dma_wait3A_610 = arith.constant 3 : i32
        %dma_wait3A_611 = arith.constant 0 : i32
        %dma_wait3A_612 = tpu.memref_slice %arg9[%dma_wait3A_610, %dma_wait3A_611] : memref<6x256xi32, #tpu.memory_space<vmem>> -> memref<1x256xi32, #tpu.memory_space<vmem>>
        %dma_wait3A_613 = tpu.memref_squeeze %dma_wait3A_612 : memref<1x256xi32, #tpu.memory_space<vmem>> -> memref<256xi32, #tpu.memory_space<vmem>>
        %dma_wait3A_614 = arith.constant 0 : i32
        %dma_wait3A_615 = arith.constant 0 : i32
        %dma_wait3A_616 = tpu.memref_slice %arg16[%dma_wait3A_614, %dma_wait3A_615] : memref<102400x16xf32, #tpu.memory_space<vmem_shared>> -> memref<102400x16xf32, #tpu.memory_space<vmem_shared>>
        tpu.wait_indirect_dma semaphore(%arg38 : memref<!tpu.dma_semaphore, #tpu.memory_space<semaphore_mem>>) src(%arg13 : memref<256x16xf32, #tpu.memory_space<vmem>>) dst(%dma_wait3A_616 : memref<102400x16xf32, #tpu.memory_space<vmem_shared>>)
      } else {
      }
      %dma_start3A_389 = arith.constant 3 : i32
      %dma_start3A_390 = arith.constant 0 : i32
      %dma_start3A_391 = tpu.memref_slice %arg9[%dma_start3A_389, %dma_start3A_390] : memref<6x256xi32, #tpu.memory_space<vmem>> -> memref<1x256xi32, #tpu.memory_space<vmem>>
      %dma_start3A_392 = tpu.memref_squeeze %dma_start3A_391 : memref<1x256xi32, #tpu.memory_space<vmem>> -> memref<256xi32, #tpu.memory_space<vmem>>
      %dma_start3A_393 = arith.constant 0 : i32
      %dma_start3A_394 = tpu.memref_slice %arg3[%add3A_383, %dma_start3A_393] : memref<12672x256xi32, #tpu.memory_space<hbm>> -> memref<1x256xi32, #tpu.memory_space<hbm>>
      %dma_start3A_395 = tpu.memref_squeeze %dma_start3A_394 : memref<1x256xi32, #tpu.memory_space<hbm>> -> memref<256xi32, #tpu.memory_space<hbm>>
      %dma_start3A_396 = arith.constant 0 : i32
      %dma_start3A_397 = tpu.memref_slice %arg9[%dma_start3A_389, %dma_start3A_396] : memref<6x256xi32, #tpu.memory_space<vmem>> -> memref<1x256xi32, #tpu.memory_space<vmem>>
      %dma_start3A_398 = tpu.memref_squeeze %dma_start3A_397 : memref<1x256xi32, #tpu.memory_space<vmem>> -> memref<256xi32, #tpu.memory_space<vmem>>
      %dma_start3A_399 = arith.constant 0 : i32
      %dma_start3A_400 = tpu.memref_slice %arg3[%add3A_383, %dma_start3A_399] : memref<12672x256xi32, #tpu.memory_space<hbm>> -> memref<1x256xi32, #tpu.memory_space<hbm>>
      %dma_start3A_401 = tpu.memref_squeeze %dma_start3A_400 : memref<1x256xi32, #tpu.memory_space<hbm>> -> memref<256xi32, #tpu.memory_space<hbm>>
      tpu.enqueue_dma source(%dma_start3A_401 : memref<256xi32, #tpu.memory_space<hbm>>) target(%dma_start3A_398 : memref<256xi32, #tpu.memory_space<vmem>>) target_semaphore(%arg26 : memref<!tpu.dma_semaphore, #tpu.memory_space<semaphore_mem>>)
      %dma_wait3A_402 = arith.constant 0 : i32
      %dma_wait3A_403 = arith.constant 3 : i32
      %dma_wait3A_404 = arith.constant 0 : i32
      %dma_wait3A_405 = tpu.memref_slice %arg8[%dma_wait3A_403, %dma_wait3A_404] : memref<6x256xi32, #tpu.memory_space<vmem>> -> memref<1x256xi32, #tpu.memory_space<vmem>>
      %dma_wait3A_406 = tpu.memref_squeeze %dma_wait3A_405 : memref<1x256xi32, #tpu.memory_space<vmem>> -> memref<256xi32, #tpu.memory_space<vmem>>
      %dma_wait3A_407 = arith.constant 0 : i32
      %dma_wait3A_408 = tpu.memref_slice %arg2[%dma_wait3A_402, %dma_wait3A_407] : memref<12672x256xi32, #tpu.memory_space<hbm>> -> memref<1x256xi32, #tpu.memory_space<hbm>>
      %dma_wait3A_409 = tpu.memref_squeeze %dma_wait3A_408 : memref<1x256xi32, #tpu.memory_space<hbm>> -> memref<256xi32, #tpu.memory_space<hbm>>
      %dma_wait3A_410 = arith.constant 0 : i32
      %dma_wait3A_411 = tpu.memref_slice %arg8[%dma_wait3A_403, %dma_wait3A_410] : memref<6x256xi32, #tpu.memory_space<vmem>> -> memref<1x256xi32, #tpu.memory_space<vmem>>
      %dma_wait3A_412 = tpu.memref_squeeze %dma_wait3A_411 : memref<1x256xi32, #tpu.memory_space<vmem>> -> memref<256xi32, #tpu.memory_space<vmem>>
      %dma_wait3A_413 = arith.constant 0 : i32
      %dma_wait3A_414 = tpu.memref_slice %arg2[%dma_wait3A_402, %dma_wait3A_413] : memref<12672x256xi32, #tpu.memory_space<hbm>> -> memref<1x256xi32, #tpu.memory_space<hbm>>
      %dma_wait3A_415 = tpu.memref_squeeze %dma_wait3A_414 : memref<1x256xi32, #tpu.memory_space<hbm>> -> memref<256xi32, #tpu.memory_space<hbm>>
      tpu.wait_dma2 semaphore(%arg20 : memref<!tpu.dma_semaphore, #tpu.memory_space<semaphore_mem>>) src(%dma_wait3A_415 : memref<256xi32, #tpu.memory_space<hbm>>) dst(%dma_wait3A_412 : memref<256xi32, #tpu.memory_space<vmem>>)
      %dma_start3A_416 = arith.constant 3 : i32
      %dma_start3A_417 = arith.constant 0 : i32
      %dma_start3A_418 = tpu.memref_slice %arg8[%dma_start3A_416, %dma_start3A_417] : memref<6x256xi32, #tpu.memory_space<vmem>> -> memref<1x256xi32, #tpu.memory_space<vmem>>
      %dma_start3A_419 = tpu.memref_squeeze %dma_start3A_418 : memref<1x256xi32, #tpu.memory_space<vmem>> -> memref<256xi32, #tpu.memory_space<vmem>>
      %dma_start3A_420 = arith.constant 0 : i32
      %dma_start3A_421 = arith.constant 0 : i32
      %dma_start3A_422 = tpu.memref_slice %arg4[%dma_start3A_420, %dma_start3A_421] : memref<102400x16xf32, #tpu.memory_space<hbm>> -> memref<102400x16xf32, #tpu.memory_space<hbm>>
      tpu.enqueue_indirect_dma source(%dma_start3A_422 : memref<102400x16xf32, #tpu.memory_space<hbm>>) target(%arg13 : memref<256x16xf32, #tpu.memory_space<vmem>>) offsets(%dma_start3A_419 : memref<256xi32, #tpu.memory_space<vmem>>) semaphore(%arg32 : memref<!tpu.dma_semaphore, #tpu.memory_space<semaphore_mem>>)
      %dma_wait3A_423 = arith.constant 0 : i32
      %dma_wait3A_424 = arith.constant 0 : i32
      %dma_wait3A_425 = tpu.memref_slice %arg8[%dma_wait3A_423, %dma_wait3A_424] : memref<6x256xi32, #tpu.memory_space<vmem>> -> memref<1x256xi32, #tpu.memory_space<vmem>>
      %dma_wait3A_426 = tpu.memref_squeeze %dma_wait3A_425 : memref<1x256xi32, #tpu.memory_space<vmem>> -> memref<256xi32, #tpu.memory_space<vmem>>
      %dma_wait3A_427 = arith.constant 0 : i32
      %dma_wait3A_428 = arith.constant 0 : i32
      %dma_wait3A_429 = tpu.memref_slice %arg4[%dma_wait3A_427, %dma_wait3A_428] : memref<102400x16xf32, #tpu.memory_space<hbm>> -> memref<102400x16xf32, #tpu.memory_space<hbm>>
      tpu.wait_indirect_dma semaphore(%arg29 : memref<!tpu.dma_semaphore, #tpu.memory_space<semaphore_mem>>) src(%dma_wait3A_429 : memref<102400x16xf32, #tpu.memory_space<hbm>>) dst(%arg10 : memref<256x16xf32, #tpu.memory_space<vmem>>)
      %dma_wait3A_430 = arith.constant 0 : i32
      %dma_wait3A_431 = arith.constant 0 : i32
      %dma_wait3A_432 = arith.constant 0 : i32
      %dma_wait3A_433 = tpu.memref_slice %arg9[%dma_wait3A_431, %dma_wait3A_432] : memref<6x256xi32, #tpu.memory_space<vmem>> -> memref<1x256xi32, #tpu.memory_space<vmem>>
      %dma_wait3A_434 = tpu.memref_squeeze %dma_wait3A_433 : memref<1x256xi32, #tpu.memory_space<vmem>> -> memref<256xi32, #tpu.memory_space<vmem>>
      %dma_wait3A_435 = arith.constant 0 : i32
      %dma_wait3A_436 = tpu.memref_slice %arg3[%dma_wait3A_430, %dma_wait3A_435] : memref<12672x256xi32, #tpu.memory_space<hbm>> -> memref<1x256xi32, #tpu.memory_space<hbm>>
      %dma_wait3A_437 = tpu.memref_squeeze %dma_wait3A_436 : memref<1x256xi32, #tpu.memory_space<hbm>> -> memref<256xi32, #tpu.memory_space<hbm>>
      %dma_wait3A_438 = arith.constant 0 : i32
      %dma_wait3A_439 = tpu.memref_slice %arg9[%dma_wait3A_431, %dma_wait3A_438] : memref<6x256xi32, #tpu.memory_space<vmem>> -> memref<1x256xi32, #tpu.memory_space<vmem>>
      %dma_wait3A_440 = tpu.memref_squeeze %dma_wait3A_439 : memref<1x256xi32, #tpu.memory_space<vmem>> -> memref<256xi32, #tpu.memory_space<vmem>>
      %dma_wait3A_441 = arith.constant 0 : i32
      %dma_wait3A_442 = tpu.memref_slice %arg3[%dma_wait3A_430, %dma_wait3A_441] : memref<12672x256xi32, #tpu.memory_space<hbm>> -> memref<1x256xi32, #tpu.memory_space<hbm>>
      %dma_wait3A_443 = tpu.memref_squeeze %dma_wait3A_442 : memref<1x256xi32, #tpu.memory_space<hbm>> -> memref<256xi32, #tpu.memory_space<hbm>>
      tpu.wait_dma2 semaphore(%arg23 : memref<!tpu.dma_semaphore, #tpu.memory_space<semaphore_mem>>) src(%dma_wait3A_443 : memref<256xi32, #tpu.memory_space<hbm>>) dst(%dma_wait3A_440 : memref<256xi32, #tpu.memory_space<vmem>>)
      %dma_start3A_444 = arith.constant 0 : i32
      %dma_start3A_445 = arith.constant 0 : i32
      %dma_start3A_446 = tpu.memref_slice %arg9[%dma_start3A_444, %dma_start3A_445] : memref<6x256xi32, #tpu.memory_space<vmem>> -> memref<1x256xi32, #tpu.memory_space<vmem>>
      %dma_start3A_447 = tpu.memref_squeeze %dma_start3A_446 : memref<1x256xi32, #tpu.memory_space<vmem>> -> memref<256xi32, #tpu.memory_space<vmem>>
      %dma_start3A_448 = arith.constant 0 : i32
      %dma_start3A_449 = arith.constant 0 : i32
      %dma_start3A_450 = tpu.memref_slice %arg16[%dma_start3A_448, %dma_start3A_449] : memref<102400x16xf32, #tpu.memory_space<vmem_shared>> -> memref<102400x16xf32, #tpu.memory_space<vmem_shared>>
      tpu.enqueue_indirect_dma source(%arg10 : memref<256x16xf32, #tpu.memory_space<vmem>>) target(%dma_start3A_450 : memref<102400x16xf32, #tpu.memory_space<vmem_shared>>) offsets(%dma_start3A_447 : memref<256xi32, #tpu.memory_space<vmem>>) semaphore(%arg35 : memref<!tpu.dma_semaphore, #tpu.memory_space<semaphore_mem>>) {add = true}
      %le3A = arith.constant 64 : i32
      %le3A_451 = arith.cmpi sle, %scan3A_186, %le3A : i32
      %convert_element_type3A_452 = arith.extui %le3A_451 : i1 to i32
      %cond3A_453 = arith.constant 0 : i32
      %cond3A_454 = arith.cmpi ne, %convert_element_type3A_452, %cond3A_453 : i32
      scf.if %cond3A_454 {
        %add3A_610 = arith.constant 3 : i32
        %add3A_611 = arith.addi %add3A_383, %add3A_610 : i32
        %dma_start3A_612 = arith.constant 0 : i32
        %dma_start3A_613 = arith.constant 0 : i32
        %dma_start3A_614 = tpu.memref_slice %arg8[%dma_start3A_612, %dma_start3A_613] : memref<6x256xi32, #tpu.memory_space<vmem>> -> memref<1x256xi32, #tpu.memory_space<vmem>>
        %dma_start3A_615 = tpu.memref_squeeze %dma_start3A_614 : memref<1x256xi32, #tpu.memory_space<vmem>> -> memref<256xi32, #tpu.memory_space<vmem>>
        %dma_start3A_616 = arith.constant 0 : i32
        %dma_start3A_617 = tpu.memref_slice %arg2[%add3A_611, %dma_start3A_616] : memref<12672x256xi32, #tpu.memory_space<hbm>> -> memref<1x256xi32, #tpu.memory_space<hbm>>
        %dma_start3A_618 = tpu.memref_squeeze %dma_start3A_617 : memref<1x256xi32, #tpu.memory_space<hbm>> -> memref<256xi32, #tpu.memory_space<hbm>>
        %dma_start3A_619 = arith.constant 0 : i32
        %dma_start3A_620 = tpu.memref_slice %arg8[%dma_start3A_612, %dma_start3A_619] : memref<6x256xi32, #tpu.memory_space<vmem>> -> memref<1x256xi32, #tpu.memory_space<vmem>>
        %dma_start3A_621 = tpu.memref_squeeze %dma_start3A_620 : memref<1x256xi32, #tpu.memory_space<vmem>> -> memref<256xi32, #tpu.memory_space<vmem>>
        %dma_start3A_622 = arith.constant 0 : i32
        %dma_start3A_623 = tpu.memref_slice %arg2[%add3A_611, %dma_start3A_622] : memref<12672x256xi32, #tpu.memory_space<hbm>> -> memref<1x256xi32, #tpu.memory_space<hbm>>
        %dma_start3A_624 = tpu.memref_squeeze %dma_start3A_623 : memref<1x256xi32, #tpu.memory_space<hbm>> -> memref<256xi32, #tpu.memory_space<hbm>>
        tpu.enqueue_dma source(%dma_start3A_624 : memref<256xi32, #tpu.memory_space<hbm>>) target(%dma_start3A_621 : memref<256xi32, #tpu.memory_space<vmem>>) target_semaphore(%arg17 : memref<!tpu.dma_semaphore, #tpu.memory_space<semaphore_mem>>)
      } else {
      }
      %mul3A_455 = arith.constant 6 : i32
      %mul3A_456 = arith.muli %scan3A_186, %mul3A_455 : i32
      %add3A_457 = arith.addi %mul3A_2, %mul3A_456 : i32
      %add3A_458 = arith.constant 4 : i32
      %add3A_459 = arith.addi %add3A_457, %add3A_458 : i32
      %ge3A_460 = arith.constant 1 : i32
      %ge3A_461 = arith.cmpi sge, %scan3A_186, %ge3A_460 : i32
      %convert_element_type3A_462 = arith.extui %ge3A_461 : i1 to i32
      %cond3A_463 = arith.constant 0 : i32
      %cond3A_464 = arith.cmpi ne, %convert_element_type3A_462, %cond3A_463 : i32
      scf.if %cond3A_464 {
        %dma_wait3A_610 = arith.constant 4 : i32
        %dma_wait3A_611 = arith.constant 0 : i32
        %dma_wait3A_612 = tpu.memref_slice %arg9[%dma_wait3A_610, %dma_wait3A_611] : memref<6x256xi32, #tpu.memory_space<vmem>> -> memref<1x256xi32, #tpu.memory_space<vmem>>
        %dma_wait3A_613 = tpu.memref_squeeze %dma_wait3A_612 : memref<1x256xi32, #tpu.memory_space<vmem>> -> memref<256xi32, #tpu.memory_space<vmem>>
        %dma_wait3A_614 = arith.constant 0 : i32
        %dma_wait3A_615 = arith.constant 0 : i32
        %dma_wait3A_616 = tpu.memref_slice %arg16[%dma_wait3A_614, %dma_wait3A_615] : memref<102400x16xf32, #tpu.memory_space<vmem_shared>> -> memref<102400x16xf32, #tpu.memory_space<vmem_shared>>
        tpu.wait_indirect_dma semaphore(%arg39 : memref<!tpu.dma_semaphore, #tpu.memory_space<semaphore_mem>>) src(%arg14 : memref<256x16xf32, #tpu.memory_space<vmem>>) dst(%dma_wait3A_616 : memref<102400x16xf32, #tpu.memory_space<vmem_shared>>)
      } else {
      }
      %dma_start3A_465 = arith.constant 4 : i32
      %dma_start3A_466 = arith.constant 0 : i32
      %dma_start3A_467 = tpu.memref_slice %arg9[%dma_start3A_465, %dma_start3A_466] : memref<6x256xi32, #tpu.memory_space<vmem>> -> memref<1x256xi32, #tpu.memory_space<vmem>>
      %dma_start3A_468 = tpu.memref_squeeze %dma_start3A_467 : memref<1x256xi32, #tpu.memory_space<vmem>> -> memref<256xi32, #tpu.memory_space<vmem>>
      %dma_start3A_469 = arith.constant 0 : i32
      %dma_start3A_470 = tpu.memref_slice %arg3[%add3A_459, %dma_start3A_469] : memref<12672x256xi32, #tpu.memory_space<hbm>> -> memref<1x256xi32, #tpu.memory_space<hbm>>
      %dma_start3A_471 = tpu.memref_squeeze %dma_start3A_470 : memref<1x256xi32, #tpu.memory_space<hbm>> -> memref<256xi32, #tpu.memory_space<hbm>>
      %dma_start3A_472 = arith.constant 0 : i32
      %dma_start3A_473 = tpu.memref_slice %arg9[%dma_start3A_465, %dma_start3A_472] : memref<6x256xi32, #tpu.memory_space<vmem>> -> memref<1x256xi32, #tpu.memory_space<vmem>>
      %dma_start3A_474 = tpu.memref_squeeze %dma_start3A_473 : memref<1x256xi32, #tpu.memory_space<vmem>> -> memref<256xi32, #tpu.memory_space<vmem>>
      %dma_start3A_475 = arith.constant 0 : i32
      %dma_start3A_476 = tpu.memref_slice %arg3[%add3A_459, %dma_start3A_475] : memref<12672x256xi32, #tpu.memory_space<hbm>> -> memref<1x256xi32, #tpu.memory_space<hbm>>
      %dma_start3A_477 = tpu.memref_squeeze %dma_start3A_476 : memref<1x256xi32, #tpu.memory_space<hbm>> -> memref<256xi32, #tpu.memory_space<hbm>>
      tpu.enqueue_dma source(%dma_start3A_477 : memref<256xi32, #tpu.memory_space<hbm>>) target(%dma_start3A_474 : memref<256xi32, #tpu.memory_space<vmem>>) target_semaphore(%arg27 : memref<!tpu.dma_semaphore, #tpu.memory_space<semaphore_mem>>)
      %dma_wait3A_478 = arith.constant 0 : i32
      %dma_wait3A_479 = arith.constant 4 : i32
      %dma_wait3A_480 = arith.constant 0 : i32
      %dma_wait3A_481 = tpu.memref_slice %arg8[%dma_wait3A_479, %dma_wait3A_480] : memref<6x256xi32, #tpu.memory_space<vmem>> -> memref<1x256xi32, #tpu.memory_space<vmem>>
      %dma_wait3A_482 = tpu.memref_squeeze %dma_wait3A_481 : memref<1x256xi32, #tpu.memory_space<vmem>> -> memref<256xi32, #tpu.memory_space<vmem>>
      %dma_wait3A_483 = arith.constant 0 : i32
      %dma_wait3A_484 = tpu.memref_slice %arg2[%dma_wait3A_478, %dma_wait3A_483] : memref<12672x256xi32, #tpu.memory_space<hbm>> -> memref<1x256xi32, #tpu.memory_space<hbm>>
      %dma_wait3A_485 = tpu.memref_squeeze %dma_wait3A_484 : memref<1x256xi32, #tpu.memory_space<hbm>> -> memref<256xi32, #tpu.memory_space<hbm>>
      %dma_wait3A_486 = arith.constant 0 : i32
      %dma_wait3A_487 = tpu.memref_slice %arg8[%dma_wait3A_479, %dma_wait3A_486] : memref<6x256xi32, #tpu.memory_space<vmem>> -> memref<1x256xi32, #tpu.memory_space<vmem>>
      %dma_wait3A_488 = tpu.memref_squeeze %dma_wait3A_487 : memref<1x256xi32, #tpu.memory_space<vmem>> -> memref<256xi32, #tpu.memory_space<vmem>>
      %dma_wait3A_489 = arith.constant 0 : i32
      %dma_wait3A_490 = tpu.memref_slice %arg2[%dma_wait3A_478, %dma_wait3A_489] : memref<12672x256xi32, #tpu.memory_space<hbm>> -> memref<1x256xi32, #tpu.memory_space<hbm>>
      %dma_wait3A_491 = tpu.memref_squeeze %dma_wait3A_490 : memref<1x256xi32, #tpu.memory_space<hbm>> -> memref<256xi32, #tpu.memory_space<hbm>>
      tpu.wait_dma2 semaphore(%arg21 : memref<!tpu.dma_semaphore, #tpu.memory_space<semaphore_mem>>) src(%dma_wait3A_491 : memref<256xi32, #tpu.memory_space<hbm>>) dst(%dma_wait3A_488 : memref<256xi32, #tpu.memory_space<vmem>>)
      %dma_start3A_492 = arith.constant 4 : i32
      %dma_start3A_493 = arith.constant 0 : i32
      %dma_start3A_494 = tpu.memref_slice %arg8[%dma_start3A_492, %dma_start3A_493] : memref<6x256xi32, #tpu.memory_space<vmem>> -> memref<1x256xi32, #tpu.memory_space<vmem>>
      %dma_start3A_495 = tpu.memref_squeeze %dma_start3A_494 : memref<1x256xi32, #tpu.memory_space<vmem>> -> memref<256xi32, #tpu.memory_space<vmem>>
      %dma_start3A_496 = arith.constant 0 : i32
      %dma_start3A_497 = arith.constant 0 : i32
      %dma_start3A_498 = tpu.memref_slice %arg4[%dma_start3A_496, %dma_start3A_497] : memref<102400x16xf32, #tpu.memory_space<hbm>> -> memref<102400x16xf32, #tpu.memory_space<hbm>>
      tpu.enqueue_indirect_dma source(%dma_start3A_498 : memref<102400x16xf32, #tpu.memory_space<hbm>>) target(%arg14 : memref<256x16xf32, #tpu.memory_space<vmem>>) offsets(%dma_start3A_495 : memref<256xi32, #tpu.memory_space<vmem>>) semaphore(%arg33 : memref<!tpu.dma_semaphore, #tpu.memory_space<semaphore_mem>>)
      %dma_wait3A_499 = arith.constant 1 : i32
      %dma_wait3A_500 = arith.constant 0 : i32
      %dma_wait3A_501 = tpu.memref_slice %arg8[%dma_wait3A_499, %dma_wait3A_500] : memref<6x256xi32, #tpu.memory_space<vmem>> -> memref<1x256xi32, #tpu.memory_space<vmem>>
      %dma_wait3A_502 = tpu.memref_squeeze %dma_wait3A_501 : memref<1x256xi32, #tpu.memory_space<vmem>> -> memref<256xi32, #tpu.memory_space<vmem>>
      %dma_wait3A_503 = arith.constant 0 : i32
      %dma_wait3A_504 = arith.constant 0 : i32
      %dma_wait3A_505 = tpu.memref_slice %arg4[%dma_wait3A_503, %dma_wait3A_504] : memref<102400x16xf32, #tpu.memory_space<hbm>> -> memref<102400x16xf32, #tpu.memory_space<hbm>>
      tpu.wait_indirect_dma semaphore(%arg30 : memref<!tpu.dma_semaphore, #tpu.memory_space<semaphore_mem>>) src(%dma_wait3A_505 : memref<102400x16xf32, #tpu.memory_space<hbm>>) dst(%arg11 : memref<256x16xf32, #tpu.memory_space<vmem>>)
      %dma_wait3A_506 = arith.constant 0 : i32
      %dma_wait3A_507 = arith.constant 1 : i32
      %dma_wait3A_508 = arith.constant 0 : i32
      %dma_wait3A_509 = tpu.memref_slice %arg9[%dma_wait3A_507, %dma_wait3A_508] : memref<6x256xi32, #tpu.memory_space<vmem>> -> memref<1x256xi32, #tpu.memory_space<vmem>>
      %dma_wait3A_510 = tpu.memref_squeeze %dma_wait3A_509 : memref<1x256xi32, #tpu.memory_space<vmem>> -> memref<256xi32, #tpu.memory_space<vmem>>
      %dma_wait3A_511 = arith.constant 0 : i32
      %dma_wait3A_512 = tpu.memref_slice %arg3[%dma_wait3A_506, %dma_wait3A_511] : memref<12672x256xi32, #tpu.memory_space<hbm>> -> memref<1x256xi32, #tpu.memory_space<hbm>>
      %dma_wait3A_513 = tpu.memref_squeeze %dma_wait3A_512 : memref<1x256xi32, #tpu.memory_space<hbm>> -> memref<256xi32, #tpu.memory_space<hbm>>
      %dma_wait3A_514 = arith.constant 0 : i32
      %dma_wait3A_515 = tpu.memref_slice %arg9[%dma_wait3A_507, %dma_wait3A_514] : memref<6x256xi32, #tpu.memory_space<vmem>> -> memref<1x256xi32, #tpu.memory_space<vmem>>
      %dma_wait3A_516 = tpu.memref_squeeze %dma_wait3A_515 : memref<1x256xi32, #tpu.memory_space<vmem>> -> memref<256xi32, #tpu.memory_space<vmem>>
      %dma_wait3A_517 = arith.constant 0 : i32
      %dma_wait3A_518 = tpu.memref_slice %arg3[%dma_wait3A_506, %dma_wait3A_517] : memref<12672x256xi32, #tpu.memory_space<hbm>> -> memref<1x256xi32, #tpu.memory_space<hbm>>
      %dma_wait3A_519 = tpu.memref_squeeze %dma_wait3A_518 : memref<1x256xi32, #tpu.memory_space<hbm>> -> memref<256xi32, #tpu.memory_space<hbm>>
      tpu.wait_dma2 semaphore(%arg24 : memref<!tpu.dma_semaphore, #tpu.memory_space<semaphore_mem>>) src(%dma_wait3A_519 : memref<256xi32, #tpu.memory_space<hbm>>) dst(%dma_wait3A_516 : memref<256xi32, #tpu.memory_space<vmem>>)
      %dma_start3A_520 = arith.constant 1 : i32
      %dma_start3A_521 = arith.constant 0 : i32
      %dma_start3A_522 = tpu.memref_slice %arg9[%dma_start3A_520, %dma_start3A_521] : memref<6x256xi32, #tpu.memory_space<vmem>> -> memref<1x256xi32, #tpu.memory_space<vmem>>
      %dma_start3A_523 = tpu.memref_squeeze %dma_start3A_522 : memref<1x256xi32, #tpu.memory_space<vmem>> -> memref<256xi32, #tpu.memory_space<vmem>>
      %dma_start3A_524 = arith.constant 0 : i32
      %dma_start3A_525 = arith.constant 0 : i32
      %dma_start3A_526 = tpu.memref_slice %arg16[%dma_start3A_524, %dma_start3A_525] : memref<102400x16xf32, #tpu.memory_space<vmem_shared>> -> memref<102400x16xf32, #tpu.memory_space<vmem_shared>>
      tpu.enqueue_indirect_dma source(%arg11 : memref<256x16xf32, #tpu.memory_space<vmem>>) target(%dma_start3A_526 : memref<102400x16xf32, #tpu.memory_space<vmem_shared>>) offsets(%dma_start3A_523 : memref<256xi32, #tpu.memory_space<vmem>>) semaphore(%arg36 : memref<!tpu.dma_semaphore, #tpu.memory_space<semaphore_mem>>) {add = true}
      %le3A_527 = arith.constant 64 : i32
      %le3A_528 = arith.cmpi sle, %scan3A_186, %le3A_527 : i32
      %convert_element_type3A_529 = arith.extui %le3A_528 : i1 to i32
      %cond3A_530 = arith.constant 0 : i32
      %cond3A_531 = arith.cmpi ne, %convert_element_type3A_529, %cond3A_530 : i32
      scf.if %cond3A_531 {
        %add3A_610 = arith.constant 3 : i32
        %add3A_611 = arith.addi %add3A_459, %add3A_610 : i32
        %dma_start3A_612 = arith.constant 1 : i32
        %dma_start3A_613 = arith.constant 0 : i32
        %dma_start3A_614 = tpu.memref_slice %arg8[%dma_start3A_612, %dma_start3A_613] : memref<6x256xi32, #tpu.memory_space<vmem>> -> memref<1x256xi32, #tpu.memory_space<vmem>>
        %dma_start3A_615 = tpu.memref_squeeze %dma_start3A_614 : memref<1x256xi32, #tpu.memory_space<vmem>> -> memref<256xi32, #tpu.memory_space<vmem>>
        %dma_start3A_616 = arith.constant 0 : i32
        %dma_start3A_617 = tpu.memref_slice %arg2[%add3A_611, %dma_start3A_616] : memref<12672x256xi32, #tpu.memory_space<hbm>> -> memref<1x256xi32, #tpu.memory_space<hbm>>
        %dma_start3A_618 = tpu.memref_squeeze %dma_start3A_617 : memref<1x256xi32, #tpu.memory_space<hbm>> -> memref<256xi32, #tpu.memory_space<hbm>>
        %dma_start3A_619 = arith.constant 0 : i32
        %dma_start3A_620 = tpu.memref_slice %arg8[%dma_start3A_612, %dma_start3A_619] : memref<6x256xi32, #tpu.memory_space<vmem>> -> memref<1x256xi32, #tpu.memory_space<vmem>>
        %dma_start3A_621 = tpu.memref_squeeze %dma_start3A_620 : memref<1x256xi32, #tpu.memory_space<vmem>> -> memref<256xi32, #tpu.memory_space<vmem>>
        %dma_start3A_622 = arith.constant 0 : i32
        %dma_start3A_623 = tpu.memref_slice %arg2[%add3A_611, %dma_start3A_622] : memref<12672x256xi32, #tpu.memory_space<hbm>> -> memref<1x256xi32, #tpu.memory_space<hbm>>
        %dma_start3A_624 = tpu.memref_squeeze %dma_start3A_623 : memref<1x256xi32, #tpu.memory_space<hbm>> -> memref<256xi32, #tpu.memory_space<hbm>>
        tpu.enqueue_dma source(%dma_start3A_624 : memref<256xi32, #tpu.memory_space<hbm>>) target(%dma_start3A_621 : memref<256xi32, #tpu.memory_space<vmem>>) target_semaphore(%arg18 : memref<!tpu.dma_semaphore, #tpu.memory_space<semaphore_mem>>)
      } else {
      }
      %mul3A_532 = arith.constant 6 : i32
      %mul3A_533 = arith.muli %scan3A_186, %mul3A_532 : i32
      %add3A_534 = arith.addi %mul3A_2, %mul3A_533 : i32
      %add3A_535 = arith.constant 5 : i32
      %add3A_536 = arith.addi %add3A_534, %add3A_535 : i32
      %ge3A_537 = arith.constant 1 : i32
      %ge3A_538 = arith.cmpi sge, %scan3A_186, %ge3A_537 : i32
      %convert_element_type3A_539 = arith.extui %ge3A_538 : i1 to i32
      %cond3A_540 = arith.constant 0 : i32
      %cond3A_541 = arith.cmpi ne, %convert_element_type3A_539, %cond3A_540 : i32
      scf.if %cond3A_541 {
        %dma_wait3A_610 = arith.constant 5 : i32
        %dma_wait3A_611 = arith.constant 0 : i32
        %dma_wait3A_612 = tpu.memref_slice %arg9[%dma_wait3A_610, %dma_wait3A_611] : memref<6x256xi32, #tpu.memory_space<vmem>> -> memref<1x256xi32, #tpu.memory_space<vmem>>
        %dma_wait3A_613 = tpu.memref_squeeze %dma_wait3A_612 : memref<1x256xi32, #tpu.memory_space<vmem>> -> memref<256xi32, #tpu.memory_space<vmem>>
        %dma_wait3A_614 = arith.constant 0 : i32
        %dma_wait3A_615 = arith.constant 0 : i32
        %dma_wait3A_616 = tpu.memref_slice %arg16[%dma_wait3A_614, %dma_wait3A_615] : memref<102400x16xf32, #tpu.memory_space<vmem_shared>> -> memref<102400x16xf32, #tpu.memory_space<vmem_shared>>
        tpu.wait_indirect_dma semaphore(%arg40 : memref<!tpu.dma_semaphore, #tpu.memory_space<semaphore_mem>>) src(%arg15 : memref<256x16xf32, #tpu.memory_space<vmem>>) dst(%dma_wait3A_616 : memref<102400x16xf32, #tpu.memory_space<vmem_shared>>)
      } else {
      }
      %dma_start3A_542 = arith.constant 5 : i32
      %dma_start3A_543 = arith.constant 0 : i32
      %dma_start3A_544 = tpu.memref_slice %arg9[%dma_start3A_542, %dma_start3A_543] : memref<6x256xi32, #tpu.memory_space<vmem>> -> memref<1x256xi32, #tpu.memory_space<vmem>>
      %dma_start3A_545 = tpu.memref_squeeze %dma_start3A_544 : memref<1x256xi32, #tpu.memory_space<vmem>> -> memref<256xi32, #tpu.memory_space<vmem>>
      %dma_start3A_546 = arith.constant 0 : i32
      %dma_start3A_547 = tpu.memref_slice %arg3[%add3A_536, %dma_start3A_546] : memref<12672x256xi32, #tpu.memory_space<hbm>> -> memref<1x256xi32, #tpu.memory_space<hbm>>
      %dma_start3A_548 = tpu.memref_squeeze %dma_start3A_547 : memref<1x256xi32, #tpu.memory_space<hbm>> -> memref<256xi32, #tpu.memory_space<hbm>>
      %dma_start3A_549 = arith.constant 0 : i32
      %dma_start3A_550 = tpu.memref_slice %arg9[%dma_start3A_542, %dma_start3A_549] : memref<6x256xi32, #tpu.memory_space<vmem>> -> memref<1x256xi32, #tpu.memory_space<vmem>>
      %dma_start3A_551 = tpu.memref_squeeze %dma_start3A_550 : memref<1x256xi32, #tpu.memory_space<vmem>> -> memref<256xi32, #tpu.memory_space<vmem>>
      %dma_start3A_552 = arith.constant 0 : i32
      %dma_start3A_553 = tpu.memref_slice %arg3[%add3A_536, %dma_start3A_552] : memref<12672x256xi32, #tpu.memory_space<hbm>> -> memref<1x256xi32, #tpu.memory_space<hbm>>
      %dma_start3A_554 = tpu.memref_squeeze %dma_start3A_553 : memref<1x256xi32, #tpu.memory_space<hbm>> -> memref<256xi32, #tpu.memory_space<hbm>>
      tpu.enqueue_dma source(%dma_start3A_554 : memref<256xi32, #tpu.memory_space<hbm>>) target(%dma_start3A_551 : memref<256xi32, #tpu.memory_space<vmem>>) target_semaphore(%arg28 : memref<!tpu.dma_semaphore, #tpu.memory_space<semaphore_mem>>)
      %dma_wait3A_555 = arith.constant 0 : i32
      %dma_wait3A_556 = arith.constant 5 : i32
      %dma_wait3A_557 = arith.constant 0 : i32
      %dma_wait3A_558 = tpu.memref_slice %arg8[%dma_wait3A_556, %dma_wait3A_557] : memref<6x256xi32, #tpu.memory_space<vmem>> -> memref<1x256xi32, #tpu.memory_space<vmem>>
      %dma_wait3A_559 = tpu.memref_squeeze %dma_wait3A_558 : memref<1x256xi32, #tpu.memory_space<vmem>> -> memref<256xi32, #tpu.memory_space<vmem>>
      %dma_wait3A_560 = arith.constant 0 : i32
      %dma_wait3A_561 = tpu.memref_slice %arg2[%dma_wait3A_555, %dma_wait3A_560] : memref<12672x256xi32, #tpu.memory_space<hbm>> -> memref<1x256xi32, #tpu.memory_space<hbm>>
      %dma_wait3A_562 = tpu.memref_squeeze %dma_wait3A_561 : memref<1x256xi32, #tpu.memory_space<hbm>> -> memref<256xi32, #tpu.memory_space<hbm>>
      %dma_wait3A_563 = arith.constant 0 : i32
      %dma_wait3A_564 = tpu.memref_slice %arg8[%dma_wait3A_556, %dma_wait3A_563] : memref<6x256xi32, #tpu.memory_space<vmem>> -> memref<1x256xi32, #tpu.memory_space<vmem>>
      %dma_wait3A_565 = tpu.memref_squeeze %dma_wait3A_564 : memref<1x256xi32, #tpu.memory_space<vmem>> -> memref<256xi32, #tpu.memory_space<vmem>>
      %dma_wait3A_566 = arith.constant 0 : i32
      %dma_wait3A_567 = tpu.memref_slice %arg2[%dma_wait3A_555, %dma_wait3A_566] : memref<12672x256xi32, #tpu.memory_space<hbm>> -> memref<1x256xi32, #tpu.memory_space<hbm>>
      %dma_wait3A_568 = tpu.memref_squeeze %dma_wait3A_567 : memref<1x256xi32, #tpu.memory_space<hbm>> -> memref<256xi32, #tpu.memory_space<hbm>>
      tpu.wait_dma2 semaphore(%arg22 : memref<!tpu.dma_semaphore, #tpu.memory_space<semaphore_mem>>) src(%dma_wait3A_568 : memref<256xi32, #tpu.memory_space<hbm>>) dst(%dma_wait3A_565 : memref<256xi32, #tpu.memory_space<vmem>>)
      %dma_start3A_569 = arith.constant 5 : i32
      %dma_start3A_570 = arith.constant 0 : i32
      %dma_start3A_571 = tpu.memref_slice %arg8[%dma_start3A_569, %dma_start3A_570] : memref<6x256xi32, #tpu.memory_space<vmem>> -> memref<1x256xi32, #tpu.memory_space<vmem>>
      %dma_start3A_572 = tpu.memref_squeeze %dma_start3A_571 : memref<1x256xi32, #tpu.memory_space<vmem>> -> memref<256xi32, #tpu.memory_space<vmem>>
      %dma_start3A_573 = arith.constant 0 : i32
      %dma_start3A_574 = arith.constant 0 : i32
      %dma_start3A_575 = tpu.memref_slice %arg4[%dma_start3A_573, %dma_start3A_574] : memref<102400x16xf32, #tpu.memory_space<hbm>> -> memref<102400x16xf32, #tpu.memory_space<hbm>>
      tpu.enqueue_indirect_dma source(%dma_start3A_575 : memref<102400x16xf32, #tpu.memory_space<hbm>>) target(%arg15 : memref<256x16xf32, #tpu.memory_space<vmem>>) offsets(%dma_start3A_572 : memref<256xi32, #tpu.memory_space<vmem>>) semaphore(%arg34 : memref<!tpu.dma_semaphore, #tpu.memory_space<semaphore_mem>>)
      %dma_wait3A_576 = arith.constant 2 : i32
      %dma_wait3A_577 = arith.constant 0 : i32
      %dma_wait3A_578 = tpu.memref_slice %arg8[%dma_wait3A_576, %dma_wait3A_577] : memref<6x256xi32, #tpu.memory_space<vmem>> -> memref<1x256xi32, #tpu.memory_space<vmem>>
      %dma_wait3A_579 = tpu.memref_squeeze %dma_wait3A_578 : memref<1x256xi32, #tpu.memory_space<vmem>> -> memref<256xi32, #tpu.memory_space<vmem>>
      %dma_wait3A_580 = arith.constant 0 : i32
      %dma_wait3A_581 = arith.constant 0 : i32
      %dma_wait3A_582 = tpu.memref_slice %arg4[%dma_wait3A_580, %dma_wait3A_581] : memref<102400x16xf32, #tpu.memory_space<hbm>> -> memref<102400x16xf32, #tpu.memory_space<hbm>>
      tpu.wait_indirect_dma semaphore(%arg31 : memref<!tpu.dma_semaphore, #tpu.memory_space<semaphore_mem>>) src(%dma_wait3A_582 : memref<102400x16xf32, #tpu.memory_space<hbm>>) dst(%arg12 : memref<256x16xf32, #tpu.memory_space<vmem>>)
      %dma_wait3A_583 = arith.constant 0 : i32
      %dma_wait3A_584 = arith.constant 2 : i32
      %dma_wait3A_585 = arith.constant 0 : i32
      %dma_wait3A_586 = tpu.memref_slice %arg9[%dma_wait3A_584, %dma_wait3A_585] : memref<6x256xi32, #tpu.memory_space<vmem>> -> memref<1x256xi32, #tpu.memory_space<vmem>>
      %dma_wait3A_587 = tpu.memref_squeeze %dma_wait3A_586 : memref<1x256xi32, #tpu.memory_space<vmem>> -> memref<256xi32, #tpu.memory_space<vmem>>
      %dma_wait3A_588 = arith.constant 0 : i32
      %dma_wait3A_589 = tpu.memref_slice %arg3[%dma_wait3A_583, %dma_wait3A_588] : memref<12672x256xi32, #tpu.memory_space<hbm>> -> memref<1x256xi32, #tpu.memory_space<hbm>>
      %dma_wait3A_590 = tpu.memref_squeeze %dma_wait3A_589 : memref<1x256xi32, #tpu.memory_space<hbm>> -> memref<256xi32, #tpu.memory_space<hbm>>
      %dma_wait3A_591 = arith.constant 0 : i32
      %dma_wait3A_592 = tpu.memref_slice %arg9[%dma_wait3A_584, %dma_wait3A_591] : memref<6x256xi32, #tpu.memory_space<vmem>> -> memref<1x256xi32, #tpu.memory_space<vmem>>
      %dma_wait3A_593 = tpu.memref_squeeze %dma_wait3A_592 : memref<1x256xi32, #tpu.memory_space<vmem>> -> memref<256xi32, #tpu.memory_space<vmem>>
      %dma_wait3A_594 = arith.constant 0 : i32
      %dma_wait3A_595 = tpu.memref_slice %arg3[%dma_wait3A_583, %dma_wait3A_594] : memref<12672x256xi32, #tpu.memory_space<hbm>> -> memref<1x256xi32, #tpu.memory_space<hbm>>
      %dma_wait3A_596 = tpu.memref_squeeze %dma_wait3A_595 : memref<1x256xi32, #tpu.memory_space<hbm>> -> memref<256xi32, #tpu.memory_space<hbm>>
      tpu.wait_dma2 semaphore(%arg25 : memref<!tpu.dma_semaphore, #tpu.memory_space<semaphore_mem>>) src(%dma_wait3A_596 : memref<256xi32, #tpu.memory_space<hbm>>) dst(%dma_wait3A_593 : memref<256xi32, #tpu.memory_space<vmem>>)
      %dma_start3A_597 = arith.constant 2 : i32
      %dma_start3A_598 = arith.constant 0 : i32
      %dma_start3A_599 = tpu.memref_slice %arg9[%dma_start3A_597, %dma_start3A_598] : memref<6x256xi32, #tpu.memory_space<vmem>> -> memref<1x256xi32, #tpu.memory_space<vmem>>
      %dma_start3A_600 = tpu.memref_squeeze %dma_start3A_599 : memref<1x256xi32, #tpu.memory_space<vmem>> -> memref<256xi32, #tpu.memory_space<vmem>>
      %dma_start3A_601 = arith.constant 0 : i32
      %dma_start3A_602 = arith.constant 0 : i32
      %dma_start3A_603 = tpu.memref_slice %arg16[%dma_start3A_601, %dma_start3A_602] : memref<102400x16xf32, #tpu.memory_space<vmem_shared>> -> memref<102400x16xf32, #tpu.memory_space<vmem_shared>>
      tpu.enqueue_indirect_dma source(%arg12 : memref<256x16xf32, #tpu.memory_space<vmem>>) target(%dma_start3A_603 : memref<102400x16xf32, #tpu.memory_space<vmem_shared>>) offsets(%dma_start3A_600 : memref<256xi32, #tpu.memory_space<vmem>>) semaphore(%arg37 : memref<!tpu.dma_semaphore, #tpu.memory_space<semaphore_mem>>) {add = true}
      %le3A_604 = arith.constant 64 : i32
      %le3A_605 = arith.cmpi sle, %scan3A_186, %le3A_604 : i32
      %convert_element_type3A_606 = arith.extui %le3A_605 : i1 to i32
      %cond3A_607 = arith.constant 0 : i32
      %cond3A_608 = arith.cmpi ne, %convert_element_type3A_606, %cond3A_607 : i32
      scf.if %cond3A_608 {
        %add3A_610 = arith.constant 3 : i32
        %add3A_611 = arith.addi %add3A_536, %add3A_610 : i32
        %dma_start3A_612 = arith.constant 2 : i32
        %dma_start3A_613 = arith.constant 0 : i32
        %dma_start3A_614 = tpu.memref_slice %arg8[%dma_start3A_612, %dma_start3A_613] : memref<6x256xi32, #tpu.memory_space<vmem>> -> memref<1x256xi32, #tpu.memory_space<vmem>>
        %dma_start3A_615 = tpu.memref_squeeze %dma_start3A_614 : memref<1x256xi32, #tpu.memory_space<vmem>> -> memref<256xi32, #tpu.memory_space<vmem>>
        %dma_start3A_616 = arith.constant 0 : i32
        %dma_start3A_617 = tpu.memref_slice %arg2[%add3A_611, %dma_start3A_616] : memref<12672x256xi32, #tpu.memory_space<hbm>> -> memref<1x256xi32, #tpu.memory_space<hbm>>
        %dma_start3A_618 = tpu.memref_squeeze %dma_start3A_617 : memref<1x256xi32, #tpu.memory_space<hbm>> -> memref<256xi32, #tpu.memory_space<hbm>>
        %dma_start3A_619 = arith.constant 0 : i32
        %dma_start3A_620 = tpu.memref_slice %arg8[%dma_start3A_612, %dma_start3A_619] : memref<6x256xi32, #tpu.memory_space<vmem>> -> memref<1x256xi32, #tpu.memory_space<vmem>>
        %dma_start3A_621 = tpu.memref_squeeze %dma_start3A_620 : memref<1x256xi32, #tpu.memory_space<vmem>> -> memref<256xi32, #tpu.memory_space<vmem>>
        %dma_start3A_622 = arith.constant 0 : i32
        %dma_start3A_623 = tpu.memref_slice %arg2[%add3A_611, %dma_start3A_622] : memref<12672x256xi32, #tpu.memory_space<hbm>> -> memref<1x256xi32, #tpu.memory_space<hbm>>
        %dma_start3A_624 = tpu.memref_squeeze %dma_start3A_623 : memref<1x256xi32, #tpu.memory_space<hbm>> -> memref<256xi32, #tpu.memory_space<hbm>>
        tpu.enqueue_dma source(%dma_start3A_624 : memref<256xi32, #tpu.memory_space<hbm>>) target(%dma_start3A_621 : memref<256xi32, #tpu.memory_space<vmem>>) target_semaphore(%arg19 : memref<!tpu.dma_semaphore, #tpu.memory_space<semaphore_mem>>)
      } else {
      }
      %scan3A_609 = arith.constant 0 : i32
      scf.yield %scan3A_609 : i32
    }
    %scan3A_52 = arith.constant 66 : i32
    %dma_wait3A = arith.constant 3 : i32
    %dma_wait3A_53 = arith.constant 0 : i32
    %dma_wait3A_54 = tpu.memref_slice %arg8[%dma_wait3A, %dma_wait3A_53] : memref<6x256xi32, #tpu.memory_space<vmem>> -> memref<1x256xi32, #tpu.memory_space<vmem>>
    %dma_wait3A_55 = tpu.memref_squeeze %dma_wait3A_54 : memref<1x256xi32, #tpu.memory_space<vmem>> -> memref<256xi32, #tpu.memory_space<vmem>>
    %dma_wait3A_56 = arith.constant 0 : i32
    %dma_wait3A_57 = arith.constant 0 : i32
    %dma_wait3A_58 = tpu.memref_slice %arg4[%dma_wait3A_56, %dma_wait3A_57] : memref<102400x16xf32, #tpu.memory_space<hbm>> -> memref<102400x16xf32, #tpu.memory_space<hbm>>
    tpu.wait_indirect_dma semaphore(%arg32 : memref<!tpu.dma_semaphore, #tpu.memory_space<semaphore_mem>>) src(%dma_wait3A_58 : memref<102400x16xf32, #tpu.memory_space<hbm>>) dst(%arg13 : memref<256x16xf32, #tpu.memory_space<vmem>>)
    %dma_wait3A_59 = arith.constant 0 : i32
    %dma_wait3A_60 = arith.constant 3 : i32
    %dma_wait3A_61 = arith.constant 0 : i32
    %dma_wait3A_62 = tpu.memref_slice %arg9[%dma_wait3A_60, %dma_wait3A_61] : memref<6x256xi32, #tpu.memory_space<vmem>> -> memref<1x256xi32, #tpu.memory_space<vmem>>
    %dma_wait3A_63 = tpu.memref_squeeze %dma_wait3A_62 : memref<1x256xi32, #tpu.memory_space<vmem>> -> memref<256xi32, #tpu.memory_space<vmem>>
    %dma_wait3A_64 = arith.constant 0 : i32
    %dma_wait3A_65 = tpu.memref_slice %arg3[%dma_wait3A_59, %dma_wait3A_64] : memref<12672x256xi32, #tpu.memory_space<hbm>> -> memref<1x256xi32, #tpu.memory_space<hbm>>
    %dma_wait3A_66 = tpu.memref_squeeze %dma_wait3A_65 : memref<1x256xi32, #tpu.memory_space<hbm>> -> memref<256xi32, #tpu.memory_space<hbm>>
    %dma_wait3A_67 = arith.constant 0 : i32
    %dma_wait3A_68 = tpu.memref_slice %arg9[%dma_wait3A_60, %dma_wait3A_67] : memref<6x256xi32, #tpu.memory_space<vmem>> -> memref<1x256xi32, #tpu.memory_space<vmem>>
    %dma_wait3A_69 = tpu.memref_squeeze %dma_wait3A_68 : memref<1x256xi32, #tpu.memory_space<vmem>> -> memref<256xi32, #tpu.memory_space<vmem>>
    %dma_wait3A_70 = arith.constant 0 : i32
    %dma_wait3A_71 = tpu.memref_slice %arg3[%dma_wait3A_59, %dma_wait3A_70] : memref<12672x256xi32, #tpu.memory_space<hbm>> -> memref<1x256xi32, #tpu.memory_space<hbm>>
    %dma_wait3A_72 = tpu.memref_squeeze %dma_wait3A_71 : memref<1x256xi32, #tpu.memory_space<hbm>> -> memref<256xi32, #tpu.memory_space<hbm>>
    tpu.wait_dma2 semaphore(%arg26 : memref<!tpu.dma_semaphore, #tpu.memory_space<semaphore_mem>>) src(%dma_wait3A_72 : memref<256xi32, #tpu.memory_space<hbm>>) dst(%dma_wait3A_69 : memref<256xi32, #tpu.memory_space<vmem>>)
    %dma_start3A_73 = arith.constant 3 : i32
    %dma_start3A_74 = arith.constant 0 : i32
    %dma_start3A_75 = tpu.memref_slice %arg9[%dma_start3A_73, %dma_start3A_74] : memref<6x256xi32, #tpu.memory_space<vmem>> -> memref<1x256xi32, #tpu.memory_space<vmem>>
    %dma_start3A_76 = tpu.memref_squeeze %dma_start3A_75 : memref<1x256xi32, #tpu.memory_space<vmem>> -> memref<256xi32, #tpu.memory_space<vmem>>
    %dma_start3A_77 = arith.constant 0 : i32
    %dma_start3A_78 = arith.constant 0 : i32
    %dma_start3A_79 = tpu.memref_slice %arg16[%dma_start3A_77, %dma_start3A_78] : memref<102400x16xf32, #tpu.memory_space<vmem_shared>> -> memref<102400x16xf32, #tpu.memory_space<vmem_shared>>
    tpu.enqueue_indirect_dma source(%arg13 : memref<256x16xf32, #tpu.memory_space<vmem>>) target(%dma_start3A_79 : memref<102400x16xf32, #tpu.memory_space<vmem_shared>>) offsets(%dma_start3A_76 : memref<256xi32, #tpu.memory_space<vmem>>) semaphore(%arg38 : memref<!tpu.dma_semaphore, #tpu.memory_space<semaphore_mem>>) {add = true}
    %dma_wait3A_80 = arith.constant 4 : i32
    %dma_wait3A_81 = arith.constant 0 : i32
    %dma_wait3A_82 = tpu.memref_slice %arg8[%dma_wait3A_80, %dma_wait3A_81] : memref<6x256xi32, #tpu.memory_space<vmem>> -> memref<1x256xi32, #tpu.memory_space<vmem>>
    %dma_wait3A_83 = tpu.memref_squeeze %dma_wait3A_82 : memref<1x256xi32, #tpu.memory_space<vmem>> -> memref<256xi32, #tpu.memory_space<vmem>>
    %dma_wait3A_84 = arith.constant 0 : i32
    %dma_wait3A_85 = arith.constant 0 : i32
    %dma_wait3A_86 = tpu.memref_slice %arg4[%dma_wait3A_84, %dma_wait3A_85] : memref<102400x16xf32, #tpu.memory_space<hbm>> -> memref<102400x16xf32, #tpu.memory_space<hbm>>
    tpu.wait_indirect_dma semaphore(%arg33 : memref<!tpu.dma_semaphore, #tpu.memory_space<semaphore_mem>>) src(%dma_wait3A_86 : memref<102400x16xf32, #tpu.memory_space<hbm>>) dst(%arg14 : memref<256x16xf32, #tpu.memory_space<vmem>>)
    %dma_wait3A_87 = arith.constant 0 : i32
    %dma_wait3A_88 = arith.constant 4 : i32
    %dma_wait3A_89 = arith.constant 0 : i32
    %dma_wait3A_90 = tpu.memref_slice %arg9[%dma_wait3A_88, %dma_wait3A_89] : memref<6x256xi32, #tpu.memory_space<vmem>> -> memref<1x256xi32, #tpu.memory_space<vmem>>
    %dma_wait3A_91 = tpu.memref_squeeze %dma_wait3A_90 : memref<1x256xi32, #tpu.memory_space<vmem>> -> memref<256xi32, #tpu.memory_space<vmem>>
    %dma_wait3A_92 = arith.constant 0 : i32
    %dma_wait3A_93 = tpu.memref_slice %arg3[%dma_wait3A_87, %dma_wait3A_92] : memref<12672x256xi32, #tpu.memory_space<hbm>> -> memref<1x256xi32, #tpu.memory_space<hbm>>
    %dma_wait3A_94 = tpu.memref_squeeze %dma_wait3A_93 : memref<1x256xi32, #tpu.memory_space<hbm>> -> memref<256xi32, #tpu.memory_space<hbm>>
    %dma_wait3A_95 = arith.constant 0 : i32
    %dma_wait3A_96 = tpu.memref_slice %arg9[%dma_wait3A_88, %dma_wait3A_95] : memref<6x256xi32, #tpu.memory_space<vmem>> -> memref<1x256xi32, #tpu.memory_space<vmem>>
    %dma_wait3A_97 = tpu.memref_squeeze %dma_wait3A_96 : memref<1x256xi32, #tpu.memory_space<vmem>> -> memref<256xi32, #tpu.memory_space<vmem>>
    %dma_wait3A_98 = arith.constant 0 : i32
    %dma_wait3A_99 = tpu.memref_slice %arg3[%dma_wait3A_87, %dma_wait3A_98] : memref<12672x256xi32, #tpu.memory_space<hbm>> -> memref<1x256xi32, #tpu.memory_space<hbm>>
    %dma_wait3A_100 = tpu.memref_squeeze %dma_wait3A_99 : memref<1x256xi32, #tpu.memory_space<hbm>> -> memref<256xi32, #tpu.memory_space<hbm>>
    tpu.wait_dma2 semaphore(%arg27 : memref<!tpu.dma_semaphore, #tpu.memory_space<semaphore_mem>>) src(%dma_wait3A_100 : memref<256xi32, #tpu.memory_space<hbm>>) dst(%dma_wait3A_97 : memref<256xi32, #tpu.memory_space<vmem>>)
    %dma_start3A_101 = arith.constant 4 : i32
    %dma_start3A_102 = arith.constant 0 : i32
    %dma_start3A_103 = tpu.memref_slice %arg9[%dma_start3A_101, %dma_start3A_102] : memref<6x256xi32, #tpu.memory_space<vmem>> -> memref<1x256xi32, #tpu.memory_space<vmem>>
    %dma_start3A_104 = tpu.memref_squeeze %dma_start3A_103 : memref<1x256xi32, #tpu.memory_space<vmem>> -> memref<256xi32, #tpu.memory_space<vmem>>
    %dma_start3A_105 = arith.constant 0 : i32
    %dma_start3A_106 = arith.constant 0 : i32
    %dma_start3A_107 = tpu.memref_slice %arg16[%dma_start3A_105, %dma_start3A_106] : memref<102400x16xf32, #tpu.memory_space<vmem_shared>> -> memref<102400x16xf32, #tpu.memory_space<vmem_shared>>
    tpu.enqueue_indirect_dma source(%arg14 : memref<256x16xf32, #tpu.memory_space<vmem>>) target(%dma_start3A_107 : memref<102400x16xf32, #tpu.memory_space<vmem_shared>>) offsets(%dma_start3A_104 : memref<256xi32, #tpu.memory_space<vmem>>) semaphore(%arg39 : memref<!tpu.dma_semaphore, #tpu.memory_space<semaphore_mem>>) {add = true}
    %dma_wait3A_108 = arith.constant 5 : i32
    %dma_wait3A_109 = arith.constant 0 : i32
    %dma_wait3A_110 = tpu.memref_slice %arg8[%dma_wait3A_108, %dma_wait3A_109] : memref<6x256xi32, #tpu.memory_space<vmem>> -> memref<1x256xi32, #tpu.memory_space<vmem>>
    %dma_wait3A_111 = tpu.memref_squeeze %dma_wait3A_110 : memref<1x256xi32, #tpu.memory_space<vmem>> -> memref<256xi32, #tpu.memory_space<vmem>>
    %dma_wait3A_112 = arith.constant 0 : i32
    %dma_wait3A_113 = arith.constant 0 : i32
    %dma_wait3A_114 = tpu.memref_slice %arg4[%dma_wait3A_112, %dma_wait3A_113] : memref<102400x16xf32, #tpu.memory_space<hbm>> -> memref<102400x16xf32, #tpu.memory_space<hbm>>
    tpu.wait_indirect_dma semaphore(%arg34 : memref<!tpu.dma_semaphore, #tpu.memory_space<semaphore_mem>>) src(%dma_wait3A_114 : memref<102400x16xf32, #tpu.memory_space<hbm>>) dst(%arg15 : memref<256x16xf32, #tpu.memory_space<vmem>>)
    %dma_wait3A_115 = arith.constant 0 : i32
    %dma_wait3A_116 = arith.constant 5 : i32
    %dma_wait3A_117 = arith.constant 0 : i32
    %dma_wait3A_118 = tpu.memref_slice %arg9[%dma_wait3A_116, %dma_wait3A_117] : memref<6x256xi32, #tpu.memory_space<vmem>> -> memref<1x256xi32, #tpu.memory_space<vmem>>
    %dma_wait3A_119 = tpu.memref_squeeze %dma_wait3A_118 : memref<1x256xi32, #tpu.memory_space<vmem>> -> memref<256xi32, #tpu.memory_space<vmem>>
    %dma_wait3A_120 = arith.constant 0 : i32
    %dma_wait3A_121 = tpu.memref_slice %arg3[%dma_wait3A_115, %dma_wait3A_120] : memref<12672x256xi32, #tpu.memory_space<hbm>> -> memref<1x256xi32, #tpu.memory_space<hbm>>
    %dma_wait3A_122 = tpu.memref_squeeze %dma_wait3A_121 : memref<1x256xi32, #tpu.memory_space<hbm>> -> memref<256xi32, #tpu.memory_space<hbm>>
    %dma_wait3A_123 = arith.constant 0 : i32
    %dma_wait3A_124 = tpu.memref_slice %arg9[%dma_wait3A_116, %dma_wait3A_123] : memref<6x256xi32, #tpu.memory_space<vmem>> -> memref<1x256xi32, #tpu.memory_space<vmem>>
    %dma_wait3A_125 = tpu.memref_squeeze %dma_wait3A_124 : memref<1x256xi32, #tpu.memory_space<vmem>> -> memref<256xi32, #tpu.memory_space<vmem>>
    %dma_wait3A_126 = arith.constant 0 : i32
    %dma_wait3A_127 = tpu.memref_slice %arg3[%dma_wait3A_115, %dma_wait3A_126] : memref<12672x256xi32, #tpu.memory_space<hbm>> -> memref<1x256xi32, #tpu.memory_space<hbm>>
    %dma_wait3A_128 = tpu.memref_squeeze %dma_wait3A_127 : memref<1x256xi32, #tpu.memory_space<hbm>> -> memref<256xi32, #tpu.memory_space<hbm>>
    tpu.wait_dma2 semaphore(%arg28 : memref<!tpu.dma_semaphore, #tpu.memory_space<semaphore_mem>>) src(%dma_wait3A_128 : memref<256xi32, #tpu.memory_space<hbm>>) dst(%dma_wait3A_125 : memref<256xi32, #tpu.memory_space<vmem>>)
    %dma_start3A_129 = arith.constant 5 : i32
    %dma_start3A_130 = arith.constant 0 : i32
    %dma_start3A_131 = tpu.memref_slice %arg9[%dma_start3A_129, %dma_start3A_130] : memref<6x256xi32, #tpu.memory_space<vmem>> -> memref<1x256xi32, #tpu.memory_space<vmem>>
    %dma_start3A_132 = tpu.memref_squeeze %dma_start3A_131 : memref<1x256xi32, #tpu.memory_space<vmem>> -> memref<256xi32, #tpu.memory_space<vmem>>
    %dma_start3A_133 = arith.constant 0 : i32
    %dma_start3A_134 = arith.constant 0 : i32
    %dma_start3A_135 = tpu.memref_slice %arg16[%dma_start3A_133, %dma_start3A_134] : memref<102400x16xf32, #tpu.memory_space<vmem_shared>> -> memref<102400x16xf32, #tpu.memory_space<vmem_shared>>
    tpu.enqueue_indirect_dma source(%arg15 : memref<256x16xf32, #tpu.memory_space<vmem>>) target(%dma_start3A_135 : memref<102400x16xf32, #tpu.memory_space<vmem_shared>>) offsets(%dma_start3A_132 : memref<256xi32, #tpu.memory_space<vmem>>) semaphore(%arg40 : memref<!tpu.dma_semaphore, #tpu.memory_space<semaphore_mem>>) {add = true}
    %dma_wait3A_136 = arith.constant 0 : i32
    %dma_wait3A_137 = arith.constant 0 : i32
    %dma_wait3A_138 = tpu.memref_slice %arg9[%dma_wait3A_136, %dma_wait3A_137] : memref<6x256xi32, #tpu.memory_space<vmem>> -> memref<1x256xi32, #tpu.memory_space<vmem>>
    %dma_wait3A_139 = tpu.memref_squeeze %dma_wait3A_138 : memref<1x256xi32, #tpu.memory_space<vmem>> -> memref<256xi32, #tpu.memory_space<vmem>>
    %dma_wait3A_140 = arith.constant 0 : i32
    %dma_wait3A_141 = arith.constant 0 : i32
    %dma_wait3A_142 = tpu.memref_slice %arg16[%dma_wait3A_140, %dma_wait3A_141] : memref<102400x16xf32, #tpu.memory_space<vmem_shared>> -> memref<102400x16xf32, #tpu.memory_space<vmem_shared>>
    tpu.wait_indirect_dma semaphore(%arg35 : memref<!tpu.dma_semaphore, #tpu.memory_space<semaphore_mem>>) src(%arg10 : memref<256x16xf32, #tpu.memory_space<vmem>>) dst(%dma_wait3A_142 : memref<102400x16xf32, #tpu.memory_space<vmem_shared>>)
    %dma_wait3A_143 = arith.constant 1 : i32
    %dma_wait3A_144 = arith.constant 0 : i32
    %dma_wait3A_145 = tpu.memref_slice %arg9[%dma_wait3A_143, %dma_wait3A_144] : memref<6x256xi32, #tpu.memory_space<vmem>> -> memref<1x256xi32, #tpu.memory_space<vmem>>
    %dma_wait3A_146 = tpu.memref_squeeze %dma_wait3A_145 : memref<1x256xi32, #tpu.memory_space<vmem>> -> memref<256xi32, #tpu.memory_space<vmem>>
    %dma_wait3A_147 = arith.constant 0 : i32
    %dma_wait3A_148 = arith.constant 0 : i32
    %dma_wait3A_149 = tpu.memref_slice %arg16[%dma_wait3A_147, %dma_wait3A_148] : memref<102400x16xf32, #tpu.memory_space<vmem_shared>> -> memref<102400x16xf32, #tpu.memory_space<vmem_shared>>
    tpu.wait_indirect_dma semaphore(%arg36 : memref<!tpu.dma_semaphore, #tpu.memory_space<semaphore_mem>>) src(%arg11 : memref<256x16xf32, #tpu.memory_space<vmem>>) dst(%dma_wait3A_149 : memref<102400x16xf32, #tpu.memory_space<vmem_shared>>)
    %dma_wait3A_150 = arith.constant 2 : i32
    %dma_wait3A_151 = arith.constant 0 : i32
    %dma_wait3A_152 = tpu.memref_slice %arg9[%dma_wait3A_150, %dma_wait3A_151] : memref<6x256xi32, #tpu.memory_space<vmem>> -> memref<1x256xi32, #tpu.memory_space<vmem>>
    %dma_wait3A_153 = tpu.memref_squeeze %dma_wait3A_152 : memref<1x256xi32, #tpu.memory_space<vmem>> -> memref<256xi32, #tpu.memory_space<vmem>>
    %dma_wait3A_154 = arith.constant 0 : i32
    %dma_wait3A_155 = arith.constant 0 : i32
    %dma_wait3A_156 = tpu.memref_slice %arg16[%dma_wait3A_154, %dma_wait3A_155] : memref<102400x16xf32, #tpu.memory_space<vmem_shared>> -> memref<102400x16xf32, #tpu.memory_space<vmem_shared>>
    tpu.wait_indirect_dma semaphore(%arg37 : memref<!tpu.dma_semaphore, #tpu.memory_space<semaphore_mem>>) src(%arg12 : memref<256x16xf32, #tpu.memory_space<vmem>>) dst(%dma_wait3A_156 : memref<102400x16xf32, #tpu.memory_space<vmem_shared>>)
    %dma_wait3A_157 = arith.constant 3 : i32
    %dma_wait3A_158 = arith.constant 0 : i32
    %dma_wait3A_159 = tpu.memref_slice %arg9[%dma_wait3A_157, %dma_wait3A_158] : memref<6x256xi32, #tpu.memory_space<vmem>> -> memref<1x256xi32, #tpu.memory_space<vmem>>
    %dma_wait3A_160 = tpu.memref_squeeze %dma_wait3A_159 : memref<1x256xi32, #tpu.memory_space<vmem>> -> memref<256xi32, #tpu.memory_space<vmem>>
    %dma_wait3A_161 = arith.constant 0 : i32
    %dma_wait3A_162 = arith.constant 0 : i32
    %dma_wait3A_163 = tpu.memref_slice %arg16[%dma_wait3A_161, %dma_wait3A_162] : memref<102400x16xf32, #tpu.memory_space<vmem_shared>> -> memref<102400x16xf32, #tpu.memory_space<vmem_shared>>
    tpu.wait_indirect_dma semaphore(%arg38 : memref<!tpu.dma_semaphore, #tpu.memory_space<semaphore_mem>>) src(%arg13 : memref<256x16xf32, #tpu.memory_space<vmem>>) dst(%dma_wait3A_163 : memref<102400x16xf32, #tpu.memory_space<vmem_shared>>)
    %dma_wait3A_164 = arith.constant 4 : i32
    %dma_wait3A_165 = arith.constant 0 : i32
    %dma_wait3A_166 = tpu.memref_slice %arg9[%dma_wait3A_164, %dma_wait3A_165] : memref<6x256xi32, #tpu.memory_space<vmem>> -> memref<1x256xi32, #tpu.memory_space<vmem>>
    %dma_wait3A_167 = tpu.memref_squeeze %dma_wait3A_166 : memref<1x256xi32, #tpu.memory_space<vmem>> -> memref<256xi32, #tpu.memory_space<vmem>>
    %dma_wait3A_168 = arith.constant 0 : i32
    %dma_wait3A_169 = arith.constant 0 : i32
    %dma_wait3A_170 = tpu.memref_slice %arg16[%dma_wait3A_168, %dma_wait3A_169] : memref<102400x16xf32, #tpu.memory_space<vmem_shared>> -> memref<102400x16xf32, #tpu.memory_space<vmem_shared>>
    tpu.wait_indirect_dma semaphore(%arg39 : memref<!tpu.dma_semaphore, #tpu.memory_space<semaphore_mem>>) src(%arg14 : memref<256x16xf32, #tpu.memory_space<vmem>>) dst(%dma_wait3A_170 : memref<102400x16xf32, #tpu.memory_space<vmem_shared>>)
    %dma_wait3A_171 = arith.constant 5 : i32
    %dma_wait3A_172 = arith.constant 0 : i32
    %dma_wait3A_173 = tpu.memref_slice %arg9[%dma_wait3A_171, %dma_wait3A_172] : memref<6x256xi32, #tpu.memory_space<vmem>> -> memref<1x256xi32, #tpu.memory_space<vmem>>
    %dma_wait3A_174 = tpu.memref_squeeze %dma_wait3A_173 : memref<1x256xi32, #tpu.memory_space<vmem>> -> memref<256xi32, #tpu.memory_space<vmem>>
    %dma_wait3A_175 = arith.constant 0 : i32
    %dma_wait3A_176 = arith.constant 0 : i32
    %dma_wait3A_177 = tpu.memref_slice %arg16[%dma_wait3A_175, %dma_wait3A_176] : memref<102400x16xf32, #tpu.memory_space<vmem_shared>> -> memref<102400x16xf32, #tpu.memory_space<vmem_shared>>
    tpu.wait_indirect_dma semaphore(%arg40 : memref<!tpu.dma_semaphore, #tpu.memory_space<semaphore_mem>>) src(%arg15 : memref<256x16xf32, #tpu.memory_space<vmem>>) dst(%dma_wait3A_177 : memref<102400x16xf32, #tpu.memory_space<vmem_shared>>)
    %barrier3A_178 = arith.constant 0 : index
    tpu.barrier barrier_id(%barrier3A_178)
    %eq3A = arith.constant 0 : i32
    %eq3A_179 = arith.cmpi eq, %arg0, %eq3A : i32
    %convert_element_type3A = arith.extui %eq3A_179 : i1 to i32
    %cond3A = arith.constant 0 : i32
    %cond3A_180 = arith.cmpi ne, %convert_element_type3A, %cond3A : i32
    scf.if %cond3A_180 {
      "tpu.region"() ({
        %run_scoped3A = tpu.sem_alloc : memref<!tpu.dma_semaphore, #tpu.memory_space<semaphore_mem>>
        %dma_start3A_186 = arith.constant 0 : i32
        %dma_start3A_187 = tpu.memref_slice %arg6[%mul3A_4, %dma_start3A_186] : memref<102400x16xf32, #tpu.memory_space<hbm>> -> memref<6400x16xf32, #tpu.memory_space<hbm>>
        %dma_start3A_188 = arith.constant 0 : i32
        %dma_start3A_189 = tpu.memref_slice %arg16[%mul3A_4, %dma_start3A_188] : memref<102400x16xf32, #tpu.memory_space<vmem_shared>> -> memref<6400x16xf32, #tpu.memory_space<vmem_shared>>
        tpu.enqueue_dma source(%dma_start3A_189 : memref<6400x16xf32, #tpu.memory_space<vmem_shared>>) target(%dma_start3A_187 : memref<6400x16xf32, #tpu.memory_space<hbm>>) target_semaphore(%run_scoped3A : memref<!tpu.dma_semaphore, #tpu.memory_space<semaphore_mem>>)
        %dma_wait3A_190 = arith.constant 0 : i32
        %dma_wait3A_191 = tpu.memref_slice %arg6[%mul3A_4, %dma_wait3A_190] : memref<102400x16xf32, #tpu.memory_space<hbm>> -> memref<6400x16xf32, #tpu.memory_space<hbm>>
        %dma_wait3A_192 = arith.constant 0 : i32
        %dma_wait3A_193 = tpu.memref_slice %arg16[%mul3A_4, %dma_wait3A_192] : memref<102400x16xf32, #tpu.memory_space<vmem_shared>> -> memref<6400x16xf32, #tpu.memory_space<vmem_shared>>
        tpu.wait_dma2 semaphore(%run_scoped3A : memref<!tpu.dma_semaphore, #tpu.memory_space<semaphore_mem>>) src(%dma_wait3A_193 : memref<6400x16xf32, #tpu.memory_space<vmem_shared>>) dst(%dma_wait3A_191 : memref<6400x16xf32, #tpu.memory_space<hbm>>)
        tpu.yield
      }) : () -> ()
    } else {
    }
    %eq3A_181 = arith.constant 1 : i32
    %eq3A_182 = arith.cmpi eq, %arg0, %eq3A_181 : i32
    %convert_element_type3A_183 = arith.extui %eq3A_182 : i1 to i32
    %cond3A_184 = arith.constant 0 : i32
    %cond3A_185 = arith.cmpi ne, %convert_element_type3A_183, %cond3A_184 : i32
    scf.if %cond3A_185 {
      "tpu.region"() ({
        %run_scoped3A = tpu.sem_alloc : memref<!tpu.dma_semaphore, #tpu.memory_space<semaphore_mem>>
        %dma_start3A_186 = arith.constant 0 : i32
        %dma_start3A_187 = tpu.memref_slice %arg7[%mul3A_4, %dma_start3A_186] : memref<102400x16xf32, #tpu.memory_space<hbm>> -> memref<6400x16xf32, #tpu.memory_space<hbm>>
        %dma_start3A_188 = arith.constant 0 : i32
        %dma_start3A_189 = tpu.memref_slice %arg16[%mul3A_4, %dma_start3A_188] : memref<102400x16xf32, #tpu.memory_space<vmem_shared>> -> memref<6400x16xf32, #tpu.memory_space<vmem_shared>>
        tpu.enqueue_dma source(%dma_start3A_189 : memref<6400x16xf32, #tpu.memory_space<vmem_shared>>) target(%dma_start3A_187 : memref<6400x16xf32, #tpu.memory_space<hbm>>) target_semaphore(%run_scoped3A : memref<!tpu.dma_semaphore, #tpu.memory_space<semaphore_mem>>)
        %dma_wait3A_190 = arith.constant 0 : i32
        %dma_wait3A_191 = tpu.memref_slice %arg7[%mul3A_4, %dma_wait3A_190] : memref<102400x16xf32, #tpu.memory_space<hbm>> -> memref<6400x16xf32, #tpu.memory_space<hbm>>
        %dma_wait3A_192 = arith.constant 0 : i32
        %dma_wait3A_193 = tpu.memref_slice %arg16[%mul3A_4, %dma_wait3A_192] : memref<102400x16xf32, #tpu.memory_space<vmem_shared>> -> memref<6400x16xf32, #tpu.memory_space<vmem_shared>>
        tpu.wait_dma2 semaphore(%run_scoped3A : memref<!tpu.dma_semaphore, #tpu.memory_space<semaphore_mem>>) src(%dma_wait3A_193 : memref<6400x16xf32, #tpu.memory_space<vmem_shared>>) dst(%dma_wait3A_191 : memref<6400x16xf32, #tpu.memory_space<hbm>>)
        tpu.yield
      }) : () -> ()
    } else {
    }
    return
  }
}

#map = affine_map<(d0, d1) -> (0, 0)>
#map1 = affine_map<(d0, d1) -> (0)>
module attributes {stable_mosaic.version = 14 : i64} {
  func.func @_deg_body(%arg0: i32, %arg1: i32, %arg2: memref<1584x2048xi32, #tpu.memory_space<hbm>>, %arg3: memref<6400xf32, #tpu.memory_space<hbm>>, %arg4: memref<12800x128xf32, #tpu.memory_space<hbm>>, %arg5: memref<3x2048xi32, #tpu.memory_space<vmem>>, %arg6: memref<2048xf32, #tpu.memory_space<vmem>>, %arg7: memref<3200xf32, #tpu.memory_space<vmem>>, %arg8: memref<400x128xf32, #tpu.memory_space<vmem>>, %arg9: memref<102400xf32, #tpu.memory_space<vmem_shared>>, %arg10: memref<!tpu.dma_semaphore, #tpu.memory_space<semaphore_mem>>, %arg11: memref<!tpu.dma_semaphore, #tpu.memory_space<semaphore_mem>>, %arg12: memref<!tpu.dma_semaphore, #tpu.memory_space<semaphore_mem>>, %arg13: memref<!tpu.dma_semaphore, #tpu.memory_space<semaphore_mem>>, %arg14: memref<!tpu.dma_semaphore, #tpu.memory_space<semaphore_mem>>, %arg15: memref<!tpu.dma_semaphore, #tpu.memory_space<semaphore_mem>>) attributes {dimension_semantics = [#tpu.dimension_semantics<core_parallel>, #tpu.dimension_semantics<subcore_parallel>], iteration_bounds = array<i64: 2, 16>, scalar_prefetch = 0 : i64, scratch_operands = 11 : i64, tpu.core_type = #tpu.core_type<sc_vector_subcore>, window_params = [{transform_indices = #map}, {transform_indices = #map1}, {transform_indices = #map}]} {
    %broadcast_in_dim3A = arith.constant 1.000000e+00 : f32
    %broadcast_in_dim3A_0 = vector.broadcast %broadcast_in_dim3A : f32 to vector<16xf32>
    %swap3A = arith.constant 0 : index
    %swap3A_1 = tpu.vector_load %arg6[%swap3A] {strides = array<i32>} : memref<2048xf32, #tpu.memory_space<vmem>>, vector<16xf32>,
    %swap3A_2 = vector.shape_cast %swap3A_1 : vector<16xf32> to vector<16xf32>
    %swap3A_3 = vector.shape_cast %broadcast_in_dim3A_0 : vector<16xf32> to vector<16xf32>
    tpu.vector_store %arg6[%swap3A], %swap3A_3 {strides = array<i32>} : memref<2048xf32, #tpu.memory_space<vmem>>, vector<16xf32>,
    %broadcast_in_dim3A_4 = arith.constant 1.000000e+00 : f32
    %broadcast_in_dim3A_5 = vector.broadcast %broadcast_in_dim3A_4 : f32 to vector<16xf32>
    %swap3A_6 = arith.constant 16 : index
    %swap3A_7 = tpu.vector_load %arg6[%swap3A_6] {strides = array<i32>} : memref<2048xf32, #tpu.memory_space<vmem>>, vector<16xf32>,
    %swap3A_8 = vector.shape_cast %swap3A_7 : vector<16xf32> to vector<16xf32>
    %swap3A_9 = vector.shape_cast %broadcast_in_dim3A_5 : vector<16xf32> to vector<16xf32>
    tpu.vector_store %arg6[%swap3A_6], %swap3A_9 {strides = array<i32>} : memref<2048xf32, #tpu.memory_space<vmem>>, vector<16xf32>,
    %broadcast_in_dim3A_10 = arith.constant 1.000000e+00 : f32
    %broadcast_in_dim3A_11 = vector.broadcast %broadcast_in_dim3A_10 : f32 to vector<16xf32>
    %swap3A_12 = arith.constant 32 : index
    %swap3A_13 = tpu.vector_load %arg6[%swap3A_12] {strides = array<i32>} : memref<2048xf32, #tpu.memory_space<vmem>>, vector<16xf32>,
    %swap3A_14 = vector.shape_cast %swap3A_13 : vector<16xf32> to vector<16xf32>
    %swap3A_15 = vector.shape_cast %broadcast_in_dim3A_11 : vector<16xf32> to vector<16xf32>
    tpu.vector_store %arg6[%swap3A_12], %swap3A_15 {strides = array<i32>} : memref<2048xf32, #tpu.memory_space<vmem>>, vector<16xf32>,
    %broadcast_in_dim3A_16 = arith.constant 1.000000e+00 : f32
    %broadcast_in_dim3A_17 = vector.broadcast %broadcast_in_dim3A_16 : f32 to vector<16xf32>
    %swap3A_18 = arith.constant 48 : index
    %swap3A_19 = tpu.vector_load %arg6[%swap3A_18] {strides = array<i32>} : memref<2048xf32, #tpu.memory_space<vmem>>, vector<16xf32>,
    %swap3A_20 = vector.shape_cast %swap3A_19 : vector<16xf32> to vector<16xf32>
    %swap3A_21 = vector.shape_cast %broadcast_in_dim3A_17 : vector<16xf32> to vector<16xf32>
    tpu.vector_store %arg6[%swap3A_18], %swap3A_21 {strides = array<i32>} : memref<2048xf32, #tpu.memory_space<vmem>>, vector<16xf32>,
    %broadcast_in_dim3A_22 = arith.constant 1.000000e+00 : f32
    %broadcast_in_dim3A_23 = vector.broadcast %broadcast_in_dim3A_22 : f32 to vector<16xf32>
    %swap3A_24 = arith.constant 64 : index
    %swap3A_25 = tpu.vector_load %arg6[%swap3A_24] {strides = array<i32>} : memref<2048xf32, #tpu.memory_space<vmem>>, vector<16xf32>,
    %swap3A_26 = vector.shape_cast %swap3A_25 : vector<16xf32> to vector<16xf32>
    %swap3A_27 = vector.shape_cast %broadcast_in_dim3A_23 : vector<16xf32> to vector<16xf32>
    tpu.vector_store %arg6[%swap3A_24], %swap3A_27 {strides = array<i32>} : memref<2048xf32, #tpu.memory_space<vmem>>, vector<16xf32>,
    %broadcast_in_dim3A_28 = arith.constant 1.000000e+00 : f32
    %broadcast_in_dim3A_29 = vector.broadcast %broadcast_in_dim3A_28 : f32 to vector<16xf32>
    %swap3A_30 = arith.constant 80 : index
    %swap3A_31 = tpu.vector_load %arg6[%swap3A_30] {strides = array<i32>} : memref<2048xf32, #tpu.memory_space<vmem>>, vector<16xf32>,
    %swap3A_32 = vector.shape_cast %swap3A_31 : vector<16xf32> to vector<16xf32>
    %swap3A_33 = vector.shape_cast %broadcast_in_dim3A_29 : vector<16xf32> to vector<16xf32>
    tpu.vector_store %arg6[%swap3A_30], %swap3A_33 {strides = array<i32>} : memref<2048xf32, #tpu.memory_space<vmem>>, vector<16xf32>,
    %broadcast_in_dim3A_34 = arith.constant 1.000000e+00 : f32
    %broadcast_in_dim3A_35 = vector.broadcast %broadcast_in_dim3A_34 : f32 to vector<16xf32>
    %swap3A_36 = arith.constant 96 : index
    %swap3A_37 = tpu.vector_load %arg6[%swap3A_36] {strides = array<i32>} : memref<2048xf32, #tpu.memory_space<vmem>>, vector<16xf32>,
    %swap3A_38 = vector.shape_cast %swap3A_37 : vector<16xf32> to vector<16xf32>
    %swap3A_39 = vector.shape_cast %broadcast_in_dim3A_35 : vector<16xf32> to vector<16xf32>
    tpu.vector_store %arg6[%swap3A_36], %swap3A_39 {strides = array<i32>} : memref<2048xf32, #tpu.memory_space<vmem>>, vector<16xf32>,
    %broadcast_in_dim3A_40 = arith.constant 1.000000e+00 : f32
    %broadcast_in_dim3A_41 = vector.broadcast %broadcast_in_dim3A_40 : f32 to vector<16xf32>
    %swap3A_42 = arith.constant 112 : index
    %swap3A_43 = tpu.vector_load %arg6[%swap3A_42] {strides = array<i32>} : memref<2048xf32, #tpu.memory_space<vmem>>, vector<16xf32>,
    %swap3A_44 = vector.shape_cast %swap3A_43 : vector<16xf32> to vector<16xf32>
    %swap3A_45 = vector.shape_cast %broadcast_in_dim3A_41 : vector<16xf32> to vector<16xf32>
    tpu.vector_store %arg6[%swap3A_42], %swap3A_45 {strides = array<i32>} : memref<2048xf32, #tpu.memory_space<vmem>>, vector<16xf32>,
    %broadcast_in_dim3A_46 = arith.constant 1.000000e+00 : f32
    %broadcast_in_dim3A_47 = vector.broadcast %broadcast_in_dim3A_46 : f32 to vector<16xf32>
    %swap3A_48 = arith.constant 128 : index
    %swap3A_49 = tpu.vector_load %arg6[%swap3A_48] {strides = array<i32>} : memref<2048xf32, #tpu.memory_space<vmem>>, vector<16xf32>,
    %swap3A_50 = vector.shape_cast %swap3A_49 : vector<16xf32> to vector<16xf32>
    %swap3A_51 = vector.shape_cast %broadcast_in_dim3A_47 : vector<16xf32> to vector<16xf32>
    tpu.vector_store %arg6[%swap3A_48], %swap3A_51 {strides = array<i32>} : memref<2048xf32, #tpu.memory_space<vmem>>, vector<16xf32>,
    %broadcast_in_dim3A_52 = arith.constant 1.000000e+00 : f32
    %broadcast_in_dim3A_53 = vector.broadcast %broadcast_in_dim3A_52 : f32 to vector<16xf32>
    %swap3A_54 = arith.constant 144 : index
    %swap3A_55 = tpu.vector_load %arg6[%swap3A_54] {strides = array<i32>} : memref<2048xf32, #tpu.memory_space<vmem>>, vector<16xf32>,
    %swap3A_56 = vector.shape_cast %swap3A_55 : vector<16xf32> to vector<16xf32>
    %swap3A_57 = vector.shape_cast %broadcast_in_dim3A_53 : vector<16xf32> to vector<16xf32>
    tpu.vector_store %arg6[%swap3A_54], %swap3A_57 {strides = array<i32>} : memref<2048xf32, #tpu.memory_space<vmem>>, vector<16xf32>,
    %broadcast_in_dim3A_58 = arith.constant 1.000000e+00 : f32
    %broadcast_in_dim3A_59 = vector.broadcast %broadcast_in_dim3A_58 : f32 to vector<16xf32>
    %swap3A_60 = arith.constant 160 : index
    %swap3A_61 = tpu.vector_load %arg6[%swap3A_60] {strides = array<i32>} : memref<2048xf32, #tpu.memory_space<vmem>>, vector<16xf32>,
    %swap3A_62 = vector.shape_cast %swap3A_61 : vector<16xf32> to vector<16xf32>
    %swap3A_63 = vector.shape_cast %broadcast_in_dim3A_59 : vector<16xf32> to vector<16xf32>
    tpu.vector_store %arg6[%swap3A_60], %swap3A_63 {strides = array<i32>} : memref<2048xf32, #tpu.memory_space<vmem>>, vector<16xf32>,
    %broadcast_in_dim3A_64 = arith.constant 1.000000e+00 : f32
    %broadcast_in_dim3A_65 = vector.broadcast %broadcast_in_dim3A_64 : f32 to vector<16xf32>
    %swap3A_66 = arith.constant 176 : index
    %swap3A_67 = tpu.vector_load %arg6[%swap3A_66] {strides = array<i32>} : memref<2048xf32, #tpu.memory_space<vmem>>, vector<16xf32>,
    %swap3A_68 = vector.shape_cast %swap3A_67 : vector<16xf32> to vector<16xf32>
    %swap3A_69 = vector.shape_cast %broadcast_in_dim3A_65 : vector<16xf32> to vector<16xf32>
    tpu.vector_store %arg6[%swap3A_66], %swap3A_69 {strides = array<i32>} : memref<2048xf32, #tpu.memory_space<vmem>>, vector<16xf32>,
    %broadcast_in_dim3A_70 = arith.constant 1.000000e+00 : f32
    %broadcast_in_dim3A_71 = vector.broadcast %broadcast_in_dim3A_70 : f32 to vector<16xf32>
    %swap3A_72 = arith.constant 192 : index
    %swap3A_73 = tpu.vector_load %arg6[%swap3A_72] {strides = array<i32>} : memref<2048xf32, #tpu.memory_space<vmem>>, vector<16xf32>,
    %swap3A_74 = vector.shape_cast %swap3A_73 : vector<16xf32> to vector<16xf32>
    %swap3A_75 = vector.shape_cast %broadcast_in_dim3A_71 : vector<16xf32> to vector<16xf32>
    tpu.vector_store %arg6[%swap3A_72], %swap3A_75 {strides = array<i32>} : memref<2048xf32, #tpu.memory_space<vmem>>, vector<16xf32>,
    %broadcast_in_dim3A_76 = arith.constant 1.000000e+00 : f32
    %broadcast_in_dim3A_77 = vector.broadcast %broadcast_in_dim3A_76 : f32 to vector<16xf32>
    %swap3A_78 = arith.constant 208 : index
    %swap3A_79 = tpu.vector_load %arg6[%swap3A_78] {strides = array<i32>} : memref<2048xf32, #tpu.memory_space<vmem>>, vector<16xf32>,
    %swap3A_80 = vector.shape_cast %swap3A_79 : vector<16xf32> to vector<16xf32>
    %swap3A_81 = vector.shape_cast %broadcast_in_dim3A_77 : vector<16xf32> to vector<16xf32>
    tpu.vector_store %arg6[%swap3A_78], %swap3A_81 {strides = array<i32>} : memref<2048xf32, #tpu.memory_space<vmem>>, vector<16xf32>,
    %broadcast_in_dim3A_82 = arith.constant 1.000000e+00 : f32
    %broadcast_in_dim3A_83 = vector.broadcast %broadcast_in_dim3A_82 : f32 to vector<16xf32>
    %swap3A_84 = arith.constant 224 : index
    %swap3A_85 = tpu.vector_load %arg6[%swap3A_84] {strides = array<i32>} : memref<2048xf32, #tpu.memory_space<vmem>>, vector<16xf32>,
    %swap3A_86 = vector.shape_cast %swap3A_85 : vector<16xf32> to vector<16xf32>
    %swap3A_87 = vector.shape_cast %broadcast_in_dim3A_83 : vector<16xf32> to vector<16xf32>
    tpu.vector_store %arg6[%swap3A_84], %swap3A_87 {strides = array<i32>} : memref<2048xf32, #tpu.memory_space<vmem>>, vector<16xf32>,
    %broadcast_in_dim3A_88 = arith.constant 1.000000e+00 : f32
    %broadcast_in_dim3A_89 = vector.broadcast %broadcast_in_dim3A_88 : f32 to vector<16xf32>
    %swap3A_90 = arith.constant 240 : index
    %swap3A_91 = tpu.vector_load %arg6[%swap3A_90] {strides = array<i32>} : memref<2048xf32, #tpu.memory_space<vmem>>, vector<16xf32>,
    %swap3A_92 = vector.shape_cast %swap3A_91 : vector<16xf32> to vector<16xf32>
    %swap3A_93 = vector.shape_cast %broadcast_in_dim3A_89 : vector<16xf32> to vector<16xf32>
    tpu.vector_store %arg6[%swap3A_90], %swap3A_93 {strides = array<i32>} : memref<2048xf32, #tpu.memory_space<vmem>>, vector<16xf32>,
    %broadcast_in_dim3A_94 = arith.constant 1.000000e+00 : f32
    %broadcast_in_dim3A_95 = vector.broadcast %broadcast_in_dim3A_94 : f32 to vector<16xf32>
    %swap3A_96 = arith.constant 256 : index
    %swap3A_97 = tpu.vector_load %arg6[%swap3A_96] {strides = array<i32>} : memref<2048xf32, #tpu.memory_space<vmem>>, vector<16xf32>,
    %swap3A_98 = vector.shape_cast %swap3A_97 : vector<16xf32> to vector<16xf32>
    %swap3A_99 = vector.shape_cast %broadcast_in_dim3A_95 : vector<16xf32> to vector<16xf32>
    tpu.vector_store %arg6[%swap3A_96], %swap3A_99 {strides = array<i32>} : memref<2048xf32, #tpu.memory_space<vmem>>, vector<16xf32>,
    %broadcast_in_dim3A_100 = arith.constant 1.000000e+00 : f32
    %broadcast_in_dim3A_101 = vector.broadcast %broadcast_in_dim3A_100 : f32 to vector<16xf32>
    %swap3A_102 = arith.constant 272 : index
    %swap3A_103 = tpu.vector_load %arg6[%swap3A_102] {strides = array<i32>} : memref<2048xf32, #tpu.memory_space<vmem>>, vector<16xf32>,
    %swap3A_104 = vector.shape_cast %swap3A_103 : vector<16xf32> to vector<16xf32>
    %swap3A_105 = vector.shape_cast %broadcast_in_dim3A_101 : vector<16xf32> to vector<16xf32>
    tpu.vector_store %arg6[%swap3A_102], %swap3A_105 {strides = array<i32>} : memref<2048xf32, #tpu.memory_space<vmem>>, vector<16xf32>,
    %broadcast_in_dim3A_106 = arith.constant 1.000000e+00 : f32
    %broadcast_in_dim3A_107 = vector.broadcast %broadcast_in_dim3A_106 : f32 to vector<16xf32>
    %swap3A_108 = arith.constant 288 : index
    %swap3A_109 = tpu.vector_load %arg6[%swap3A_108] {strides = array<i32>} : memref<2048xf32, #tpu.memory_space<vmem>>, vector<16xf32>,
    %swap3A_110 = vector.shape_cast %swap3A_109 : vector<16xf32> to vector<16xf32>
    %swap3A_111 = vector.shape_cast %broadcast_in_dim3A_107 : vector<16xf32> to vector<16xf32>
    tpu.vector_store %arg6[%swap3A_108], %swap3A_111 {strides = array<i32>} : memref<2048xf32, #tpu.memory_space<vmem>>, vector<16xf32>,
    %broadcast_in_dim3A_112 = arith.constant 1.000000e+00 : f32
    %broadcast_in_dim3A_113 = vector.broadcast %broadcast_in_dim3A_112 : f32 to vector<16xf32>
    %swap3A_114 = arith.constant 304 : index
    %swap3A_115 = tpu.vector_load %arg6[%swap3A_114] {strides = array<i32>} : memref<2048xf32, #tpu.memory_space<vmem>>, vector<16xf32>,
    %swap3A_116 = vector.shape_cast %swap3A_115 : vector<16xf32> to vector<16xf32>
    %swap3A_117 = vector.shape_cast %broadcast_in_dim3A_113 : vector<16xf32> to vector<16xf32>
    tpu.vector_store %arg6[%swap3A_114], %swap3A_117 {strides = array<i32>} : memref<2048xf32, #tpu.memory_space<vmem>>, vector<16xf32>,
    %broadcast_in_dim3A_118 = arith.constant 1.000000e+00 : f32
    %broadcast_in_dim3A_119 = vector.broadcast %broadcast_in_dim3A_118 : f32 to vector<16xf32>
    %swap3A_120 = arith.constant 320 : index
    %swap3A_121 = tpu.vector_load %arg6[%swap3A_120] {strides = array<i32>} : memref<2048xf32, #tpu.memory_space<vmem>>, vector<16xf32>,
    %swap3A_122 = vector.shape_cast %swap3A_121 : vector<16xf32> to vector<16xf32>
    %swap3A_123 = vector.shape_cast %broadcast_in_dim3A_119 : vector<16xf32> to vector<16xf32>
    tpu.vector_store %arg6[%swap3A_120], %swap3A_123 {strides = array<i32>} : memref<2048xf32, #tpu.memory_space<vmem>>, vector<16xf32>,
    %broadcast_in_dim3A_124 = arith.constant 1.000000e+00 : f32
    %broadcast_in_dim3A_125 = vector.broadcast %broadcast_in_dim3A_124 : f32 to vector<16xf32>
    %swap3A_126 = arith.constant 336 : index
    %swap3A_127 = tpu.vector_load %arg6[%swap3A_126] {strides = array<i32>} : memref<2048xf32, #tpu.memory_space<vmem>>, vector<16xf32>,
    %swap3A_128 = vector.shape_cast %swap3A_127 : vector<16xf32> to vector<16xf32>
    %swap3A_129 = vector.shape_cast %broadcast_in_dim3A_125 : vector<16xf32> to vector<16xf32>
    tpu.vector_store %arg6[%swap3A_126], %swap3A_129 {strides = array<i32>} : memref<2048xf32, #tpu.memory_space<vmem>>, vector<16xf32>,
    %broadcast_in_dim3A_130 = arith.constant 1.000000e+00 : f32
    %broadcast_in_dim3A_131 = vector.broadcast %broadcast_in_dim3A_130 : f32 to vector<16xf32>
    %swap3A_132 = arith.constant 352 : index
    %swap3A_133 = tpu.vector_load %arg6[%swap3A_132] {strides = array<i32>} : memref<2048xf32, #tpu.memory_space<vmem>>, vector<16xf32>,
    %swap3A_134 = vector.shape_cast %swap3A_133 : vector<16xf32> to vector<16xf32>
    %swap3A_135 = vector.shape_cast %broadcast_in_dim3A_131 : vector<16xf32> to vector<16xf32>
    tpu.vector_store %arg6[%swap3A_132], %swap3A_135 {strides = array<i32>} : memref<2048xf32, #tpu.memory_space<vmem>>, vector<16xf32>,
    %broadcast_in_dim3A_136 = arith.constant 1.000000e+00 : f32
    %broadcast_in_dim3A_137 = vector.broadcast %broadcast_in_dim3A_136 : f32 to vector<16xf32>
    %swap3A_138 = arith.constant 368 : index
    %swap3A_139 = tpu.vector_load %arg6[%swap3A_138] {strides = array<i32>} : memref<2048xf32, #tpu.memory_space<vmem>>, vector<16xf32>,
    %swap3A_140 = vector.shape_cast %swap3A_139 : vector<16xf32> to vector<16xf32>
    %swap3A_141 = vector.shape_cast %broadcast_in_dim3A_137 : vector<16xf32> to vector<16xf32>
    tpu.vector_store %arg6[%swap3A_138], %swap3A_141 {strides = array<i32>} : memref<2048xf32, #tpu.memory_space<vmem>>, vector<16xf32>,
    %broadcast_in_dim3A_142 = arith.constant 1.000000e+00 : f32
    %broadcast_in_dim3A_143 = vector.broadcast %broadcast_in_dim3A_142 : f32 to vector<16xf32>
    %swap3A_144 = arith.constant 384 : index
    %swap3A_145 = tpu.vector_load %arg6[%swap3A_144] {strides = array<i32>} : memref<2048xf32, #tpu.memory_space<vmem>>, vector<16xf32>,
    %swap3A_146 = vector.shape_cast %swap3A_145 : vector<16xf32> to vector<16xf32>
    %swap3A_147 = vector.shape_cast %broadcast_in_dim3A_143 : vector<16xf32> to vector<16xf32>
    tpu.vector_store %arg6[%swap3A_144], %swap3A_147 {strides = array<i32>} : memref<2048xf32, #tpu.memory_space<vmem>>, vector<16xf32>,
    %broadcast_in_dim3A_148 = arith.constant 1.000000e+00 : f32
    %broadcast_in_dim3A_149 = vector.broadcast %broadcast_in_dim3A_148 : f32 to vector<16xf32>
    %swap3A_150 = arith.constant 400 : index
    %swap3A_151 = tpu.vector_load %arg6[%swap3A_150] {strides = array<i32>} : memref<2048xf32, #tpu.memory_space<vmem>>, vector<16xf32>,
    %swap3A_152 = vector.shape_cast %swap3A_151 : vector<16xf32> to vector<16xf32>
    %swap3A_153 = vector.shape_cast %broadcast_in_dim3A_149 : vector<16xf32> to vector<16xf32>
    tpu.vector_store %arg6[%swap3A_150], %swap3A_153 {strides = array<i32>} : memref<2048xf32, #tpu.memory_space<vmem>>, vector<16xf32>,
    %broadcast_in_dim3A_154 = arith.constant 1.000000e+00 : f32
    %broadcast_in_dim3A_155 = vector.broadcast %broadcast_in_dim3A_154 : f32 to vector<16xf32>
    %swap3A_156 = arith.constant 416 : index
    %swap3A_157 = tpu.vector_load %arg6[%swap3A_156] {strides = array<i32>} : memref<2048xf32, #tpu.memory_space<vmem>>, vector<16xf32>,
    %swap3A_158 = vector.shape_cast %swap3A_157 : vector<16xf32> to vector<16xf32>
    %swap3A_159 = vector.shape_cast %broadcast_in_dim3A_155 : vector<16xf32> to vector<16xf32>
    tpu.vector_store %arg6[%swap3A_156], %swap3A_159 {strides = array<i32>} : memref<2048xf32, #tpu.memory_space<vmem>>, vector<16xf32>,
    %broadcast_in_dim3A_160 = arith.constant 1.000000e+00 : f32
    %broadcast_in_dim3A_161 = vector.broadcast %broadcast_in_dim3A_160 : f32 to vector<16xf32>
    %swap3A_162 = arith.constant 432 : index
    %swap3A_163 = tpu.vector_load %arg6[%swap3A_162] {strides = array<i32>} : memref<2048xf32, #tpu.memory_space<vmem>>, vector<16xf32>,
    %swap3A_164 = vector.shape_cast %swap3A_163 : vector<16xf32> to vector<16xf32>
    %swap3A_165 = vector.shape_cast %broadcast_in_dim3A_161 : vector<16xf32> to vector<16xf32>
    tpu.vector_store %arg6[%swap3A_162], %swap3A_165 {strides = array<i32>} : memref<2048xf32, #tpu.memory_space<vmem>>, vector<16xf32>,
    %broadcast_in_dim3A_166 = arith.constant 1.000000e+00 : f32
    %broadcast_in_dim3A_167 = vector.broadcast %broadcast_in_dim3A_166 : f32 to vector<16xf32>
    %swap3A_168 = arith.constant 448 : index
    %swap3A_169 = tpu.vector_load %arg6[%swap3A_168] {strides = array<i32>} : memref<2048xf32, #tpu.memory_space<vmem>>, vector<16xf32>,
    %swap3A_170 = vector.shape_cast %swap3A_169 : vector<16xf32> to vector<16xf32>
    %swap3A_171 = vector.shape_cast %broadcast_in_dim3A_167 : vector<16xf32> to vector<16xf32>
    tpu.vector_store %arg6[%swap3A_168], %swap3A_171 {strides = array<i32>} : memref<2048xf32, #tpu.memory_space<vmem>>, vector<16xf32>,
    %broadcast_in_dim3A_172 = arith.constant 1.000000e+00 : f32
    %broadcast_in_dim3A_173 = vector.broadcast %broadcast_in_dim3A_172 : f32 to vector<16xf32>
    %swap3A_174 = arith.constant 464 : index
    %swap3A_175 = tpu.vector_load %arg6[%swap3A_174] {strides = array<i32>} : memref<2048xf32, #tpu.memory_space<vmem>>, vector<16xf32>,
    %swap3A_176 = vector.shape_cast %swap3A_175 : vector<16xf32> to vector<16xf32>
    %swap3A_177 = vector.shape_cast %broadcast_in_dim3A_173 : vector<16xf32> to vector<16xf32>
    tpu.vector_store %arg6[%swap3A_174], %swap3A_177 {strides = array<i32>} : memref<2048xf32, #tpu.memory_space<vmem>>, vector<16xf32>,
    %broadcast_in_dim3A_178 = arith.constant 1.000000e+00 : f32
    %broadcast_in_dim3A_179 = vector.broadcast %broadcast_in_dim3A_178 : f32 to vector<16xf32>
    %swap3A_180 = arith.constant 480 : index
    %swap3A_181 = tpu.vector_load %arg6[%swap3A_180] {strides = array<i32>} : memref<2048xf32, #tpu.memory_space<vmem>>, vector<16xf32>,
    %swap3A_182 = vector.shape_cast %swap3A_181 : vector<16xf32> to vector<16xf32>
    %swap3A_183 = vector.shape_cast %broadcast_in_dim3A_179 : vector<16xf32> to vector<16xf32>
    tpu.vector_store %arg6[%swap3A_180], %swap3A_183 {strides = array<i32>} : memref<2048xf32, #tpu.memory_space<vmem>>, vector<16xf32>,
    %broadcast_in_dim3A_184 = arith.constant 1.000000e+00 : f32
    %broadcast_in_dim3A_185 = vector.broadcast %broadcast_in_dim3A_184 : f32 to vector<16xf32>
    %swap3A_186 = arith.constant 496 : index
    %swap3A_187 = tpu.vector_load %arg6[%swap3A_186] {strides = array<i32>} : memref<2048xf32, #tpu.memory_space<vmem>>, vector<16xf32>,
    %swap3A_188 = vector.shape_cast %swap3A_187 : vector<16xf32> to vector<16xf32>
    %swap3A_189 = vector.shape_cast %broadcast_in_dim3A_185 : vector<16xf32> to vector<16xf32>
    tpu.vector_store %arg6[%swap3A_186], %swap3A_189 {strides = array<i32>} : memref<2048xf32, #tpu.memory_space<vmem>>, vector<16xf32>,
    %broadcast_in_dim3A_190 = arith.constant 1.000000e+00 : f32
    %broadcast_in_dim3A_191 = vector.broadcast %broadcast_in_dim3A_190 : f32 to vector<16xf32>
    %swap3A_192 = arith.constant 512 : index
    %swap3A_193 = tpu.vector_load %arg6[%swap3A_192] {strides = array<i32>} : memref<2048xf32, #tpu.memory_space<vmem>>, vector<16xf32>,
    %swap3A_194 = vector.shape_cast %swap3A_193 : vector<16xf32> to vector<16xf32>
    %swap3A_195 = vector.shape_cast %broadcast_in_dim3A_191 : vector<16xf32> to vector<16xf32>
    tpu.vector_store %arg6[%swap3A_192], %swap3A_195 {strides = array<i32>} : memref<2048xf32, #tpu.memory_space<vmem>>, vector<16xf32>,
    %broadcast_in_dim3A_196 = arith.constant 1.000000e+00 : f32
    %broadcast_in_dim3A_197 = vector.broadcast %broadcast_in_dim3A_196 : f32 to vector<16xf32>
    %swap3A_198 = arith.constant 528 : index
    %swap3A_199 = tpu.vector_load %arg6[%swap3A_198] {strides = array<i32>} : memref<2048xf32, #tpu.memory_space<vmem>>, vector<16xf32>,
    %swap3A_200 = vector.shape_cast %swap3A_199 : vector<16xf32> to vector<16xf32>
    %swap3A_201 = vector.shape_cast %broadcast_in_dim3A_197 : vector<16xf32> to vector<16xf32>
    tpu.vector_store %arg6[%swap3A_198], %swap3A_201 {strides = array<i32>} : memref<2048xf32, #tpu.memory_space<vmem>>, vector<16xf32>,
    %broadcast_in_dim3A_202 = arith.constant 1.000000e+00 : f32
    %broadcast_in_dim3A_203 = vector.broadcast %broadcast_in_dim3A_202 : f32 to vector<16xf32>
    %swap3A_204 = arith.constant 544 : index
    %swap3A_205 = tpu.vector_load %arg6[%swap3A_204] {strides = array<i32>} : memref<2048xf32, #tpu.memory_space<vmem>>, vector<16xf32>,
    %swap3A_206 = vector.shape_cast %swap3A_205 : vector<16xf32> to vector<16xf32>
    %swap3A_207 = vector.shape_cast %broadcast_in_dim3A_203 : vector<16xf32> to vector<16xf32>
    tpu.vector_store %arg6[%swap3A_204], %swap3A_207 {strides = array<i32>} : memref<2048xf32, #tpu.memory_space<vmem>>, vector<16xf32>,
    %broadcast_in_dim3A_208 = arith.constant 1.000000e+00 : f32
    %broadcast_in_dim3A_209 = vector.broadcast %broadcast_in_dim3A_208 : f32 to vector<16xf32>
    %swap3A_210 = arith.constant 560 : index
    %swap3A_211 = tpu.vector_load %arg6[%swap3A_210] {strides = array<i32>} : memref<2048xf32, #tpu.memory_space<vmem>>, vector<16xf32>,
    %swap3A_212 = vector.shape_cast %swap3A_211 : vector<16xf32> to vector<16xf32>
    %swap3A_213 = vector.shape_cast %broadcast_in_dim3A_209 : vector<16xf32> to vector<16xf32>
    tpu.vector_store %arg6[%swap3A_210], %swap3A_213 {strides = array<i32>} : memref<2048xf32, #tpu.memory_space<vmem>>, vector<16xf32>,
    %broadcast_in_dim3A_214 = arith.constant 1.000000e+00 : f32
    %broadcast_in_dim3A_215 = vector.broadcast %broadcast_in_dim3A_214 : f32 to vector<16xf32>
    %swap3A_216 = arith.constant 576 : index
    %swap3A_217 = tpu.vector_load %arg6[%swap3A_216] {strides = array<i32>} : memref<2048xf32, #tpu.memory_space<vmem>>, vector<16xf32>,
    %swap3A_218 = vector.shape_cast %swap3A_217 : vector<16xf32> to vector<16xf32>
    %swap3A_219 = vector.shape_cast %broadcast_in_dim3A_215 : vector<16xf32> to vector<16xf32>
    tpu.vector_store %arg6[%swap3A_216], %swap3A_219 {strides = array<i32>} : memref<2048xf32, #tpu.memory_space<vmem>>, vector<16xf32>,
    %broadcast_in_dim3A_220 = arith.constant 1.000000e+00 : f32
    %broadcast_in_dim3A_221 = vector.broadcast %broadcast_in_dim3A_220 : f32 to vector<16xf32>
    %swap3A_222 = arith.constant 592 : index
    %swap3A_223 = tpu.vector_load %arg6[%swap3A_222] {strides = array<i32>} : memref<2048xf32, #tpu.memory_space<vmem>>, vector<16xf32>,
    %swap3A_224 = vector.shape_cast %swap3A_223 : vector<16xf32> to vector<16xf32>
    %swap3A_225 = vector.shape_cast %broadcast_in_dim3A_221 : vector<16xf32> to vector<16xf32>
    tpu.vector_store %arg6[%swap3A_222], %swap3A_225 {strides = array<i32>} : memref<2048xf32, #tpu.memory_space<vmem>>, vector<16xf32>,
    %broadcast_in_dim3A_226 = arith.constant 1.000000e+00 : f32
    %broadcast_in_dim3A_227 = vector.broadcast %broadcast_in_dim3A_226 : f32 to vector<16xf32>
    %swap3A_228 = arith.constant 608 : index
    %swap3A_229 = tpu.vector_load %arg6[%swap3A_228] {strides = array<i32>} : memref<2048xf32, #tpu.memory_space<vmem>>, vector<16xf32>,
    %swap3A_230 = vector.shape_cast %swap3A_229 : vector<16xf32> to vector<16xf32>
    %swap3A_231 = vector.shape_cast %broadcast_in_dim3A_227 : vector<16xf32> to vector<16xf32>
    tpu.vector_store %arg6[%swap3A_228], %swap3A_231 {strides = array<i32>} : memref<2048xf32, #tpu.memory_space<vmem>>, vector<16xf32>,
    %broadcast_in_dim3A_232 = arith.constant 1.000000e+00 : f32
    %broadcast_in_dim3A_233 = vector.broadcast %broadcast_in_dim3A_232 : f32 to vector<16xf32>
    %swap3A_234 = arith.constant 624 : index
    %swap3A_235 = tpu.vector_load %arg6[%swap3A_234] {strides = array<i32>} : memref<2048xf32, #tpu.memory_space<vmem>>, vector<16xf32>,
    %swap3A_236 = vector.shape_cast %swap3A_235 : vector<16xf32> to vector<16xf32>
    %swap3A_237 = vector.shape_cast %broadcast_in_dim3A_233 : vector<16xf32> to vector<16xf32>
    tpu.vector_store %arg6[%swap3A_234], %swap3A_237 {strides = array<i32>} : memref<2048xf32, #tpu.memory_space<vmem>>, vector<16xf32>,
    %broadcast_in_dim3A_238 = arith.constant 1.000000e+00 : f32
    %broadcast_in_dim3A_239 = vector.broadcast %broadcast_in_dim3A_238 : f32 to vector<16xf32>
    %swap3A_240 = arith.constant 640 : index
    %swap3A_241 = tpu.vector_load %arg6[%swap3A_240] {strides = array<i32>} : memref<2048xf32, #tpu.memory_space<vmem>>, vector<16xf32>,
    %swap3A_242 = vector.shape_cast %swap3A_241 : vector<16xf32> to vector<16xf32>
    %swap3A_243 = vector.shape_cast %broadcast_in_dim3A_239 : vector<16xf32> to vector<16xf32>
    tpu.vector_store %arg6[%swap3A_240], %swap3A_243 {strides = array<i32>} : memref<2048xf32, #tpu.memory_space<vmem>>, vector<16xf32>,
    %broadcast_in_dim3A_244 = arith.constant 1.000000e+00 : f32
    %broadcast_in_dim3A_245 = vector.broadcast %broadcast_in_dim3A_244 : f32 to vector<16xf32>
    %swap3A_246 = arith.constant 656 : index
    %swap3A_247 = tpu.vector_load %arg6[%swap3A_246] {strides = array<i32>} : memref<2048xf32, #tpu.memory_space<vmem>>, vector<16xf32>,
    %swap3A_248 = vector.shape_cast %swap3A_247 : vector<16xf32> to vector<16xf32>
    %swap3A_249 = vector.shape_cast %broadcast_in_dim3A_245 : vector<16xf32> to vector<16xf32>
    tpu.vector_store %arg6[%swap3A_246], %swap3A_249 {strides = array<i32>} : memref<2048xf32, #tpu.memory_space<vmem>>, vector<16xf32>,
    %broadcast_in_dim3A_250 = arith.constant 1.000000e+00 : f32
    %broadcast_in_dim3A_251 = vector.broadcast %broadcast_in_dim3A_250 : f32 to vector<16xf32>
    %swap3A_252 = arith.constant 672 : index
    %swap3A_253 = tpu.vector_load %arg6[%swap3A_252] {strides = array<i32>} : memref<2048xf32, #tpu.memory_space<vmem>>, vector<16xf32>,
    %swap3A_254 = vector.shape_cast %swap3A_253 : vector<16xf32> to vector<16xf32>
    %swap3A_255 = vector.shape_cast %broadcast_in_dim3A_251 : vector<16xf32> to vector<16xf32>
    tpu.vector_store %arg6[%swap3A_252], %swap3A_255 {strides = array<i32>} : memref<2048xf32, #tpu.memory_space<vmem>>, vector<16xf32>,
    %broadcast_in_dim3A_256 = arith.constant 1.000000e+00 : f32
    %broadcast_in_dim3A_257 = vector.broadcast %broadcast_in_dim3A_256 : f32 to vector<16xf32>
    %swap3A_258 = arith.constant 688 : index
    %swap3A_259 = tpu.vector_load %arg6[%swap3A_258] {strides = array<i32>} : memref<2048xf32, #tpu.memory_space<vmem>>, vector<16xf32>,
    %swap3A_260 = vector.shape_cast %swap3A_259 : vector<16xf32> to vector<16xf32>
    %swap3A_261 = vector.shape_cast %broadcast_in_dim3A_257 : vector<16xf32> to vector<16xf32>
    tpu.vector_store %arg6[%swap3A_258], %swap3A_261 {strides = array<i32>} : memref<2048xf32, #tpu.memory_space<vmem>>, vector<16xf32>,
    %broadcast_in_dim3A_262 = arith.constant 1.000000e+00 : f32
    %broadcast_in_dim3A_263 = vector.broadcast %broadcast_in_dim3A_262 : f32 to vector<16xf32>
    %swap3A_264 = arith.constant 704 : index
    %swap3A_265 = tpu.vector_load %arg6[%swap3A_264] {strides = array<i32>} : memref<2048xf32, #tpu.memory_space<vmem>>, vector<16xf32>,
    %swap3A_266 = vector.shape_cast %swap3A_265 : vector<16xf32> to vector<16xf32>
    %swap3A_267 = vector.shape_cast %broadcast_in_dim3A_263 : vector<16xf32> to vector<16xf32>
    tpu.vector_store %arg6[%swap3A_264], %swap3A_267 {strides = array<i32>} : memref<2048xf32, #tpu.memory_space<vmem>>, vector<16xf32>,
    %broadcast_in_dim3A_268 = arith.constant 1.000000e+00 : f32
    %broadcast_in_dim3A_269 = vector.broadcast %broadcast_in_dim3A_268 : f32 to vector<16xf32>
    %swap3A_270 = arith.constant 720 : index
    %swap3A_271 = tpu.vector_load %arg6[%swap3A_270] {strides = array<i32>} : memref<2048xf32, #tpu.memory_space<vmem>>, vector<16xf32>,
    %swap3A_272 = vector.shape_cast %swap3A_271 : vector<16xf32> to vector<16xf32>
    %swap3A_273 = vector.shape_cast %broadcast_in_dim3A_269 : vector<16xf32> to vector<16xf32>
    tpu.vector_store %arg6[%swap3A_270], %swap3A_273 {strides = array<i32>} : memref<2048xf32, #tpu.memory_space<vmem>>, vector<16xf32>,
    %broadcast_in_dim3A_274 = arith.constant 1.000000e+00 : f32
    %broadcast_in_dim3A_275 = vector.broadcast %broadcast_in_dim3A_274 : f32 to vector<16xf32>
    %swap3A_276 = arith.constant 736 : index
    %swap3A_277 = tpu.vector_load %arg6[%swap3A_276] {strides = array<i32>} : memref<2048xf32, #tpu.memory_space<vmem>>, vector<16xf32>,
    %swap3A_278 = vector.shape_cast %swap3A_277 : vector<16xf32> to vector<16xf32>
    %swap3A_279 = vector.shape_cast %broadcast_in_dim3A_275 : vector<16xf32> to vector<16xf32>
    tpu.vector_store %arg6[%swap3A_276], %swap3A_279 {strides = array<i32>} : memref<2048xf32, #tpu.memory_space<vmem>>, vector<16xf32>,
    %broadcast_in_dim3A_280 = arith.constant 1.000000e+00 : f32
    %broadcast_in_dim3A_281 = vector.broadcast %broadcast_in_dim3A_280 : f32 to vector<16xf32>
    %swap3A_282 = arith.constant 752 : index
    %swap3A_283 = tpu.vector_load %arg6[%swap3A_282] {strides = array<i32>} : memref<2048xf32, #tpu.memory_space<vmem>>, vector<16xf32>,
    %swap3A_284 = vector.shape_cast %swap3A_283 : vector<16xf32> to vector<16xf32>
    %swap3A_285 = vector.shape_cast %broadcast_in_dim3A_281 : vector<16xf32> to vector<16xf32>
    tpu.vector_store %arg6[%swap3A_282], %swap3A_285 {strides = array<i32>} : memref<2048xf32, #tpu.memory_space<vmem>>, vector<16xf32>,
    %broadcast_in_dim3A_286 = arith.constant 1.000000e+00 : f32
    %broadcast_in_dim3A_287 = vector.broadcast %broadcast_in_dim3A_286 : f32 to vector<16xf32>
    %swap3A_288 = arith.constant 768 : index
    %swap3A_289 = tpu.vector_load %arg6[%swap3A_288] {strides = array<i32>} : memref<2048xf32, #tpu.memory_space<vmem>>, vector<16xf32>,
    %swap3A_290 = vector.shape_cast %swap3A_289 : vector<16xf32> to vector<16xf32>
    %swap3A_291 = vector.shape_cast %broadcast_in_dim3A_287 : vector<16xf32> to vector<16xf32>
    tpu.vector_store %arg6[%swap3A_288], %swap3A_291 {strides = array<i32>} : memref<2048xf32, #tpu.memory_space<vmem>>, vector<16xf32>,
    %broadcast_in_dim3A_292 = arith.constant 1.000000e+00 : f32
    %broadcast_in_dim3A_293 = vector.broadcast %broadcast_in_dim3A_292 : f32 to vector<16xf32>
    %swap3A_294 = arith.constant 784 : index
    %swap3A_295 = tpu.vector_load %arg6[%swap3A_294] {strides = array<i32>} : memref<2048xf32, #tpu.memory_space<vmem>>, vector<16xf32>,
    %swap3A_296 = vector.shape_cast %swap3A_295 : vector<16xf32> to vector<16xf32>
    %swap3A_297 = vector.shape_cast %broadcast_in_dim3A_293 : vector<16xf32> to vector<16xf32>
    tpu.vector_store %arg6[%swap3A_294], %swap3A_297 {strides = array<i32>} : memref<2048xf32, #tpu.memory_space<vmem>>, vector<16xf32>,
    %broadcast_in_dim3A_298 = arith.constant 1.000000e+00 : f32
    %broadcast_in_dim3A_299 = vector.broadcast %broadcast_in_dim3A_298 : f32 to vector<16xf32>
    %swap3A_300 = arith.constant 800 : index
    %swap3A_301 = tpu.vector_load %arg6[%swap3A_300] {strides = array<i32>} : memref<2048xf32, #tpu.memory_space<vmem>>, vector<16xf32>,
    %swap3A_302 = vector.shape_cast %swap3A_301 : vector<16xf32> to vector<16xf32>
    %swap3A_303 = vector.shape_cast %broadcast_in_dim3A_299 : vector<16xf32> to vector<16xf32>
    tpu.vector_store %arg6[%swap3A_300], %swap3A_303 {strides = array<i32>} : memref<2048xf32, #tpu.memory_space<vmem>>, vector<16xf32>,
    %broadcast_in_dim3A_304 = arith.constant 1.000000e+00 : f32
    %broadcast_in_dim3A_305 = vector.broadcast %broadcast_in_dim3A_304 : f32 to vector<16xf32>
    %swap3A_306 = arith.constant 816 : index
    %swap3A_307 = tpu.vector_load %arg6[%swap3A_306] {strides = array<i32>} : memref<2048xf32, #tpu.memory_space<vmem>>, vector<16xf32>,
    %swap3A_308 = vector.shape_cast %swap3A_307 : vector<16xf32> to vector<16xf32>
    %swap3A_309 = vector.shape_cast %broadcast_in_dim3A_305 : vector<16xf32> to vector<16xf32>
    tpu.vector_store %arg6[%swap3A_306], %swap3A_309 {strides = array<i32>} : memref<2048xf32, #tpu.memory_space<vmem>>, vector<16xf32>,
    %broadcast_in_dim3A_310 = arith.constant 1.000000e+00 : f32
    %broadcast_in_dim3A_311 = vector.broadcast %broadcast_in_dim3A_310 : f32 to vector<16xf32>
    %swap3A_312 = arith.constant 832 : index
    %swap3A_313 = tpu.vector_load %arg6[%swap3A_312] {strides = array<i32>} : memref<2048xf32, #tpu.memory_space<vmem>>, vector<16xf32>,
    %swap3A_314 = vector.shape_cast %swap3A_313 : vector<16xf32> to vector<16xf32>
    %swap3A_315 = vector.shape_cast %broadcast_in_dim3A_311 : vector<16xf32> to vector<16xf32>
    tpu.vector_store %arg6[%swap3A_312], %swap3A_315 {strides = array<i32>} : memref<2048xf32, #tpu.memory_space<vmem>>, vector<16xf32>,
    %broadcast_in_dim3A_316 = arith.constant 1.000000e+00 : f32
    %broadcast_in_dim3A_317 = vector.broadcast %broadcast_in_dim3A_316 : f32 to vector<16xf32>
    %swap3A_318 = arith.constant 848 : index
    %swap3A_319 = tpu.vector_load %arg6[%swap3A_318] {strides = array<i32>} : memref<2048xf32, #tpu.memory_space<vmem>>, vector<16xf32>,
    %swap3A_320 = vector.shape_cast %swap3A_319 : vector<16xf32> to vector<16xf32>
    %swap3A_321 = vector.shape_cast %broadcast_in_dim3A_317 : vector<16xf32> to vector<16xf32>
    tpu.vector_store %arg6[%swap3A_318], %swap3A_321 {strides = array<i32>} : memref<2048xf32, #tpu.memory_space<vmem>>, vector<16xf32>,
    %broadcast_in_dim3A_322 = arith.constant 1.000000e+00 : f32
    %broadcast_in_dim3A_323 = vector.broadcast %broadcast_in_dim3A_322 : f32 to vector<16xf32>
    %swap3A_324 = arith.constant 864 : index
    %swap3A_325 = tpu.vector_load %arg6[%swap3A_324] {strides = array<i32>} : memref<2048xf32, #tpu.memory_space<vmem>>, vector<16xf32>,
    %swap3A_326 = vector.shape_cast %swap3A_325 : vector<16xf32> to vector<16xf32>
    %swap3A_327 = vector.shape_cast %broadcast_in_dim3A_323 : vector<16xf32> to vector<16xf32>
    tpu.vector_store %arg6[%swap3A_324], %swap3A_327 {strides = array<i32>} : memref<2048xf32, #tpu.memory_space<vmem>>, vector<16xf32>,
    %broadcast_in_dim3A_328 = arith.constant 1.000000e+00 : f32
    %broadcast_in_dim3A_329 = vector.broadcast %broadcast_in_dim3A_328 : f32 to vector<16xf32>
    %swap3A_330 = arith.constant 880 : index
    %swap3A_331 = tpu.vector_load %arg6[%swap3A_330] {strides = array<i32>} : memref<2048xf32, #tpu.memory_space<vmem>>, vector<16xf32>,
    %swap3A_332 = vector.shape_cast %swap3A_331 : vector<16xf32> to vector<16xf32>
    %swap3A_333 = vector.shape_cast %broadcast_in_dim3A_329 : vector<16xf32> to vector<16xf32>
    tpu.vector_store %arg6[%swap3A_330], %swap3A_333 {strides = array<i32>} : memref<2048xf32, #tpu.memory_space<vmem>>, vector<16xf32>,
    %broadcast_in_dim3A_334 = arith.constant 1.000000e+00 : f32
    %broadcast_in_dim3A_335 = vector.broadcast %broadcast_in_dim3A_334 : f32 to vector<16xf32>
    %swap3A_336 = arith.constant 896 : index
    %swap3A_337 = tpu.vector_load %arg6[%swap3A_336] {strides = array<i32>} : memref<2048xf32, #tpu.memory_space<vmem>>, vector<16xf32>,
    %swap3A_338 = vector.shape_cast %swap3A_337 : vector<16xf32> to vector<16xf32>
    %swap3A_339 = vector.shape_cast %broadcast_in_dim3A_335 : vector<16xf32> to vector<16xf32>
    tpu.vector_store %arg6[%swap3A_336], %swap3A_339 {strides = array<i32>} : memref<2048xf32, #tpu.memory_space<vmem>>, vector<16xf32>,
    %broadcast_in_dim3A_340 = arith.constant 1.000000e+00 : f32
    %broadcast_in_dim3A_341 = vector.broadcast %broadcast_in_dim3A_340 : f32 to vector<16xf32>
    %swap3A_342 = arith.constant 912 : index
    %swap3A_343 = tpu.vector_load %arg6[%swap3A_342] {strides = array<i32>} : memref<2048xf32, #tpu.memory_space<vmem>>, vector<16xf32>,
    %swap3A_344 = vector.shape_cast %swap3A_343 : vector<16xf32> to vector<16xf32>
    %swap3A_345 = vector.shape_cast %broadcast_in_dim3A_341 : vector<16xf32> to vector<16xf32>
    tpu.vector_store %arg6[%swap3A_342], %swap3A_345 {strides = array<i32>} : memref<2048xf32, #tpu.memory_space<vmem>>, vector<16xf32>,
    %broadcast_in_dim3A_346 = arith.constant 1.000000e+00 : f32
    %broadcast_in_dim3A_347 = vector.broadcast %broadcast_in_dim3A_346 : f32 to vector<16xf32>
    %swap3A_348 = arith.constant 928 : index
    %swap3A_349 = tpu.vector_load %arg6[%swap3A_348] {strides = array<i32>} : memref<2048xf32, #tpu.memory_space<vmem>>, vector<16xf32>,
    %swap3A_350 = vector.shape_cast %swap3A_349 : vector<16xf32> to vector<16xf32>
    %swap3A_351 = vector.shape_cast %broadcast_in_dim3A_347 : vector<16xf32> to vector<16xf32>
    tpu.vector_store %arg6[%swap3A_348], %swap3A_351 {strides = array<i32>} : memref<2048xf32, #tpu.memory_space<vmem>>, vector<16xf32>,
    %broadcast_in_dim3A_352 = arith.constant 1.000000e+00 : f32
    %broadcast_in_dim3A_353 = vector.broadcast %broadcast_in_dim3A_352 : f32 to vector<16xf32>
    %swap3A_354 = arith.constant 944 : index
    %swap3A_355 = tpu.vector_load %arg6[%swap3A_354] {strides = array<i32>} : memref<2048xf32, #tpu.memory_space<vmem>>, vector<16xf32>,
    %swap3A_356 = vector.shape_cast %swap3A_355 : vector<16xf32> to vector<16xf32>
    %swap3A_357 = vector.shape_cast %broadcast_in_dim3A_353 : vector<16xf32> to vector<16xf32>
    tpu.vector_store %arg6[%swap3A_354], %swap3A_357 {strides = array<i32>} : memref<2048xf32, #tpu.memory_space<vmem>>, vector<16xf32>,
    %broadcast_in_dim3A_358 = arith.constant 1.000000e+00 : f32
    %broadcast_in_dim3A_359 = vector.broadcast %broadcast_in_dim3A_358 : f32 to vector<16xf32>
    %swap3A_360 = arith.constant 960 : index
    %swap3A_361 = tpu.vector_load %arg6[%swap3A_360] {strides = array<i32>} : memref<2048xf32, #tpu.memory_space<vmem>>, vector<16xf32>,
    %swap3A_362 = vector.shape_cast %swap3A_361 : vector<16xf32> to vector<16xf32>
    %swap3A_363 = vector.shape_cast %broadcast_in_dim3A_359 : vector<16xf32> to vector<16xf32>
    tpu.vector_store %arg6[%swap3A_360], %swap3A_363 {strides = array<i32>} : memref<2048xf32, #tpu.memory_space<vmem>>, vector<16xf32>,
    %broadcast_in_dim3A_364 = arith.constant 1.000000e+00 : f32
    %broadcast_in_dim3A_365 = vector.broadcast %broadcast_in_dim3A_364 : f32 to vector<16xf32>
    %swap3A_366 = arith.constant 976 : index
    %swap3A_367 = tpu.vector_load %arg6[%swap3A_366] {strides = array<i32>} : memref<2048xf32, #tpu.memory_space<vmem>>, vector<16xf32>,
    %swap3A_368 = vector.shape_cast %swap3A_367 : vector<16xf32> to vector<16xf32>
    %swap3A_369 = vector.shape_cast %broadcast_in_dim3A_365 : vector<16xf32> to vector<16xf32>
    tpu.vector_store %arg6[%swap3A_366], %swap3A_369 {strides = array<i32>} : memref<2048xf32, #tpu.memory_space<vmem>>, vector<16xf32>,
    %broadcast_in_dim3A_370 = arith.constant 1.000000e+00 : f32
    %broadcast_in_dim3A_371 = vector.broadcast %broadcast_in_dim3A_370 : f32 to vector<16xf32>
    %swap3A_372 = arith.constant 992 : index
    %swap3A_373 = tpu.vector_load %arg6[%swap3A_372] {strides = array<i32>} : memref<2048xf32, #tpu.memory_space<vmem>>, vector<16xf32>,
    %swap3A_374 = vector.shape_cast %swap3A_373 : vector<16xf32> to vector<16xf32>
    %swap3A_375 = vector.shape_cast %broadcast_in_dim3A_371 : vector<16xf32> to vector<16xf32>
    tpu.vector_store %arg6[%swap3A_372], %swap3A_375 {strides = array<i32>} : memref<2048xf32, #tpu.memory_space<vmem>>, vector<16xf32>,
    %broadcast_in_dim3A_376 = arith.constant 1.000000e+00 : f32
    %broadcast_in_dim3A_377 = vector.broadcast %broadcast_in_dim3A_376 : f32 to vector<16xf32>
    %swap3A_378 = arith.constant 1008 : index
    %swap3A_379 = tpu.vector_load %arg6[%swap3A_378] {strides = array<i32>} : memref<2048xf32, #tpu.memory_space<vmem>>, vector<16xf32>,
    %swap3A_380 = vector.shape_cast %swap3A_379 : vector<16xf32> to vector<16xf32>
    %swap3A_381 = vector.shape_cast %broadcast_in_dim3A_377 : vector<16xf32> to vector<16xf32>
    tpu.vector_store %arg6[%swap3A_378], %swap3A_381 {strides = array<i32>} : memref<2048xf32, #tpu.memory_space<vmem>>, vector<16xf32>,
    %broadcast_in_dim3A_382 = arith.constant 1.000000e+00 : f32
    %broadcast_in_dim3A_383 = vector.broadcast %broadcast_in_dim3A_382 : f32 to vector<16xf32>
    %swap3A_384 = arith.constant 1024 : index
    %swap3A_385 = tpu.vector_load %arg6[%swap3A_384] {strides = array<i32>} : memref<2048xf32, #tpu.memory_space<vmem>>, vector<16xf32>,
    %swap3A_386 = vector.shape_cast %swap3A_385 : vector<16xf32> to vector<16xf32>
    %swap3A_387 = vector.shape_cast %broadcast_in_dim3A_383 : vector<16xf32> to vector<16xf32>
    tpu.vector_store %arg6[%swap3A_384], %swap3A_387 {strides = array<i32>} : memref<2048xf32, #tpu.memory_space<vmem>>, vector<16xf32>,
    %broadcast_in_dim3A_388 = arith.constant 1.000000e+00 : f32
    %broadcast_in_dim3A_389 = vector.broadcast %broadcast_in_dim3A_388 : f32 to vector<16xf32>
    %swap3A_390 = arith.constant 1040 : index
    %swap3A_391 = tpu.vector_load %arg6[%swap3A_390] {strides = array<i32>} : memref<2048xf32, #tpu.memory_space<vmem>>, vector<16xf32>,
    %swap3A_392 = vector.shape_cast %swap3A_391 : vector<16xf32> to vector<16xf32>
    %swap3A_393 = vector.shape_cast %broadcast_in_dim3A_389 : vector<16xf32> to vector<16xf32>
    tpu.vector_store %arg6[%swap3A_390], %swap3A_393 {strides = array<i32>} : memref<2048xf32, #tpu.memory_space<vmem>>, vector<16xf32>,
    %broadcast_in_dim3A_394 = arith.constant 1.000000e+00 : f32
    %broadcast_in_dim3A_395 = vector.broadcast %broadcast_in_dim3A_394 : f32 to vector<16xf32>
    %swap3A_396 = arith.constant 1056 : index
    %swap3A_397 = tpu.vector_load %arg6[%swap3A_396] {strides = array<i32>} : memref<2048xf32, #tpu.memory_space<vmem>>, vector<16xf32>,
    %swap3A_398 = vector.shape_cast %swap3A_397 : vector<16xf32> to vector<16xf32>
    %swap3A_399 = vector.shape_cast %broadcast_in_dim3A_395 : vector<16xf32> to vector<16xf32>
    tpu.vector_store %arg6[%swap3A_396], %swap3A_399 {strides = array<i32>} : memref<2048xf32, #tpu.memory_space<vmem>>, vector<16xf32>,
    %broadcast_in_dim3A_400 = arith.constant 1.000000e+00 : f32
    %broadcast_in_dim3A_401 = vector.broadcast %broadcast_in_dim3A_400 : f32 to vector<16xf32>
    %swap3A_402 = arith.constant 1072 : index
    %swap3A_403 = tpu.vector_load %arg6[%swap3A_402] {strides = array<i32>} : memref<2048xf32, #tpu.memory_space<vmem>>, vector<16xf32>,
    %swap3A_404 = vector.shape_cast %swap3A_403 : vector<16xf32> to vector<16xf32>
    %swap3A_405 = vector.shape_cast %broadcast_in_dim3A_401 : vector<16xf32> to vector<16xf32>
    tpu.vector_store %arg6[%swap3A_402], %swap3A_405 {strides = array<i32>} : memref<2048xf32, #tpu.memory_space<vmem>>, vector<16xf32>,
    %broadcast_in_dim3A_406 = arith.constant 1.000000e+00 : f32
    %broadcast_in_dim3A_407 = vector.broadcast %broadcast_in_dim3A_406 : f32 to vector<16xf32>
    %swap3A_408 = arith.constant 1088 : index
    %swap3A_409 = tpu.vector_load %arg6[%swap3A_408] {strides = array<i32>} : memref<2048xf32, #tpu.memory_space<vmem>>, vector<16xf32>,
    %swap3A_410 = vector.shape_cast %swap3A_409 : vector<16xf32> to vector<16xf32>
    %swap3A_411 = vector.shape_cast %broadcast_in_dim3A_407 : vector<16xf32> to vector<16xf32>
    tpu.vector_store %arg6[%swap3A_408], %swap3A_411 {strides = array<i32>} : memref<2048xf32, #tpu.memory_space<vmem>>, vector<16xf32>,
    %broadcast_in_dim3A_412 = arith.constant 1.000000e+00 : f32
    %broadcast_in_dim3A_413 = vector.broadcast %broadcast_in_dim3A_412 : f32 to vector<16xf32>
    %swap3A_414 = arith.constant 1104 : index
    %swap3A_415 = tpu.vector_load %arg6[%swap3A_414] {strides = array<i32>} : memref<2048xf32, #tpu.memory_space<vmem>>, vector<16xf32>,
    %swap3A_416 = vector.shape_cast %swap3A_415 : vector<16xf32> to vector<16xf32>
    %swap3A_417 = vector.shape_cast %broadcast_in_dim3A_413 : vector<16xf32> to vector<16xf32>
    tpu.vector_store %arg6[%swap3A_414], %swap3A_417 {strides = array<i32>} : memref<2048xf32, #tpu.memory_space<vmem>>, vector<16xf32>,
    %broadcast_in_dim3A_418 = arith.constant 1.000000e+00 : f32
    %broadcast_in_dim3A_419 = vector.broadcast %broadcast_in_dim3A_418 : f32 to vector<16xf32>
    %swap3A_420 = arith.constant 1120 : index
    %swap3A_421 = tpu.vector_load %arg6[%swap3A_420] {strides = array<i32>} : memref<2048xf32, #tpu.memory_space<vmem>>, vector<16xf32>,
    %swap3A_422 = vector.shape_cast %swap3A_421 : vector<16xf32> to vector<16xf32>
    %swap3A_423 = vector.shape_cast %broadcast_in_dim3A_419 : vector<16xf32> to vector<16xf32>
    tpu.vector_store %arg6[%swap3A_420], %swap3A_423 {strides = array<i32>} : memref<2048xf32, #tpu.memory_space<vmem>>, vector<16xf32>,
    %broadcast_in_dim3A_424 = arith.constant 1.000000e+00 : f32
    %broadcast_in_dim3A_425 = vector.broadcast %broadcast_in_dim3A_424 : f32 to vector<16xf32>
    %swap3A_426 = arith.constant 1136 : index
    %swap3A_427 = tpu.vector_load %arg6[%swap3A_426] {strides = array<i32>} : memref<2048xf32, #tpu.memory_space<vmem>>, vector<16xf32>,
    %swap3A_428 = vector.shape_cast %swap3A_427 : vector<16xf32> to vector<16xf32>
    %swap3A_429 = vector.shape_cast %broadcast_in_dim3A_425 : vector<16xf32> to vector<16xf32>
    tpu.vector_store %arg6[%swap3A_426], %swap3A_429 {strides = array<i32>} : memref<2048xf32, #tpu.memory_space<vmem>>, vector<16xf32>,
    %broadcast_in_dim3A_430 = arith.constant 1.000000e+00 : f32
    %broadcast_in_dim3A_431 = vector.broadcast %broadcast_in_dim3A_430 : f32 to vector<16xf32>
    %swap3A_432 = arith.constant 1152 : index
    %swap3A_433 = tpu.vector_load %arg6[%swap3A_432] {strides = array<i32>} : memref<2048xf32, #tpu.memory_space<vmem>>, vector<16xf32>,
    %swap3A_434 = vector.shape_cast %swap3A_433 : vector<16xf32> to vector<16xf32>
    %swap3A_435 = vector.shape_cast %broadcast_in_dim3A_431 : vector<16xf32> to vector<16xf32>
    tpu.vector_store %arg6[%swap3A_432], %swap3A_435 {strides = array<i32>} : memref<2048xf32, #tpu.memory_space<vmem>>, vector<16xf32>,
    %broadcast_in_dim3A_436 = arith.constant 1.000000e+00 : f32
    %broadcast_in_dim3A_437 = vector.broadcast %broadcast_in_dim3A_436 : f32 to vector<16xf32>
    %swap3A_438 = arith.constant 1168 : index
    %swap3A_439 = tpu.vector_load %arg6[%swap3A_438] {strides = array<i32>} : memref<2048xf32, #tpu.memory_space<vmem>>, vector<16xf32>,
    %swap3A_440 = vector.shape_cast %swap3A_439 : vector<16xf32> to vector<16xf32>
    %swap3A_441 = vector.shape_cast %broadcast_in_dim3A_437 : vector<16xf32> to vector<16xf32>
    tpu.vector_store %arg6[%swap3A_438], %swap3A_441 {strides = array<i32>} : memref<2048xf32, #tpu.memory_space<vmem>>, vector<16xf32>,
    %broadcast_in_dim3A_442 = arith.constant 1.000000e+00 : f32
    %broadcast_in_dim3A_443 = vector.broadcast %broadcast_in_dim3A_442 : f32 to vector<16xf32>
    %swap3A_444 = arith.constant 1184 : index
    %swap3A_445 = tpu.vector_load %arg6[%swap3A_444] {strides = array<i32>} : memref<2048xf32, #tpu.memory_space<vmem>>, vector<16xf32>,
    %swap3A_446 = vector.shape_cast %swap3A_445 : vector<16xf32> to vector<16xf32>
    %swap3A_447 = vector.shape_cast %broadcast_in_dim3A_443 : vector<16xf32> to vector<16xf32>
    tpu.vector_store %arg6[%swap3A_444], %swap3A_447 {strides = array<i32>} : memref<2048xf32, #tpu.memory_space<vmem>>, vector<16xf32>,
    %broadcast_in_dim3A_448 = arith.constant 1.000000e+00 : f32
    %broadcast_in_dim3A_449 = vector.broadcast %broadcast_in_dim3A_448 : f32 to vector<16xf32>
    %swap3A_450 = arith.constant 1200 : index
    %swap3A_451 = tpu.vector_load %arg6[%swap3A_450] {strides = array<i32>} : memref<2048xf32, #tpu.memory_space<vmem>>, vector<16xf32>,
    %swap3A_452 = vector.shape_cast %swap3A_451 : vector<16xf32> to vector<16xf32>
    %swap3A_453 = vector.shape_cast %broadcast_in_dim3A_449 : vector<16xf32> to vector<16xf32>
    tpu.vector_store %arg6[%swap3A_450], %swap3A_453 {strides = array<i32>} : memref<2048xf32, #tpu.memory_space<vmem>>, vector<16xf32>,
    %broadcast_in_dim3A_454 = arith.constant 1.000000e+00 : f32
    %broadcast_in_dim3A_455 = vector.broadcast %broadcast_in_dim3A_454 : f32 to vector<16xf32>
    %swap3A_456 = arith.constant 1216 : index
    %swap3A_457 = tpu.vector_load %arg6[%swap3A_456] {strides = array<i32>} : memref<2048xf32, #tpu.memory_space<vmem>>, vector<16xf32>,
    %swap3A_458 = vector.shape_cast %swap3A_457 : vector<16xf32> to vector<16xf32>
    %swap3A_459 = vector.shape_cast %broadcast_in_dim3A_455 : vector<16xf32> to vector<16xf32>
    tpu.vector_store %arg6[%swap3A_456], %swap3A_459 {strides = array<i32>} : memref<2048xf32, #tpu.memory_space<vmem>>, vector<16xf32>,
    %broadcast_in_dim3A_460 = arith.constant 1.000000e+00 : f32
    %broadcast_in_dim3A_461 = vector.broadcast %broadcast_in_dim3A_460 : f32 to vector<16xf32>
    %swap3A_462 = arith.constant 1232 : index
    %swap3A_463 = tpu.vector_load %arg6[%swap3A_462] {strides = array<i32>} : memref<2048xf32, #tpu.memory_space<vmem>>, vector<16xf32>,
    %swap3A_464 = vector.shape_cast %swap3A_463 : vector<16xf32> to vector<16xf32>
    %swap3A_465 = vector.shape_cast %broadcast_in_dim3A_461 : vector<16xf32> to vector<16xf32>
    tpu.vector_store %arg6[%swap3A_462], %swap3A_465 {strides = array<i32>} : memref<2048xf32, #tpu.memory_space<vmem>>, vector<16xf32>,
    %broadcast_in_dim3A_466 = arith.constant 1.000000e+00 : f32
    %broadcast_in_dim3A_467 = vector.broadcast %broadcast_in_dim3A_466 : f32 to vector<16xf32>
    %swap3A_468 = arith.constant 1248 : index
    %swap3A_469 = tpu.vector_load %arg6[%swap3A_468] {strides = array<i32>} : memref<2048xf32, #tpu.memory_space<vmem>>, vector<16xf32>,
    %swap3A_470 = vector.shape_cast %swap3A_469 : vector<16xf32> to vector<16xf32>
    %swap3A_471 = vector.shape_cast %broadcast_in_dim3A_467 : vector<16xf32> to vector<16xf32>
    tpu.vector_store %arg6[%swap3A_468], %swap3A_471 {strides = array<i32>} : memref<2048xf32, #tpu.memory_space<vmem>>, vector<16xf32>,
    %broadcast_in_dim3A_472 = arith.constant 1.000000e+00 : f32
    %broadcast_in_dim3A_473 = vector.broadcast %broadcast_in_dim3A_472 : f32 to vector<16xf32>
    %swap3A_474 = arith.constant 1264 : index
    %swap3A_475 = tpu.vector_load %arg6[%swap3A_474] {strides = array<i32>} : memref<2048xf32, #tpu.memory_space<vmem>>, vector<16xf32>,
    %swap3A_476 = vector.shape_cast %swap3A_475 : vector<16xf32> to vector<16xf32>
    %swap3A_477 = vector.shape_cast %broadcast_in_dim3A_473 : vector<16xf32> to vector<16xf32>
    tpu.vector_store %arg6[%swap3A_474], %swap3A_477 {strides = array<i32>} : memref<2048xf32, #tpu.memory_space<vmem>>, vector<16xf32>,
    %broadcast_in_dim3A_478 = arith.constant 1.000000e+00 : f32
    %broadcast_in_dim3A_479 = vector.broadcast %broadcast_in_dim3A_478 : f32 to vector<16xf32>
    %swap3A_480 = arith.constant 1280 : index
    %swap3A_481 = tpu.vector_load %arg6[%swap3A_480] {strides = array<i32>} : memref<2048xf32, #tpu.memory_space<vmem>>, vector<16xf32>,
    %swap3A_482 = vector.shape_cast %swap3A_481 : vector<16xf32> to vector<16xf32>
    %swap3A_483 = vector.shape_cast %broadcast_in_dim3A_479 : vector<16xf32> to vector<16xf32>
    tpu.vector_store %arg6[%swap3A_480], %swap3A_483 {strides = array<i32>} : memref<2048xf32, #tpu.memory_space<vmem>>, vector<16xf32>,
    %broadcast_in_dim3A_484 = arith.constant 1.000000e+00 : f32
    %broadcast_in_dim3A_485 = vector.broadcast %broadcast_in_dim3A_484 : f32 to vector<16xf32>
    %swap3A_486 = arith.constant 1296 : index
    %swap3A_487 = tpu.vector_load %arg6[%swap3A_486] {strides = array<i32>} : memref<2048xf32, #tpu.memory_space<vmem>>, vector<16xf32>,
    %swap3A_488 = vector.shape_cast %swap3A_487 : vector<16xf32> to vector<16xf32>
    %swap3A_489 = vector.shape_cast %broadcast_in_dim3A_485 : vector<16xf32> to vector<16xf32>
    tpu.vector_store %arg6[%swap3A_486], %swap3A_489 {strides = array<i32>} : memref<2048xf32, #tpu.memory_space<vmem>>, vector<16xf32>,
    %broadcast_in_dim3A_490 = arith.constant 1.000000e+00 : f32
    %broadcast_in_dim3A_491 = vector.broadcast %broadcast_in_dim3A_490 : f32 to vector<16xf32>
    %swap3A_492 = arith.constant 1312 : index
    %swap3A_493 = tpu.vector_load %arg6[%swap3A_492] {strides = array<i32>} : memref<2048xf32, #tpu.memory_space<vmem>>, vector<16xf32>,
    %swap3A_494 = vector.shape_cast %swap3A_493 : vector<16xf32> to vector<16xf32>
    %swap3A_495 = vector.shape_cast %broadcast_in_dim3A_491 : vector<16xf32> to vector<16xf32>
    tpu.vector_store %arg6[%swap3A_492], %swap3A_495 {strides = array<i32>} : memref<2048xf32, #tpu.memory_space<vmem>>, vector<16xf32>,
    %broadcast_in_dim3A_496 = arith.constant 1.000000e+00 : f32
    %broadcast_in_dim3A_497 = vector.broadcast %broadcast_in_dim3A_496 : f32 to vector<16xf32>
    %swap3A_498 = arith.constant 1328 : index
    %swap3A_499 = tpu.vector_load %arg6[%swap3A_498] {strides = array<i32>} : memref<2048xf32, #tpu.memory_space<vmem>>, vector<16xf32>,
    %swap3A_500 = vector.shape_cast %swap3A_499 : vector<16xf32> to vector<16xf32>
    %swap3A_501 = vector.shape_cast %broadcast_in_dim3A_497 : vector<16xf32> to vector<16xf32>
    tpu.vector_store %arg6[%swap3A_498], %swap3A_501 {strides = array<i32>} : memref<2048xf32, #tpu.memory_space<vmem>>, vector<16xf32>,
    %broadcast_in_dim3A_502 = arith.constant 1.000000e+00 : f32
    %broadcast_in_dim3A_503 = vector.broadcast %broadcast_in_dim3A_502 : f32 to vector<16xf32>
    %swap3A_504 = arith.constant 1344 : index
    %swap3A_505 = tpu.vector_load %arg6[%swap3A_504] {strides = array<i32>} : memref<2048xf32, #tpu.memory_space<vmem>>, vector<16xf32>,
    %swap3A_506 = vector.shape_cast %swap3A_505 : vector<16xf32> to vector<16xf32>
    %swap3A_507 = vector.shape_cast %broadcast_in_dim3A_503 : vector<16xf32> to vector<16xf32>
    tpu.vector_store %arg6[%swap3A_504], %swap3A_507 {strides = array<i32>} : memref<2048xf32, #tpu.memory_space<vmem>>, vector<16xf32>,
    %broadcast_in_dim3A_508 = arith.constant 1.000000e+00 : f32
    %broadcast_in_dim3A_509 = vector.broadcast %broadcast_in_dim3A_508 : f32 to vector<16xf32>
    %swap3A_510 = arith.constant 1360 : index
    %swap3A_511 = tpu.vector_load %arg6[%swap3A_510] {strides = array<i32>} : memref<2048xf32, #tpu.memory_space<vmem>>, vector<16xf32>,
    %swap3A_512 = vector.shape_cast %swap3A_511 : vector<16xf32> to vector<16xf32>
    %swap3A_513 = vector.shape_cast %broadcast_in_dim3A_509 : vector<16xf32> to vector<16xf32>
    tpu.vector_store %arg6[%swap3A_510], %swap3A_513 {strides = array<i32>} : memref<2048xf32, #tpu.memory_space<vmem>>, vector<16xf32>,
    %broadcast_in_dim3A_514 = arith.constant 1.000000e+00 : f32
    %broadcast_in_dim3A_515 = vector.broadcast %broadcast_in_dim3A_514 : f32 to vector<16xf32>
    %swap3A_516 = arith.constant 1376 : index
    %swap3A_517 = tpu.vector_load %arg6[%swap3A_516] {strides = array<i32>} : memref<2048xf32, #tpu.memory_space<vmem>>, vector<16xf32>,
    %swap3A_518 = vector.shape_cast %swap3A_517 : vector<16xf32> to vector<16xf32>
    %swap3A_519 = vector.shape_cast %broadcast_in_dim3A_515 : vector<16xf32> to vector<16xf32>
    tpu.vector_store %arg6[%swap3A_516], %swap3A_519 {strides = array<i32>} : memref<2048xf32, #tpu.memory_space<vmem>>, vector<16xf32>,
    %broadcast_in_dim3A_520 = arith.constant 1.000000e+00 : f32
    %broadcast_in_dim3A_521 = vector.broadcast %broadcast_in_dim3A_520 : f32 to vector<16xf32>
    %swap3A_522 = arith.constant 1392 : index
    %swap3A_523 = tpu.vector_load %arg6[%swap3A_522] {strides = array<i32>} : memref<2048xf32, #tpu.memory_space<vmem>>, vector<16xf32>,
    %swap3A_524 = vector.shape_cast %swap3A_523 : vector<16xf32> to vector<16xf32>
    %swap3A_525 = vector.shape_cast %broadcast_in_dim3A_521 : vector<16xf32> to vector<16xf32>
    tpu.vector_store %arg6[%swap3A_522], %swap3A_525 {strides = array<i32>} : memref<2048xf32, #tpu.memory_space<vmem>>, vector<16xf32>,
    %broadcast_in_dim3A_526 = arith.constant 1.000000e+00 : f32
    %broadcast_in_dim3A_527 = vector.broadcast %broadcast_in_dim3A_526 : f32 to vector<16xf32>
    %swap3A_528 = arith.constant 1408 : index
    %swap3A_529 = tpu.vector_load %arg6[%swap3A_528] {strides = array<i32>} : memref<2048xf32, #tpu.memory_space<vmem>>, vector<16xf32>,
    %swap3A_530 = vector.shape_cast %swap3A_529 : vector<16xf32> to vector<16xf32>
    %swap3A_531 = vector.shape_cast %broadcast_in_dim3A_527 : vector<16xf32> to vector<16xf32>
    tpu.vector_store %arg6[%swap3A_528], %swap3A_531 {strides = array<i32>} : memref<2048xf32, #tpu.memory_space<vmem>>, vector<16xf32>,
    %broadcast_in_dim3A_532 = arith.constant 1.000000e+00 : f32
    %broadcast_in_dim3A_533 = vector.broadcast %broadcast_in_dim3A_532 : f32 to vector<16xf32>
    %swap3A_534 = arith.constant 1424 : index
    %swap3A_535 = tpu.vector_load %arg6[%swap3A_534] {strides = array<i32>} : memref<2048xf32, #tpu.memory_space<vmem>>, vector<16xf32>,
    %swap3A_536 = vector.shape_cast %swap3A_535 : vector<16xf32> to vector<16xf32>
    %swap3A_537 = vector.shape_cast %broadcast_in_dim3A_533 : vector<16xf32> to vector<16xf32>
    tpu.vector_store %arg6[%swap3A_534], %swap3A_537 {strides = array<i32>} : memref<2048xf32, #tpu.memory_space<vmem>>, vector<16xf32>,
    %broadcast_in_dim3A_538 = arith.constant 1.000000e+00 : f32
    %broadcast_in_dim3A_539 = vector.broadcast %broadcast_in_dim3A_538 : f32 to vector<16xf32>
    %swap3A_540 = arith.constant 1440 : index
    %swap3A_541 = tpu.vector_load %arg6[%swap3A_540] {strides = array<i32>} : memref<2048xf32, #tpu.memory_space<vmem>>, vector<16xf32>,
    %swap3A_542 = vector.shape_cast %swap3A_541 : vector<16xf32> to vector<16xf32>
    %swap3A_543 = vector.shape_cast %broadcast_in_dim3A_539 : vector<16xf32> to vector<16xf32>
    tpu.vector_store %arg6[%swap3A_540], %swap3A_543 {strides = array<i32>} : memref<2048xf32, #tpu.memory_space<vmem>>, vector<16xf32>,
    %broadcast_in_dim3A_544 = arith.constant 1.000000e+00 : f32
    %broadcast_in_dim3A_545 = vector.broadcast %broadcast_in_dim3A_544 : f32 to vector<16xf32>
    %swap3A_546 = arith.constant 1456 : index
    %swap3A_547 = tpu.vector_load %arg6[%swap3A_546] {strides = array<i32>} : memref<2048xf32, #tpu.memory_space<vmem>>, vector<16xf32>,
    %swap3A_548 = vector.shape_cast %swap3A_547 : vector<16xf32> to vector<16xf32>
    %swap3A_549 = vector.shape_cast %broadcast_in_dim3A_545 : vector<16xf32> to vector<16xf32>
    tpu.vector_store %arg6[%swap3A_546], %swap3A_549 {strides = array<i32>} : memref<2048xf32, #tpu.memory_space<vmem>>, vector<16xf32>,
    %broadcast_in_dim3A_550 = arith.constant 1.000000e+00 : f32
    %broadcast_in_dim3A_551 = vector.broadcast %broadcast_in_dim3A_550 : f32 to vector<16xf32>
    %swap3A_552 = arith.constant 1472 : index
    %swap3A_553 = tpu.vector_load %arg6[%swap3A_552] {strides = array<i32>} : memref<2048xf32, #tpu.memory_space<vmem>>, vector<16xf32>,
    %swap3A_554 = vector.shape_cast %swap3A_553 : vector<16xf32> to vector<16xf32>
    %swap3A_555 = vector.shape_cast %broadcast_in_dim3A_551 : vector<16xf32> to vector<16xf32>
    tpu.vector_store %arg6[%swap3A_552], %swap3A_555 {strides = array<i32>} : memref<2048xf32, #tpu.memory_space<vmem>>, vector<16xf32>,
    %broadcast_in_dim3A_556 = arith.constant 1.000000e+00 : f32
    %broadcast_in_dim3A_557 = vector.broadcast %broadcast_in_dim3A_556 : f32 to vector<16xf32>
    %swap3A_558 = arith.constant 1488 : index
    %swap3A_559 = tpu.vector_load %arg6[%swap3A_558] {strides = array<i32>} : memref<2048xf32, #tpu.memory_space<vmem>>, vector<16xf32>,
    %swap3A_560 = vector.shape_cast %swap3A_559 : vector<16xf32> to vector<16xf32>
    %swap3A_561 = vector.shape_cast %broadcast_in_dim3A_557 : vector<16xf32> to vector<16xf32>
    tpu.vector_store %arg6[%swap3A_558], %swap3A_561 {strides = array<i32>} : memref<2048xf32, #tpu.memory_space<vmem>>, vector<16xf32>,
    %broadcast_in_dim3A_562 = arith.constant 1.000000e+00 : f32
    %broadcast_in_dim3A_563 = vector.broadcast %broadcast_in_dim3A_562 : f32 to vector<16xf32>
    %swap3A_564 = arith.constant 1504 : index
    %swap3A_565 = tpu.vector_load %arg6[%swap3A_564] {strides = array<i32>} : memref<2048xf32, #tpu.memory_space<vmem>>, vector<16xf32>,
    %swap3A_566 = vector.shape_cast %swap3A_565 : vector<16xf32> to vector<16xf32>
    %swap3A_567 = vector.shape_cast %broadcast_in_dim3A_563 : vector<16xf32> to vector<16xf32>
    tpu.vector_store %arg6[%swap3A_564], %swap3A_567 {strides = array<i32>} : memref<2048xf32, #tpu.memory_space<vmem>>, vector<16xf32>,
    %broadcast_in_dim3A_568 = arith.constant 1.000000e+00 : f32
    %broadcast_in_dim3A_569 = vector.broadcast %broadcast_in_dim3A_568 : f32 to vector<16xf32>
    %swap3A_570 = arith.constant 1520 : index
    %swap3A_571 = tpu.vector_load %arg6[%swap3A_570] {strides = array<i32>} : memref<2048xf32, #tpu.memory_space<vmem>>, vector<16xf32>,
    %swap3A_572 = vector.shape_cast %swap3A_571 : vector<16xf32> to vector<16xf32>
    %swap3A_573 = vector.shape_cast %broadcast_in_dim3A_569 : vector<16xf32> to vector<16xf32>
    tpu.vector_store %arg6[%swap3A_570], %swap3A_573 {strides = array<i32>} : memref<2048xf32, #tpu.memory_space<vmem>>, vector<16xf32>,
    %broadcast_in_dim3A_574 = arith.constant 1.000000e+00 : f32
    %broadcast_in_dim3A_575 = vector.broadcast %broadcast_in_dim3A_574 : f32 to vector<16xf32>
    %swap3A_576 = arith.constant 1536 : index
    %swap3A_577 = tpu.vector_load %arg6[%swap3A_576] {strides = array<i32>} : memref<2048xf32, #tpu.memory_space<vmem>>, vector<16xf32>,
    %swap3A_578 = vector.shape_cast %swap3A_577 : vector<16xf32> to vector<16xf32>
    %swap3A_579 = vector.shape_cast %broadcast_in_dim3A_575 : vector<16xf32> to vector<16xf32>
    tpu.vector_store %arg6[%swap3A_576], %swap3A_579 {strides = array<i32>} : memref<2048xf32, #tpu.memory_space<vmem>>, vector<16xf32>,
    %broadcast_in_dim3A_580 = arith.constant 1.000000e+00 : f32
    %broadcast_in_dim3A_581 = vector.broadcast %broadcast_in_dim3A_580 : f32 to vector<16xf32>
    %swap3A_582 = arith.constant 1552 : index
    %swap3A_583 = tpu.vector_load %arg6[%swap3A_582] {strides = array<i32>} : memref<2048xf32, #tpu.memory_space<vmem>>, vector<16xf32>,
    %swap3A_584 = vector.shape_cast %swap3A_583 : vector<16xf32> to vector<16xf32>
    %swap3A_585 = vector.shape_cast %broadcast_in_dim3A_581 : vector<16xf32> to vector<16xf32>
    tpu.vector_store %arg6[%swap3A_582], %swap3A_585 {strides = array<i32>} : memref<2048xf32, #tpu.memory_space<vmem>>, vector<16xf32>,
    %broadcast_in_dim3A_586 = arith.constant 1.000000e+00 : f32
    %broadcast_in_dim3A_587 = vector.broadcast %broadcast_in_dim3A_586 : f32 to vector<16xf32>
    %swap3A_588 = arith.constant 1568 : index
    %swap3A_589 = tpu.vector_load %arg6[%swap3A_588] {strides = array<i32>} : memref<2048xf32, #tpu.memory_space<vmem>>, vector<16xf32>,
    %swap3A_590 = vector.shape_cast %swap3A_589 : vector<16xf32> to vector<16xf32>
    %swap3A_591 = vector.shape_cast %broadcast_in_dim3A_587 : vector<16xf32> to vector<16xf32>
    tpu.vector_store %arg6[%swap3A_588], %swap3A_591 {strides = array<i32>} : memref<2048xf32, #tpu.memory_space<vmem>>, vector<16xf32>,
    %broadcast_in_dim3A_592 = arith.constant 1.000000e+00 : f32
    %broadcast_in_dim3A_593 = vector.broadcast %broadcast_in_dim3A_592 : f32 to vector<16xf32>
    %swap3A_594 = arith.constant 1584 : index
    %swap3A_595 = tpu.vector_load %arg6[%swap3A_594] {strides = array<i32>} : memref<2048xf32, #tpu.memory_space<vmem>>, vector<16xf32>,
    %swap3A_596 = vector.shape_cast %swap3A_595 : vector<16xf32> to vector<16xf32>
    %swap3A_597 = vector.shape_cast %broadcast_in_dim3A_593 : vector<16xf32> to vector<16xf32>
    tpu.vector_store %arg6[%swap3A_594], %swap3A_597 {strides = array<i32>} : memref<2048xf32, #tpu.memory_space<vmem>>, vector<16xf32>,
    %broadcast_in_dim3A_598 = arith.constant 1.000000e+00 : f32
    %broadcast_in_dim3A_599 = vector.broadcast %broadcast_in_dim3A_598 : f32 to vector<16xf32>
    %swap3A_600 = arith.constant 1600 : index
    %swap3A_601 = tpu.vector_load %arg6[%swap3A_600] {strides = array<i32>} : memref<2048xf32, #tpu.memory_space<vmem>>, vector<16xf32>,
    %swap3A_602 = vector.shape_cast %swap3A_601 : vector<16xf32> to vector<16xf32>
    %swap3A_603 = vector.shape_cast %broadcast_in_dim3A_599 : vector<16xf32> to vector<16xf32>
    tpu.vector_store %arg6[%swap3A_600], %swap3A_603 {strides = array<i32>} : memref<2048xf32, #tpu.memory_space<vmem>>, vector<16xf32>,
    %broadcast_in_dim3A_604 = arith.constant 1.000000e+00 : f32
    %broadcast_in_dim3A_605 = vector.broadcast %broadcast_in_dim3A_604 : f32 to vector<16xf32>
    %swap3A_606 = arith.constant 1616 : index
    %swap3A_607 = tpu.vector_load %arg6[%swap3A_606] {strides = array<i32>} : memref<2048xf32, #tpu.memory_space<vmem>>, vector<16xf32>,
    %swap3A_608 = vector.shape_cast %swap3A_607 : vector<16xf32> to vector<16xf32>
    %swap3A_609 = vector.shape_cast %broadcast_in_dim3A_605 : vector<16xf32> to vector<16xf32>
    tpu.vector_store %arg6[%swap3A_606], %swap3A_609 {strides = array<i32>} : memref<2048xf32, #tpu.memory_space<vmem>>, vector<16xf32>,
    %broadcast_in_dim3A_610 = arith.constant 1.000000e+00 : f32
    %broadcast_in_dim3A_611 = vector.broadcast %broadcast_in_dim3A_610 : f32 to vector<16xf32>
    %swap3A_612 = arith.constant 1632 : index
    %swap3A_613 = tpu.vector_load %arg6[%swap3A_612] {strides = array<i32>} : memref<2048xf32, #tpu.memory_space<vmem>>, vector<16xf32>,
    %swap3A_614 = vector.shape_cast %swap3A_613 : vector<16xf32> to vector<16xf32>
    %swap3A_615 = vector.shape_cast %broadcast_in_dim3A_611 : vector<16xf32> to vector<16xf32>
    tpu.vector_store %arg6[%swap3A_612], %swap3A_615 {strides = array<i32>} : memref<2048xf32, #tpu.memory_space<vmem>>, vector<16xf32>,
    %broadcast_in_dim3A_616 = arith.constant 1.000000e+00 : f32
    %broadcast_in_dim3A_617 = vector.broadcast %broadcast_in_dim3A_616 : f32 to vector<16xf32>
    %swap3A_618 = arith.constant 1648 : index
    %swap3A_619 = tpu.vector_load %arg6[%swap3A_618] {strides = array<i32>} : memref<2048xf32, #tpu.memory_space<vmem>>, vector<16xf32>,
    %swap3A_620 = vector.shape_cast %swap3A_619 : vector<16xf32> to vector<16xf32>
    %swap3A_621 = vector.shape_cast %broadcast_in_dim3A_617 : vector<16xf32> to vector<16xf32>
    tpu.vector_store %arg6[%swap3A_618], %swap3A_621 {strides = array<i32>} : memref<2048xf32, #tpu.memory_space<vmem>>, vector<16xf32>,
    %broadcast_in_dim3A_622 = arith.constant 1.000000e+00 : f32
    %broadcast_in_dim3A_623 = vector.broadcast %broadcast_in_dim3A_622 : f32 to vector<16xf32>
    %swap3A_624 = arith.constant 1664 : index
    %swap3A_625 = tpu.vector_load %arg6[%swap3A_624] {strides = array<i32>} : memref<2048xf32, #tpu.memory_space<vmem>>, vector<16xf32>,
    %swap3A_626 = vector.shape_cast %swap3A_625 : vector<16xf32> to vector<16xf32>
    %swap3A_627 = vector.shape_cast %broadcast_in_dim3A_623 : vector<16xf32> to vector<16xf32>
    tpu.vector_store %arg6[%swap3A_624], %swap3A_627 {strides = array<i32>} : memref<2048xf32, #tpu.memory_space<vmem>>, vector<16xf32>,
    %broadcast_in_dim3A_628 = arith.constant 1.000000e+00 : f32
    %broadcast_in_dim3A_629 = vector.broadcast %broadcast_in_dim3A_628 : f32 to vector<16xf32>
    %swap3A_630 = arith.constant 1680 : index
    %swap3A_631 = tpu.vector_load %arg6[%swap3A_630] {strides = array<i32>} : memref<2048xf32, #tpu.memory_space<vmem>>, vector<16xf32>,
    %swap3A_632 = vector.shape_cast %swap3A_631 : vector<16xf32> to vector<16xf32>
    %swap3A_633 = vector.shape_cast %broadcast_in_dim3A_629 : vector<16xf32> to vector<16xf32>
    tpu.vector_store %arg6[%swap3A_630], %swap3A_633 {strides = array<i32>} : memref<2048xf32, #tpu.memory_space<vmem>>, vector<16xf32>,
    %broadcast_in_dim3A_634 = arith.constant 1.000000e+00 : f32
    %broadcast_in_dim3A_635 = vector.broadcast %broadcast_in_dim3A_634 : f32 to vector<16xf32>
    %swap3A_636 = arith.constant 1696 : index
    %swap3A_637 = tpu.vector_load %arg6[%swap3A_636] {strides = array<i32>} : memref<2048xf32, #tpu.memory_space<vmem>>, vector<16xf32>,
    %swap3A_638 = vector.shape_cast %swap3A_637 : vector<16xf32> to vector<16xf32>
    %swap3A_639 = vector.shape_cast %broadcast_in_dim3A_635 : vector<16xf32> to vector<16xf32>
    tpu.vector_store %arg6[%swap3A_636], %swap3A_639 {strides = array<i32>} : memref<2048xf32, #tpu.memory_space<vmem>>, vector<16xf32>,
    %broadcast_in_dim3A_640 = arith.constant 1.000000e+00 : f32
    %broadcast_in_dim3A_641 = vector.broadcast %broadcast_in_dim3A_640 : f32 to vector<16xf32>
    %swap3A_642 = arith.constant 1712 : index
    %swap3A_643 = tpu.vector_load %arg6[%swap3A_642] {strides = array<i32>} : memref<2048xf32, #tpu.memory_space<vmem>>, vector<16xf32>,
    %swap3A_644 = vector.shape_cast %swap3A_643 : vector<16xf32> to vector<16xf32>
    %swap3A_645 = vector.shape_cast %broadcast_in_dim3A_641 : vector<16xf32> to vector<16xf32>
    tpu.vector_store %arg6[%swap3A_642], %swap3A_645 {strides = array<i32>} : memref<2048xf32, #tpu.memory_space<vmem>>, vector<16xf32>,
    %broadcast_in_dim3A_646 = arith.constant 1.000000e+00 : f32
    %broadcast_in_dim3A_647 = vector.broadcast %broadcast_in_dim3A_646 : f32 to vector<16xf32>
    %swap3A_648 = arith.constant 1728 : index
    %swap3A_649 = tpu.vector_load %arg6[%swap3A_648] {strides = array<i32>} : memref<2048xf32, #tpu.memory_space<vmem>>, vector<16xf32>,
    %swap3A_650 = vector.shape_cast %swap3A_649 : vector<16xf32> to vector<16xf32>
    %swap3A_651 = vector.shape_cast %broadcast_in_dim3A_647 : vector<16xf32> to vector<16xf32>
    tpu.vector_store %arg6[%swap3A_648], %swap3A_651 {strides = array<i32>} : memref<2048xf32, #tpu.memory_space<vmem>>, vector<16xf32>,
    %broadcast_in_dim3A_652 = arith.constant 1.000000e+00 : f32
    %broadcast_in_dim3A_653 = vector.broadcast %broadcast_in_dim3A_652 : f32 to vector<16xf32>
    %swap3A_654 = arith.constant 1744 : index
    %swap3A_655 = tpu.vector_load %arg6[%swap3A_654] {strides = array<i32>} : memref<2048xf32, #tpu.memory_space<vmem>>, vector<16xf32>,
    %swap3A_656 = vector.shape_cast %swap3A_655 : vector<16xf32> to vector<16xf32>
    %swap3A_657 = vector.shape_cast %broadcast_in_dim3A_653 : vector<16xf32> to vector<16xf32>
    tpu.vector_store %arg6[%swap3A_654], %swap3A_657 {strides = array<i32>} : memref<2048xf32, #tpu.memory_space<vmem>>, vector<16xf32>,
    %broadcast_in_dim3A_658 = arith.constant 1.000000e+00 : f32
    %broadcast_in_dim3A_659 = vector.broadcast %broadcast_in_dim3A_658 : f32 to vector<16xf32>
    %swap3A_660 = arith.constant 1760 : index
    %swap3A_661 = tpu.vector_load %arg6[%swap3A_660] {strides = array<i32>} : memref<2048xf32, #tpu.memory_space<vmem>>, vector<16xf32>,
    %swap3A_662 = vector.shape_cast %swap3A_661 : vector<16xf32> to vector<16xf32>
    %swap3A_663 = vector.shape_cast %broadcast_in_dim3A_659 : vector<16xf32> to vector<16xf32>
    tpu.vector_store %arg6[%swap3A_660], %swap3A_663 {strides = array<i32>} : memref<2048xf32, #tpu.memory_space<vmem>>, vector<16xf32>,
    %broadcast_in_dim3A_664 = arith.constant 1.000000e+00 : f32
    %broadcast_in_dim3A_665 = vector.broadcast %broadcast_in_dim3A_664 : f32 to vector<16xf32>
    %swap3A_666 = arith.constant 1776 : index
    %swap3A_667 = tpu.vector_load %arg6[%swap3A_666] {strides = array<i32>} : memref<2048xf32, #tpu.memory_space<vmem>>, vector<16xf32>,
    %swap3A_668 = vector.shape_cast %swap3A_667 : vector<16xf32> to vector<16xf32>
    %swap3A_669 = vector.shape_cast %broadcast_in_dim3A_665 : vector<16xf32> to vector<16xf32>
    tpu.vector_store %arg6[%swap3A_666], %swap3A_669 {strides = array<i32>} : memref<2048xf32, #tpu.memory_space<vmem>>, vector<16xf32>,
    %broadcast_in_dim3A_670 = arith.constant 1.000000e+00 : f32
    %broadcast_in_dim3A_671 = vector.broadcast %broadcast_in_dim3A_670 : f32 to vector<16xf32>
    %swap3A_672 = arith.constant 1792 : index
    %swap3A_673 = tpu.vector_load %arg6[%swap3A_672] {strides = array<i32>} : memref<2048xf32, #tpu.memory_space<vmem>>, vector<16xf32>,
    %swap3A_674 = vector.shape_cast %swap3A_673 : vector<16xf32> to vector<16xf32>
    %swap3A_675 = vector.shape_cast %broadcast_in_dim3A_671 : vector<16xf32> to vector<16xf32>
    tpu.vector_store %arg6[%swap3A_672], %swap3A_675 {strides = array<i32>} : memref<2048xf32, #tpu.memory_space<vmem>>, vector<16xf32>,
    %broadcast_in_dim3A_676 = arith.constant 1.000000e+00 : f32
    %broadcast_in_dim3A_677 = vector.broadcast %broadcast_in_dim3A_676 : f32 to vector<16xf32>
    %swap3A_678 = arith.constant 1808 : index
    %swap3A_679 = tpu.vector_load %arg6[%swap3A_678] {strides = array<i32>} : memref<2048xf32, #tpu.memory_space<vmem>>, vector<16xf32>,
    %swap3A_680 = vector.shape_cast %swap3A_679 : vector<16xf32> to vector<16xf32>
    %swap3A_681 = vector.shape_cast %broadcast_in_dim3A_677 : vector<16xf32> to vector<16xf32>
    tpu.vector_store %arg6[%swap3A_678], %swap3A_681 {strides = array<i32>} : memref<2048xf32, #tpu.memory_space<vmem>>, vector<16xf32>,
    %broadcast_in_dim3A_682 = arith.constant 1.000000e+00 : f32
    %broadcast_in_dim3A_683 = vector.broadcast %broadcast_in_dim3A_682 : f32 to vector<16xf32>
    %swap3A_684 = arith.constant 1824 : index
    %swap3A_685 = tpu.vector_load %arg6[%swap3A_684] {strides = array<i32>} : memref<2048xf32, #tpu.memory_space<vmem>>, vector<16xf32>,
    %swap3A_686 = vector.shape_cast %swap3A_685 : vector<16xf32> to vector<16xf32>
    %swap3A_687 = vector.shape_cast %broadcast_in_dim3A_683 : vector<16xf32> to vector<16xf32>
    tpu.vector_store %arg6[%swap3A_684], %swap3A_687 {strides = array<i32>} : memref<2048xf32, #tpu.memory_space<vmem>>, vector<16xf32>,
    %broadcast_in_dim3A_688 = arith.constant 1.000000e+00 : f32
    %broadcast_in_dim3A_689 = vector.broadcast %broadcast_in_dim3A_688 : f32 to vector<16xf32>
    %swap3A_690 = arith.constant 1840 : index
    %swap3A_691 = tpu.vector_load %arg6[%swap3A_690] {strides = array<i32>} : memref<2048xf32, #tpu.memory_space<vmem>>, vector<16xf32>,
    %swap3A_692 = vector.shape_cast %swap3A_691 : vector<16xf32> to vector<16xf32>
    %swap3A_693 = vector.shape_cast %broadcast_in_dim3A_689 : vector<16xf32> to vector<16xf32>
    tpu.vector_store %arg6[%swap3A_690], %swap3A_693 {strides = array<i32>} : memref<2048xf32, #tpu.memory_space<vmem>>, vector<16xf32>,
    %broadcast_in_dim3A_694 = arith.constant 1.000000e+00 : f32
    %broadcast_in_dim3A_695 = vector.broadcast %broadcast_in_dim3A_694 : f32 to vector<16xf32>
    %swap3A_696 = arith.constant 1856 : index
    %swap3A_697 = tpu.vector_load %arg6[%swap3A_696] {strides = array<i32>} : memref<2048xf32, #tpu.memory_space<vmem>>, vector<16xf32>,
    %swap3A_698 = vector.shape_cast %swap3A_697 : vector<16xf32> to vector<16xf32>
    %swap3A_699 = vector.shape_cast %broadcast_in_dim3A_695 : vector<16xf32> to vector<16xf32>
    tpu.vector_store %arg6[%swap3A_696], %swap3A_699 {strides = array<i32>} : memref<2048xf32, #tpu.memory_space<vmem>>, vector<16xf32>,
    %broadcast_in_dim3A_700 = arith.constant 1.000000e+00 : f32
    %broadcast_in_dim3A_701 = vector.broadcast %broadcast_in_dim3A_700 : f32 to vector<16xf32>
    %swap3A_702 = arith.constant 1872 : index
    %swap3A_703 = tpu.vector_load %arg6[%swap3A_702] {strides = array<i32>} : memref<2048xf32, #tpu.memory_space<vmem>>, vector<16xf32>,
    %swap3A_704 = vector.shape_cast %swap3A_703 : vector<16xf32> to vector<16xf32>
    %swap3A_705 = vector.shape_cast %broadcast_in_dim3A_701 : vector<16xf32> to vector<16xf32>
    tpu.vector_store %arg6[%swap3A_702], %swap3A_705 {strides = array<i32>} : memref<2048xf32, #tpu.memory_space<vmem>>, vector<16xf32>,
    %broadcast_in_dim3A_706 = arith.constant 1.000000e+00 : f32
    %broadcast_in_dim3A_707 = vector.broadcast %broadcast_in_dim3A_706 : f32 to vector<16xf32>
    %swap3A_708 = arith.constant 1888 : index
    %swap3A_709 = tpu.vector_load %arg6[%swap3A_708] {strides = array<i32>} : memref<2048xf32, #tpu.memory_space<vmem>>, vector<16xf32>,
    %swap3A_710 = vector.shape_cast %swap3A_709 : vector<16xf32> to vector<16xf32>
    %swap3A_711 = vector.shape_cast %broadcast_in_dim3A_707 : vector<16xf32> to vector<16xf32>
    tpu.vector_store %arg6[%swap3A_708], %swap3A_711 {strides = array<i32>} : memref<2048xf32, #tpu.memory_space<vmem>>, vector<16xf32>,
    %broadcast_in_dim3A_712 = arith.constant 1.000000e+00 : f32
    %broadcast_in_dim3A_713 = vector.broadcast %broadcast_in_dim3A_712 : f32 to vector<16xf32>
    %swap3A_714 = arith.constant 1904 : index
    %swap3A_715 = tpu.vector_load %arg6[%swap3A_714] {strides = array<i32>} : memref<2048xf32, #tpu.memory_space<vmem>>, vector<16xf32>,
    %swap3A_716 = vector.shape_cast %swap3A_715 : vector<16xf32> to vector<16xf32>
    %swap3A_717 = vector.shape_cast %broadcast_in_dim3A_713 : vector<16xf32> to vector<16xf32>
    tpu.vector_store %arg6[%swap3A_714], %swap3A_717 {strides = array<i32>} : memref<2048xf32, #tpu.memory_space<vmem>>, vector<16xf32>,
    %broadcast_in_dim3A_718 = arith.constant 1.000000e+00 : f32
    %broadcast_in_dim3A_719 = vector.broadcast %broadcast_in_dim3A_718 : f32 to vector<16xf32>
    %swap3A_720 = arith.constant 1920 : index
    %swap3A_721 = tpu.vector_load %arg6[%swap3A_720] {strides = array<i32>} : memref<2048xf32, #tpu.memory_space<vmem>>, vector<16xf32>,
    %swap3A_722 = vector.shape_cast %swap3A_721 : vector<16xf32> to vector<16xf32>
    %swap3A_723 = vector.shape_cast %broadcast_in_dim3A_719 : vector<16xf32> to vector<16xf32>
    tpu.vector_store %arg6[%swap3A_720], %swap3A_723 {strides = array<i32>} : memref<2048xf32, #tpu.memory_space<vmem>>, vector<16xf32>,
    %broadcast_in_dim3A_724 = arith.constant 1.000000e+00 : f32
    %broadcast_in_dim3A_725 = vector.broadcast %broadcast_in_dim3A_724 : f32 to vector<16xf32>
    %swap3A_726 = arith.constant 1936 : index
    %swap3A_727 = tpu.vector_load %arg6[%swap3A_726] {strides = array<i32>} : memref<2048xf32, #tpu.memory_space<vmem>>, vector<16xf32>,
    %swap3A_728 = vector.shape_cast %swap3A_727 : vector<16xf32> to vector<16xf32>
    %swap3A_729 = vector.shape_cast %broadcast_in_dim3A_725 : vector<16xf32> to vector<16xf32>
    tpu.vector_store %arg6[%swap3A_726], %swap3A_729 {strides = array<i32>} : memref<2048xf32, #tpu.memory_space<vmem>>, vector<16xf32>,
    %broadcast_in_dim3A_730 = arith.constant 1.000000e+00 : f32
    %broadcast_in_dim3A_731 = vector.broadcast %broadcast_in_dim3A_730 : f32 to vector<16xf32>
    %swap3A_732 = arith.constant 1952 : index
    %swap3A_733 = tpu.vector_load %arg6[%swap3A_732] {strides = array<i32>} : memref<2048xf32, #tpu.memory_space<vmem>>, vector<16xf32>,
    %swap3A_734 = vector.shape_cast %swap3A_733 : vector<16xf32> to vector<16xf32>
    %swap3A_735 = vector.shape_cast %broadcast_in_dim3A_731 : vector<16xf32> to vector<16xf32>
    tpu.vector_store %arg6[%swap3A_732], %swap3A_735 {strides = array<i32>} : memref<2048xf32, #tpu.memory_space<vmem>>, vector<16xf32>,
    %broadcast_in_dim3A_736 = arith.constant 1.000000e+00 : f32
    %broadcast_in_dim3A_737 = vector.broadcast %broadcast_in_dim3A_736 : f32 to vector<16xf32>
    %swap3A_738 = arith.constant 1968 : index
    %swap3A_739 = tpu.vector_load %arg6[%swap3A_738] {strides = array<i32>} : memref<2048xf32, #tpu.memory_space<vmem>>, vector<16xf32>,
    %swap3A_740 = vector.shape_cast %swap3A_739 : vector<16xf32> to vector<16xf32>
    %swap3A_741 = vector.shape_cast %broadcast_in_dim3A_737 : vector<16xf32> to vector<16xf32>
    tpu.vector_store %arg6[%swap3A_738], %swap3A_741 {strides = array<i32>} : memref<2048xf32, #tpu.memory_space<vmem>>, vector<16xf32>,
    %broadcast_in_dim3A_742 = arith.constant 1.000000e+00 : f32
    %broadcast_in_dim3A_743 = vector.broadcast %broadcast_in_dim3A_742 : f32 to vector<16xf32>
    %swap3A_744 = arith.constant 1984 : index
    %swap3A_745 = tpu.vector_load %arg6[%swap3A_744] {strides = array<i32>} : memref<2048xf32, #tpu.memory_space<vmem>>, vector<16xf32>,
    %swap3A_746 = vector.shape_cast %swap3A_745 : vector<16xf32> to vector<16xf32>
    %swap3A_747 = vector.shape_cast %broadcast_in_dim3A_743 : vector<16xf32> to vector<16xf32>
    tpu.vector_store %arg6[%swap3A_744], %swap3A_747 {strides = array<i32>} : memref<2048xf32, #tpu.memory_space<vmem>>, vector<16xf32>,
    %broadcast_in_dim3A_748 = arith.constant 1.000000e+00 : f32
    %broadcast_in_dim3A_749 = vector.broadcast %broadcast_in_dim3A_748 : f32 to vector<16xf32>
    %swap3A_750 = arith.constant 2000 : index
    %swap3A_751 = tpu.vector_load %arg6[%swap3A_750] {strides = array<i32>} : memref<2048xf32, #tpu.memory_space<vmem>>, vector<16xf32>,
    %swap3A_752 = vector.shape_cast %swap3A_751 : vector<16xf32> to vector<16xf32>
    %swap3A_753 = vector.shape_cast %broadcast_in_dim3A_749 : vector<16xf32> to vector<16xf32>
    tpu.vector_store %arg6[%swap3A_750], %swap3A_753 {strides = array<i32>} : memref<2048xf32, #tpu.memory_space<vmem>>, vector<16xf32>,
    %broadcast_in_dim3A_754 = arith.constant 1.000000e+00 : f32
    %broadcast_in_dim3A_755 = vector.broadcast %broadcast_in_dim3A_754 : f32 to vector<16xf32>
    %swap3A_756 = arith.constant 2016 : index
    %swap3A_757 = tpu.vector_load %arg6[%swap3A_756] {strides = array<i32>} : memref<2048xf32, #tpu.memory_space<vmem>>, vector<16xf32>,
    %swap3A_758 = vector.shape_cast %swap3A_757 : vector<16xf32> to vector<16xf32>
    %swap3A_759 = vector.shape_cast %broadcast_in_dim3A_755 : vector<16xf32> to vector<16xf32>
    tpu.vector_store %arg6[%swap3A_756], %swap3A_759 {strides = array<i32>} : memref<2048xf32, #tpu.memory_space<vmem>>, vector<16xf32>,
    %broadcast_in_dim3A_760 = arith.constant 1.000000e+00 : f32
    %broadcast_in_dim3A_761 = vector.broadcast %broadcast_in_dim3A_760 : f32 to vector<16xf32>
    %swap3A_762 = arith.constant 2032 : index
    %swap3A_763 = tpu.vector_load %arg6[%swap3A_762] {strides = array<i32>} : memref<2048xf32, #tpu.memory_space<vmem>>, vector<16xf32>,
    %swap3A_764 = vector.shape_cast %swap3A_763 : vector<16xf32> to vector<16xf32>
    %swap3A_765 = vector.shape_cast %broadcast_in_dim3A_761 : vector<16xf32> to vector<16xf32>
    tpu.vector_store %arg6[%swap3A_762], %swap3A_765 {strides = array<i32>} : memref<2048xf32, #tpu.memory_space<vmem>>, vector<16xf32>,
    %mul3A = arith.constant 6400 : i32
    %mul3A_766 = arith.muli %arg1, %mul3A : i32
    "tpu.region"() ({
      %run_scoped3A = tpu.sem_alloc : memref<!tpu.dma_semaphore, #tpu.memory_space<semaphore_mem>>
      %dma_start3A_859 = tpu.memref_slice %arg9[%mul3A_766] : memref<102400xf32, #tpu.memory_space<vmem_shared>> -> memref<6400xf32, #tpu.memory_space<vmem_shared>>
      tpu.enqueue_dma source(%arg3 : memref<6400xf32, #tpu.memory_space<hbm>>) target(%dma_start3A_859 : memref<6400xf32, #tpu.memory_space<vmem_shared>>) target_semaphore(%run_scoped3A : memref<!tpu.dma_semaphore, #tpu.memory_space<semaphore_mem>>)
      %dma_wait3A_860 = tpu.memref_slice %arg9[%mul3A_766] : memref<102400xf32, #tpu.memory_space<vmem_shared>> -> memref<6400xf32, #tpu.memory_space<vmem_shared>>
      tpu.wait_dma2 semaphore(%run_scoped3A : memref<!tpu.dma_semaphore, #tpu.memory_space<semaphore_mem>>) src(%arg3 : memref<6400xf32, #tpu.memory_space<hbm>>) dst(%dma_wait3A_860 : memref<6400xf32, #tpu.memory_space<vmem_shared>>)
      tpu.yield
    }) : () -> ()
    %barrier3A = arith.constant 0 : index
    tpu.barrier barrier_id(%barrier3A)
    %mul3A_767 = arith.constant 99 : i32
    %mul3A_768 = arith.muli %arg1, %mul3A_767 : i32
    %scan3A = arith.constant 0 : i32
    %scan3A_769 = arith.constant 0 : i32
    %scan3A_770 = arith.constant 33 : i32
    %scan3A_771 = arith.addi %scan3A_769, %scan3A_770 : i32
    %scan3A_772 = arith.constant 1 : i32
    %scan3A_773 = scf.for %scan3A_859 = %scan3A_769 to %scan3A_771 step %scan3A_772 iter_args(%scan3A_860 = %scan3A) -> (i32)  : i32 {
      %ge3A = arith.constant 1 : i32
      %ge3A_861 = arith.cmpi sge, %scan3A_859, %ge3A : i32
      %convert_element_type3A = arith.extui %ge3A_861 : i1 to i32
      %cond3A = arith.constant 0 : i32
      %cond3A_862 = arith.cmpi ne, %convert_element_type3A, %cond3A : i32
      scf.if %cond3A_862 {
        %dma_wait3A_958 = arith.constant 0 : i32
        %dma_wait3A_959 = arith.constant 0 : i32
        %dma_wait3A_960 = tpu.memref_slice %arg5[%dma_wait3A_958, %dma_wait3A_959] : memref<3x2048xi32, #tpu.memory_space<vmem>> -> memref<1x2048xi32, #tpu.memory_space<vmem>>
        %dma_wait3A_961 = tpu.memref_squeeze %dma_wait3A_960 : memref<1x2048xi32, #tpu.memory_space<vmem>> -> memref<2048xi32, #tpu.memory_space<vmem>>
        %dma_wait3A_962 = arith.constant 0 : i32
        %dma_wait3A_963 = tpu.memref_slice %arg9[%dma_wait3A_962] : memref<102400xf32, #tpu.memory_space<vmem_shared>> -> memref<102400xf32, #tpu.memory_space<vmem_shared>>
        tpu.wait_indirect_dma semaphore(%arg13 : memref<!tpu.dma_semaphore, #tpu.memory_space<semaphore_mem>>) src(%arg6 : memref<2048xf32, #tpu.memory_space<vmem>>) dst(%dma_wait3A_963 : memref<102400xf32, #tpu.memory_space<vmem_shared>>)
      } else {
      }
      %mul3A_863 = arith.constant 3 : i32
      %mul3A_864 = arith.muli %scan3A_859, %mul3A_863 : i32
      %add3A_865 = arith.addi %mul3A_768, %mul3A_864 : i32
      %add3A_866 = arith.constant 0 : i32
      %add3A_867 = arith.addi %add3A_865, %add3A_866 : i32
      %dma_start3A_868 = arith.constant 0 : i32
      %dma_start3A_869 = arith.constant 0 : i32
      %dma_start3A_870 = tpu.memref_slice %arg5[%dma_start3A_868, %dma_start3A_869] : memref<3x2048xi32, #tpu.memory_space<vmem>> -> memref<1x2048xi32, #tpu.memory_space<vmem>>
      %dma_start3A_871 = tpu.memref_squeeze %dma_start3A_870 : memref<1x2048xi32, #tpu.memory_space<vmem>> -> memref<2048xi32, #tpu.memory_space<vmem>>
      %dma_start3A_872 = arith.constant 0 : i32
      %dma_start3A_873 = tpu.memref_slice %arg2[%add3A_867, %dma_start3A_872] : memref<1584x2048xi32, #tpu.memory_space<hbm>> -> memref<1x2048xi32, #tpu.memory_space<hbm>>
      %dma_start3A_874 = tpu.memref_squeeze %dma_start3A_873 : memref<1x2048xi32, #tpu.memory_space<hbm>> -> memref<2048xi32, #tpu.memory_space<hbm>>
      %dma_start3A_875 = arith.constant 0 : i32
      %dma_start3A_876 = tpu.memref_slice %arg5[%dma_start3A_868, %dma_start3A_875] : memref<3x2048xi32, #tpu.memory_space<vmem>> -> memref<1x2048xi32, #tpu.memory_space<vmem>>
      %dma_start3A_877 = tpu.memref_squeeze %dma_start3A_876 : memref<1x2048xi32, #tpu.memory_space<vmem>> -> memref<2048xi32, #tpu.memory_space<vmem>>
      %dma_start3A_878 = arith.constant 0 : i32
      %dma_start3A_879 = tpu.memref_slice %arg2[%add3A_867, %dma_start3A_878] : memref<1584x2048xi32, #tpu.memory_space<hbm>> -> memref<1x2048xi32, #tpu.memory_space<hbm>>
      %dma_start3A_880 = tpu.memref_squeeze %dma_start3A_879 : memref<1x2048xi32, #tpu.memory_space<hbm>> -> memref<2048xi32, #tpu.memory_space<hbm>>
      tpu.enqueue_dma source(%dma_start3A_880 : memref<2048xi32, #tpu.memory_space<hbm>>) target(%dma_start3A_877 : memref<2048xi32, #tpu.memory_space<vmem>>) target_semaphore(%arg10 : memref<!tpu.dma_semaphore, #tpu.memory_space<semaphore_mem>>)
      %ge3A_881 = arith.constant 1 : i32
      %ge3A_882 = arith.cmpi sge, %scan3A_859, %ge3A_881 : i32
      %convert_element_type3A_883 = arith.extui %ge3A_882 : i1 to i32
      %cond3A_884 = arith.constant 0 : i32
      %cond3A_885 = arith.cmpi ne, %convert_element_type3A_883, %cond3A_884 : i32
      scf.if %cond3A_885 {
        %dma_wait3A_958 = arith.constant 0 : i32
        %dma_wait3A_959 = arith.constant 1 : i32
        %dma_wait3A_960 = arith.constant 0 : i32
        %dma_wait3A_961 = tpu.memref_slice %arg5[%dma_wait3A_959, %dma_wait3A_960] : memref<3x2048xi32, #tpu.memory_space<vmem>> -> memref<1x2048xi32, #tpu.memory_space<vmem>>
        %dma_wait3A_962 = tpu.memref_squeeze %dma_wait3A_961 : memref<1x2048xi32, #tpu.memory_space<vmem>> -> memref<2048xi32, #tpu.memory_space<vmem>>
        %dma_wait3A_963 = arith.constant 0 : i32
        %dma_wait3A_964 = tpu.memref_slice %arg2[%dma_wait3A_958, %dma_wait3A_963] : memref<1584x2048xi32, #tpu.memory_space<hbm>> -> memref<1x2048xi32, #tpu.memory_space<hbm>>
        %dma_wait3A_965 = tpu.memref_squeeze %dma_wait3A_964 : memref<1x2048xi32, #tpu.memory_space<hbm>> -> memref<2048xi32, #tpu.memory_space<hbm>>
        %dma_wait3A_966 = arith.constant 0 : i32
        %dma_wait3A_967 = tpu.memref_slice %arg5[%dma_wait3A_959, %dma_wait3A_966] : memref<3x2048xi32, #tpu.memory_space<vmem>> -> memref<1x2048xi32, #tpu.memory_space<vmem>>
        %dma_wait3A_968 = tpu.memref_squeeze %dma_wait3A_967 : memref<1x2048xi32, #tpu.memory_space<vmem>> -> memref<2048xi32, #tpu.memory_space<vmem>>
        %dma_wait3A_969 = arith.constant 0 : i32
        %dma_wait3A_970 = tpu.memref_slice %arg2[%dma_wait3A_958, %dma_wait3A_969] : memref<1584x2048xi32, #tpu.memory_space<hbm>> -> memref<1x2048xi32, #tpu.memory_space<hbm>>
        %dma_wait3A_971 = tpu.memref_squeeze %dma_wait3A_970 : memref<1x2048xi32, #tpu.memory_space<hbm>> -> memref<2048xi32, #tpu.memory_space<hbm>>
        tpu.wait_dma2 semaphore(%arg11 : memref<!tpu.dma_semaphore, #tpu.memory_space<semaphore_mem>>) src(%dma_wait3A_971 : memref<2048xi32, #tpu.memory_space<hbm>>) dst(%dma_wait3A_968 : memref<2048xi32, #tpu.memory_space<vmem>>)
        %dma_start3A_972 = arith.constant 1 : i32
        %dma_start3A_973 = arith.constant 0 : i32
        %dma_start3A_974 = tpu.memref_slice %arg5[%dma_start3A_972, %dma_start3A_973] : memref<3x2048xi32, #tpu.memory_space<vmem>> -> memref<1x2048xi32, #tpu.memory_space<vmem>>
        %dma_start3A_975 = tpu.memref_squeeze %dma_start3A_974 : memref<1x2048xi32, #tpu.memory_space<vmem>> -> memref<2048xi32, #tpu.memory_space<vmem>>
        %dma_start3A_976 = arith.constant 0 : i32
        %dma_start3A_977 = tpu.memref_slice %arg9[%dma_start3A_976] : memref<102400xf32, #tpu.memory_space<vmem_shared>> -> memref<102400xf32, #tpu.memory_space<vmem_shared>>
        tpu.enqueue_indirect_dma source(%arg6 : memref<2048xf32, #tpu.memory_space<vmem>>) target(%dma_start3A_977 : memref<102400xf32, #tpu.memory_space<vmem_shared>>) offsets(%dma_start3A_975 : memref<2048xi32, #tpu.memory_space<vmem>>) semaphore(%arg14 : memref<!tpu.dma_semaphore, #tpu.memory_space<semaphore_mem>>) {add = true}
      } else {
      }
      %ge3A_886 = arith.constant 1 : i32
      %ge3A_887 = arith.cmpi sge, %scan3A_859, %ge3A_886 : i32
      %convert_element_type3A_888 = arith.extui %ge3A_887 : i1 to i32
      %cond3A_889 = arith.constant 0 : i32
      %cond3A_890 = arith.cmpi ne, %convert_element_type3A_888, %cond3A_889 : i32
      scf.if %cond3A_890 {
        %dma_wait3A_958 = arith.constant 1 : i32
        %dma_wait3A_959 = arith.constant 0 : i32
        %dma_wait3A_960 = tpu.memref_slice %arg5[%dma_wait3A_958, %dma_wait3A_959] : memref<3x2048xi32, #tpu.memory_space<vmem>> -> memref<1x2048xi32, #tpu.memory_space<vmem>>
        %dma_wait3A_961 = tpu.memref_squeeze %dma_wait3A_960 : memref<1x2048xi32, #tpu.memory_space<vmem>> -> memref<2048xi32, #tpu.memory_space<vmem>>
        %dma_wait3A_962 = arith.constant 0 : i32
        %dma_wait3A_963 = tpu.memref_slice %arg9[%dma_wait3A_962] : memref<102400xf32, #tpu.memory_space<vmem_shared>> -> memref<102400xf32, #tpu.memory_space<vmem_shared>>
        tpu.wait_indirect_dma semaphore(%arg14 : memref<!tpu.dma_semaphore, #tpu.memory_space<semaphore_mem>>) src(%arg6 : memref<2048xf32, #tpu.memory_space<vmem>>) dst(%dma_wait3A_963 : memref<102400xf32, #tpu.memory_space<vmem_shared>>)
      } else {
      }
      %mul3A_891 = arith.constant 3 : i32
      %mul3A_892 = arith.muli %scan3A_859, %mul3A_891 : i32
      %add3A_893 = arith.addi %mul3A_768, %mul3A_892 : i32
      %add3A_894 = arith.constant 1 : i32
      %add3A_895 = arith.addi %add3A_893, %add3A_894 : i32
      %dma_start3A_896 = arith.constant 1 : i32
      %dma_start3A_897 = arith.constant 0 : i32
      %dma_start3A_898 = tpu.memref_slice %arg5[%dma_start3A_896, %dma_start3A_897] : memref<3x2048xi32, #tpu.memory_space<vmem>> -> memref<1x2048xi32, #tpu.memory_space<vmem>>
      %dma_start3A_899 = tpu.memref_squeeze %dma_start3A_898 : memref<1x2048xi32, #tpu.memory_space<vmem>> -> memref<2048xi32, #tpu.memory_space<vmem>>
      %dma_start3A_900 = arith.constant 0 : i32
      %dma_start3A_901 = tpu.memref_slice %arg2[%add3A_895, %dma_start3A_900] : memref<1584x2048xi32, #tpu.memory_space<hbm>> -> memref<1x2048xi32, #tpu.memory_space<hbm>>
      %dma_start3A_902 = tpu.memref_squeeze %dma_start3A_901 : memref<1x2048xi32, #tpu.memory_space<hbm>> -> memref<2048xi32, #tpu.memory_space<hbm>>
      %dma_start3A_903 = arith.constant 0 : i32
      %dma_start3A_904 = tpu.memref_slice %arg5[%dma_start3A_896, %dma_start3A_903] : memref<3x2048xi32, #tpu.memory_space<vmem>> -> memref<1x2048xi32, #tpu.memory_space<vmem>>
      %dma_start3A_905 = tpu.memref_squeeze %dma_start3A_904 : memref<1x2048xi32, #tpu.memory_space<vmem>> -> memref<2048xi32, #tpu.memory_space<vmem>>
      %dma_start3A_906 = arith.constant 0 : i32
      %dma_start3A_907 = tpu.memref_slice %arg2[%add3A_895, %dma_start3A_906] : memref<1584x2048xi32, #tpu.memory_space<hbm>> -> memref<1x2048xi32, #tpu.memory_space<hbm>>
      %dma_start3A_908 = tpu.memref_squeeze %dma_start3A_907 : memref<1x2048xi32, #tpu.memory_space<hbm>> -> memref<2048xi32, #tpu.memory_space<hbm>>
      tpu.enqueue_dma source(%dma_start3A_908 : memref<2048xi32, #tpu.memory_space<hbm>>) target(%dma_start3A_905 : memref<2048xi32, #tpu.memory_space<vmem>>) target_semaphore(%arg11 : memref<!tpu.dma_semaphore, #tpu.memory_space<semaphore_mem>>)
      %ge3A_909 = arith.constant 1 : i32
      %ge3A_910 = arith.cmpi sge, %scan3A_859, %ge3A_909 : i32
      %convert_element_type3A_911 = arith.extui %ge3A_910 : i1 to i32
      %cond3A_912 = arith.constant 0 : i32
      %cond3A_913 = arith.cmpi ne, %convert_element_type3A_911, %cond3A_912 : i32
      scf.if %cond3A_913 {
        %dma_wait3A_958 = arith.constant 0 : i32
        %dma_wait3A_959 = arith.constant 2 : i32
        %dma_wait3A_960 = arith.constant 0 : i32
        %dma_wait3A_961 = tpu.memref_slice %arg5[%dma_wait3A_959, %dma_wait3A_960] : memref<3x2048xi32, #tpu.memory_space<vmem>> -> memref<1x2048xi32, #tpu.memory_space<vmem>>
        %dma_wait3A_962 = tpu.memref_squeeze %dma_wait3A_961 : memref<1x2048xi32, #tpu.memory_space<vmem>> -> memref<2048xi32, #tpu.memory_space<vmem>>
        %dma_wait3A_963 = arith.constant 0 : i32
        %dma_wait3A_964 = tpu.memref_slice %arg2[%dma_wait3A_958, %dma_wait3A_963] : memref<1584x2048xi32, #tpu.memory_space<hbm>> -> memref<1x2048xi32, #tpu.memory_space<hbm>>
        %dma_wait3A_965 = tpu.memref_squeeze %dma_wait3A_964 : memref<1x2048xi32, #tpu.memory_space<hbm>> -> memref<2048xi32, #tpu.memory_space<hbm>>
        %dma_wait3A_966 = arith.constant 0 : i32
        %dma_wait3A_967 = tpu.memref_slice %arg5[%dma_wait3A_959, %dma_wait3A_966] : memref<3x2048xi32, #tpu.memory_space<vmem>> -> memref<1x2048xi32, #tpu.memory_space<vmem>>
        %dma_wait3A_968 = tpu.memref_squeeze %dma_wait3A_967 : memref<1x2048xi32, #tpu.memory_space<vmem>> -> memref<2048xi32, #tpu.memory_space<vmem>>
        %dma_wait3A_969 = arith.constant 0 : i32
        %dma_wait3A_970 = tpu.memref_slice %arg2[%dma_wait3A_958, %dma_wait3A_969] : memref<1584x2048xi32, #tpu.memory_space<hbm>> -> memref<1x2048xi32, #tpu.memory_space<hbm>>
        %dma_wait3A_971 = tpu.memref_squeeze %dma_wait3A_970 : memref<1x2048xi32, #tpu.memory_space<hbm>> -> memref<2048xi32, #tpu.memory_space<hbm>>
        tpu.wait_dma2 semaphore(%arg12 : memref<!tpu.dma_semaphore, #tpu.memory_space<semaphore_mem>>) src(%dma_wait3A_971 : memref<2048xi32, #tpu.memory_space<hbm>>) dst(%dma_wait3A_968 : memref<2048xi32, #tpu.memory_space<vmem>>)
        %dma_start3A_972 = arith.constant 2 : i32
        %dma_start3A_973 = arith.constant 0 : i32
        %dma_start3A_974 = tpu.memref_slice %arg5[%dma_start3A_972, %dma_start3A_973] : memref<3x2048xi32, #tpu.memory_space<vmem>> -> memref<1x2048xi32, #tpu.memory_space<vmem>>
        %dma_start3A_975 = tpu.memref_squeeze %dma_start3A_974 : memref<1x2048xi32, #tpu.memory_space<vmem>> -> memref<2048xi32, #tpu.memory_space<vmem>>
        %dma_start3A_976 = arith.constant 0 : i32
        %dma_start3A_977 = tpu.memref_slice %arg9[%dma_start3A_976] : memref<102400xf32, #tpu.memory_space<vmem_shared>> -> memref<102400xf32, #tpu.memory_space<vmem_shared>>
        tpu.enqueue_indirect_dma source(%arg6 : memref<2048xf32, #tpu.memory_space<vmem>>) target(%dma_start3A_977 : memref<102400xf32, #tpu.memory_space<vmem_shared>>) offsets(%dma_start3A_975 : memref<2048xi32, #tpu.memory_space<vmem>>) semaphore(%arg15 : memref<!tpu.dma_semaphore, #tpu.memory_space<semaphore_mem>>) {add = true}
      } else {
      }
      %ge3A_914 = arith.constant 1 : i32
      %ge3A_915 = arith.cmpi sge, %scan3A_859, %ge3A_914 : i32
      %convert_element_type3A_916 = arith.extui %ge3A_915 : i1 to i32
      %cond3A_917 = arith.constant 0 : i32
      %cond3A_918 = arith.cmpi ne, %convert_element_type3A_916, %cond3A_917 : i32
      scf.if %cond3A_918 {
        %dma_wait3A_958 = arith.constant 2 : i32
        %dma_wait3A_959 = arith.constant 0 : i32
        %dma_wait3A_960 = tpu.memref_slice %arg5[%dma_wait3A_958, %dma_wait3A_959] : memref<3x2048xi32, #tpu.memory_space<vmem>> -> memref<1x2048xi32, #tpu.memory_space<vmem>>
        %dma_wait3A_961 = tpu.memref_squeeze %dma_wait3A_960 : memref<1x2048xi32, #tpu.memory_space<vmem>> -> memref<2048xi32, #tpu.memory_space<vmem>>
        %dma_wait3A_962 = arith.constant 0 : i32
        %dma_wait3A_963 = tpu.memref_slice %arg9[%dma_wait3A_962] : memref<102400xf32, #tpu.memory_space<vmem_shared>> -> memref<102400xf32, #tpu.memory_space<vmem_shared>>
        tpu.wait_indirect_dma semaphore(%arg15 : memref<!tpu.dma_semaphore, #tpu.memory_space<semaphore_mem>>) src(%arg6 : memref<2048xf32, #tpu.memory_space<vmem>>) dst(%dma_wait3A_963 : memref<102400xf32, #tpu.memory_space<vmem_shared>>)
      } else {
      }
      %mul3A_919 = arith.constant 3 : i32
      %mul3A_920 = arith.muli %scan3A_859, %mul3A_919 : i32
      %add3A_921 = arith.addi %mul3A_768, %mul3A_920 : i32
      %add3A_922 = arith.constant 2 : i32
      %add3A_923 = arith.addi %add3A_921, %add3A_922 : i32
      %dma_start3A_924 = arith.constant 2 : i32
      %dma_start3A_925 = arith.constant 0 : i32
      %dma_start3A_926 = tpu.memref_slice %arg5[%dma_start3A_924, %dma_start3A_925] : memref<3x2048xi32, #tpu.memory_space<vmem>> -> memref<1x2048xi32, #tpu.memory_space<vmem>>
      %dma_start3A_927 = tpu.memref_squeeze %dma_start3A_926 : memref<1x2048xi32, #tpu.memory_space<vmem>> -> memref<2048xi32, #tpu.memory_space<vmem>>
      %dma_start3A_928 = arith.constant 0 : i32
      %dma_start3A_929 = tpu.memref_slice %arg2[%add3A_923, %dma_start3A_928] : memref<1584x2048xi32, #tpu.memory_space<hbm>> -> memref<1x2048xi32, #tpu.memory_space<hbm>>
      %dma_start3A_930 = tpu.memref_squeeze %dma_start3A_929 : memref<1x2048xi32, #tpu.memory_space<hbm>> -> memref<2048xi32, #tpu.memory_space<hbm>>
      %dma_start3A_931 = arith.constant 0 : i32
      %dma_start3A_932 = tpu.memref_slice %arg5[%dma_start3A_924, %dma_start3A_931] : memref<3x2048xi32, #tpu.memory_space<vmem>> -> memref<1x2048xi32, #tpu.memory_space<vmem>>
      %dma_start3A_933 = tpu.memref_squeeze %dma_start3A_932 : memref<1x2048xi32, #tpu.memory_space<vmem>> -> memref<2048xi32, #tpu.memory_space<vmem>>
      %dma_start3A_934 = arith.constant 0 : i32
      %dma_start3A_935 = tpu.memref_slice %arg2[%add3A_923, %dma_start3A_934] : memref<1584x2048xi32, #tpu.memory_space<hbm>> -> memref<1x2048xi32, #tpu.memory_space<hbm>>
      %dma_start3A_936 = tpu.memref_squeeze %dma_start3A_935 : memref<1x2048xi32, #tpu.memory_space<hbm>> -> memref<2048xi32, #tpu.memory_space<hbm>>
      tpu.enqueue_dma source(%dma_start3A_936 : memref<2048xi32, #tpu.memory_space<hbm>>) target(%dma_start3A_933 : memref<2048xi32, #tpu.memory_space<vmem>>) target_semaphore(%arg12 : memref<!tpu.dma_semaphore, #tpu.memory_space<semaphore_mem>>)
      %dma_wait3A_937 = arith.constant 0 : i32
      %dma_wait3A_938 = arith.constant 0 : i32
      %dma_wait3A_939 = arith.constant 0 : i32
      %dma_wait3A_940 = tpu.memref_slice %arg5[%dma_wait3A_938, %dma_wait3A_939] : memref<3x2048xi32, #tpu.memory_space<vmem>> -> memref<1x2048xi32, #tpu.memory_space<vmem>>
      %dma_wait3A_941 = tpu.memref_squeeze %dma_wait3A_940 : memref<1x2048xi32, #tpu.memory_space<vmem>> -> memref<2048xi32, #tpu.memory_space<vmem>>
      %dma_wait3A_942 = arith.constant 0 : i32
      %dma_wait3A_943 = tpu.memref_slice %arg2[%dma_wait3A_937, %dma_wait3A_942] : memref<1584x2048xi32, #tpu.memory_space<hbm>> -> memref<1x2048xi32, #tpu.memory_space<hbm>>
      %dma_wait3A_944 = tpu.memref_squeeze %dma_wait3A_943 : memref<1x2048xi32, #tpu.memory_space<hbm>> -> memref<2048xi32, #tpu.memory_space<hbm>>
      %dma_wait3A_945 = arith.constant 0 : i32
      %dma_wait3A_946 = tpu.memref_slice %arg5[%dma_wait3A_938, %dma_wait3A_945] : memref<3x2048xi32, #tpu.memory_space<vmem>> -> memref<1x2048xi32, #tpu.memory_space<vmem>>
      %dma_wait3A_947 = tpu.memref_squeeze %dma_wait3A_946 : memref<1x2048xi32, #tpu.memory_space<vmem>> -> memref<2048xi32, #tpu.memory_space<vmem>>
      %dma_wait3A_948 = arith.constant 0 : i32
      %dma_wait3A_949 = tpu.memref_slice %arg2[%dma_wait3A_937, %dma_wait3A_948] : memref<1584x2048xi32, #tpu.memory_space<hbm>> -> memref<1x2048xi32, #tpu.memory_space<hbm>>
      %dma_wait3A_950 = tpu.memref_squeeze %dma_wait3A_949 : memref<1x2048xi32, #tpu.memory_space<hbm>> -> memref<2048xi32, #tpu.memory_space<hbm>>
      tpu.wait_dma2 semaphore(%arg10 : memref<!tpu.dma_semaphore, #tpu.memory_space<semaphore_mem>>) src(%dma_wait3A_950 : memref<2048xi32, #tpu.memory_space<hbm>>) dst(%dma_wait3A_947 : memref<2048xi32, #tpu.memory_space<vmem>>)
      %dma_start3A_951 = arith.constant 0 : i32
      %dma_start3A_952 = arith.constant 0 : i32
      %dma_start3A_953 = tpu.memref_slice %arg5[%dma_start3A_951, %dma_start3A_952] : memref<3x2048xi32, #tpu.memory_space<vmem>> -> memref<1x2048xi32, #tpu.memory_space<vmem>>
      %dma_start3A_954 = tpu.memref_squeeze %dma_start3A_953 : memref<1x2048xi32, #tpu.memory_space<vmem>> -> memref<2048xi32, #tpu.memory_space<vmem>>
      %dma_start3A_955 = arith.constant 0 : i32
      %dma_start3A_956 = tpu.memref_slice %arg9[%dma_start3A_955] : memref<102400xf32, #tpu.memory_space<vmem_shared>> -> memref<102400xf32, #tpu.memory_space<vmem_shared>>
      tpu.enqueue_indirect_dma source(%arg6 : memref<2048xf32, #tpu.memory_space<vmem>>) target(%dma_start3A_956 : memref<102400xf32, #tpu.memory_space<vmem_shared>>) offsets(%dma_start3A_954 : memref<2048xi32, #tpu.memory_space<vmem>>) semaphore(%arg13 : memref<!tpu.dma_semaphore, #tpu.memory_space<semaphore_mem>>) {add = true}
      %scan3A_957 = arith.constant 0 : i32
      scf.yield %scan3A_957 : i32
    }
    %scan3A_774 = arith.constant 33 : i32
    %dma_wait3A = arith.constant 0 : i32
    %dma_wait3A_775 = arith.constant 1 : i32
    %dma_wait3A_776 = arith.constant 0 : i32
    %dma_wait3A_777 = tpu.memref_slice %arg5[%dma_wait3A_775, %dma_wait3A_776] : memref<3x2048xi32, #tpu.memory_space<vmem>> -> memref<1x2048xi32, #tpu.memory_space<vmem>>
    %dma_wait3A_778 = tpu.memref_squeeze %dma_wait3A_777 : memref<1x2048xi32, #tpu.memory_space<vmem>> -> memref<2048xi32, #tpu.memory_space<vmem>>
    %dma_wait3A_779 = arith.constant 0 : i32
    %dma_wait3A_780 = tpu.memref_slice %arg2[%dma_wait3A, %dma_wait3A_779] : memref<1584x2048xi32, #tpu.memory_space<hbm>> -> memref<1x2048xi32, #tpu.memory_space<hbm>>
    %dma_wait3A_781 = tpu.memref_squeeze %dma_wait3A_780 : memref<1x2048xi32, #tpu.memory_space<hbm>> -> memref<2048xi32, #tpu.memory_space<hbm>>
    %dma_wait3A_782 = arith.constant 0 : i32
    %dma_wait3A_783 = tpu.memref_slice %arg5[%dma_wait3A_775, %dma_wait3A_782] : memref<3x2048xi32, #tpu.memory_space<vmem>> -> memref<1x2048xi32, #tpu.memory_space<vmem>>
    %dma_wait3A_784 = tpu.memref_squeeze %dma_wait3A_783 : memref<1x2048xi32, #tpu.memory_space<vmem>> -> memref<2048xi32, #tpu.memory_space<vmem>>
    %dma_wait3A_785 = arith.constant 0 : i32
    %dma_wait3A_786 = tpu.memref_slice %arg2[%dma_wait3A, %dma_wait3A_785] : memref<1584x2048xi32, #tpu.memory_space<hbm>> -> memref<1x2048xi32, #tpu.memory_space<hbm>>
    %dma_wait3A_787 = tpu.memref_squeeze %dma_wait3A_786 : memref<1x2048xi32, #tpu.memory_space<hbm>> -> memref<2048xi32, #tpu.memory_space<hbm>>
    tpu.wait_dma2 semaphore(%arg11 : memref<!tpu.dma_semaphore, #tpu.memory_space<semaphore_mem>>) src(%dma_wait3A_787 : memref<2048xi32, #tpu.memory_space<hbm>>) dst(%dma_wait3A_784 : memref<2048xi32, #tpu.memory_space<vmem>>)
    %dma_start3A = arith.constant 1 : i32
    %dma_start3A_788 = arith.constant 0 : i32
    %dma_start3A_789 = tpu.memref_slice %arg5[%dma_start3A, %dma_start3A_788] : memref<3x2048xi32, #tpu.memory_space<vmem>> -> memref<1x2048xi32, #tpu.memory_space<vmem>>
    %dma_start3A_790 = tpu.memref_squeeze %dma_start3A_789 : memref<1x2048xi32, #tpu.memory_space<vmem>> -> memref<2048xi32, #tpu.memory_space<vmem>>
    %dma_start3A_791 = arith.constant 0 : i32
    %dma_start3A_792 = tpu.memref_slice %arg9[%dma_start3A_791] : memref<102400xf32, #tpu.memory_space<vmem_shared>> -> memref<102400xf32, #tpu.memory_space<vmem_shared>>
    tpu.enqueue_indirect_dma source(%arg6 : memref<2048xf32, #tpu.memory_space<vmem>>) target(%dma_start3A_792 : memref<102400xf32, #tpu.memory_space<vmem_shared>>) offsets(%dma_start3A_790 : memref<2048xi32, #tpu.memory_space<vmem>>) semaphore(%arg14 : memref<!tpu.dma_semaphore, #tpu.memory_space<semaphore_mem>>) {add = true}
    %dma_wait3A_793 = arith.constant 0 : i32
    %dma_wait3A_794 = arith.constant 2 : i32
    %dma_wait3A_795 = arith.constant 0 : i32
    %dma_wait3A_796 = tpu.memref_slice %arg5[%dma_wait3A_794, %dma_wait3A_795] : memref<3x2048xi32, #tpu.memory_space<vmem>> -> memref<1x2048xi32, #tpu.memory_space<vmem>>
    %dma_wait3A_797 = tpu.memref_squeeze %dma_wait3A_796 : memref<1x2048xi32, #tpu.memory_space<vmem>> -> memref<2048xi32, #tpu.memory_space<vmem>>
    %dma_wait3A_798 = arith.constant 0 : i32
    %dma_wait3A_799 = tpu.memref_slice %arg2[%dma_wait3A_793, %dma_wait3A_798] : memref<1584x2048xi32, #tpu.memory_space<hbm>> -> memref<1x2048xi32, #tpu.memory_space<hbm>>
    %dma_wait3A_800 = tpu.memref_squeeze %dma_wait3A_799 : memref<1x2048xi32, #tpu.memory_space<hbm>> -> memref<2048xi32, #tpu.memory_space<hbm>>
    %dma_wait3A_801 = arith.constant 0 : i32
    %dma_wait3A_802 = tpu.memref_slice %arg5[%dma_wait3A_794, %dma_wait3A_801] : memref<3x2048xi32, #tpu.memory_space<vmem>> -> memref<1x2048xi32, #tpu.memory_space<vmem>>
    %dma_wait3A_803 = tpu.memref_squeeze %dma_wait3A_802 : memref<1x2048xi32, #tpu.memory_space<vmem>> -> memref<2048xi32, #tpu.memory_space<vmem>>
    %dma_wait3A_804 = arith.constant 0 : i32
    %dma_wait3A_805 = tpu.memref_slice %arg2[%dma_wait3A_793, %dma_wait3A_804] : memref<1584x2048xi32, #tpu.memory_space<hbm>> -> memref<1x2048xi32, #tpu.memory_space<hbm>>
    %dma_wait3A_806 = tpu.memref_squeeze %dma_wait3A_805 : memref<1x2048xi32, #tpu.memory_space<hbm>> -> memref<2048xi32, #tpu.memory_space<hbm>>
    tpu.wait_dma2 semaphore(%arg12 : memref<!tpu.dma_semaphore, #tpu.memory_space<semaphore_mem>>) src(%dma_wait3A_806 : memref<2048xi32, #tpu.memory_space<hbm>>) dst(%dma_wait3A_803 : memref<2048xi32, #tpu.memory_space<vmem>>)
    %dma_start3A_807 = arith.constant 2 : i32
    %dma_start3A_808 = arith.constant 0 : i32
    %dma_start3A_809 = tpu.memref_slice %arg5[%dma_start3A_807, %dma_start3A_808] : memref<3x2048xi32, #tpu.memory_space<vmem>> -> memref<1x2048xi32, #tpu.memory_space<vmem>>
    %dma_start3A_810 = tpu.memref_squeeze %dma_start3A_809 : memref<1x2048xi32, #tpu.memory_space<vmem>> -> memref<2048xi32, #tpu.memory_space<vmem>>
    %dma_start3A_811 = arith.constant 0 : i32
    %dma_start3A_812 = tpu.memref_slice %arg9[%dma_start3A_811] : memref<102400xf32, #tpu.memory_space<vmem_shared>> -> memref<102400xf32, #tpu.memory_space<vmem_shared>>
    tpu.enqueue_indirect_dma source(%arg6 : memref<2048xf32, #tpu.memory_space<vmem>>) target(%dma_start3A_812 : memref<102400xf32, #tpu.memory_space<vmem_shared>>) offsets(%dma_start3A_810 : memref<2048xi32, #tpu.memory_space<vmem>>) semaphore(%arg15 : memref<!tpu.dma_semaphore, #tpu.memory_space<semaphore_mem>>) {add = true}
    %dma_wait3A_813 = arith.constant 0 : i32
    %dma_wait3A_814 = arith.constant 0 : i32
    %dma_wait3A_815 = tpu.memref_slice %arg5[%dma_wait3A_813, %dma_wait3A_814] : memref<3x2048xi32, #tpu.memory_space<vmem>> -> memref<1x2048xi32, #tpu.memory_space<vmem>>
    %dma_wait3A_816 = tpu.memref_squeeze %dma_wait3A_815 : memref<1x2048xi32, #tpu.memory_space<vmem>> -> memref<2048xi32, #tpu.memory_space<vmem>>
    %dma_wait3A_817 = arith.constant 0 : i32
    %dma_wait3A_818 = tpu.memref_slice %arg9[%dma_wait3A_817] : memref<102400xf32, #tpu.memory_space<vmem_shared>> -> memref<102400xf32, #tpu.memory_space<vmem_shared>>
    tpu.wait_indirect_dma semaphore(%arg13 : memref<!tpu.dma_semaphore, #tpu.memory_space<semaphore_mem>>) src(%arg6 : memref<2048xf32, #tpu.memory_space<vmem>>) dst(%dma_wait3A_818 : memref<102400xf32, #tpu.memory_space<vmem_shared>>)
    %dma_wait3A_819 = arith.constant 1 : i32
    %dma_wait3A_820 = arith.constant 0 : i32
    %dma_wait3A_821 = tpu.memref_slice %arg5[%dma_wait3A_819, %dma_wait3A_820] : memref<3x2048xi32, #tpu.memory_space<vmem>> -> memref<1x2048xi32, #tpu.memory_space<vmem>>
    %dma_wait3A_822 = tpu.memref_squeeze %dma_wait3A_821 : memref<1x2048xi32, #tpu.memory_space<vmem>> -> memref<2048xi32, #tpu.memory_space<vmem>>
    %dma_wait3A_823 = arith.constant 0 : i32
    %dma_wait3A_824 = tpu.memref_slice %arg9[%dma_wait3A_823] : memref<102400xf32, #tpu.memory_space<vmem_shared>> -> memref<102400xf32, #tpu.memory_space<vmem_shared>>
    tpu.wait_indirect_dma semaphore(%arg14 : memref<!tpu.dma_semaphore, #tpu.memory_space<semaphore_mem>>) src(%arg6 : memref<2048xf32, #tpu.memory_space<vmem>>) dst(%dma_wait3A_824 : memref<102400xf32, #tpu.memory_space<vmem_shared>>)
    %dma_wait3A_825 = arith.constant 2 : i32
    %dma_wait3A_826 = arith.constant 0 : i32
    %dma_wait3A_827 = tpu.memref_slice %arg5[%dma_wait3A_825, %dma_wait3A_826] : memref<3x2048xi32, #tpu.memory_space<vmem>> -> memref<1x2048xi32, #tpu.memory_space<vmem>>
    %dma_wait3A_828 = tpu.memref_squeeze %dma_wait3A_827 : memref<1x2048xi32, #tpu.memory_space<vmem>> -> memref<2048xi32, #tpu.memory_space<vmem>>
    %dma_wait3A_829 = arith.constant 0 : i32
    %dma_wait3A_830 = tpu.memref_slice %arg9[%dma_wait3A_829] : memref<102400xf32, #tpu.memory_space<vmem_shared>> -> memref<102400xf32, #tpu.memory_space<vmem_shared>>
    tpu.wait_indirect_dma semaphore(%arg15 : memref<!tpu.dma_semaphore, #tpu.memory_space<semaphore_mem>>) src(%arg6 : memref<2048xf32, #tpu.memory_space<vmem>>) dst(%dma_wait3A_830 : memref<102400xf32, #tpu.memory_space<vmem_shared>>)
    %barrier3A_831 = arith.constant 0 : index
    tpu.barrier barrier_id(%barrier3A_831)
    %mul3A_832 = arith.constant 16 : i32
    %mul3A_833 = arith.muli %arg0, %mul3A_832 : i32
    %add3A = arith.addi %mul3A_833, %arg1 : i32
    %mul3A_834 = arith.constant 3200 : i32
    %mul3A_835 = arith.muli %add3A, %mul3A_834 : i32
    "tpu.region"() ({
      %run_scoped3A = tpu.sem_alloc : memref<!tpu.dma_semaphore, #tpu.memory_space<semaphore_mem>>
      %dma_start3A_859 = tpu.memref_slice %arg9[%mul3A_835] : memref<102400xf32, #tpu.memory_space<vmem_shared>> -> memref<3200xf32, #tpu.memory_space<vmem_shared>>
      %dma_start3A_860 = tpu.memref_slice %arg9[%mul3A_835] : memref<102400xf32, #tpu.memory_space<vmem_shared>> -> memref<3200xf32, #tpu.memory_space<vmem_shared>>
      tpu.enqueue_dma source(%dma_start3A_860 : memref<3200xf32, #tpu.memory_space<vmem_shared>>) target(%arg7 : memref<3200xf32, #tpu.memory_space<vmem>>) target_semaphore(%run_scoped3A : memref<!tpu.dma_semaphore, #tpu.memory_space<semaphore_mem>>)
      %dma_wait3A_861 = tpu.memref_slice %arg9[%mul3A_835] : memref<102400xf32, #tpu.memory_space<vmem_shared>> -> memref<3200xf32, #tpu.memory_space<vmem_shared>>
      %dma_wait3A_862 = tpu.memref_slice %arg9[%mul3A_835] : memref<102400xf32, #tpu.memory_space<vmem_shared>> -> memref<3200xf32, #tpu.memory_space<vmem_shared>>
      tpu.wait_dma2 semaphore(%run_scoped3A : memref<!tpu.dma_semaphore, #tpu.memory_space<semaphore_mem>>) src(%dma_wait3A_862 : memref<3200xf32, #tpu.memory_space<vmem_shared>>) dst(%arg7 : memref<3200xf32, #tpu.memory_space<vmem>>)
      tpu.yield
    }) : () -> ()
    %scan3A_836 = arith.constant 0 : i32
    %scan3A_837 = arith.constant 0 : i32
    %scan3A_838 = arith.constant 200 : i32
    %scan3A_839 = arith.addi %scan3A_837, %scan3A_838 : i32
    %scan3A_840 = arith.constant 1 : i32
    %scan3A_841 = scf.for %scan3A_859 = %scan3A_837 to %scan3A_839 step %scan3A_840 iter_args(%scan3A_860 = %scan3A_836) -> (i32)  : i32 {
      %mul3A_861 = arith.constant 16 : i32
      %mul3A_862 = arith.muli %scan3A_859, %mul3A_861 : i32
      %get3A = arith.index_cast %mul3A_862 : i32 to index
      %get3A_863 = tpu.vector_load %arg7[%get3A] {strides = array<i32>} : memref<3200xf32, #tpu.memory_space<vmem>>, vector<16xf32>,
      %get3A_864 = vector.shape_cast %get3A_863 : vector<16xf32> to vector<16xf32>
      %add3A_865 = arith.constant 1.000000e+00 : f32
      %add3A_866 = vector.broadcast %add3A_865 : f32 to vector<16xf32>
      %add3A_867 = arith.addf %get3A_864, %add3A_866 : vector<16xf32>
      %bitcast_convert_type3A = tpu.bitcast %add3A_867 : vector<16xf32> -> vector<16xi32>
      %shift_right_arithmetic3A = arith.constant 1 : i32
      %shift_right_arithmetic3A_868 = vector.broadcast %shift_right_arithmetic3A : i32 to vector<16xi32>
      %shift_right_arithmetic3A_869 = arith.shrsi %bitcast_convert_type3A, %shift_right_arithmetic3A_868 : vector<16xi32>
      %sub3A_870 = arith.constant 1597463007 : i32
      %sub3A_871 = vector.broadcast %sub3A_870 : i32 to vector<16xi32>
      %sub3A_872 = arith.subi %sub3A_871, %shift_right_arithmetic3A_869 : vector<16xi32>
      %bitcast_convert_type3A_873 = tpu.bitcast %sub3A_872 : vector<16xi32> -> vector<16xf32>
      %mul3A_874 = arith.constant 5.000000e-01 : f32
      %mul3A_875 = vector.broadcast %mul3A_874 : f32 to vector<16xf32>
      %mul3A_876 = arith.mulf %mul3A_875, %add3A_867 : vector<16xf32>
      %mul3A_877 = arith.mulf %mul3A_876, %bitcast_convert_type3A_873 : vector<16xf32>
      %mul3A_878 = arith.mulf %mul3A_877, %bitcast_convert_type3A_873 : vector<16xf32>
      %sub3A_879 = arith.constant 1.500000e+00 : f32
      %sub3A_880 = vector.broadcast %sub3A_879 : f32 to vector<16xf32>
      %sub3A_881 = arith.subf %sub3A_880, %mul3A_878 : vector<16xf32>
      %mul3A_882 = arith.mulf %bitcast_convert_type3A_873, %sub3A_881 : vector<16xf32>
      %mul3A_883 = arith.constant 5.000000e-01 : f32
      %mul3A_884 = vector.broadcast %mul3A_883 : f32 to vector<16xf32>
      %mul3A_885 = arith.mulf %mul3A_884, %add3A_867 : vector<16xf32>
      %mul3A_886 = arith.mulf %mul3A_885, %mul3A_882 : vector<16xf32>
      %mul3A_887 = arith.mulf %mul3A_886, %mul3A_882 : vector<16xf32>
      %sub3A_888 = arith.constant 1.500000e+00 : f32
      %sub3A_889 = vector.broadcast %sub3A_888 : f32 to vector<16xf32>
      %sub3A_890 = arith.subf %sub3A_889, %mul3A_887 : vector<16xf32>
      %mul3A_891 = arith.mulf %mul3A_882, %sub3A_890 : vector<16xf32>
      %mul3A_892 = arith.constant 5.000000e-01 : f32
      %mul3A_893 = vector.broadcast %mul3A_892 : f32 to vector<16xf32>
      %mul3A_894 = arith.mulf %mul3A_893, %add3A_867 : vector<16xf32>
      %mul3A_895 = arith.mulf %mul3A_894, %mul3A_891 : vector<16xf32>
      %mul3A_896 = arith.mulf %mul3A_895, %mul3A_891 : vector<16xf32>
      %sub3A_897 = arith.constant 1.500000e+00 : f32
      %sub3A_898 = vector.broadcast %sub3A_897 : f32 to vector<16xf32>
      %sub3A_899 = arith.subf %sub3A_898, %mul3A_896 : vector<16xf32>
      %mul3A_900 = arith.mulf %mul3A_891, %sub3A_899 : vector<16xf32>
      %mul3A_901 = arith.constant 2 : i32
      %mul3A_902 = arith.muli %mul3A_901, %scan3A_859 : i32
      %add3A_903 = arith.constant 0 : i32
      %add3A_904 = arith.addi %mul3A_902, %add3A_903 : i32
      %slice3A = vector.extract_strided_slice %mul3A_900 {offsets = [0], sizes = [1], strides = [1]} : vector<16xf32> to vector<1xf32>
      %squeeze3A = vector.extract %slice3A[0] : f32 from vector<1xf32>
      %broadcast_in_dim3A_905 = vector.broadcast %squeeze3A : f32 to vector<16xf32>
      %swap3A_906 = arith.index_cast %add3A_904 : i32 to index
      %swap3A_907 = arith.constant 0 : index
      %swap3A_908 = tpu.vector_load %arg8[%swap3A_906, %swap3A_907] {strides = array<i32>} : memref<400x128xf32, #tpu.memory_space<vmem>>, vector<1x16xf32>,
      %swap3A_909 = vector.shape_cast %swap3A_908 : vector<1x16xf32> to vector<16xf32>
      %swap3A_910 = vector.shape_cast %broadcast_in_dim3A_905 : vector<16xf32> to vector<1x16xf32>
      tpu.vector_store %arg8[%swap3A_906, %swap3A_907], %swap3A_910 {strides = array<i32>} : memref<400x128xf32, #tpu.memory_space<vmem>>, vector<1x16xf32>,
      %mul3A_911 = arith.constant 2 : i32
      %mul3A_912 = arith.muli %mul3A_911, %scan3A_859 : i32
      %add3A_913 = arith.constant 0 : i32
      %add3A_914 = arith.addi %mul3A_912, %add3A_913 : i32
      %slice3A_915 = vector.extract_strided_slice %mul3A_900 {offsets = [1], sizes = [1], strides = [1]} : vector<16xf32> to vector<1xf32>
      %squeeze3A_916 = vector.extract %slice3A_915[0] : f32 from vector<1xf32>
      %broadcast_in_dim3A_917 = vector.broadcast %squeeze3A_916 : f32 to vector<16xf32>
      %swap3A_918 = arith.index_cast %add3A_914 : i32 to index
      %swap3A_919 = arith.constant 16 : index
      %swap3A_920 = tpu.vector_load %arg8[%swap3A_918, %swap3A_919] {strides = array<i32>} : memref<400x128xf32, #tpu.memory_space<vmem>>, vector<1x16xf32>,
      %swap3A_921 = vector.shape_cast %swap3A_920 : vector<1x16xf32> to vector<16xf32>
      %swap3A_922 = vector.shape_cast %broadcast_in_dim3A_917 : vector<16xf32> to vector<1x16xf32>
      tpu.vector_store %arg8[%swap3A_918, %swap3A_919], %swap3A_922 {strides = array<i32>} : memref<400x128xf32, #tpu.memory_space<vmem>>, vector<1x16xf32>,
      %mul3A_923 = arith.constant 2 : i32
      %mul3A_924 = arith.muli %mul3A_923, %scan3A_859 : i32
      %add3A_925 = arith.constant 0 : i32
      %add3A_926 = arith.addi %mul3A_924, %add3A_925 : i32
      %slice3A_927 = vector.extract_strided_slice %mul3A_900 {offsets = [2], sizes = [1], strides = [1]} : vector<16xf32> to vector<1xf32>
      %squeeze3A_928 = vector.extract %slice3A_927[0] : f32 from vector<1xf32>
      %broadcast_in_dim3A_929 = vector.broadcast %squeeze3A_928 : f32 to vector<16xf32>
      %swap3A_930 = arith.index_cast %add3A_926 : i32 to index
      %swap3A_931 = arith.constant 32 : index
      %swap3A_932 = tpu.vector_load %arg8[%swap3A_930, %swap3A_931] {strides = array<i32>} : memref<400x128xf32, #tpu.memory_space<vmem>>, vector<1x16xf32>,
      %swap3A_933 = vector.shape_cast %swap3A_932 : vector<1x16xf32> to vector<16xf32>
      %swap3A_934 = vector.shape_cast %broadcast_in_dim3A_929 : vector<16xf32> to vector<1x16xf32>
      tpu.vector_store %arg8[%swap3A_930, %swap3A_931], %swap3A_934 {strides = array<i32>} : memref<400x128xf32, #tpu.memory_space<vmem>>, vector<1x16xf32>,
      %mul3A_935 = arith.constant 2 : i32
      %mul3A_936 = arith.muli %mul3A_935, %scan3A_859 : i32
      %add3A_937 = arith.constant 0 : i32
      %add3A_938 = arith.addi %mul3A_936, %add3A_937 : i32
      %slice3A_939 = vector.extract_strided_slice %mul3A_900 {offsets = [3], sizes = [1], strides = [1]} : vector<16xf32> to vector<1xf32>
      %squeeze3A_940 = vector.extract %slice3A_939[0] : f32 from vector<1xf32>
      %broadcast_in_dim3A_941 = vector.broadcast %squeeze3A_940 : f32 to vector<16xf32>
      %swap3A_942 = arith.index_cast %add3A_938 : i32 to index
      %swap3A_943 = arith.constant 48 : index
      %swap3A_944 = tpu.vector_load %arg8[%swap3A_942, %swap3A_943] {strides = array<i32>} : memref<400x128xf32, #tpu.memory_space<vmem>>, vector<1x16xf32>,
      %swap3A_945 = vector.shape_cast %swap3A_944 : vector<1x16xf32> to vector<16xf32>
      %swap3A_946 = vector.shape_cast %broadcast_in_dim3A_941 : vector<16xf32> to vector<1x16xf32>
      tpu.vector_store %arg8[%swap3A_942, %swap3A_943], %swap3A_946 {strides = array<i32>} : memref<400x128xf32, #tpu.memory_space<vmem>>, vector<1x16xf32>,
      %mul3A_947 = arith.constant 2 : i32
      %mul3A_948 = arith.muli %mul3A_947, %scan3A_859 : i32
      %add3A_949 = arith.constant 0 : i32
      %add3A_950 = arith.addi %mul3A_948, %add3A_949 : i32
      %slice3A_951 = vector.extract_strided_slice %mul3A_900 {offsets = [4], sizes = [1], strides = [1]} : vector<16xf32> to vector<1xf32>
      %squeeze3A_952 = vector.extract %slice3A_951[0] : f32 from vector<1xf32>
      %broadcast_in_dim3A_953 = vector.broadcast %squeeze3A_952 : f32 to vector<16xf32>
      %swap3A_954 = arith.index_cast %add3A_950 : i32 to index
      %swap3A_955 = arith.constant 64 : index
      %swap3A_956 = tpu.vector_load %arg8[%swap3A_954, %swap3A_955] {strides = array<i32>} : memref<400x128xf32, #tpu.memory_space<vmem>>, vector<1x16xf32>,
      %swap3A_957 = vector.shape_cast %swap3A_956 : vector<1x16xf32> to vector<16xf32>
      %swap3A_958 = vector.shape_cast %broadcast_in_dim3A_953 : vector<16xf32> to vector<1x16xf32>
      tpu.vector_store %arg8[%swap3A_954, %swap3A_955], %swap3A_958 {strides = array<i32>} : memref<400x128xf32, #tpu.memory_space<vmem>>, vector<1x16xf32>,
      %mul3A_959 = arith.constant 2 : i32
      %mul3A_960 = arith.muli %mul3A_959, %scan3A_859 : i32
      %add3A_961 = arith.constant 0 : i32
      %add3A_962 = arith.addi %mul3A_960, %add3A_961 : i32
      %slice3A_963 = vector.extract_strided_slice %mul3A_900 {offsets = [5], sizes = [1], strides = [1]} : vector<16xf32> to vector<1xf32>
      %squeeze3A_964 = vector.extract %slice3A_963[0] : f32 from vector<1xf32>
      %broadcast_in_dim3A_965 = vector.broadcast %squeeze3A_964 : f32 to vector<16xf32>
      %swap3A_966 = arith.index_cast %add3A_962 : i32 to index
      %swap3A_967 = arith.constant 80 : index
      %swap3A_968 = tpu.vector_load %arg8[%swap3A_966, %swap3A_967] {strides = array<i32>} : memref<400x128xf32, #tpu.memory_space<vmem>>, vector<1x16xf32>,
      %swap3A_969 = vector.shape_cast %swap3A_968 : vector<1x16xf32> to vector<16xf32>
      %swap3A_970 = vector.shape_cast %broadcast_in_dim3A_965 : vector<16xf32> to vector<1x16xf32>
      tpu.vector_store %arg8[%swap3A_966, %swap3A_967], %swap3A_970 {strides = array<i32>} : memref<400x128xf32, #tpu.memory_space<vmem>>, vector<1x16xf32>,
      %mul3A_971 = arith.constant 2 : i32
      %mul3A_972 = arith.muli %mul3A_971, %scan3A_859 : i32
      %add3A_973 = arith.constant 0 : i32
      %add3A_974 = arith.addi %mul3A_972, %add3A_973 : i32
      %slice3A_975 = vector.extract_strided_slice %mul3A_900 {offsets = [6], sizes = [1], strides = [1]} : vector<16xf32> to vector<1xf32>
      %squeeze3A_976 = vector.extract %slice3A_975[0] : f32 from vector<1xf32>
      %broadcast_in_dim3A_977 = vector.broadcast %squeeze3A_976 : f32 to vector<16xf32>
      %swap3A_978 = arith.index_cast %add3A_974 : i32 to index
      %swap3A_979 = arith.constant 96 : index
      %swap3A_980 = tpu.vector_load %arg8[%swap3A_978, %swap3A_979] {strides = array<i32>} : memref<400x128xf32, #tpu.memory_space<vmem>>, vector<1x16xf32>,
      %swap3A_981 = vector.shape_cast %swap3A_980 : vector<1x16xf32> to vector<16xf32>
      %swap3A_982 = vector.shape_cast %broadcast_in_dim3A_977 : vector<16xf32> to vector<1x16xf32>
      tpu.vector_store %arg8[%swap3A_978, %swap3A_979], %swap3A_982 {strides = array<i32>} : memref<400x128xf32, #tpu.memory_space<vmem>>, vector<1x16xf32>,
      %mul3A_983 = arith.constant 2 : i32
      %mul3A_984 = arith.muli %mul3A_983, %scan3A_859 : i32
      %add3A_985 = arith.constant 0 : i32
      %add3A_986 = arith.addi %mul3A_984, %add3A_985 : i32
      %slice3A_987 = vector.extract_strided_slice %mul3A_900 {offsets = [7], sizes = [1], strides = [1]} : vector<16xf32> to vector<1xf32>
      %squeeze3A_988 = vector.extract %slice3A_987[0] : f32 from vector<1xf32>
      %broadcast_in_dim3A_989 = vector.broadcast %squeeze3A_988 : f32 to vector<16xf32>
      %swap3A_990 = arith.index_cast %add3A_986 : i32 to index
      %swap3A_991 = arith.constant 112 : index
      %swap3A_992 = tpu.vector_load %arg8[%swap3A_990, %swap3A_991] {strides = array<i32>} : memref<400x128xf32, #tpu.memory_space<vmem>>, vector<1x16xf32>,
      %swap3A_993 = vector.shape_cast %swap3A_992 : vector<1x16xf32> to vector<16xf32>
      %swap3A_994 = vector.shape_cast %broadcast_in_dim3A_989 : vector<16xf32> to vector<1x16xf32>
      tpu.vector_store %arg8[%swap3A_990, %swap3A_991], %swap3A_994 {strides = array<i32>} : memref<400x128xf32, #tpu.memory_space<vmem>>, vector<1x16xf32>,
      %mul3A_995 = arith.constant 2 : i32
      %mul3A_996 = arith.muli %mul3A_995, %scan3A_859 : i32
      %add3A_997 = arith.constant 1 : i32
      %add3A_998 = arith.addi %mul3A_996, %add3A_997 : i32
      %slice3A_999 = vector.extract_strided_slice %mul3A_900 {offsets = [8], sizes = [1], strides = [1]} : vector<16xf32> to vector<1xf32>
      %squeeze3A_1000 = vector.extract %slice3A_999[0] : f32 from vector<1xf32>
      %broadcast_in_dim3A_1001 = vector.broadcast %squeeze3A_1000 : f32 to vector<16xf32>
      %swap3A_1002 = arith.index_cast %add3A_998 : i32 to index
      %swap3A_1003 = arith.constant 0 : index
      %swap3A_1004 = tpu.vector_load %arg8[%swap3A_1002, %swap3A_1003] {strides = array<i32>} : memref<400x128xf32, #tpu.memory_space<vmem>>, vector<1x16xf32>,
      %swap3A_1005 = vector.shape_cast %swap3A_1004 : vector<1x16xf32> to vector<16xf32>
      %swap3A_1006 = vector.shape_cast %broadcast_in_dim3A_1001 : vector<16xf32> to vector<1x16xf32>
      tpu.vector_store %arg8[%swap3A_1002, %swap3A_1003], %swap3A_1006 {strides = array<i32>} : memref<400x128xf32, #tpu.memory_space<vmem>>, vector<1x16xf32>,
      %mul3A_1007 = arith.constant 2 : i32
      %mul3A_1008 = arith.muli %mul3A_1007, %scan3A_859 : i32
      %add3A_1009 = arith.constant 1 : i32
      %add3A_1010 = arith.addi %mul3A_1008, %add3A_1009 : i32
      %slice3A_1011 = vector.extract_strided_slice %mul3A_900 {offsets = [9], sizes = [1], strides = [1]} : vector<16xf32> to vector<1xf32>
      %squeeze3A_1012 = vector.extract %slice3A_1011[0] : f32 from vector<1xf32>
      %broadcast_in_dim3A_1013 = vector.broadcast %squeeze3A_1012 : f32 to vector<16xf32>
      %swap3A_1014 = arith.index_cast %add3A_1010 : i32 to index
      %swap3A_1015 = arith.constant 16 : index
      %swap3A_1016 = tpu.vector_load %arg8[%swap3A_1014, %swap3A_1015] {strides = array<i32>} : memref<400x128xf32, #tpu.memory_space<vmem>>, vector<1x16xf32>,
      %swap3A_1017 = vector.shape_cast %swap3A_1016 : vector<1x16xf32> to vector<16xf32>
      %swap3A_1018 = vector.shape_cast %broadcast_in_dim3A_1013 : vector<16xf32> to vector<1x16xf32>
      tpu.vector_store %arg8[%swap3A_1014, %swap3A_1015], %swap3A_1018 {strides = array<i32>} : memref<400x128xf32, #tpu.memory_space<vmem>>, vector<1x16xf32>,
      %mul3A_1019 = arith.constant 2 : i32
      %mul3A_1020 = arith.muli %mul3A_1019, %scan3A_859 : i32
      %add3A_1021 = arith.constant 1 : i32
      %add3A_1022 = arith.addi %mul3A_1020, %add3A_1021 : i32
      %slice3A_1023 = vector.extract_strided_slice %mul3A_900 {offsets = [10], sizes = [1], strides = [1]} : vector<16xf32> to vector<1xf32>
      %squeeze3A_1024 = vector.extract %slice3A_1023[0] : f32 from vector<1xf32>
      %broadcast_in_dim3A_1025 = vector.broadcast %squeeze3A_1024 : f32 to vector<16xf32>
      %swap3A_1026 = arith.index_cast %add3A_1022 : i32 to index
      %swap3A_1027 = arith.constant 32 : index
      %swap3A_1028 = tpu.vector_load %arg8[%swap3A_1026, %swap3A_1027] {strides = array<i32>} : memref<400x128xf32, #tpu.memory_space<vmem>>, vector<1x16xf32>,
      %swap3A_1029 = vector.shape_cast %swap3A_1028 : vector<1x16xf32> to vector<16xf32>
      %swap3A_1030 = vector.shape_cast %broadcast_in_dim3A_1025 : vector<16xf32> to vector<1x16xf32>
      tpu.vector_store %arg8[%swap3A_1026, %swap3A_1027], %swap3A_1030 {strides = array<i32>} : memref<400x128xf32, #tpu.memory_space<vmem>>, vector<1x16xf32>,
      %mul3A_1031 = arith.constant 2 : i32
      %mul3A_1032 = arith.muli %mul3A_1031, %scan3A_859 : i32
      %add3A_1033 = arith.constant 1 : i32
      %add3A_1034 = arith.addi %mul3A_1032, %add3A_1033 : i32
      %slice3A_1035 = vector.extract_strided_slice %mul3A_900 {offsets = [11], sizes = [1], strides = [1]} : vector<16xf32> to vector<1xf32>
      %squeeze3A_1036 = vector.extract %slice3A_1035[0] : f32 from vector<1xf32>
      %broadcast_in_dim3A_1037 = vector.broadcast %squeeze3A_1036 : f32 to vector<16xf32>
      %swap3A_1038 = arith.index_cast %add3A_1034 : i32 to index
      %swap3A_1039 = arith.constant 48 : index
      %swap3A_1040 = tpu.vector_load %arg8[%swap3A_1038, %swap3A_1039] {strides = array<i32>} : memref<400x128xf32, #tpu.memory_space<vmem>>, vector<1x16xf32>,
      %swap3A_1041 = vector.shape_cast %swap3A_1040 : vector<1x16xf32> to vector<16xf32>
      %swap3A_1042 = vector.shape_cast %broadcast_in_dim3A_1037 : vector<16xf32> to vector<1x16xf32>
      tpu.vector_store %arg8[%swap3A_1038, %swap3A_1039], %swap3A_1042 {strides = array<i32>} : memref<400x128xf32, #tpu.memory_space<vmem>>, vector<1x16xf32>,
      %mul3A_1043 = arith.constant 2 : i32
      %mul3A_1044 = arith.muli %mul3A_1043, %scan3A_859 : i32
      %add3A_1045 = arith.constant 1 : i32
      %add3A_1046 = arith.addi %mul3A_1044, %add3A_1045 : i32
      %slice3A_1047 = vector.extract_strided_slice %mul3A_900 {offsets = [12], sizes = [1], strides = [1]} : vector<16xf32> to vector<1xf32>
      %squeeze3A_1048 = vector.extract %slice3A_1047[0] : f32 from vector<1xf32>
      %broadcast_in_dim3A_1049 = vector.broadcast %squeeze3A_1048 : f32 to vector<16xf32>
      %swap3A_1050 = arith.index_cast %add3A_1046 : i32 to index
      %swap3A_1051 = arith.constant 64 : index
      %swap3A_1052 = tpu.vector_load %arg8[%swap3A_1050, %swap3A_1051] {strides = array<i32>} : memref<400x128xf32, #tpu.memory_space<vmem>>, vector<1x16xf32>,
      %swap3A_1053 = vector.shape_cast %swap3A_1052 : vector<1x16xf32> to vector<16xf32>
      %swap3A_1054 = vector.shape_cast %broadcast_in_dim3A_1049 : vector<16xf32> to vector<1x16xf32>
      tpu.vector_store %arg8[%swap3A_1050, %swap3A_1051], %swap3A_1054 {strides = array<i32>} : memref<400x128xf32, #tpu.memory_space<vmem>>, vector<1x16xf32>,
      %mul3A_1055 = arith.constant 2 : i32
      %mul3A_1056 = arith.muli %mul3A_1055, %scan3A_859 : i32
      %add3A_1057 = arith.constant 1 : i32
      %add3A_1058 = arith.addi %mul3A_1056, %add3A_1057 : i32
      %slice3A_1059 = vector.extract_strided_slice %mul3A_900 {offsets = [13], sizes = [1], strides = [1]} : vector<16xf32> to vector<1xf32>
      %squeeze3A_1060 = vector.extract %slice3A_1059[0] : f32 from vector<1xf32>
      %broadcast_in_dim3A_1061 = vector.broadcast %squeeze3A_1060 : f32 to vector<16xf32>
      %swap3A_1062 = arith.index_cast %add3A_1058 : i32 to index
      %swap3A_1063 = arith.constant 80 : index
      %swap3A_1064 = tpu.vector_load %arg8[%swap3A_1062, %swap3A_1063] {strides = array<i32>} : memref<400x128xf32, #tpu.memory_space<vmem>>, vector<1x16xf32>,
      %swap3A_1065 = vector.shape_cast %swap3A_1064 : vector<1x16xf32> to vector<16xf32>
      %swap3A_1066 = vector.shape_cast %broadcast_in_dim3A_1061 : vector<16xf32> to vector<1x16xf32>
      tpu.vector_store %arg8[%swap3A_1062, %swap3A_1063], %swap3A_1066 {strides = array<i32>} : memref<400x128xf32, #tpu.memory_space<vmem>>, vector<1x16xf32>,
      %mul3A_1067 = arith.constant 2 : i32
      %mul3A_1068 = arith.muli %mul3A_1067, %scan3A_859 : i32
      %add3A_1069 = arith.constant 1 : i32
      %add3A_1070 = arith.addi %mul3A_1068, %add3A_1069 : i32
      %slice3A_1071 = vector.extract_strided_slice %mul3A_900 {offsets = [14], sizes = [1], strides = [1]} : vector<16xf32> to vector<1xf32>
      %squeeze3A_1072 = vector.extract %slice3A_1071[0] : f32 from vector<1xf32>
      %broadcast_in_dim3A_1073 = vector.broadcast %squeeze3A_1072 : f32 to vector<16xf32>
      %swap3A_1074 = arith.index_cast %add3A_1070 : i32 to index
      %swap3A_1075 = arith.constant 96 : index
      %swap3A_1076 = tpu.vector_load %arg8[%swap3A_1074, %swap3A_1075] {strides = array<i32>} : memref<400x128xf32, #tpu.memory_space<vmem>>, vector<1x16xf32>,
      %swap3A_1077 = vector.shape_cast %swap3A_1076 : vector<1x16xf32> to vector<16xf32>
      %swap3A_1078 = vector.shape_cast %broadcast_in_dim3A_1073 : vector<16xf32> to vector<1x16xf32>
      tpu.vector_store %arg8[%swap3A_1074, %swap3A_1075], %swap3A_1078 {strides = array<i32>} : memref<400x128xf32, #tpu.memory_space<vmem>>, vector<1x16xf32>,
      %mul3A_1079 = arith.constant 2 : i32
      %mul3A_1080 = arith.muli %mul3A_1079, %scan3A_859 : i32
      %add3A_1081 = arith.constant 1 : i32
      %add3A_1082 = arith.addi %mul3A_1080, %add3A_1081 : i32
      %slice3A_1083 = vector.extract_strided_slice %mul3A_900 {offsets = [15], sizes = [1], strides = [1]} : vector<16xf32> to vector<1xf32>
      %squeeze3A_1084 = vector.extract %slice3A_1083[0] : f32 from vector<1xf32>
      %broadcast_in_dim3A_1085 = vector.broadcast %squeeze3A_1084 : f32 to vector<16xf32>
      %swap3A_1086 = arith.index_cast %add3A_1082 : i32 to index
      %swap3A_1087 = arith.constant 112 : index
      %swap3A_1088 = tpu.vector_load %arg8[%swap3A_1086, %swap3A_1087] {strides = array<i32>} : memref<400x128xf32, #tpu.memory_space<vmem>>, vector<1x16xf32>,
      %swap3A_1089 = vector.shape_cast %swap3A_1088 : vector<1x16xf32> to vector<16xf32>
      %swap3A_1090 = vector.shape_cast %broadcast_in_dim3A_1085 : vector<16xf32> to vector<1x16xf32>
      tpu.vector_store %arg8[%swap3A_1086, %swap3A_1087], %swap3A_1090 {strides = array<i32>} : memref<400x128xf32, #tpu.memory_space<vmem>>, vector<1x16xf32>,
      %scan3A_1091 = arith.constant 0 : i32
      scf.yield %scan3A_1091 : i32
    }
    %scan3A_842 = arith.constant 200 : i32
    %jit3A = arith.constant 8 : i32
    %div3A = arith.divsi %mul3A_835, %jit3A : i32
    %sign3A = arith.constant 0 : i32
    %sign3A_843 = arith.cmpi sgt, %mul3A_835, %sign3A : i32
    %sign3A_844 = arith.extui %sign3A_843 : i1 to i32
    %sign3A_845 = arith.constant 0 : i32
    %sign3A_846 = arith.cmpi slt, %mul3A_835, %sign3A_845 : i32
    %sign3A_847 = arith.extui %sign3A_846 : i1 to i32
    %sign3A_848 = arith.subi %sign3A_844, %sign3A_847 : i32
    %sign3A_849 = arith.constant 0 : i32
    %sign3A_850 = arith.cmpi sgt, %jit3A, %sign3A_849 : i32
    %sign3A_851 = arith.extui %sign3A_850 : i1 to i32
    %sign3A_852 = arith.constant 0 : i32
    %sign3A_853 = arith.cmpi slt, %jit3A, %sign3A_852 : i32
    %sign3A_854 = arith.extui %sign3A_853 : i1 to i32
    %sign3A_855 = arith.subi %sign3A_851, %sign3A_854 : i32
    %ne3A = arith.cmpi ne, %sign3A_848, %sign3A_855 : i32
    %rem3A = arith.remsi %mul3A_835, %jit3A : i32
    %ne3A_856 = arith.constant 0 : i32
    %ne3A_857 = arith.cmpi ne, %rem3A, %ne3A_856 : i32
    %and3A = arith.andi %ne3A, %ne3A_857 : i1
    %sub3A = arith.constant 1 : i32
    %sub3A_858 = arith.subi %div3A, %sub3A : i32
    %select_n3A = arith.select %and3A, %sub3A_858, %div3A : i32
    "tpu.region"() ({
      %run_scoped3A = tpu.sem_alloc : memref<!tpu.dma_semaphore, #tpu.memory_space<semaphore_mem>>
      %dma_start3A_859 = arith.constant 0 : i32
      %dma_start3A_860 = tpu.memref_slice %arg4[%select_n3A, %dma_start3A_859] : memref<12800x128xf32, #tpu.memory_space<hbm>> -> memref<400x128xf32, #tpu.memory_space<hbm>>
      %dma_start3A_861 = arith.constant 0 : i32
      %dma_start3A_862 = tpu.memref_slice %arg4[%select_n3A, %dma_start3A_861] : memref<12800x128xf32, #tpu.memory_space<hbm>> -> memref<400x128xf32, #tpu.memory_space<hbm>>
      tpu.enqueue_dma source(%arg8 : memref<400x128xf32, #tpu.memory_space<vmem>>) target(%dma_start3A_862 : memref<400x128xf32, #tpu.memory_space<hbm>>) target_semaphore(%run_scoped3A : memref<!tpu.dma_semaphore, #tpu.memory_space<semaphore_mem>>)
      %dma_wait3A_863 = arith.constant 0 : i32
      %dma_wait3A_864 = tpu.memref_slice %arg4[%select_n3A, %dma_wait3A_863] : memref<12800x128xf32, #tpu.memory_space<hbm>> -> memref<400x128xf32, #tpu.memory_space<hbm>>
      %dma_wait3A_865 = arith.constant 0 : i32
      %dma_wait3A_866 = tpu.memref_slice %arg4[%select_n3A, %dma_wait3A_865] : memref<12800x128xf32, #tpu.memory_space<hbm>> -> memref<400x128xf32, #tpu.memory_space<hbm>>
      tpu.wait_dma2 semaphore(%run_scoped3A : memref<!tpu.dma_semaphore, #tpu.memory_space<semaphore_mem>>) src(%arg8 : memref<400x128xf32, #tpu.memory_space<vmem>>) dst(%dma_wait3A_866 : memref<400x128xf32, #tpu.memory_space<hbm>>)
      tpu.yield
    }) : () -> ()
    return
  }
}

#map = affine_map<(d0, d1) -> (0, 0)>
module attributes {stable_mosaic.version = 14 : i64} {
  func.func @_gs_body(%arg0: i32, %arg1: i32, %arg2: memref<12672x256xi32, #tpu.memory_space<hbm>>, %arg3: memref<12672x256xi32, #tpu.memory_space<hbm>>, %arg4: memref<102400x16xf32, #tpu.memory_space<hbm>>, %arg5: memref<6400x16xf32, #tpu.memory_space<hbm>>, %arg6: memref<102400x16xf32, #tpu.memory_space<hbm>>, %arg7: memref<102400x16xf32, #tpu.memory_space<hbm>>, %arg8: memref<6x256xi32, #tpu.memory_space<vmem>>, %arg9: memref<6x256xi32, #tpu.memory_space<vmem>>, %arg10: memref<256x16xf32, #tpu.memory_space<vmem>>, %arg11: memref<256x16xf32, #tpu.memory_space<vmem>>, %arg12: memref<256x16xf32, #tpu.memory_space<vmem>>, %arg13: memref<256x16xf32, #tpu.memory_space<vmem>>, %arg14: memref<256x16xf32, #tpu.memory_space<vmem>>, %arg15: memref<256x16xf32, #tpu.memory_space<vmem>>, %arg16: memref<102400x16xf32, #tpu.memory_space<vmem_shared>>, %arg17: memref<!tpu.dma_semaphore, #tpu.memory_space<semaphore_mem>>, %arg18: memref<!tpu.dma_semaphore, #tpu.memory_space<semaphore_mem>>, %arg19: memref<!tpu.dma_semaphore, #tpu.memory_space<semaphore_mem>>, %arg20: memref<!tpu.dma_semaphore, #tpu.memory_space<semaphore_mem>>, %arg21: memref<!tpu.dma_semaphore, #tpu.memory_space<semaphore_mem>>, %arg22: memref<!tpu.dma_semaphore, #tpu.memory_space<semaphore_mem>>, %arg23: memref<!tpu.dma_semaphore, #tpu.memory_space<semaphore_mem>>, %arg24: memref<!tpu.dma_semaphore, #tpu.memory_space<semaphore_mem>>, %arg25: memref<!tpu.dma_semaphore, #tpu.memory_space<semaphore_mem>>, %arg26: memref<!tpu.dma_semaphore, #tpu.memory_space<semaphore_mem>>, %arg27: memref<!tpu.dma_semaphore, #tpu.memory_space<semaphore_mem>>, %arg28: memref<!tpu.dma_semaphore, #tpu.memory_space<semaphore_mem>>, %arg29: memref<!tpu.dma_semaphore, #tpu.memory_space<semaphore_mem>>, %arg30: memref<!tpu.dma_semaphore, #tpu.memory_space<semaphore_mem>>, %arg31: memref<!tpu.dma_semaphore, #tpu.memory_space<semaphore_mem>>, %arg32: memref<!tpu.dma_semaphore, #tpu.memory_space<semaphore_mem>>, %arg33: memref<!tpu.dma_semaphore, #tpu.memory_space<semaphore_mem>>, %arg34: memref<!tpu.dma_semaphore, #tpu.memory_space<semaphore_mem>>, %arg35: memref<!tpu.dma_semaphore, #tpu.memory_space<semaphore_mem>>, %arg36: memref<!tpu.dma_semaphore, #tpu.memory_space<semaphore_mem>>, %arg37: memref<!tpu.dma_semaphore, #tpu.memory_space<semaphore_mem>>, %arg38: memref<!tpu.dma_semaphore, #tpu.memory_space<semaphore_mem>>, %arg39: memref<!tpu.dma_semaphore, #tpu.memory_space<semaphore_mem>>, %arg40: memref<!tpu.dma_semaphore, #tpu.memory_space<semaphore_mem>>) attributes {dimension_semantics = [#tpu.dimension_semantics<core_parallel>, #tpu.dimension_semantics<subcore_parallel>], iteration_bounds = array<i64: 2, 16>, scalar_prefetch = 0 : i64, scratch_operands = 33 : i64, tpu.core_type = #tpu.core_type<sc_vector_subcore>, window_params = [{transform_indices = #map}, {transform_indices = #map}, {transform_indices = #map}, {transform_indices = #map}, {transform_indices = #map}, {transform_indices = #map}]} {
    %mul3A = arith.constant 2 : i32
    %mul3A_0 = arith.muli %arg1, %mul3A : i32
    %add3A = arith.addi %mul3A_0, %arg0 : i32
    %mul3A_1 = arith.constant 396 : i32
    %mul3A_2 = arith.muli %add3A, %mul3A_1 : i32
    %mul3A_3 = arith.constant 6400 : i32
    %mul3A_4 = arith.muli %arg1, %mul3A_3 : i32
    "tpu.region"() ({
      %run_scoped3A = tpu.sem_alloc : memref<!tpu.dma_semaphore, #tpu.memory_space<semaphore_mem>>
      %dma_start3A_186 = arith.constant 0 : i32
      %dma_start3A_187 = tpu.memref_slice %arg16[%mul3A_4, %dma_start3A_186] : memref<102400x16xf32, #tpu.memory_space<vmem_shared>> -> memref<6400x16xf32, #tpu.memory_space<vmem_shared>>
      tpu.enqueue_dma source(%arg5 : memref<6400x16xf32, #tpu.memory_space<hbm>>) target(%dma_start3A_187 : memref<6400x16xf32, #tpu.memory_space<vmem_shared>>) target_semaphore(%run_scoped3A : memref<!tpu.dma_semaphore, #tpu.memory_space<semaphore_mem>>)
      %dma_wait3A_188 = arith.constant 0 : i32
      %dma_wait3A_189 = tpu.memref_slice %arg16[%mul3A_4, %dma_wait3A_188] : memref<102400x16xf32, #tpu.memory_space<vmem_shared>> -> memref<6400x16xf32, #tpu.memory_space<vmem_shared>>
      tpu.wait_dma2 semaphore(%run_scoped3A : memref<!tpu.dma_semaphore, #tpu.memory_space<semaphore_mem>>) src(%arg5 : memref<6400x16xf32, #tpu.memory_space<hbm>>) dst(%dma_wait3A_189 : memref<6400x16xf32, #tpu.memory_space<vmem_shared>>)
      tpu.yield
    }) : () -> ()
    %barrier3A = arith.constant 0 : index
    tpu.barrier barrier_id(%barrier3A)
    %dma_start3A = arith.constant 0 : i32
    %dma_start3A_5 = arith.constant 0 : i32
    %dma_start3A_6 = tpu.memref_slice %arg8[%dma_start3A, %dma_start3A_5] : memref<6x256xi32, #tpu.memory_space<vmem>> -> memref<1x256xi32, #tpu.memory_space<vmem>>
    %dma_start3A_7 = tpu.memref_squeeze %dma_start3A_6 : memref<1x256xi32, #tpu.memory_space<vmem>> -> memref<256xi32, #tpu.memory_space<vmem>>
    %dma_start3A_8 = arith.constant 0 : i32
    %dma_start3A_9 = tpu.memref_slice %arg2[%mul3A_2, %dma_start3A_8] : memref<12672x256xi32, #tpu.memory_space<hbm>> -> memref<1x256xi32, #tpu.memory_space<hbm>>
    %dma_start3A_10 = tpu.memref_squeeze %dma_start3A_9 : memref<1x256xi32, #tpu.memory_space<hbm>> -> memref<256xi32, #tpu.memory_space<hbm>>
    %dma_start3A_11 = arith.constant 0 : i32
    %dma_start3A_12 = tpu.memref_slice %arg8[%dma_start3A, %dma_start3A_11] : memref<6x256xi32, #tpu.memory_space<vmem>> -> memref<1x256xi32, #tpu.memory_space<vmem>>
    %dma_start3A_13 = tpu.memref_squeeze %dma_start3A_12 : memref<1x256xi32, #tpu.memory_space<vmem>> -> memref<256xi32, #tpu.memory_space<vmem>>
    %dma_start3A_14 = arith.constant 0 : i32
    %dma_start3A_15 = tpu.memref_slice %arg2[%mul3A_2, %dma_start3A_14] : memref<12672x256xi32, #tpu.memory_space<hbm>> -> memref<1x256xi32, #tpu.memory_space<hbm>>
    %dma_start3A_16 = tpu.memref_squeeze %dma_start3A_15 : memref<1x256xi32, #tpu.memory_space<hbm>> -> memref<256xi32, #tpu.memory_space<hbm>>
    tpu.enqueue_dma source(%dma_start3A_16 : memref<256xi32, #tpu.memory_space<hbm>>) target(%dma_start3A_13 : memref<256xi32, #tpu.memory_space<vmem>>) target_semaphore(%arg17 : memref<!tpu.dma_semaphore, #tpu.memory_space<semaphore_mem>>)
    %add3A_17 = arith.constant 1 : i32
    %add3A_18 = arith.addi %mul3A_2, %add3A_17 : i32
    %dma_start3A_19 = arith.constant 1 : i32
    %dma_start3A_20 = arith.constant 0 : i32
    %dma_start3A_21 = tpu.memref_slice %arg8[%dma_start3A_19, %dma_start3A_20] : memref<6x256xi32, #tpu.memory_space<vmem>> -> memref<1x256xi32, #tpu.memory_space<vmem>>
    %dma_start3A_22 = tpu.memref_squeeze %dma_start3A_21 : memref<1x256xi32, #tpu.memory_space<vmem>> -> memref<256xi32, #tpu.memory_space<vmem>>
    %dma_start3A_23 = arith.constant 0 : i32
    %dma_start3A_24 = tpu.memref_slice %arg2[%add3A_18, %dma_start3A_23] : memref<12672x256xi32, #tpu.memory_space<hbm>> -> memref<1x256xi32, #tpu.memory_space<hbm>>
    %dma_start3A_25 = tpu.memref_squeeze %dma_start3A_24 : memref<1x256xi32, #tpu.memory_space<hbm>> -> memref<256xi32, #tpu.memory_space<hbm>>
    %dma_start3A_26 = arith.constant 0 : i32
    %dma_start3A_27 = tpu.memref_slice %arg8[%dma_start3A_19, %dma_start3A_26] : memref<6x256xi32, #tpu.memory_space<vmem>> -> memref<1x256xi32, #tpu.memory_space<vmem>>
    %dma_start3A_28 = tpu.memref_squeeze %dma_start3A_27 : memref<1x256xi32, #tpu.memory_space<vmem>> -> memref<256xi32, #tpu.memory_space<vmem>>
    %dma_start3A_29 = arith.constant 0 : i32
    %dma_start3A_30 = tpu.memref_slice %arg2[%add3A_18, %dma_start3A_29] : memref<12672x256xi32, #tpu.memory_space<hbm>> -> memref<1x256xi32, #tpu.memory_space<hbm>>
    %dma_start3A_31 = tpu.memref_squeeze %dma_start3A_30 : memref<1x256xi32, #tpu.memory_space<hbm>> -> memref<256xi32, #tpu.memory_space<hbm>>
    tpu.enqueue_dma source(%dma_start3A_31 : memref<256xi32, #tpu.memory_space<hbm>>) target(%dma_start3A_28 : memref<256xi32, #tpu.memory_space<vmem>>) target_semaphore(%arg18 : memref<!tpu.dma_semaphore, #tpu.memory_space<semaphore_mem>>)
    %add3A_32 = arith.constant 2 : i32
    %add3A_33 = arith.addi %mul3A_2, %add3A_32 : i32
    %dma_start3A_34 = arith.constant 2 : i32
    %dma_start3A_35 = arith.constant 0 : i32
    %dma_start3A_36 = tpu.memref_slice %arg8[%dma_start3A_34, %dma_start3A_35] : memref<6x256xi32, #tpu.memory_space<vmem>> -> memref<1x256xi32, #tpu.memory_space<vmem>>
    %dma_start3A_37 = tpu.memref_squeeze %dma_start3A_36 : memref<1x256xi32, #tpu.memory_space<vmem>> -> memref<256xi32, #tpu.memory_space<vmem>>
    %dma_start3A_38 = arith.constant 0 : i32
    %dma_start3A_39 = tpu.memref_slice %arg2[%add3A_33, %dma_start3A_38] : memref<12672x256xi32, #tpu.memory_space<hbm>> -> memref<1x256xi32, #tpu.memory_space<hbm>>
    %dma_start3A_40 = tpu.memref_squeeze %dma_start3A_39 : memref<1x256xi32, #tpu.memory_space<hbm>> -> memref<256xi32, #tpu.memory_space<hbm>>
    %dma_start3A_41 = arith.constant 0 : i32
    %dma_start3A_42 = tpu.memref_slice %arg8[%dma_start3A_34, %dma_start3A_41] : memref<6x256xi32, #tpu.memory_space<vmem>> -> memref<1x256xi32, #tpu.memory_space<vmem>>
    %dma_start3A_43 = tpu.memref_squeeze %dma_start3A_42 : memref<1x256xi32, #tpu.memory_space<vmem>> -> memref<256xi32, #tpu.memory_space<vmem>>
    %dma_start3A_44 = arith.constant 0 : i32
    %dma_start3A_45 = tpu.memref_slice %arg2[%add3A_33, %dma_start3A_44] : memref<12672x256xi32, #tpu.memory_space<hbm>> -> memref<1x256xi32, #tpu.memory_space<hbm>>
    %dma_start3A_46 = tpu.memref_squeeze %dma_start3A_45 : memref<1x256xi32, #tpu.memory_space<hbm>> -> memref<256xi32, #tpu.memory_space<hbm>>
    tpu.enqueue_dma source(%dma_start3A_46 : memref<256xi32, #tpu.memory_space<hbm>>) target(%dma_start3A_43 : memref<256xi32, #tpu.memory_space<vmem>>) target_semaphore(%arg19 : memref<!tpu.dma_semaphore, #tpu.memory_space<semaphore_mem>>)
    %scan3A = arith.constant 0 : i32
    %scan3A_47 = arith.constant 0 : i32
    %scan3A_48 = arith.constant 66 : i32
    %scan3A_49 = arith.addi %scan3A_47, %scan3A_48 : i32
    %scan3A_50 = arith.constant 1 : i32
    %scan3A_51 = scf.for %scan3A_186 = %scan3A_47 to %scan3A_49 step %scan3A_50 iter_args(%scan3A_187 = %scan3A) -> (i32)  : i32 {
      %mul3A_188 = arith.constant 6 : i32
      %mul3A_189 = arith.muli %scan3A_186, %mul3A_188 : i32
      %add3A_190 = arith.addi %mul3A_2, %mul3A_189 : i32
      %add3A_191 = arith.constant 0 : i32
      %add3A_192 = arith.addi %add3A_190, %add3A_191 : i32
      %ge3A = arith.constant 1 : i32
      %ge3A_193 = arith.cmpi sge, %scan3A_186, %ge3A : i32
      %convert_element_type3A_194 = arith.extui %ge3A_193 : i1 to i32
      %cond3A_195 = arith.constant 0 : i32
      %cond3A_196 = arith.cmpi ne, %convert_element_type3A_194, %cond3A_195 : i32
      scf.if %cond3A_196 {
        %dma_wait3A_610 = arith.constant 0 : i32
        %dma_wait3A_611 = arith.constant 0 : i32
        %dma_wait3A_612 = tpu.memref_slice %arg9[%dma_wait3A_610, %dma_wait3A_611] : memref<6x256xi32, #tpu.memory_space<vmem>> -> memref<1x256xi32, #tpu.memory_space<vmem>>
        %dma_wait3A_613 = tpu.memref_squeeze %dma_wait3A_612 : memref<1x256xi32, #tpu.memory_space<vmem>> -> memref<256xi32, #tpu.memory_space<vmem>>
        %dma_wait3A_614 = arith.constant 0 : i32
        %dma_wait3A_615 = arith.constant 0 : i32
        %dma_wait3A_616 = tpu.memref_slice %arg16[%dma_wait3A_614, %dma_wait3A_615] : memref<102400x16xf32, #tpu.memory_space<vmem_shared>> -> memref<102400x16xf32, #tpu.memory_space<vmem_shared>>
        tpu.wait_indirect_dma semaphore(%arg35 : memref<!tpu.dma_semaphore, #tpu.memory_space<semaphore_mem>>) src(%arg10 : memref<256x16xf32, #tpu.memory_space<vmem>>) dst(%dma_wait3A_616 : memref<102400x16xf32, #tpu.memory_space<vmem_shared>>)
      } else {
      }
      %dma_start3A_197 = arith.constant 0 : i32
      %dma_start3A_198 = arith.constant 0 : i32
      %dma_start3A_199 = tpu.memref_slice %arg9[%dma_start3A_197, %dma_start3A_198] : memref<6x256xi32, #tpu.memory_space<vmem>> -> memref<1x256xi32, #tpu.memory_space<vmem>>
      %dma_start3A_200 = tpu.memref_squeeze %dma_start3A_199 : memref<1x256xi32, #tpu.memory_space<vmem>> -> memref<256xi32, #tpu.memory_space<vmem>>
      %dma_start3A_201 = arith.constant 0 : i32
      %dma_start3A_202 = tpu.memref_slice %arg3[%add3A_192, %dma_start3A_201] : memref<12672x256xi32, #tpu.memory_space<hbm>> -> memref<1x256xi32, #tpu.memory_space<hbm>>
      %dma_start3A_203 = tpu.memref_squeeze %dma_start3A_202 : memref<1x256xi32, #tpu.memory_space<hbm>> -> memref<256xi32, #tpu.memory_space<hbm>>
      %dma_start3A_204 = arith.constant 0 : i32
      %dma_start3A_205 = tpu.memref_slice %arg9[%dma_start3A_197, %dma_start3A_204] : memref<6x256xi32, #tpu.memory_space<vmem>> -> memref<1x256xi32, #tpu.memory_space<vmem>>
      %dma_start3A_206 = tpu.memref_squeeze %dma_start3A_205 : memref<1x256xi32, #tpu.memory_space<vmem>> -> memref<256xi32, #tpu.memory_space<vmem>>
      %dma_start3A_207 = arith.constant 0 : i32
      %dma_start3A_208 = tpu.memref_slice %arg3[%add3A_192, %dma_start3A_207] : memref<12672x256xi32, #tpu.memory_space<hbm>> -> memref<1x256xi32, #tpu.memory_space<hbm>>
      %dma_start3A_209 = tpu.memref_squeeze %dma_start3A_208 : memref<1x256xi32, #tpu.memory_space<hbm>> -> memref<256xi32, #tpu.memory_space<hbm>>
      tpu.enqueue_dma source(%dma_start3A_209 : memref<256xi32, #tpu.memory_space<hbm>>) target(%dma_start3A_206 : memref<256xi32, #tpu.memory_space<vmem>>) target_semaphore(%arg23 : memref<!tpu.dma_semaphore, #tpu.memory_space<semaphore_mem>>)
      %dma_wait3A_210 = arith.constant 0 : i32
      %dma_wait3A_211 = arith.constant 0 : i32
      %dma_wait3A_212 = arith.constant 0 : i32
      %dma_wait3A_213 = tpu.memref_slice %arg8[%dma_wait3A_211, %dma_wait3A_212] : memref<6x256xi32, #tpu.memory_space<vmem>> -> memref<1x256xi32, #tpu.memory_space<vmem>>
      %dma_wait3A_214 = tpu.memref_squeeze %dma_wait3A_213 : memref<1x256xi32, #tpu.memory_space<vmem>> -> memref<256xi32, #tpu.memory_space<vmem>>
      %dma_wait3A_215 = arith.constant 0 : i32
      %dma_wait3A_216 = tpu.memref_slice %arg2[%dma_wait3A_210, %dma_wait3A_215] : memref<12672x256xi32, #tpu.memory_space<hbm>> -> memref<1x256xi32, #tpu.memory_space<hbm>>
      %dma_wait3A_217 = tpu.memref_squeeze %dma_wait3A_216 : memref<1x256xi32, #tpu.memory_space<hbm>> -> memref<256xi32, #tpu.memory_space<hbm>>
      %dma_wait3A_218 = arith.constant 0 : i32
      %dma_wait3A_219 = tpu.memref_slice %arg8[%dma_wait3A_211, %dma_wait3A_218] : memref<6x256xi32, #tpu.memory_space<vmem>> -> memref<1x256xi32, #tpu.memory_space<vmem>>
      %dma_wait3A_220 = tpu.memref_squeeze %dma_wait3A_219 : memref<1x256xi32, #tpu.memory_space<vmem>> -> memref<256xi32, #tpu.memory_space<vmem>>
      %dma_wait3A_221 = arith.constant 0 : i32
      %dma_wait3A_222 = tpu.memref_slice %arg2[%dma_wait3A_210, %dma_wait3A_221] : memref<12672x256xi32, #tpu.memory_space<hbm>> -> memref<1x256xi32, #tpu.memory_space<hbm>>
      %dma_wait3A_223 = tpu.memref_squeeze %dma_wait3A_222 : memref<1x256xi32, #tpu.memory_space<hbm>> -> memref<256xi32, #tpu.memory_space<hbm>>
      tpu.wait_dma2 semaphore(%arg17 : memref<!tpu.dma_semaphore, #tpu.memory_space<semaphore_mem>>) src(%dma_wait3A_223 : memref<256xi32, #tpu.memory_space<hbm>>) dst(%dma_wait3A_220 : memref<256xi32, #tpu.memory_space<vmem>>)
      %dma_start3A_224 = arith.constant 0 : i32
      %dma_start3A_225 = arith.constant 0 : i32
      %dma_start3A_226 = tpu.memref_slice %arg8[%dma_start3A_224, %dma_start3A_225] : memref<6x256xi32, #tpu.memory_space<vmem>> -> memref<1x256xi32, #tpu.memory_space<vmem>>
      %dma_start3A_227 = tpu.memref_squeeze %dma_start3A_226 : memref<1x256xi32, #tpu.memory_space<vmem>> -> memref<256xi32, #tpu.memory_space<vmem>>
      %dma_start3A_228 = arith.constant 0 : i32
      %dma_start3A_229 = arith.constant 0 : i32
      %dma_start3A_230 = tpu.memref_slice %arg4[%dma_start3A_228, %dma_start3A_229] : memref<102400x16xf32, #tpu.memory_space<hbm>> -> memref<102400x16xf32, #tpu.memory_space<hbm>>
      tpu.enqueue_indirect_dma source(%dma_start3A_230 : memref<102400x16xf32, #tpu.memory_space<hbm>>) target(%arg10 : memref<256x16xf32, #tpu.memory_space<vmem>>) offsets(%dma_start3A_227 : memref<256xi32, #tpu.memory_space<vmem>>) semaphore(%arg29 : memref<!tpu.dma_semaphore, #tpu.memory_space<semaphore_mem>>)
      %ge3A_231 = arith.constant 1 : i32
      %ge3A_232 = arith.cmpi sge, %scan3A_186, %ge3A_231 : i32
      %convert_element_type3A_233 = arith.extui %ge3A_232 : i1 to i32
      %cond3A_234 = arith.constant 0 : i32
      %cond3A_235 = arith.cmpi ne, %convert_element_type3A_233, %cond3A_234 : i32
      scf.if %cond3A_235 {
        %dma_wait3A_610 = arith.constant 3 : i32
        %dma_wait3A_611 = arith.constant 0 : i32
        %dma_wait3A_612 = tpu.memref_slice %arg8[%dma_wait3A_610, %dma_wait3A_611] : memref<6x256xi32, #tpu.memory_space<vmem>> -> memref<1x256xi32, #tpu.memory_space<vmem>>
        %dma_wait3A_613 = tpu.memref_squeeze %dma_wait3A_612 : memref<1x256xi32, #tpu.memory_space<vmem>> -> memref<256xi32, #tpu.memory_space<vmem>>
        %dma_wait3A_614 = arith.constant 0 : i32
        %dma_wait3A_615 = arith.constant 0 : i32
        %dma_wait3A_616 = tpu.memref_slice %arg4[%dma_wait3A_614, %dma_wait3A_615] : memref<102400x16xf32, #tpu.memory_space<hbm>> -> memref<102400x16xf32, #tpu.memory_space<hbm>>
        tpu.wait_indirect_dma semaphore(%arg32 : memref<!tpu.dma_semaphore, #tpu.memory_space<semaphore_mem>>) src(%dma_wait3A_616 : memref<102400x16xf32, #tpu.memory_space<hbm>>) dst(%arg13 : memref<256x16xf32, #tpu.memory_space<vmem>>)
        %dma_wait3A_617 = arith.constant 0 : i32
        %dma_wait3A_618 = arith.constant 3 : i32
        %dma_wait3A_619 = arith.constant 0 : i32
        %dma_wait3A_620 = tpu.memref_slice %arg9[%dma_wait3A_618, %dma_wait3A_619] : memref<6x256xi32, #tpu.memory_space<vmem>> -> memref<1x256xi32, #tpu.memory_space<vmem>>
        %dma_wait3A_621 = tpu.memref_squeeze %dma_wait3A_620 : memref<1x256xi32, #tpu.memory_space<vmem>> -> memref<256xi32, #tpu.memory_space<vmem>>
        %dma_wait3A_622 = arith.constant 0 : i32
        %dma_wait3A_623 = tpu.memref_slice %arg3[%dma_wait3A_617, %dma_wait3A_622] : memref<12672x256xi32, #tpu.memory_space<hbm>> -> memref<1x256xi32, #tpu.memory_space<hbm>>
        %dma_wait3A_624 = tpu.memref_squeeze %dma_wait3A_623 : memref<1x256xi32, #tpu.memory_space<hbm>> -> memref<256xi32, #tpu.memory_space<hbm>>
        %dma_wait3A_625 = arith.constant 0 : i32
        %dma_wait3A_626 = tpu.memref_slice %arg9[%dma_wait3A_618, %dma_wait3A_625] : memref<6x256xi32, #tpu.memory_space<vmem>> -> memref<1x256xi32, #tpu.memory_space<vmem>>
        %dma_wait3A_627 = tpu.memref_squeeze %dma_wait3A_626 : memref<1x256xi32, #tpu.memory_space<vmem>> -> memref<256xi32, #tpu.memory_space<vmem>>
        %dma_wait3A_628 = arith.constant 0 : i32
        %dma_wait3A_629 = tpu.memref_slice %arg3[%dma_wait3A_617, %dma_wait3A_628] : memref<12672x256xi32, #tpu.memory_space<hbm>> -> memref<1x256xi32, #tpu.memory_space<hbm>>
        %dma_wait3A_630 = tpu.memref_squeeze %dma_wait3A_629 : memref<1x256xi32, #tpu.memory_space<hbm>> -> memref<256xi32, #tpu.memory_space<hbm>>
        tpu.wait_dma2 semaphore(%arg26 : memref<!tpu.dma_semaphore, #tpu.memory_space<semaphore_mem>>) src(%dma_wait3A_630 : memref<256xi32, #tpu.memory_space<hbm>>) dst(%dma_wait3A_627 : memref<256xi32, #tpu.memory_space<vmem>>)
        %dma_start3A_631 = arith.constant 3 : i32
        %dma_start3A_632 = arith.constant 0 : i32
        %dma_start3A_633 = tpu.memref_slice %arg9[%dma_start3A_631, %dma_start3A_632] : memref<6x256xi32, #tpu.memory_space<vmem>> -> memref<1x256xi32, #tpu.memory_space<vmem>>
        %dma_start3A_634 = tpu.memref_squeeze %dma_start3A_633 : memref<1x256xi32, #tpu.memory_space<vmem>> -> memref<256xi32, #tpu.memory_space<vmem>>
        %dma_start3A_635 = arith.constant 0 : i32
        %dma_start3A_636 = arith.constant 0 : i32
        %dma_start3A_637 = tpu.memref_slice %arg16[%dma_start3A_635, %dma_start3A_636] : memref<102400x16xf32, #tpu.memory_space<vmem_shared>> -> memref<102400x16xf32, #tpu.memory_space<vmem_shared>>
        tpu.enqueue_indirect_dma source(%arg13 : memref<256x16xf32, #tpu.memory_space<vmem>>) target(%dma_start3A_637 : memref<102400x16xf32, #tpu.memory_space<vmem_shared>>) offsets(%dma_start3A_634 : memref<256xi32, #tpu.memory_space<vmem>>) semaphore(%arg38 : memref<!tpu.dma_semaphore, #tpu.memory_space<semaphore_mem>>) {add = true}
      } else {
      }
      %add3A_236 = arith.constant 3 : i32
      %add3A_237 = arith.addi %add3A_192, %add3A_236 : i32
      %dma_start3A_238 = arith.constant 3 : i32
      %dma_start3A_239 = arith.constant 0 : i32
      %dma_start3A_240 = tpu.memref_slice %arg8[%dma_start3A_238, %dma_start3A_239] : memref<6x256xi32, #tpu.memory_space<vmem>> -> memref<1x256xi32, #tpu.memory_space<vmem>>
      %dma_start3A_241 = tpu.memref_squeeze %dma_start3A_240 : memref<1x256xi32, #tpu.memory_space<vmem>> -> memref<256xi32, #tpu.memory_space<vmem>>
      %dma_start3A_242 = arith.constant 0 : i32
      %dma_start3A_243 = tpu.memref_slice %arg2[%add3A_237, %dma_start3A_242] : memref<12672x256xi32, #tpu.memory_space<hbm>> -> memref<1x256xi32, #tpu.memory_space<hbm>>
      %dma_start3A_244 = tpu.memref_squeeze %dma_start3A_243 : memref<1x256xi32, #tpu.memory_space<hbm>> -> memref<256xi32, #tpu.memory_space<hbm>>
      %dma_start3A_245 = arith.constant 0 : i32
      %dma_start3A_246 = tpu.memref_slice %arg8[%dma_start3A_238, %dma_start3A_245] : memref<6x256xi32, #tpu.memory_space<vmem>> -> memref<1x256xi32, #tpu.memory_space<vmem>>
      %dma_start3A_247 = tpu.memref_squeeze %dma_start3A_246 : memref<1x256xi32, #tpu.memory_space<vmem>> -> memref<256xi32, #tpu.memory_space<vmem>>
      %dma_start3A_248 = arith.constant 0 : i32
      %dma_start3A_249 = tpu.memref_slice %arg2[%add3A_237, %dma_start3A_248] : memref<12672x256xi32, #tpu.memory_space<hbm>> -> memref<1x256xi32, #tpu.memory_space<hbm>>
      %dma_start3A_250 = tpu.memref_squeeze %dma_start3A_249 : memref<1x256xi32, #tpu.memory_space<hbm>> -> memref<256xi32, #tpu.memory_space<hbm>>
      tpu.enqueue_dma source(%dma_start3A_250 : memref<256xi32, #tpu.memory_space<hbm>>) target(%dma_start3A_247 : memref<256xi32, #tpu.memory_space<vmem>>) target_semaphore(%arg20 : memref<!tpu.dma_semaphore, #tpu.memory_space<semaphore_mem>>)
      %mul3A_251 = arith.constant 6 : i32
      %mul3A_252 = arith.muli %scan3A_186, %mul3A_251 : i32
      %add3A_253 = arith.addi %mul3A_2, %mul3A_252 : i32
      %add3A_254 = arith.constant 1 : i32
      %add3A_255 = arith.addi %add3A_253, %add3A_254 : i32
      %ge3A_256 = arith.constant 1 : i32
      %ge3A_257 = arith.cmpi sge, %scan3A_186, %ge3A_256 : i32
      %convert_element_type3A_258 = arith.extui %ge3A_257 : i1 to i32
      %cond3A_259 = arith.constant 0 : i32
      %cond3A_260 = arith.cmpi ne, %convert_element_type3A_258, %cond3A_259 : i32
      scf.if %cond3A_260 {
        %dma_wait3A_610 = arith.constant 1 : i32
        %dma_wait3A_611 = arith.constant 0 : i32
        %dma_wait3A_612 = tpu.memref_slice %arg9[%dma_wait3A_610, %dma_wait3A_611] : memref<6x256xi32, #tpu.memory_space<vmem>> -> memref<1x256xi32, #tpu.memory_space<vmem>>
        %dma_wait3A_613 = tpu.memref_squeeze %dma_wait3A_612 : memref<1x256xi32, #tpu.memory_space<vmem>> -> memref<256xi32, #tpu.memory_space<vmem>>
        %dma_wait3A_614 = arith.constant 0 : i32
        %dma_wait3A_615 = arith.constant 0 : i32
        %dma_wait3A_616 = tpu.memref_slice %arg16[%dma_wait3A_614, %dma_wait3A_615] : memref<102400x16xf32, #tpu.memory_space<vmem_shared>> -> memref<102400x16xf32, #tpu.memory_space<vmem_shared>>
        tpu.wait_indirect_dma semaphore(%arg36 : memref<!tpu.dma_semaphore, #tpu.memory_space<semaphore_mem>>) src(%arg11 : memref<256x16xf32, #tpu.memory_space<vmem>>) dst(%dma_wait3A_616 : memref<102400x16xf32, #tpu.memory_space<vmem_shared>>)
      } else {
      }
      %dma_start3A_261 = arith.constant 1 : i32
      %dma_start3A_262 = arith.constant 0 : i32
      %dma_start3A_263 = tpu.memref_slice %arg9[%dma_start3A_261, %dma_start3A_262] : memref<6x256xi32, #tpu.memory_space<vmem>> -> memref<1x256xi32, #tpu.memory_space<vmem>>
      %dma_start3A_264 = tpu.memref_squeeze %dma_start3A_263 : memref<1x256xi32, #tpu.memory_space<vmem>> -> memref<256xi32, #tpu.memory_space<vmem>>
      %dma_start3A_265 = arith.constant 0 : i32
      %dma_start3A_266 = tpu.memref_slice %arg3[%add3A_255, %dma_start3A_265] : memref<12672x256xi32, #tpu.memory_space<hbm>> -> memref<1x256xi32, #tpu.memory_space<hbm>>
      %dma_start3A_267 = tpu.memref_squeeze %dma_start3A_266 : memref<1x256xi32, #tpu.memory_space<hbm>> -> memref<256xi32, #tpu.memory_space<hbm>>
      %dma_start3A_268 = arith.constant 0 : i32
      %dma_start3A_269 = tpu.memref_slice %arg9[%dma_start3A_261, %dma_start3A_268] : memref<6x256xi32, #tpu.memory_space<vmem>> -> memref<1x256xi32, #tpu.memory_space<vmem>>
      %dma_start3A_270 = tpu.memref_squeeze %dma_start3A_269 : memref<1x256xi32, #tpu.memory_space<vmem>> -> memref<256xi32, #tpu.memory_space<vmem>>
      %dma_start3A_271 = arith.constant 0 : i32
      %dma_start3A_272 = tpu.memref_slice %arg3[%add3A_255, %dma_start3A_271] : memref<12672x256xi32, #tpu.memory_space<hbm>> -> memref<1x256xi32, #tpu.memory_space<hbm>>
      %dma_start3A_273 = tpu.memref_squeeze %dma_start3A_272 : memref<1x256xi32, #tpu.memory_space<hbm>> -> memref<256xi32, #tpu.memory_space<hbm>>
      tpu.enqueue_dma source(%dma_start3A_273 : memref<256xi32, #tpu.memory_space<hbm>>) target(%dma_start3A_270 : memref<256xi32, #tpu.memory_space<vmem>>) target_semaphore(%arg24 : memref<!tpu.dma_semaphore, #tpu.memory_space<semaphore_mem>>)
      %dma_wait3A_274 = arith.constant 0 : i32
      %dma_wait3A_275 = arith.constant 1 : i32
      %dma_wait3A_276 = arith.constant 0 : i32
      %dma_wait3A_277 = tpu.memref_slice %arg8[%dma_wait3A_275, %dma_wait3A_276] : memref<6x256xi32, #tpu.memory_space<vmem>> -> memref<1x256xi32, #tpu.memory_space<vmem>>
      %dma_wait3A_278 = tpu.memref_squeeze %dma_wait3A_277 : memref<1x256xi32, #tpu.memory_space<vmem>> -> memref<256xi32, #tpu.memory_space<vmem>>
      %dma_wait3A_279 = arith.constant 0 : i32
      %dma_wait3A_280 = tpu.memref_slice %arg2[%dma_wait3A_274, %dma_wait3A_279] : memref<12672x256xi32, #tpu.memory_space<hbm>> -> memref<1x256xi32, #tpu.memory_space<hbm>>
      %dma_wait3A_281 = tpu.memref_squeeze %dma_wait3A_280 : memref<1x256xi32, #tpu.memory_space<hbm>> -> memref<256xi32, #tpu.memory_space<hbm>>
      %dma_wait3A_282 = arith.constant 0 : i32
      %dma_wait3A_283 = tpu.memref_slice %arg8[%dma_wait3A_275, %dma_wait3A_282] : memref<6x256xi32, #tpu.memory_space<vmem>> -> memref<1x256xi32, #tpu.memory_space<vmem>>
      %dma_wait3A_284 = tpu.memref_squeeze %dma_wait3A_283 : memref<1x256xi32, #tpu.memory_space<vmem>> -> memref<256xi32, #tpu.memory_space<vmem>>
      %dma_wait3A_285 = arith.constant 0 : i32
      %dma_wait3A_286 = tpu.memref_slice %arg2[%dma_wait3A_274, %dma_wait3A_285] : memref<12672x256xi32, #tpu.memory_space<hbm>> -> memref<1x256xi32, #tpu.memory_space<hbm>>
      %dma_wait3A_287 = tpu.memref_squeeze %dma_wait3A_286 : memref<1x256xi32, #tpu.memory_space<hbm>> -> memref<256xi32, #tpu.memory_space<hbm>>
      tpu.wait_dma2 semaphore(%arg18 : memref<!tpu.dma_semaphore, #tpu.memory_space<semaphore_mem>>) src(%dma_wait3A_287 : memref<256xi32, #tpu.memory_space<hbm>>) dst(%dma_wait3A_284 : memref<256xi32, #tpu.memory_space<vmem>>)
      %dma_start3A_288 = arith.constant 1 : i32
      %dma_start3A_289 = arith.constant 0 : i32
      %dma_start3A_290 = tpu.memref_slice %arg8[%dma_start3A_288, %dma_start3A_289] : memref<6x256xi32, #tpu.memory_space<vmem>> -> memref<1x256xi32, #tpu.memory_space<vmem>>
      %dma_start3A_291 = tpu.memref_squeeze %dma_start3A_290 : memref<1x256xi32, #tpu.memory_space<vmem>> -> memref<256xi32, #tpu.memory_space<vmem>>
      %dma_start3A_292 = arith.constant 0 : i32
      %dma_start3A_293 = arith.constant 0 : i32
      %dma_start3A_294 = tpu.memref_slice %arg4[%dma_start3A_292, %dma_start3A_293] : memref<102400x16xf32, #tpu.memory_space<hbm>> -> memref<102400x16xf32, #tpu.memory_space<hbm>>
      tpu.enqueue_indirect_dma source(%dma_start3A_294 : memref<102400x16xf32, #tpu.memory_space<hbm>>) target(%arg11 : memref<256x16xf32, #tpu.memory_space<vmem>>) offsets(%dma_start3A_291 : memref<256xi32, #tpu.memory_space<vmem>>) semaphore(%arg30 : memref<!tpu.dma_semaphore, #tpu.memory_space<semaphore_mem>>)
      %ge3A_295 = arith.constant 1 : i32
      %ge3A_296 = arith.cmpi sge, %scan3A_186, %ge3A_295 : i32
      %convert_element_type3A_297 = arith.extui %ge3A_296 : i1 to i32
      %cond3A_298 = arith.constant 0 : i32
      %cond3A_299 = arith.cmpi ne, %convert_element_type3A_297, %cond3A_298 : i32
      scf.if %cond3A_299 {
        %dma_wait3A_610 = arith.constant 4 : i32
        %dma_wait3A_611 = arith.constant 0 : i32
        %dma_wait3A_612 = tpu.memref_slice %arg8[%dma_wait3A_610, %dma_wait3A_611] : memref<6x256xi32, #tpu.memory_space<vmem>> -> memref<1x256xi32, #tpu.memory_space<vmem>>
        %dma_wait3A_613 = tpu.memref_squeeze %dma_wait3A_612 : memref<1x256xi32, #tpu.memory_space<vmem>> -> memref<256xi32, #tpu.memory_space<vmem>>
        %dma_wait3A_614 = arith.constant 0 : i32
        %dma_wait3A_615 = arith.constant 0 : i32
        %dma_wait3A_616 = tpu.memref_slice %arg4[%dma_wait3A_614, %dma_wait3A_615] : memref<102400x16xf32, #tpu.memory_space<hbm>> -> memref<102400x16xf32, #tpu.memory_space<hbm>>
        tpu.wait_indirect_dma semaphore(%arg33 : memref<!tpu.dma_semaphore, #tpu.memory_space<semaphore_mem>>) src(%dma_wait3A_616 : memref<102400x16xf32, #tpu.memory_space<hbm>>) dst(%arg14 : memref<256x16xf32, #tpu.memory_space<vmem>>)
        %dma_wait3A_617 = arith.constant 0 : i32
        %dma_wait3A_618 = arith.constant 4 : i32
        %dma_wait3A_619 = arith.constant 0 : i32
        %dma_wait3A_620 = tpu.memref_slice %arg9[%dma_wait3A_618, %dma_wait3A_619] : memref<6x256xi32, #tpu.memory_space<vmem>> -> memref<1x256xi32, #tpu.memory_space<vmem>>
        %dma_wait3A_621 = tpu.memref_squeeze %dma_wait3A_620 : memref<1x256xi32, #tpu.memory_space<vmem>> -> memref<256xi32, #tpu.memory_space<vmem>>
        %dma_wait3A_622 = arith.constant 0 : i32
        %dma_wait3A_623 = tpu.memref_slice %arg3[%dma_wait3A_617, %dma_wait3A_622] : memref<12672x256xi32, #tpu.memory_space<hbm>> -> memref<1x256xi32, #tpu.memory_space<hbm>>
        %dma_wait3A_624 = tpu.memref_squeeze %dma_wait3A_623 : memref<1x256xi32, #tpu.memory_space<hbm>> -> memref<256xi32, #tpu.memory_space<hbm>>
        %dma_wait3A_625 = arith.constant 0 : i32
        %dma_wait3A_626 = tpu.memref_slice %arg9[%dma_wait3A_618, %dma_wait3A_625] : memref<6x256xi32, #tpu.memory_space<vmem>> -> memref<1x256xi32, #tpu.memory_space<vmem>>
        %dma_wait3A_627 = tpu.memref_squeeze %dma_wait3A_626 : memref<1x256xi32, #tpu.memory_space<vmem>> -> memref<256xi32, #tpu.memory_space<vmem>>
        %dma_wait3A_628 = arith.constant 0 : i32
        %dma_wait3A_629 = tpu.memref_slice %arg3[%dma_wait3A_617, %dma_wait3A_628] : memref<12672x256xi32, #tpu.memory_space<hbm>> -> memref<1x256xi32, #tpu.memory_space<hbm>>
        %dma_wait3A_630 = tpu.memref_squeeze %dma_wait3A_629 : memref<1x256xi32, #tpu.memory_space<hbm>> -> memref<256xi32, #tpu.memory_space<hbm>>
        tpu.wait_dma2 semaphore(%arg27 : memref<!tpu.dma_semaphore, #tpu.memory_space<semaphore_mem>>) src(%dma_wait3A_630 : memref<256xi32, #tpu.memory_space<hbm>>) dst(%dma_wait3A_627 : memref<256xi32, #tpu.memory_space<vmem>>)
        %dma_start3A_631 = arith.constant 4 : i32
        %dma_start3A_632 = arith.constant 0 : i32
        %dma_start3A_633 = tpu.memref_slice %arg9[%dma_start3A_631, %dma_start3A_632] : memref<6x256xi32, #tpu.memory_space<vmem>> -> memref<1x256xi32, #tpu.memory_space<vmem>>
        %dma_start3A_634 = tpu.memref_squeeze %dma_start3A_633 : memref<1x256xi32, #tpu.memory_space<vmem>> -> memref<256xi32, #tpu.memory_space<vmem>>
        %dma_start3A_635 = arith.constant 0 : i32
        %dma_start3A_636 = arith.constant 0 : i32
        %dma_start3A_637 = tpu.memref_slice %arg16[%dma_start3A_635, %dma_start3A_636] : memref<102400x16xf32, #tpu.memory_space<vmem_shared>> -> memref<102400x16xf32, #tpu.memory_space<vmem_shared>>
        tpu.enqueue_indirect_dma source(%arg14 : memref<256x16xf32, #tpu.memory_space<vmem>>) target(%dma_start3A_637 : memref<102400x16xf32, #tpu.memory_space<vmem_shared>>) offsets(%dma_start3A_634 : memref<256xi32, #tpu.memory_space<vmem>>) semaphore(%arg39 : memref<!tpu.dma_semaphore, #tpu.memory_space<semaphore_mem>>) {add = true}
      } else {
      }
      %add3A_300 = arith.constant 3 : i32
      %add3A_301 = arith.addi %add3A_255, %add3A_300 : i32
      %dma_start3A_302 = arith.constant 4 : i32
      %dma_start3A_303 = arith.constant 0 : i32
      %dma_start3A_304 = tpu.memref_slice %arg8[%dma_start3A_302, %dma_start3A_303] : memref<6x256xi32, #tpu.memory_space<vmem>> -> memref<1x256xi32, #tpu.memory_space<vmem>>
      %dma_start3A_305 = tpu.memref_squeeze %dma_start3A_304 : memref<1x256xi32, #tpu.memory_space<vmem>> -> memref<256xi32, #tpu.memory_space<vmem>>
      %dma_start3A_306 = arith.constant 0 : i32
      %dma_start3A_307 = tpu.memref_slice %arg2[%add3A_301, %dma_start3A_306] : memref<12672x256xi32, #tpu.memory_space<hbm>> -> memref<1x256xi32, #tpu.memory_space<hbm>>
      %dma_start3A_308 = tpu.memref_squeeze %dma_start3A_307 : memref<1x256xi32, #tpu.memory_space<hbm>> -> memref<256xi32, #tpu.memory_space<hbm>>
      %dma_start3A_309 = arith.constant 0 : i32
      %dma_start3A_310 = tpu.memref_slice %arg8[%dma_start3A_302, %dma_start3A_309] : memref<6x256xi32, #tpu.memory_space<vmem>> -> memref<1x256xi32, #tpu.memory_space<vmem>>
      %dma_start3A_311 = tpu.memref_squeeze %dma_start3A_310 : memref<1x256xi32, #tpu.memory_space<vmem>> -> memref<256xi32, #tpu.memory_space<vmem>>
      %dma_start3A_312 = arith.constant 0 : i32
      %dma_start3A_313 = tpu.memref_slice %arg2[%add3A_301, %dma_start3A_312] : memref<12672x256xi32, #tpu.memory_space<hbm>> -> memref<1x256xi32, #tpu.memory_space<hbm>>
      %dma_start3A_314 = tpu.memref_squeeze %dma_start3A_313 : memref<1x256xi32, #tpu.memory_space<hbm>> -> memref<256xi32, #tpu.memory_space<hbm>>
      tpu.enqueue_dma source(%dma_start3A_314 : memref<256xi32, #tpu.memory_space<hbm>>) target(%dma_start3A_311 : memref<256xi32, #tpu.memory_space<vmem>>) target_semaphore(%arg21 : memref<!tpu.dma_semaphore, #tpu.memory_space<semaphore_mem>>)
      %mul3A_315 = arith.constant 6 : i32
      %mul3A_316 = arith.muli %scan3A_186, %mul3A_315 : i32
      %add3A_317 = arith.addi %mul3A_2, %mul3A_316 : i32
      %add3A_318 = arith.constant 2 : i32
      %add3A_319 = arith.addi %add3A_317, %add3A_318 : i32
      %ge3A_320 = arith.constant 1 : i32
      %ge3A_321 = arith.cmpi sge, %scan3A_186, %ge3A_320 : i32
      %convert_element_type3A_322 = arith.extui %ge3A_321 : i1 to i32
      %cond3A_323 = arith.constant 0 : i32
      %cond3A_324 = arith.cmpi ne, %convert_element_type3A_322, %cond3A_323 : i32
      scf.if %cond3A_324 {
        %dma_wait3A_610 = arith.constant 2 : i32
        %dma_wait3A_611 = arith.constant 0 : i32
        %dma_wait3A_612 = tpu.memref_slice %arg9[%dma_wait3A_610, %dma_wait3A_611] : memref<6x256xi32, #tpu.memory_space<vmem>> -> memref<1x256xi32, #tpu.memory_space<vmem>>
        %dma_wait3A_613 = tpu.memref_squeeze %dma_wait3A_612 : memref<1x256xi32, #tpu.memory_space<vmem>> -> memref<256xi32, #tpu.memory_space<vmem>>
        %dma_wait3A_614 = arith.constant 0 : i32
        %dma_wait3A_615 = arith.constant 0 : i32
        %dma_wait3A_616 = tpu.memref_slice %arg16[%dma_wait3A_614, %dma_wait3A_615] : memref<102400x16xf32, #tpu.memory_space<vmem_shared>> -> memref<102400x16xf32, #tpu.memory_space<vmem_shared>>
        tpu.wait_indirect_dma semaphore(%arg37 : memref<!tpu.dma_semaphore, #tpu.memory_space<semaphore_mem>>) src(%arg12 : memref<256x16xf32, #tpu.memory_space<vmem>>) dst(%dma_wait3A_616 : memref<102400x16xf32, #tpu.memory_space<vmem_shared>>)
      } else {
      }
      %dma_start3A_325 = arith.constant 2 : i32
      %dma_start3A_326 = arith.constant 0 : i32
      %dma_start3A_327 = tpu.memref_slice %arg9[%dma_start3A_325, %dma_start3A_326] : memref<6x256xi32, #tpu.memory_space<vmem>> -> memref<1x256xi32, #tpu.memory_space<vmem>>
      %dma_start3A_328 = tpu.memref_squeeze %dma_start3A_327 : memref<1x256xi32, #tpu.memory_space<vmem>> -> memref<256xi32, #tpu.memory_space<vmem>>
      %dma_start3A_329 = arith.constant 0 : i32
      %dma_start3A_330 = tpu.memref_slice %arg3[%add3A_319, %dma_start3A_329] : memref<12672x256xi32, #tpu.memory_space<hbm>> -> memref<1x256xi32, #tpu.memory_space<hbm>>
      %dma_start3A_331 = tpu.memref_squeeze %dma_start3A_330 : memref<1x256xi32, #tpu.memory_space<hbm>> -> memref<256xi32, #tpu.memory_space<hbm>>
      %dma_start3A_332 = arith.constant 0 : i32
      %dma_start3A_333 = tpu.memref_slice %arg9[%dma_start3A_325, %dma_start3A_332] : memref<6x256xi32, #tpu.memory_space<vmem>> -> memref<1x256xi32, #tpu.memory_space<vmem>>
      %dma_start3A_334 = tpu.memref_squeeze %dma_start3A_333 : memref<1x256xi32, #tpu.memory_space<vmem>> -> memref<256xi32, #tpu.memory_space<vmem>>
      %dma_start3A_335 = arith.constant 0 : i32
      %dma_start3A_336 = tpu.memref_slice %arg3[%add3A_319, %dma_start3A_335] : memref<12672x256xi32, #tpu.memory_space<hbm>> -> memref<1x256xi32, #tpu.memory_space<hbm>>
      %dma_start3A_337 = tpu.memref_squeeze %dma_start3A_336 : memref<1x256xi32, #tpu.memory_space<hbm>> -> memref<256xi32, #tpu.memory_space<hbm>>
      tpu.enqueue_dma source(%dma_start3A_337 : memref<256xi32, #tpu.memory_space<hbm>>) target(%dma_start3A_334 : memref<256xi32, #tpu.memory_space<vmem>>) target_semaphore(%arg25 : memref<!tpu.dma_semaphore, #tpu.memory_space<semaphore_mem>>)
      %dma_wait3A_338 = arith.constant 0 : i32
      %dma_wait3A_339 = arith.constant 2 : i32
      %dma_wait3A_340 = arith.constant 0 : i32
      %dma_wait3A_341 = tpu.memref_slice %arg8[%dma_wait3A_339, %dma_wait3A_340] : memref<6x256xi32, #tpu.memory_space<vmem>> -> memref<1x256xi32, #tpu.memory_space<vmem>>
      %dma_wait3A_342 = tpu.memref_squeeze %dma_wait3A_341 : memref<1x256xi32, #tpu.memory_space<vmem>> -> memref<256xi32, #tpu.memory_space<vmem>>
      %dma_wait3A_343 = arith.constant 0 : i32
      %dma_wait3A_344 = tpu.memref_slice %arg2[%dma_wait3A_338, %dma_wait3A_343] : memref<12672x256xi32, #tpu.memory_space<hbm>> -> memref<1x256xi32, #tpu.memory_space<hbm>>
      %dma_wait3A_345 = tpu.memref_squeeze %dma_wait3A_344 : memref<1x256xi32, #tpu.memory_space<hbm>> -> memref<256xi32, #tpu.memory_space<hbm>>
      %dma_wait3A_346 = arith.constant 0 : i32
      %dma_wait3A_347 = tpu.memref_slice %arg8[%dma_wait3A_339, %dma_wait3A_346] : memref<6x256xi32, #tpu.memory_space<vmem>> -> memref<1x256xi32, #tpu.memory_space<vmem>>
      %dma_wait3A_348 = tpu.memref_squeeze %dma_wait3A_347 : memref<1x256xi32, #tpu.memory_space<vmem>> -> memref<256xi32, #tpu.memory_space<vmem>>
      %dma_wait3A_349 = arith.constant 0 : i32
      %dma_wait3A_350 = tpu.memref_slice %arg2[%dma_wait3A_338, %dma_wait3A_349] : memref<12672x256xi32, #tpu.memory_space<hbm>> -> memref<1x256xi32, #tpu.memory_space<hbm>>
      %dma_wait3A_351 = tpu.memref_squeeze %dma_wait3A_350 : memref<1x256xi32, #tpu.memory_space<hbm>> -> memref<256xi32, #tpu.memory_space<hbm>>
      tpu.wait_dma2 semaphore(%arg19 : memref<!tpu.dma_semaphore, #tpu.memory_space<semaphore_mem>>) src(%dma_wait3A_351 : memref<256xi32, #tpu.memory_space<hbm>>) dst(%dma_wait3A_348 : memref<256xi32, #tpu.memory_space<vmem>>)
      %dma_start3A_352 = arith.constant 2 : i32
      %dma_start3A_353 = arith.constant 0 : i32
      %dma_start3A_354 = tpu.memref_slice %arg8[%dma_start3A_352, %dma_start3A_353] : memref<6x256xi32, #tpu.memory_space<vmem>> -> memref<1x256xi32, #tpu.memory_space<vmem>>
      %dma_start3A_355 = tpu.memref_squeeze %dma_start3A_354 : memref<1x256xi32, #tpu.memory_space<vmem>> -> memref<256xi32, #tpu.memory_space<vmem>>
      %dma_start3A_356 = arith.constant 0 : i32
      %dma_start3A_357 = arith.constant 0 : i32
      %dma_start3A_358 = tpu.memref_slice %arg4[%dma_start3A_356, %dma_start3A_357] : memref<102400x16xf32, #tpu.memory_space<hbm>> -> memref<102400x16xf32, #tpu.memory_space<hbm>>
      tpu.enqueue_indirect_dma source(%dma_start3A_358 : memref<102400x16xf32, #tpu.memory_space<hbm>>) target(%arg12 : memref<256x16xf32, #tpu.memory_space<vmem>>) offsets(%dma_start3A_355 : memref<256xi32, #tpu.memory_space<vmem>>) semaphore(%arg31 : memref<!tpu.dma_semaphore, #tpu.memory_space<semaphore_mem>>)
      %ge3A_359 = arith.constant 1 : i32
      %ge3A_360 = arith.cmpi sge, %scan3A_186, %ge3A_359 : i32
      %convert_element_type3A_361 = arith.extui %ge3A_360 : i1 to i32
      %cond3A_362 = arith.constant 0 : i32
      %cond3A_363 = arith.cmpi ne, %convert_element_type3A_361, %cond3A_362 : i32
      scf.if %cond3A_363 {
        %dma_wait3A_610 = arith.constant 5 : i32
        %dma_wait3A_611 = arith.constant 0 : i32
        %dma_wait3A_612 = tpu.memref_slice %arg8[%dma_wait3A_610, %dma_wait3A_611] : memref<6x256xi32, #tpu.memory_space<vmem>> -> memref<1x256xi32, #tpu.memory_space<vmem>>
        %dma_wait3A_613 = tpu.memref_squeeze %dma_wait3A_612 : memref<1x256xi32, #tpu.memory_space<vmem>> -> memref<256xi32, #tpu.memory_space<vmem>>
        %dma_wait3A_614 = arith.constant 0 : i32
        %dma_wait3A_615 = arith.constant 0 : i32
        %dma_wait3A_616 = tpu.memref_slice %arg4[%dma_wait3A_614, %dma_wait3A_615] : memref<102400x16xf32, #tpu.memory_space<hbm>> -> memref<102400x16xf32, #tpu.memory_space<hbm>>
        tpu.wait_indirect_dma semaphore(%arg34 : memref<!tpu.dma_semaphore, #tpu.memory_space<semaphore_mem>>) src(%dma_wait3A_616 : memref<102400x16xf32, #tpu.memory_space<hbm>>) dst(%arg15 : memref<256x16xf32, #tpu.memory_space<vmem>>)
        %dma_wait3A_617 = arith.constant 0 : i32
        %dma_wait3A_618 = arith.constant 5 : i32
        %dma_wait3A_619 = arith.constant 0 : i32
        %dma_wait3A_620 = tpu.memref_slice %arg9[%dma_wait3A_618, %dma_wait3A_619] : memref<6x256xi32, #tpu.memory_space<vmem>> -> memref<1x256xi32, #tpu.memory_space<vmem>>
        %dma_wait3A_621 = tpu.memref_squeeze %dma_wait3A_620 : memref<1x256xi32, #tpu.memory_space<vmem>> -> memref<256xi32, #tpu.memory_space<vmem>>
        %dma_wait3A_622 = arith.constant 0 : i32
        %dma_wait3A_623 = tpu.memref_slice %arg3[%dma_wait3A_617, %dma_wait3A_622] : memref<12672x256xi32, #tpu.memory_space<hbm>> -> memref<1x256xi32, #tpu.memory_space<hbm>>
        %dma_wait3A_624 = tpu.memref_squeeze %dma_wait3A_623 : memref<1x256xi32, #tpu.memory_space<hbm>> -> memref<256xi32, #tpu.memory_space<hbm>>
        %dma_wait3A_625 = arith.constant 0 : i32
        %dma_wait3A_626 = tpu.memref_slice %arg9[%dma_wait3A_618, %dma_wait3A_625] : memref<6x256xi32, #tpu.memory_space<vmem>> -> memref<1x256xi32, #tpu.memory_space<vmem>>
        %dma_wait3A_627 = tpu.memref_squeeze %dma_wait3A_626 : memref<1x256xi32, #tpu.memory_space<vmem>> -> memref<256xi32, #tpu.memory_space<vmem>>
        %dma_wait3A_628 = arith.constant 0 : i32
        %dma_wait3A_629 = tpu.memref_slice %arg3[%dma_wait3A_617, %dma_wait3A_628] : memref<12672x256xi32, #tpu.memory_space<hbm>> -> memref<1x256xi32, #tpu.memory_space<hbm>>
        %dma_wait3A_630 = tpu.memref_squeeze %dma_wait3A_629 : memref<1x256xi32, #tpu.memory_space<hbm>> -> memref<256xi32, #tpu.memory_space<hbm>>
        tpu.wait_dma2 semaphore(%arg28 : memref<!tpu.dma_semaphore, #tpu.memory_space<semaphore_mem>>) src(%dma_wait3A_630 : memref<256xi32, #tpu.memory_space<hbm>>) dst(%dma_wait3A_627 : memref<256xi32, #tpu.memory_space<vmem>>)
        %dma_start3A_631 = arith.constant 5 : i32
        %dma_start3A_632 = arith.constant 0 : i32
        %dma_start3A_633 = tpu.memref_slice %arg9[%dma_start3A_631, %dma_start3A_632] : memref<6x256xi32, #tpu.memory_space<vmem>> -> memref<1x256xi32, #tpu.memory_space<vmem>>
        %dma_start3A_634 = tpu.memref_squeeze %dma_start3A_633 : memref<1x256xi32, #tpu.memory_space<vmem>> -> memref<256xi32, #tpu.memory_space<vmem>>
        %dma_start3A_635 = arith.constant 0 : i32
        %dma_start3A_636 = arith.constant 0 : i32
        %dma_start3A_637 = tpu.memref_slice %arg16[%dma_start3A_635, %dma_start3A_636] : memref<102400x16xf32, #tpu.memory_space<vmem_shared>> -> memref<102400x16xf32, #tpu.memory_space<vmem_shared>>
        tpu.enqueue_indirect_dma source(%arg15 : memref<256x16xf32, #tpu.memory_space<vmem>>) target(%dma_start3A_637 : memref<102400x16xf32, #tpu.memory_space<vmem_shared>>) offsets(%dma_start3A_634 : memref<256xi32, #tpu.memory_space<vmem>>) semaphore(%arg40 : memref<!tpu.dma_semaphore, #tpu.memory_space<semaphore_mem>>) {add = true}
      } else {
      }
      %add3A_364 = arith.constant 3 : i32
      %add3A_365 = arith.addi %add3A_319, %add3A_364 : i32
      %dma_start3A_366 = arith.constant 5 : i32
      %dma_start3A_367 = arith.constant 0 : i32
      %dma_start3A_368 = tpu.memref_slice %arg8[%dma_start3A_366, %dma_start3A_367] : memref<6x256xi32, #tpu.memory_space<vmem>> -> memref<1x256xi32, #tpu.memory_space<vmem>>
      %dma_start3A_369 = tpu.memref_squeeze %dma_start3A_368 : memref<1x256xi32, #tpu.memory_space<vmem>> -> memref<256xi32, #tpu.memory_space<vmem>>
      %dma_start3A_370 = arith.constant 0 : i32
      %dma_start3A_371 = tpu.memref_slice %arg2[%add3A_365, %dma_start3A_370] : memref<12672x256xi32, #tpu.memory_space<hbm>> -> memref<1x256xi32, #tpu.memory_space<hbm>>
      %dma_start3A_372 = tpu.memref_squeeze %dma_start3A_371 : memref<1x256xi32, #tpu.memory_space<hbm>> -> memref<256xi32, #tpu.memory_space<hbm>>
      %dma_start3A_373 = arith.constant 0 : i32
      %dma_start3A_374 = tpu.memref_slice %arg8[%dma_start3A_366, %dma_start3A_373] : memref<6x256xi32, #tpu.memory_space<vmem>> -> memref<1x256xi32, #tpu.memory_space<vmem>>
      %dma_start3A_375 = tpu.memref_squeeze %dma_start3A_374 : memref<1x256xi32, #tpu.memory_space<vmem>> -> memref<256xi32, #tpu.memory_space<vmem>>
      %dma_start3A_376 = arith.constant 0 : i32
      %dma_start3A_377 = tpu.memref_slice %arg2[%add3A_365, %dma_start3A_376] : memref<12672x256xi32, #tpu.memory_space<hbm>> -> memref<1x256xi32, #tpu.memory_space<hbm>>
      %dma_start3A_378 = tpu.memref_squeeze %dma_start3A_377 : memref<1x256xi32, #tpu.memory_space<hbm>> -> memref<256xi32, #tpu.memory_space<hbm>>
      tpu.enqueue_dma source(%dma_start3A_378 : memref<256xi32, #tpu.memory_space<hbm>>) target(%dma_start3A_375 : memref<256xi32, #tpu.memory_space<vmem>>) target_semaphore(%arg22 : memref<!tpu.dma_semaphore, #tpu.memory_space<semaphore_mem>>)
      %mul3A_379 = arith.constant 6 : i32
      %mul3A_380 = arith.muli %scan3A_186, %mul3A_379 : i32
      %add3A_381 = arith.addi %mul3A_2, %mul3A_380 : i32
      %add3A_382 = arith.constant 3 : i32
      %add3A_383 = arith.addi %add3A_381, %add3A_382 : i32
      %ge3A_384 = arith.constant 1 : i32
      %ge3A_385 = arith.cmpi sge, %scan3A_186, %ge3A_384 : i32
      %convert_element_type3A_386 = arith.extui %ge3A_385 : i1 to i32
      %cond3A_387 = arith.constant 0 : i32
      %cond3A_388 = arith.cmpi ne, %convert_element_type3A_386, %cond3A_387 : i32
      scf.if %cond3A_388 {
        %dma_wait3A_610 = arith.constant 3 : i32
        %dma_wait3A_611 = arith.constant 0 : i32
        %dma_wait3A_612 = tpu.memref_slice %arg9[%dma_wait3A_610, %dma_wait3A_611] : memref<6x256xi32, #tpu.memory_space<vmem>> -> memref<1x256xi32, #tpu.memory_space<vmem>>
        %dma_wait3A_613 = tpu.memref_squeeze %dma_wait3A_612 : memref<1x256xi32, #tpu.memory_space<vmem>> -> memref<256xi32, #tpu.memory_space<vmem>>
        %dma_wait3A_614 = arith.constant 0 : i32
        %dma_wait3A_615 = arith.constant 0 : i32
        %dma_wait3A_616 = tpu.memref_slice %arg16[%dma_wait3A_614, %dma_wait3A_615] : memref<102400x16xf32, #tpu.memory_space<vmem_shared>> -> memref<102400x16xf32, #tpu.memory_space<vmem_shared>>
        tpu.wait_indirect_dma semaphore(%arg38 : memref<!tpu.dma_semaphore, #tpu.memory_space<semaphore_mem>>) src(%arg13 : memref<256x16xf32, #tpu.memory_space<vmem>>) dst(%dma_wait3A_616 : memref<102400x16xf32, #tpu.memory_space<vmem_shared>>)
      } else {
      }
      %dma_start3A_389 = arith.constant 3 : i32
      %dma_start3A_390 = arith.constant 0 : i32
      %dma_start3A_391 = tpu.memref_slice %arg9[%dma_start3A_389, %dma_start3A_390] : memref<6x256xi32, #tpu.memory_space<vmem>> -> memref<1x256xi32, #tpu.memory_space<vmem>>
      %dma_start3A_392 = tpu.memref_squeeze %dma_start3A_391 : memref<1x256xi32, #tpu.memory_space<vmem>> -> memref<256xi32, #tpu.memory_space<vmem>>
      %dma_start3A_393 = arith.constant 0 : i32
      %dma_start3A_394 = tpu.memref_slice %arg3[%add3A_383, %dma_start3A_393] : memref<12672x256xi32, #tpu.memory_space<hbm>> -> memref<1x256xi32, #tpu.memory_space<hbm>>
      %dma_start3A_395 = tpu.memref_squeeze %dma_start3A_394 : memref<1x256xi32, #tpu.memory_space<hbm>> -> memref<256xi32, #tpu.memory_space<hbm>>
      %dma_start3A_396 = arith.constant 0 : i32
      %dma_start3A_397 = tpu.memref_slice %arg9[%dma_start3A_389, %dma_start3A_396] : memref<6x256xi32, #tpu.memory_space<vmem>> -> memref<1x256xi32, #tpu.memory_space<vmem>>
      %dma_start3A_398 = tpu.memref_squeeze %dma_start3A_397 : memref<1x256xi32, #tpu.memory_space<vmem>> -> memref<256xi32, #tpu.memory_space<vmem>>
      %dma_start3A_399 = arith.constant 0 : i32
      %dma_start3A_400 = tpu.memref_slice %arg3[%add3A_383, %dma_start3A_399] : memref<12672x256xi32, #tpu.memory_space<hbm>> -> memref<1x256xi32, #tpu.memory_space<hbm>>
      %dma_start3A_401 = tpu.memref_squeeze %dma_start3A_400 : memref<1x256xi32, #tpu.memory_space<hbm>> -> memref<256xi32, #tpu.memory_space<hbm>>
      tpu.enqueue_dma source(%dma_start3A_401 : memref<256xi32, #tpu.memory_space<hbm>>) target(%dma_start3A_398 : memref<256xi32, #tpu.memory_space<vmem>>) target_semaphore(%arg26 : memref<!tpu.dma_semaphore, #tpu.memory_space<semaphore_mem>>)
      %dma_wait3A_402 = arith.constant 0 : i32
      %dma_wait3A_403 = arith.constant 3 : i32
      %dma_wait3A_404 = arith.constant 0 : i32
      %dma_wait3A_405 = tpu.memref_slice %arg8[%dma_wait3A_403, %dma_wait3A_404] : memref<6x256xi32, #tpu.memory_space<vmem>> -> memref<1x256xi32, #tpu.memory_space<vmem>>
      %dma_wait3A_406 = tpu.memref_squeeze %dma_wait3A_405 : memref<1x256xi32, #tpu.memory_space<vmem>> -> memref<256xi32, #tpu.memory_space<vmem>>
      %dma_wait3A_407 = arith.constant 0 : i32
      %dma_wait3A_408 = tpu.memref_slice %arg2[%dma_wait3A_402, %dma_wait3A_407] : memref<12672x256xi32, #tpu.memory_space<hbm>> -> memref<1x256xi32, #tpu.memory_space<hbm>>
      %dma_wait3A_409 = tpu.memref_squeeze %dma_wait3A_408 : memref<1x256xi32, #tpu.memory_space<hbm>> -> memref<256xi32, #tpu.memory_space<hbm>>
      %dma_wait3A_410 = arith.constant 0 : i32
      %dma_wait3A_411 = tpu.memref_slice %arg8[%dma_wait3A_403, %dma_wait3A_410] : memref<6x256xi32, #tpu.memory_space<vmem>> -> memref<1x256xi32, #tpu.memory_space<vmem>>
      %dma_wait3A_412 = tpu.memref_squeeze %dma_wait3A_411 : memref<1x256xi32, #tpu.memory_space<vmem>> -> memref<256xi32, #tpu.memory_space<vmem>>
      %dma_wait3A_413 = arith.constant 0 : i32
      %dma_wait3A_414 = tpu.memref_slice %arg2[%dma_wait3A_402, %dma_wait3A_413] : memref<12672x256xi32, #tpu.memory_space<hbm>> -> memref<1x256xi32, #tpu.memory_space<hbm>>
      %dma_wait3A_415 = tpu.memref_squeeze %dma_wait3A_414 : memref<1x256xi32, #tpu.memory_space<hbm>> -> memref<256xi32, #tpu.memory_space<hbm>>
      tpu.wait_dma2 semaphore(%arg20 : memref<!tpu.dma_semaphore, #tpu.memory_space<semaphore_mem>>) src(%dma_wait3A_415 : memref<256xi32, #tpu.memory_space<hbm>>) dst(%dma_wait3A_412 : memref<256xi32, #tpu.memory_space<vmem>>)
      %dma_start3A_416 = arith.constant 3 : i32
      %dma_start3A_417 = arith.constant 0 : i32
      %dma_start3A_418 = tpu.memref_slice %arg8[%dma_start3A_416, %dma_start3A_417] : memref<6x256xi32, #tpu.memory_space<vmem>> -> memref<1x256xi32, #tpu.memory_space<vmem>>
      %dma_start3A_419 = tpu.memref_squeeze %dma_start3A_418 : memref<1x256xi32, #tpu.memory_space<vmem>> -> memref<256xi32, #tpu.memory_space<vmem>>
      %dma_start3A_420 = arith.constant 0 : i32
      %dma_start3A_421 = arith.constant 0 : i32
      %dma_start3A_422 = tpu.memref_slice %arg4[%dma_start3A_420, %dma_start3A_421] : memref<102400x16xf32, #tpu.memory_space<hbm>> -> memref<102400x16xf32, #tpu.memory_space<hbm>>
      tpu.enqueue_indirect_dma source(%dma_start3A_422 : memref<102400x16xf32, #tpu.memory_space<hbm>>) target(%arg13 : memref<256x16xf32, #tpu.memory_space<vmem>>) offsets(%dma_start3A_419 : memref<256xi32, #tpu.memory_space<vmem>>) semaphore(%arg32 : memref<!tpu.dma_semaphore, #tpu.memory_space<semaphore_mem>>)
      %dma_wait3A_423 = arith.constant 0 : i32
      %dma_wait3A_424 = arith.constant 0 : i32
      %dma_wait3A_425 = tpu.memref_slice %arg8[%dma_wait3A_423, %dma_wait3A_424] : memref<6x256xi32, #tpu.memory_space<vmem>> -> memref<1x256xi32, #tpu.memory_space<vmem>>
      %dma_wait3A_426 = tpu.memref_squeeze %dma_wait3A_425 : memref<1x256xi32, #tpu.memory_space<vmem>> -> memref<256xi32, #tpu.memory_space<vmem>>
      %dma_wait3A_427 = arith.constant 0 : i32
      %dma_wait3A_428 = arith.constant 0 : i32
      %dma_wait3A_429 = tpu.memref_slice %arg4[%dma_wait3A_427, %dma_wait3A_428] : memref<102400x16xf32, #tpu.memory_space<hbm>> -> memref<102400x16xf32, #tpu.memory_space<hbm>>
      tpu.wait_indirect_dma semaphore(%arg29 : memref<!tpu.dma_semaphore, #tpu.memory_space<semaphore_mem>>) src(%dma_wait3A_429 : memref<102400x16xf32, #tpu.memory_space<hbm>>) dst(%arg10 : memref<256x16xf32, #tpu.memory_space<vmem>>)
      %dma_wait3A_430 = arith.constant 0 : i32
      %dma_wait3A_431 = arith.constant 0 : i32
      %dma_wait3A_432 = arith.constant 0 : i32
      %dma_wait3A_433 = tpu.memref_slice %arg9[%dma_wait3A_431, %dma_wait3A_432] : memref<6x256xi32, #tpu.memory_space<vmem>> -> memref<1x256xi32, #tpu.memory_space<vmem>>
      %dma_wait3A_434 = tpu.memref_squeeze %dma_wait3A_433 : memref<1x256xi32, #tpu.memory_space<vmem>> -> memref<256xi32, #tpu.memory_space<vmem>>
      %dma_wait3A_435 = arith.constant 0 : i32
      %dma_wait3A_436 = tpu.memref_slice %arg3[%dma_wait3A_430, %dma_wait3A_435] : memref<12672x256xi32, #tpu.memory_space<hbm>> -> memref<1x256xi32, #tpu.memory_space<hbm>>
      %dma_wait3A_437 = tpu.memref_squeeze %dma_wait3A_436 : memref<1x256xi32, #tpu.memory_space<hbm>> -> memref<256xi32, #tpu.memory_space<hbm>>
      %dma_wait3A_438 = arith.constant 0 : i32
      %dma_wait3A_439 = tpu.memref_slice %arg9[%dma_wait3A_431, %dma_wait3A_438] : memref<6x256xi32, #tpu.memory_space<vmem>> -> memref<1x256xi32, #tpu.memory_space<vmem>>
      %dma_wait3A_440 = tpu.memref_squeeze %dma_wait3A_439 : memref<1x256xi32, #tpu.memory_space<vmem>> -> memref<256xi32, #tpu.memory_space<vmem>>
      %dma_wait3A_441 = arith.constant 0 : i32
      %dma_wait3A_442 = tpu.memref_slice %arg3[%dma_wait3A_430, %dma_wait3A_441] : memref<12672x256xi32, #tpu.memory_space<hbm>> -> memref<1x256xi32, #tpu.memory_space<hbm>>
      %dma_wait3A_443 = tpu.memref_squeeze %dma_wait3A_442 : memref<1x256xi32, #tpu.memory_space<hbm>> -> memref<256xi32, #tpu.memory_space<hbm>>
      tpu.wait_dma2 semaphore(%arg23 : memref<!tpu.dma_semaphore, #tpu.memory_space<semaphore_mem>>) src(%dma_wait3A_443 : memref<256xi32, #tpu.memory_space<hbm>>) dst(%dma_wait3A_440 : memref<256xi32, #tpu.memory_space<vmem>>)
      %dma_start3A_444 = arith.constant 0 : i32
      %dma_start3A_445 = arith.constant 0 : i32
      %dma_start3A_446 = tpu.memref_slice %arg9[%dma_start3A_444, %dma_start3A_445] : memref<6x256xi32, #tpu.memory_space<vmem>> -> memref<1x256xi32, #tpu.memory_space<vmem>>
      %dma_start3A_447 = tpu.memref_squeeze %dma_start3A_446 : memref<1x256xi32, #tpu.memory_space<vmem>> -> memref<256xi32, #tpu.memory_space<vmem>>
      %dma_start3A_448 = arith.constant 0 : i32
      %dma_start3A_449 = arith.constant 0 : i32
      %dma_start3A_450 = tpu.memref_slice %arg16[%dma_start3A_448, %dma_start3A_449] : memref<102400x16xf32, #tpu.memory_space<vmem_shared>> -> memref<102400x16xf32, #tpu.memory_space<vmem_shared>>
      tpu.enqueue_indirect_dma source(%arg10 : memref<256x16xf32, #tpu.memory_space<vmem>>) target(%dma_start3A_450 : memref<102400x16xf32, #tpu.memory_space<vmem_shared>>) offsets(%dma_start3A_447 : memref<256xi32, #tpu.memory_space<vmem>>) semaphore(%arg35 : memref<!tpu.dma_semaphore, #tpu.memory_space<semaphore_mem>>) {add = true}
      %le3A = arith.constant 64 : i32
      %le3A_451 = arith.cmpi sle, %scan3A_186, %le3A : i32
      %convert_element_type3A_452 = arith.extui %le3A_451 : i1 to i32
      %cond3A_453 = arith.constant 0 : i32
      %cond3A_454 = arith.cmpi ne, %convert_element_type3A_452, %cond3A_453 : i32
      scf.if %cond3A_454 {
        %add3A_610 = arith.constant 3 : i32
        %add3A_611 = arith.addi %add3A_383, %add3A_610 : i32
        %dma_start3A_612 = arith.constant 0 : i32
        %dma_start3A_613 = arith.constant 0 : i32
        %dma_start3A_614 = tpu.memref_slice %arg8[%dma_start3A_612, %dma_start3A_613] : memref<6x256xi32, #tpu.memory_space<vmem>> -> memref<1x256xi32, #tpu.memory_space<vmem>>
        %dma_start3A_615 = tpu.memref_squeeze %dma_start3A_614 : memref<1x256xi32, #tpu.memory_space<vmem>> -> memref<256xi32, #tpu.memory_space<vmem>>
        %dma_start3A_616 = arith.constant 0 : i32
        %dma_start3A_617 = tpu.memref_slice %arg2[%add3A_611, %dma_start3A_616] : memref<12672x256xi32, #tpu.memory_space<hbm>> -> memref<1x256xi32, #tpu.memory_space<hbm>>
        %dma_start3A_618 = tpu.memref_squeeze %dma_start3A_617 : memref<1x256xi32, #tpu.memory_space<hbm>> -> memref<256xi32, #tpu.memory_space<hbm>>
        %dma_start3A_619 = arith.constant 0 : i32
        %dma_start3A_620 = tpu.memref_slice %arg8[%dma_start3A_612, %dma_start3A_619] : memref<6x256xi32, #tpu.memory_space<vmem>> -> memref<1x256xi32, #tpu.memory_space<vmem>>
        %dma_start3A_621 = tpu.memref_squeeze %dma_start3A_620 : memref<1x256xi32, #tpu.memory_space<vmem>> -> memref<256xi32, #tpu.memory_space<vmem>>
        %dma_start3A_622 = arith.constant 0 : i32
        %dma_start3A_623 = tpu.memref_slice %arg2[%add3A_611, %dma_start3A_622] : memref<12672x256xi32, #tpu.memory_space<hbm>> -> memref<1x256xi32, #tpu.memory_space<hbm>>
        %dma_start3A_624 = tpu.memref_squeeze %dma_start3A_623 : memref<1x256xi32, #tpu.memory_space<hbm>> -> memref<256xi32, #tpu.memory_space<hbm>>
        tpu.enqueue_dma source(%dma_start3A_624 : memref<256xi32, #tpu.memory_space<hbm>>) target(%dma_start3A_621 : memref<256xi32, #tpu.memory_space<vmem>>) target_semaphore(%arg17 : memref<!tpu.dma_semaphore, #tpu.memory_space<semaphore_mem>>)
      } else {
      }
      %mul3A_455 = arith.constant 6 : i32
      %mul3A_456 = arith.muli %scan3A_186, %mul3A_455 : i32
      %add3A_457 = arith.addi %mul3A_2, %mul3A_456 : i32
      %add3A_458 = arith.constant 4 : i32
      %add3A_459 = arith.addi %add3A_457, %add3A_458 : i32
      %ge3A_460 = arith.constant 1 : i32
      %ge3A_461 = arith.cmpi sge, %scan3A_186, %ge3A_460 : i32
      %convert_element_type3A_462 = arith.extui %ge3A_461 : i1 to i32
      %cond3A_463 = arith.constant 0 : i32
      %cond3A_464 = arith.cmpi ne, %convert_element_type3A_462, %cond3A_463 : i32
      scf.if %cond3A_464 {
        %dma_wait3A_610 = arith.constant 4 : i32
        %dma_wait3A_611 = arith.constant 0 : i32
        %dma_wait3A_612 = tpu.memref_slice %arg9[%dma_wait3A_610, %dma_wait3A_611] : memref<6x256xi32, #tpu.memory_space<vmem>> -> memref<1x256xi32, #tpu.memory_space<vmem>>
        %dma_wait3A_613 = tpu.memref_squeeze %dma_wait3A_612 : memref<1x256xi32, #tpu.memory_space<vmem>> -> memref<256xi32, #tpu.memory_space<vmem>>
        %dma_wait3A_614 = arith.constant 0 : i32
        %dma_wait3A_615 = arith.constant 0 : i32
        %dma_wait3A_616 = tpu.memref_slice %arg16[%dma_wait3A_614, %dma_wait3A_615] : memref<102400x16xf32, #tpu.memory_space<vmem_shared>> -> memref<102400x16xf32, #tpu.memory_space<vmem_shared>>
        tpu.wait_indirect_dma semaphore(%arg39 : memref<!tpu.dma_semaphore, #tpu.memory_space<semaphore_mem>>) src(%arg14 : memref<256x16xf32, #tpu.memory_space<vmem>>) dst(%dma_wait3A_616 : memref<102400x16xf32, #tpu.memory_space<vmem_shared>>)
      } else {
      }
      %dma_start3A_465 = arith.constant 4 : i32
      %dma_start3A_466 = arith.constant 0 : i32
      %dma_start3A_467 = tpu.memref_slice %arg9[%dma_start3A_465, %dma_start3A_466] : memref<6x256xi32, #tpu.memory_space<vmem>> -> memref<1x256xi32, #tpu.memory_space<vmem>>
      %dma_start3A_468 = tpu.memref_squeeze %dma_start3A_467 : memref<1x256xi32, #tpu.memory_space<vmem>> -> memref<256xi32, #tpu.memory_space<vmem>>
      %dma_start3A_469 = arith.constant 0 : i32
      %dma_start3A_470 = tpu.memref_slice %arg3[%add3A_459, %dma_start3A_469] : memref<12672x256xi32, #tpu.memory_space<hbm>> -> memref<1x256xi32, #tpu.memory_space<hbm>>
      %dma_start3A_471 = tpu.memref_squeeze %dma_start3A_470 : memref<1x256xi32, #tpu.memory_space<hbm>> -> memref<256xi32, #tpu.memory_space<hbm>>
      %dma_start3A_472 = arith.constant 0 : i32
      %dma_start3A_473 = tpu.memref_slice %arg9[%dma_start3A_465, %dma_start3A_472] : memref<6x256xi32, #tpu.memory_space<vmem>> -> memref<1x256xi32, #tpu.memory_space<vmem>>
      %dma_start3A_474 = tpu.memref_squeeze %dma_start3A_473 : memref<1x256xi32, #tpu.memory_space<vmem>> -> memref<256xi32, #tpu.memory_space<vmem>>
      %dma_start3A_475 = arith.constant 0 : i32
      %dma_start3A_476 = tpu.memref_slice %arg3[%add3A_459, %dma_start3A_475] : memref<12672x256xi32, #tpu.memory_space<hbm>> -> memref<1x256xi32, #tpu.memory_space<hbm>>
      %dma_start3A_477 = tpu.memref_squeeze %dma_start3A_476 : memref<1x256xi32, #tpu.memory_space<hbm>> -> memref<256xi32, #tpu.memory_space<hbm>>
      tpu.enqueue_dma source(%dma_start3A_477 : memref<256xi32, #tpu.memory_space<hbm>>) target(%dma_start3A_474 : memref<256xi32, #tpu.memory_space<vmem>>) target_semaphore(%arg27 : memref<!tpu.dma_semaphore, #tpu.memory_space<semaphore_mem>>)
      %dma_wait3A_478 = arith.constant 0 : i32
      %dma_wait3A_479 = arith.constant 4 : i32
      %dma_wait3A_480 = arith.constant 0 : i32
      %dma_wait3A_481 = tpu.memref_slice %arg8[%dma_wait3A_479, %dma_wait3A_480] : memref<6x256xi32, #tpu.memory_space<vmem>> -> memref<1x256xi32, #tpu.memory_space<vmem>>
      %dma_wait3A_482 = tpu.memref_squeeze %dma_wait3A_481 : memref<1x256xi32, #tpu.memory_space<vmem>> -> memref<256xi32, #tpu.memory_space<vmem>>
      %dma_wait3A_483 = arith.constant 0 : i32
      %dma_wait3A_484 = tpu.memref_slice %arg2[%dma_wait3A_478, %dma_wait3A_483] : memref<12672x256xi32, #tpu.memory_space<hbm>> -> memref<1x256xi32, #tpu.memory_space<hbm>>
      %dma_wait3A_485 = tpu.memref_squeeze %dma_wait3A_484 : memref<1x256xi32, #tpu.memory_space<hbm>> -> memref<256xi32, #tpu.memory_space<hbm>>
      %dma_wait3A_486 = arith.constant 0 : i32
      %dma_wait3A_487 = tpu.memref_slice %arg8[%dma_wait3A_479, %dma_wait3A_486] : memref<6x256xi32, #tpu.memory_space<vmem>> -> memref<1x256xi32, #tpu.memory_space<vmem>>
      %dma_wait3A_488 = tpu.memref_squeeze %dma_wait3A_487 : memref<1x256xi32, #tpu.memory_space<vmem>> -> memref<256xi32, #tpu.memory_space<vmem>>
      %dma_wait3A_489 = arith.constant 0 : i32
      %dma_wait3A_490 = tpu.memref_slice %arg2[%dma_wait3A_478, %dma_wait3A_489] : memref<12672x256xi32, #tpu.memory_space<hbm>> -> memref<1x256xi32, #tpu.memory_space<hbm>>
      %dma_wait3A_491 = tpu.memref_squeeze %dma_wait3A_490 : memref<1x256xi32, #tpu.memory_space<hbm>> -> memref<256xi32, #tpu.memory_space<hbm>>
      tpu.wait_dma2 semaphore(%arg21 : memref<!tpu.dma_semaphore, #tpu.memory_space<semaphore_mem>>) src(%dma_wait3A_491 : memref<256xi32, #tpu.memory_space<hbm>>) dst(%dma_wait3A_488 : memref<256xi32, #tpu.memory_space<vmem>>)
      %dma_start3A_492 = arith.constant 4 : i32
      %dma_start3A_493 = arith.constant 0 : i32
      %dma_start3A_494 = tpu.memref_slice %arg8[%dma_start3A_492, %dma_start3A_493] : memref<6x256xi32, #tpu.memory_space<vmem>> -> memref<1x256xi32, #tpu.memory_space<vmem>>
      %dma_start3A_495 = tpu.memref_squeeze %dma_start3A_494 : memref<1x256xi32, #tpu.memory_space<vmem>> -> memref<256xi32, #tpu.memory_space<vmem>>
      %dma_start3A_496 = arith.constant 0 : i32
      %dma_start3A_497 = arith.constant 0 : i32
      %dma_start3A_498 = tpu.memref_slice %arg4[%dma_start3A_496, %dma_start3A_497] : memref<102400x16xf32, #tpu.memory_space<hbm>> -> memref<102400x16xf32, #tpu.memory_space<hbm>>
      tpu.enqueue_indirect_dma source(%dma_start3A_498 : memref<102400x16xf32, #tpu.memory_space<hbm>>) target(%arg14 : memref<256x16xf32, #tpu.memory_space<vmem>>) offsets(%dma_start3A_495 : memref<256xi32, #tpu.memory_space<vmem>>) semaphore(%arg33 : memref<!tpu.dma_semaphore, #tpu.memory_space<semaphore_mem>>)
      %dma_wait3A_499 = arith.constant 1 : i32
      %dma_wait3A_500 = arith.constant 0 : i32
      %dma_wait3A_501 = tpu.memref_slice %arg8[%dma_wait3A_499, %dma_wait3A_500] : memref<6x256xi32, #tpu.memory_space<vmem>> -> memref<1x256xi32, #tpu.memory_space<vmem>>
      %dma_wait3A_502 = tpu.memref_squeeze %dma_wait3A_501 : memref<1x256xi32, #tpu.memory_space<vmem>> -> memref<256xi32, #tpu.memory_space<vmem>>
      %dma_wait3A_503 = arith.constant 0 : i32
      %dma_wait3A_504 = arith.constant 0 : i32
      %dma_wait3A_505 = tpu.memref_slice %arg4[%dma_wait3A_503, %dma_wait3A_504] : memref<102400x16xf32, #tpu.memory_space<hbm>> -> memref<102400x16xf32, #tpu.memory_space<hbm>>
      tpu.wait_indirect_dma semaphore(%arg30 : memref<!tpu.dma_semaphore, #tpu.memory_space<semaphore_mem>>) src(%dma_wait3A_505 : memref<102400x16xf32, #tpu.memory_space<hbm>>) dst(%arg11 : memref<256x16xf32, #tpu.memory_space<vmem>>)
      %dma_wait3A_506 = arith.constant 0 : i32
      %dma_wait3A_507 = arith.constant 1 : i32
      %dma_wait3A_508 = arith.constant 0 : i32
      %dma_wait3A_509 = tpu.memref_slice %arg9[%dma_wait3A_507, %dma_wait3A_508] : memref<6x256xi32, #tpu.memory_space<vmem>> -> memref<1x256xi32, #tpu.memory_space<vmem>>
      %dma_wait3A_510 = tpu.memref_squeeze %dma_wait3A_509 : memref<1x256xi32, #tpu.memory_space<vmem>> -> memref<256xi32, #tpu.memory_space<vmem>>
      %dma_wait3A_511 = arith.constant 0 : i32
      %dma_wait3A_512 = tpu.memref_slice %arg3[%dma_wait3A_506, %dma_wait3A_511] : memref<12672x256xi32, #tpu.memory_space<hbm>> -> memref<1x256xi32, #tpu.memory_space<hbm>>
      %dma_wait3A_513 = tpu.memref_squeeze %dma_wait3A_512 : memref<1x256xi32, #tpu.memory_space<hbm>> -> memref<256xi32, #tpu.memory_space<hbm>>
      %dma_wait3A_514 = arith.constant 0 : i32
      %dma_wait3A_515 = tpu.memref_slice %arg9[%dma_wait3A_507, %dma_wait3A_514] : memref<6x256xi32, #tpu.memory_space<vmem>> -> memref<1x256xi32, #tpu.memory_space<vmem>>
      %dma_wait3A_516 = tpu.memref_squeeze %dma_wait3A_515 : memref<1x256xi32, #tpu.memory_space<vmem>> -> memref<256xi32, #tpu.memory_space<vmem>>
      %dma_wait3A_517 = arith.constant 0 : i32
      %dma_wait3A_518 = tpu.memref_slice %arg3[%dma_wait3A_506, %dma_wait3A_517] : memref<12672x256xi32, #tpu.memory_space<hbm>> -> memref<1x256xi32, #tpu.memory_space<hbm>>
      %dma_wait3A_519 = tpu.memref_squeeze %dma_wait3A_518 : memref<1x256xi32, #tpu.memory_space<hbm>> -> memref<256xi32, #tpu.memory_space<hbm>>
      tpu.wait_dma2 semaphore(%arg24 : memref<!tpu.dma_semaphore, #tpu.memory_space<semaphore_mem>>) src(%dma_wait3A_519 : memref<256xi32, #tpu.memory_space<hbm>>) dst(%dma_wait3A_516 : memref<256xi32, #tpu.memory_space<vmem>>)
      %dma_start3A_520 = arith.constant 1 : i32
      %dma_start3A_521 = arith.constant 0 : i32
      %dma_start3A_522 = tpu.memref_slice %arg9[%dma_start3A_520, %dma_start3A_521] : memref<6x256xi32, #tpu.memory_space<vmem>> -> memref<1x256xi32, #tpu.memory_space<vmem>>
      %dma_start3A_523 = tpu.memref_squeeze %dma_start3A_522 : memref<1x256xi32, #tpu.memory_space<vmem>> -> memref<256xi32, #tpu.memory_space<vmem>>
      %dma_start3A_524 = arith.constant 0 : i32
      %dma_start3A_525 = arith.constant 0 : i32
      %dma_start3A_526 = tpu.memref_slice %arg16[%dma_start3A_524, %dma_start3A_525] : memref<102400x16xf32, #tpu.memory_space<vmem_shared>> -> memref<102400x16xf32, #tpu.memory_space<vmem_shared>>
      tpu.enqueue_indirect_dma source(%arg11 : memref<256x16xf32, #tpu.memory_space<vmem>>) target(%dma_start3A_526 : memref<102400x16xf32, #tpu.memory_space<vmem_shared>>) offsets(%dma_start3A_523 : memref<256xi32, #tpu.memory_space<vmem>>) semaphore(%arg36 : memref<!tpu.dma_semaphore, #tpu.memory_space<semaphore_mem>>) {add = true}
      %le3A_527 = arith.constant 64 : i32
      %le3A_528 = arith.cmpi sle, %scan3A_186, %le3A_527 : i32
      %convert_element_type3A_529 = arith.extui %le3A_528 : i1 to i32
      %cond3A_530 = arith.constant 0 : i32
      %cond3A_531 = arith.cmpi ne, %convert_element_type3A_529, %cond3A_530 : i32
      scf.if %cond3A_531 {
        %add3A_610 = arith.constant 3 : i32
        %add3A_611 = arith.addi %add3A_459, %add3A_610 : i32
        %dma_start3A_612 = arith.constant 1 : i32
        %dma_start3A_613 = arith.constant 0 : i32
        %dma_start3A_614 = tpu.memref_slice %arg8[%dma_start3A_612, %dma_start3A_613] : memref<6x256xi32, #tpu.memory_space<vmem>> -> memref<1x256xi32, #tpu.memory_space<vmem>>
        %dma_start3A_615 = tpu.memref_squeeze %dma_start3A_614 : memref<1x256xi32, #tpu.memory_space<vmem>> -> memref<256xi32, #tpu.memory_space<vmem>>
        %dma_start3A_616 = arith.constant 0 : i32
        %dma_start3A_617 = tpu.memref_slice %arg2[%add3A_611, %dma_start3A_616] : memref<12672x256xi32, #tpu.memory_space<hbm>> -> memref<1x256xi32, #tpu.memory_space<hbm>>
        %dma_start3A_618 = tpu.memref_squeeze %dma_start3A_617 : memref<1x256xi32, #tpu.memory_space<hbm>> -> memref<256xi32, #tpu.memory_space<hbm>>
        %dma_start3A_619 = arith.constant 0 : i32
        %dma_start3A_620 = tpu.memref_slice %arg8[%dma_start3A_612, %dma_start3A_619] : memref<6x256xi32, #tpu.memory_space<vmem>> -> memref<1x256xi32, #tpu.memory_space<vmem>>
        %dma_start3A_621 = tpu.memref_squeeze %dma_start3A_620 : memref<1x256xi32, #tpu.memory_space<vmem>> -> memref<256xi32, #tpu.memory_space<vmem>>
        %dma_start3A_622 = arith.constant 0 : i32
        %dma_start3A_623 = tpu.memref_slice %arg2[%add3A_611, %dma_start3A_622] : memref<12672x256xi32, #tpu.memory_space<hbm>> -> memref<1x256xi32, #tpu.memory_space<hbm>>
        %dma_start3A_624 = tpu.memref_squeeze %dma_start3A_623 : memref<1x256xi32, #tpu.memory_space<hbm>> -> memref<256xi32, #tpu.memory_space<hbm>>
        tpu.enqueue_dma source(%dma_start3A_624 : memref<256xi32, #tpu.memory_space<hbm>>) target(%dma_start3A_621 : memref<256xi32, #tpu.memory_space<vmem>>) target_semaphore(%arg18 : memref<!tpu.dma_semaphore, #tpu.memory_space<semaphore_mem>>)
      } else {
      }
      %mul3A_532 = arith.constant 6 : i32
      %mul3A_533 = arith.muli %scan3A_186, %mul3A_532 : i32
      %add3A_534 = arith.addi %mul3A_2, %mul3A_533 : i32
      %add3A_535 = arith.constant 5 : i32
      %add3A_536 = arith.addi %add3A_534, %add3A_535 : i32
      %ge3A_537 = arith.constant 1 : i32
      %ge3A_538 = arith.cmpi sge, %scan3A_186, %ge3A_537 : i32
      %convert_element_type3A_539 = arith.extui %ge3A_538 : i1 to i32
      %cond3A_540 = arith.constant 0 : i32
      %cond3A_541 = arith.cmpi ne, %convert_element_type3A_539, %cond3A_540 : i32
      scf.if %cond3A_541 {
        %dma_wait3A_610 = arith.constant 5 : i32
        %dma_wait3A_611 = arith.constant 0 : i32
        %dma_wait3A_612 = tpu.memref_slice %arg9[%dma_wait3A_610, %dma_wait3A_611] : memref<6x256xi32, #tpu.memory_space<vmem>> -> memref<1x256xi32, #tpu.memory_space<vmem>>
        %dma_wait3A_613 = tpu.memref_squeeze %dma_wait3A_612 : memref<1x256xi32, #tpu.memory_space<vmem>> -> memref<256xi32, #tpu.memory_space<vmem>>
        %dma_wait3A_614 = arith.constant 0 : i32
        %dma_wait3A_615 = arith.constant 0 : i32
        %dma_wait3A_616 = tpu.memref_slice %arg16[%dma_wait3A_614, %dma_wait3A_615] : memref<102400x16xf32, #tpu.memory_space<vmem_shared>> -> memref<102400x16xf32, #tpu.memory_space<vmem_shared>>
        tpu.wait_indirect_dma semaphore(%arg40 : memref<!tpu.dma_semaphore, #tpu.memory_space<semaphore_mem>>) src(%arg15 : memref<256x16xf32, #tpu.memory_space<vmem>>) dst(%dma_wait3A_616 : memref<102400x16xf32, #tpu.memory_space<vmem_shared>>)
      } else {
      }
      %dma_start3A_542 = arith.constant 5 : i32
      %dma_start3A_543 = arith.constant 0 : i32
      %dma_start3A_544 = tpu.memref_slice %arg9[%dma_start3A_542, %dma_start3A_543] : memref<6x256xi32, #tpu.memory_space<vmem>> -> memref<1x256xi32, #tpu.memory_space<vmem>>
      %dma_start3A_545 = tpu.memref_squeeze %dma_start3A_544 : memref<1x256xi32, #tpu.memory_space<vmem>> -> memref<256xi32, #tpu.memory_space<vmem>>
      %dma_start3A_546 = arith.constant 0 : i32
      %dma_start3A_547 = tpu.memref_slice %arg3[%add3A_536, %dma_start3A_546] : memref<12672x256xi32, #tpu.memory_space<hbm>> -> memref<1x256xi32, #tpu.memory_space<hbm>>
      %dma_start3A_548 = tpu.memref_squeeze %dma_start3A_547 : memref<1x256xi32, #tpu.memory_space<hbm>> -> memref<256xi32, #tpu.memory_space<hbm>>
      %dma_start3A_549 = arith.constant 0 : i32
      %dma_start3A_550 = tpu.memref_slice %arg9[%dma_start3A_542, %dma_start3A_549] : memref<6x256xi32, #tpu.memory_space<vmem>> -> memref<1x256xi32, #tpu.memory_space<vmem>>
      %dma_start3A_551 = tpu.memref_squeeze %dma_start3A_550 : memref<1x256xi32, #tpu.memory_space<vmem>> -> memref<256xi32, #tpu.memory_space<vmem>>
      %dma_start3A_552 = arith.constant 0 : i32
      %dma_start3A_553 = tpu.memref_slice %arg3[%add3A_536, %dma_start3A_552] : memref<12672x256xi32, #tpu.memory_space<hbm>> -> memref<1x256xi32, #tpu.memory_space<hbm>>
      %dma_start3A_554 = tpu.memref_squeeze %dma_start3A_553 : memref<1x256xi32, #tpu.memory_space<hbm>> -> memref<256xi32, #tpu.memory_space<hbm>>
      tpu.enqueue_dma source(%dma_start3A_554 : memref<256xi32, #tpu.memory_space<hbm>>) target(%dma_start3A_551 : memref<256xi32, #tpu.memory_space<vmem>>) target_semaphore(%arg28 : memref<!tpu.dma_semaphore, #tpu.memory_space<semaphore_mem>>)
      %dma_wait3A_555 = arith.constant 0 : i32
      %dma_wait3A_556 = arith.constant 5 : i32
      %dma_wait3A_557 = arith.constant 0 : i32
      %dma_wait3A_558 = tpu.memref_slice %arg8[%dma_wait3A_556, %dma_wait3A_557] : memref<6x256xi32, #tpu.memory_space<vmem>> -> memref<1x256xi32, #tpu.memory_space<vmem>>
      %dma_wait3A_559 = tpu.memref_squeeze %dma_wait3A_558 : memref<1x256xi32, #tpu.memory_space<vmem>> -> memref<256xi32, #tpu.memory_space<vmem>>
      %dma_wait3A_560 = arith.constant 0 : i32
      %dma_wait3A_561 = tpu.memref_slice %arg2[%dma_wait3A_555, %dma_wait3A_560] : memref<12672x256xi32, #tpu.memory_space<hbm>> -> memref<1x256xi32, #tpu.memory_space<hbm>>
      %dma_wait3A_562 = tpu.memref_squeeze %dma_wait3A_561 : memref<1x256xi32, #tpu.memory_space<hbm>> -> memref<256xi32, #tpu.memory_space<hbm>>
      %dma_wait3A_563 = arith.constant 0 : i32
      %dma_wait3A_564 = tpu.memref_slice %arg8[%dma_wait3A_556, %dma_wait3A_563] : memref<6x256xi32, #tpu.memory_space<vmem>> -> memref<1x256xi32, #tpu.memory_space<vmem>>
      %dma_wait3A_565 = tpu.memref_squeeze %dma_wait3A_564 : memref<1x256xi32, #tpu.memory_space<vmem>> -> memref<256xi32, #tpu.memory_space<vmem>>
      %dma_wait3A_566 = arith.constant 0 : i32
      %dma_wait3A_567 = tpu.memref_slice %arg2[%dma_wait3A_555, %dma_wait3A_566] : memref<12672x256xi32, #tpu.memory_space<hbm>> -> memref<1x256xi32, #tpu.memory_space<hbm>>
      %dma_wait3A_568 = tpu.memref_squeeze %dma_wait3A_567 : memref<1x256xi32, #tpu.memory_space<hbm>> -> memref<256xi32, #tpu.memory_space<hbm>>
      tpu.wait_dma2 semaphore(%arg22 : memref<!tpu.dma_semaphore, #tpu.memory_space<semaphore_mem>>) src(%dma_wait3A_568 : memref<256xi32, #tpu.memory_space<hbm>>) dst(%dma_wait3A_565 : memref<256xi32, #tpu.memory_space<vmem>>)
      %dma_start3A_569 = arith.constant 5 : i32
      %dma_start3A_570 = arith.constant 0 : i32
      %dma_start3A_571 = tpu.memref_slice %arg8[%dma_start3A_569, %dma_start3A_570] : memref<6x256xi32, #tpu.memory_space<vmem>> -> memref<1x256xi32, #tpu.memory_space<vmem>>
      %dma_start3A_572 = tpu.memref_squeeze %dma_start3A_571 : memref<1x256xi32, #tpu.memory_space<vmem>> -> memref<256xi32, #tpu.memory_space<vmem>>
      %dma_start3A_573 = arith.constant 0 : i32
      %dma_start3A_574 = arith.constant 0 : i32
      %dma_start3A_575 = tpu.memref_slice %arg4[%dma_start3A_573, %dma_start3A_574] : memref<102400x16xf32, #tpu.memory_space<hbm>> -> memref<102400x16xf32, #tpu.memory_space<hbm>>
      tpu.enqueue_indirect_dma source(%dma_start3A_575 : memref<102400x16xf32, #tpu.memory_space<hbm>>) target(%arg15 : memref<256x16xf32, #tpu.memory_space<vmem>>) offsets(%dma_start3A_572 : memref<256xi32, #tpu.memory_space<vmem>>) semaphore(%arg34 : memref<!tpu.dma_semaphore, #tpu.memory_space<semaphore_mem>>)
      %dma_wait3A_576 = arith.constant 2 : i32
      %dma_wait3A_577 = arith.constant 0 : i32
      %dma_wait3A_578 = tpu.memref_slice %arg8[%dma_wait3A_576, %dma_wait3A_577] : memref<6x256xi32, #tpu.memory_space<vmem>> -> memref<1x256xi32, #tpu.memory_space<vmem>>
      %dma_wait3A_579 = tpu.memref_squeeze %dma_wait3A_578 : memref<1x256xi32, #tpu.memory_space<vmem>> -> memref<256xi32, #tpu.memory_space<vmem>>
      %dma_wait3A_580 = arith.constant 0 : i32
      %dma_wait3A_581 = arith.constant 0 : i32
      %dma_wait3A_582 = tpu.memref_slice %arg4[%dma_wait3A_580, %dma_wait3A_581] : memref<102400x16xf32, #tpu.memory_space<hbm>> -> memref<102400x16xf32, #tpu.memory_space<hbm>>
      tpu.wait_indirect_dma semaphore(%arg31 : memref<!tpu.dma_semaphore, #tpu.memory_space<semaphore_mem>>) src(%dma_wait3A_582 : memref<102400x16xf32, #tpu.memory_space<hbm>>) dst(%arg12 : memref<256x16xf32, #tpu.memory_space<vmem>>)
      %dma_wait3A_583 = arith.constant 0 : i32
      %dma_wait3A_584 = arith.constant 2 : i32
      %dma_wait3A_585 = arith.constant 0 : i32
      %dma_wait3A_586 = tpu.memref_slice %arg9[%dma_wait3A_584, %dma_wait3A_585] : memref<6x256xi32, #tpu.memory_space<vmem>> -> memref<1x256xi32, #tpu.memory_space<vmem>>
      %dma_wait3A_587 = tpu.memref_squeeze %dma_wait3A_586 : memref<1x256xi32, #tpu.memory_space<vmem>> -> memref<256xi32, #tpu.memory_space<vmem>>
      %dma_wait3A_588 = arith.constant 0 : i32
      %dma_wait3A_589 = tpu.memref_slice %arg3[%dma_wait3A_583, %dma_wait3A_588] : memref<12672x256xi32, #tpu.memory_space<hbm>> -> memref<1x256xi32, #tpu.memory_space<hbm>>
      %dma_wait3A_590 = tpu.memref_squeeze %dma_wait3A_589 : memref<1x256xi32, #tpu.memory_space<hbm>> -> memref<256xi32, #tpu.memory_space<hbm>>
      %dma_wait3A_591 = arith.constant 0 : i32
      %dma_wait3A_592 = tpu.memref_slice %arg9[%dma_wait3A_584, %dma_wait3A_591] : memref<6x256xi32, #tpu.memory_space<vmem>> -> memref<1x256xi32, #tpu.memory_space<vmem>>
      %dma_wait3A_593 = tpu.memref_squeeze %dma_wait3A_592 : memref<1x256xi32, #tpu.memory_space<vmem>> -> memref<256xi32, #tpu.memory_space<vmem>>
      %dma_wait3A_594 = arith.constant 0 : i32
      %dma_wait3A_595 = tpu.memref_slice %arg3[%dma_wait3A_583, %dma_wait3A_594] : memref<12672x256xi32, #tpu.memory_space<hbm>> -> memref<1x256xi32, #tpu.memory_space<hbm>>
      %dma_wait3A_596 = tpu.memref_squeeze %dma_wait3A_595 : memref<1x256xi32, #tpu.memory_space<hbm>> -> memref<256xi32, #tpu.memory_space<hbm>>
      tpu.wait_dma2 semaphore(%arg25 : memref<!tpu.dma_semaphore, #tpu.memory_space<semaphore_mem>>) src(%dma_wait3A_596 : memref<256xi32, #tpu.memory_space<hbm>>) dst(%dma_wait3A_593 : memref<256xi32, #tpu.memory_space<vmem>>)
      %dma_start3A_597 = arith.constant 2 : i32
      %dma_start3A_598 = arith.constant 0 : i32
      %dma_start3A_599 = tpu.memref_slice %arg9[%dma_start3A_597, %dma_start3A_598] : memref<6x256xi32, #tpu.memory_space<vmem>> -> memref<1x256xi32, #tpu.memory_space<vmem>>
      %dma_start3A_600 = tpu.memref_squeeze %dma_start3A_599 : memref<1x256xi32, #tpu.memory_space<vmem>> -> memref<256xi32, #tpu.memory_space<vmem>>
      %dma_start3A_601 = arith.constant 0 : i32
      %dma_start3A_602 = arith.constant 0 : i32
      %dma_start3A_603 = tpu.memref_slice %arg16[%dma_start3A_601, %dma_start3A_602] : memref<102400x16xf32, #tpu.memory_space<vmem_shared>> -> memref<102400x16xf32, #tpu.memory_space<vmem_shared>>
      tpu.enqueue_indirect_dma source(%arg12 : memref<256x16xf32, #tpu.memory_space<vmem>>) target(%dma_start3A_603 : memref<102400x16xf32, #tpu.memory_space<vmem_shared>>) offsets(%dma_start3A_600 : memref<256xi32, #tpu.memory_space<vmem>>) semaphore(%arg37 : memref<!tpu.dma_semaphore, #tpu.memory_space<semaphore_mem>>) {add = true}
      %le3A_604 = arith.constant 64 : i32
      %le3A_605 = arith.cmpi sle, %scan3A_186, %le3A_604 : i32
      %convert_element_type3A_606 = arith.extui %le3A_605 : i1 to i32
      %cond3A_607 = arith.constant 0 : i32
      %cond3A_608 = arith.cmpi ne, %convert_element_type3A_606, %cond3A_607 : i32
      scf.if %cond3A_608 {
        %add3A_610 = arith.constant 3 : i32
        %add3A_611 = arith.addi %add3A_536, %add3A_610 : i32
        %dma_start3A_612 = arith.constant 2 : i32
        %dma_start3A_613 = arith.constant 0 : i32
        %dma_start3A_614 = tpu.memref_slice %arg8[%dma_start3A_612, %dma_start3A_613] : memref<6x256xi32, #tpu.memory_space<vmem>> -> memref<1x256xi32, #tpu.memory_space<vmem>>
        %dma_start3A_615 = tpu.memref_squeeze %dma_start3A_614 : memref<1x256xi32, #tpu.memory_space<vmem>> -> memref<256xi32, #tpu.memory_space<vmem>>
        %dma_start3A_616 = arith.constant 0 : i32
        %dma_start3A_617 = tpu.memref_slice %arg2[%add3A_611, %dma_start3A_616] : memref<12672x256xi32, #tpu.memory_space<hbm>> -> memref<1x256xi32, #tpu.memory_space<hbm>>
        %dma_start3A_618 = tpu.memref_squeeze %dma_start3A_617 : memref<1x256xi32, #tpu.memory_space<hbm>> -> memref<256xi32, #tpu.memory_space<hbm>>
        %dma_start3A_619 = arith.constant 0 : i32
        %dma_start3A_620 = tpu.memref_slice %arg8[%dma_start3A_612, %dma_start3A_619] : memref<6x256xi32, #tpu.memory_space<vmem>> -> memref<1x256xi32, #tpu.memory_space<vmem>>
        %dma_start3A_621 = tpu.memref_squeeze %dma_start3A_620 : memref<1x256xi32, #tpu.memory_space<vmem>> -> memref<256xi32, #tpu.memory_space<vmem>>
        %dma_start3A_622 = arith.constant 0 : i32
        %dma_start3A_623 = tpu.memref_slice %arg2[%add3A_611, %dma_start3A_622] : memref<12672x256xi32, #tpu.memory_space<hbm>> -> memref<1x256xi32, #tpu.memory_space<hbm>>
        %dma_start3A_624 = tpu.memref_squeeze %dma_start3A_623 : memref<1x256xi32, #tpu.memory_space<hbm>> -> memref<256xi32, #tpu.memory_space<hbm>>
        tpu.enqueue_dma source(%dma_start3A_624 : memref<256xi32, #tpu.memory_space<hbm>>) target(%dma_start3A_621 : memref<256xi32, #tpu.memory_space<vmem>>) target_semaphore(%arg19 : memref<!tpu.dma_semaphore, #tpu.memory_space<semaphore_mem>>)
      } else {
      }
      %scan3A_609 = arith.constant 0 : i32
      scf.yield %scan3A_609 : i32
    }
    %scan3A_52 = arith.constant 66 : i32
    %dma_wait3A = arith.constant 3 : i32
    %dma_wait3A_53 = arith.constant 0 : i32
    %dma_wait3A_54 = tpu.memref_slice %arg8[%dma_wait3A, %dma_wait3A_53] : memref<6x256xi32, #tpu.memory_space<vmem>> -> memref<1x256xi32, #tpu.memory_space<vmem>>
    %dma_wait3A_55 = tpu.memref_squeeze %dma_wait3A_54 : memref<1x256xi32, #tpu.memory_space<vmem>> -> memref<256xi32, #tpu.memory_space<vmem>>
    %dma_wait3A_56 = arith.constant 0 : i32
    %dma_wait3A_57 = arith.constant 0 : i32
    %dma_wait3A_58 = tpu.memref_slice %arg4[%dma_wait3A_56, %dma_wait3A_57] : memref<102400x16xf32, #tpu.memory_space<hbm>> -> memref<102400x16xf32, #tpu.memory_space<hbm>>
    tpu.wait_indirect_dma semaphore(%arg32 : memref<!tpu.dma_semaphore, #tpu.memory_space<semaphore_mem>>) src(%dma_wait3A_58 : memref<102400x16xf32, #tpu.memory_space<hbm>>) dst(%arg13 : memref<256x16xf32, #tpu.memory_space<vmem>>)
    %dma_wait3A_59 = arith.constant 0 : i32
    %dma_wait3A_60 = arith.constant 3 : i32
    %dma_wait3A_61 = arith.constant 0 : i32
    %dma_wait3A_62 = tpu.memref_slice %arg9[%dma_wait3A_60, %dma_wait3A_61] : memref<6x256xi32, #tpu.memory_space<vmem>> -> memref<1x256xi32, #tpu.memory_space<vmem>>
    %dma_wait3A_63 = tpu.memref_squeeze %dma_wait3A_62 : memref<1x256xi32, #tpu.memory_space<vmem>> -> memref<256xi32, #tpu.memory_space<vmem>>
    %dma_wait3A_64 = arith.constant 0 : i32
    %dma_wait3A_65 = tpu.memref_slice %arg3[%dma_wait3A_59, %dma_wait3A_64] : memref<12672x256xi32, #tpu.memory_space<hbm>> -> memref<1x256xi32, #tpu.memory_space<hbm>>
    %dma_wait3A_66 = tpu.memref_squeeze %dma_wait3A_65 : memref<1x256xi32, #tpu.memory_space<hbm>> -> memref<256xi32, #tpu.memory_space<hbm>>
    %dma_wait3A_67 = arith.constant 0 : i32
    %dma_wait3A_68 = tpu.memref_slice %arg9[%dma_wait3A_60, %dma_wait3A_67] : memref<6x256xi32, #tpu.memory_space<vmem>> -> memref<1x256xi32, #tpu.memory_space<vmem>>
    %dma_wait3A_69 = tpu.memref_squeeze %dma_wait3A_68 : memref<1x256xi32, #tpu.memory_space<vmem>> -> memref<256xi32, #tpu.memory_space<vmem>>
    %dma_wait3A_70 = arith.constant 0 : i32
    %dma_wait3A_71 = tpu.memref_slice %arg3[%dma_wait3A_59, %dma_wait3A_70] : memref<12672x256xi32, #tpu.memory_space<hbm>> -> memref<1x256xi32, #tpu.memory_space<hbm>>
    %dma_wait3A_72 = tpu.memref_squeeze %dma_wait3A_71 : memref<1x256xi32, #tpu.memory_space<hbm>> -> memref<256xi32, #tpu.memory_space<hbm>>
    tpu.wait_dma2 semaphore(%arg26 : memref<!tpu.dma_semaphore, #tpu.memory_space<semaphore_mem>>) src(%dma_wait3A_72 : memref<256xi32, #tpu.memory_space<hbm>>) dst(%dma_wait3A_69 : memref<256xi32, #tpu.memory_space<vmem>>)
    %dma_start3A_73 = arith.constant 3 : i32
    %dma_start3A_74 = arith.constant 0 : i32
    %dma_start3A_75 = tpu.memref_slice %arg9[%dma_start3A_73, %dma_start3A_74] : memref<6x256xi32, #tpu.memory_space<vmem>> -> memref<1x256xi32, #tpu.memory_space<vmem>>
    %dma_start3A_76 = tpu.memref_squeeze %dma_start3A_75 : memref<1x256xi32, #tpu.memory_space<vmem>> -> memref<256xi32, #tpu.memory_space<vmem>>
    %dma_start3A_77 = arith.constant 0 : i32
    %dma_start3A_78 = arith.constant 0 : i32
    %dma_start3A_79 = tpu.memref_slice %arg16[%dma_start3A_77, %dma_start3A_78] : memref<102400x16xf32, #tpu.memory_space<vmem_shared>> -> memref<102400x16xf32, #tpu.memory_space<vmem_shared>>
    tpu.enqueue_indirect_dma source(%arg13 : memref<256x16xf32, #tpu.memory_space<vmem>>) target(%dma_start3A_79 : memref<102400x16xf32, #tpu.memory_space<vmem_shared>>) offsets(%dma_start3A_76 : memref<256xi32, #tpu.memory_space<vmem>>) semaphore(%arg38 : memref<!tpu.dma_semaphore, #tpu.memory_space<semaphore_mem>>) {add = true}
    %dma_wait3A_80 = arith.constant 4 : i32
    %dma_wait3A_81 = arith.constant 0 : i32
    %dma_wait3A_82 = tpu.memref_slice %arg8[%dma_wait3A_80, %dma_wait3A_81] : memref<6x256xi32, #tpu.memory_space<vmem>> -> memref<1x256xi32, #tpu.memory_space<vmem>>
    %dma_wait3A_83 = tpu.memref_squeeze %dma_wait3A_82 : memref<1x256xi32, #tpu.memory_space<vmem>> -> memref<256xi32, #tpu.memory_space<vmem>>
    %dma_wait3A_84 = arith.constant 0 : i32
    %dma_wait3A_85 = arith.constant 0 : i32
    %dma_wait3A_86 = tpu.memref_slice %arg4[%dma_wait3A_84, %dma_wait3A_85] : memref<102400x16xf32, #tpu.memory_space<hbm>> -> memref<102400x16xf32, #tpu.memory_space<hbm>>
    tpu.wait_indirect_dma semaphore(%arg33 : memref<!tpu.dma_semaphore, #tpu.memory_space<semaphore_mem>>) src(%dma_wait3A_86 : memref<102400x16xf32, #tpu.memory_space<hbm>>) dst(%arg14 : memref<256x16xf32, #tpu.memory_space<vmem>>)
    %dma_wait3A_87 = arith.constant 0 : i32
    %dma_wait3A_88 = arith.constant 4 : i32
    %dma_wait3A_89 = arith.constant 0 : i32
    %dma_wait3A_90 = tpu.memref_slice %arg9[%dma_wait3A_88, %dma_wait3A_89] : memref<6x256xi32, #tpu.memory_space<vmem>> -> memref<1x256xi32, #tpu.memory_space<vmem>>
    %dma_wait3A_91 = tpu.memref_squeeze %dma_wait3A_90 : memref<1x256xi32, #tpu.memory_space<vmem>> -> memref<256xi32, #tpu.memory_space<vmem>>
    %dma_wait3A_92 = arith.constant 0 : i32
    %dma_wait3A_93 = tpu.memref_slice %arg3[%dma_wait3A_87, %dma_wait3A_92] : memref<12672x256xi32, #tpu.memory_space<hbm>> -> memref<1x256xi32, #tpu.memory_space<hbm>>
    %dma_wait3A_94 = tpu.memref_squeeze %dma_wait3A_93 : memref<1x256xi32, #tpu.memory_space<hbm>> -> memref<256xi32, #tpu.memory_space<hbm>>
    %dma_wait3A_95 = arith.constant 0 : i32
    %dma_wait3A_96 = tpu.memref_slice %arg9[%dma_wait3A_88, %dma_wait3A_95] : memref<6x256xi32, #tpu.memory_space<vmem>> -> memref<1x256xi32, #tpu.memory_space<vmem>>
    %dma_wait3A_97 = tpu.memref_squeeze %dma_wait3A_96 : memref<1x256xi32, #tpu.memory_space<vmem>> -> memref<256xi32, #tpu.memory_space<vmem>>
    %dma_wait3A_98 = arith.constant 0 : i32
    %dma_wait3A_99 = tpu.memref_slice %arg3[%dma_wait3A_87, %dma_wait3A_98] : memref<12672x256xi32, #tpu.memory_space<hbm>> -> memref<1x256xi32, #tpu.memory_space<hbm>>
    %dma_wait3A_100 = tpu.memref_squeeze %dma_wait3A_99 : memref<1x256xi32, #tpu.memory_space<hbm>> -> memref<256xi32, #tpu.memory_space<hbm>>
    tpu.wait_dma2 semaphore(%arg27 : memref<!tpu.dma_semaphore, #tpu.memory_space<semaphore_mem>>) src(%dma_wait3A_100 : memref<256xi32, #tpu.memory_space<hbm>>) dst(%dma_wait3A_97 : memref<256xi32, #tpu.memory_space<vmem>>)
    %dma_start3A_101 = arith.constant 4 : i32
    %dma_start3A_102 = arith.constant 0 : i32
    %dma_start3A_103 = tpu.memref_slice %arg9[%dma_start3A_101, %dma_start3A_102] : memref<6x256xi32, #tpu.memory_space<vmem>> -> memref<1x256xi32, #tpu.memory_space<vmem>>
    %dma_start3A_104 = tpu.memref_squeeze %dma_start3A_103 : memref<1x256xi32, #tpu.memory_space<vmem>> -> memref<256xi32, #tpu.memory_space<vmem>>
    %dma_start3A_105 = arith.constant 0 : i32
    %dma_start3A_106 = arith.constant 0 : i32
    %dma_start3A_107 = tpu.memref_slice %arg16[%dma_start3A_105, %dma_start3A_106] : memref<102400x16xf32, #tpu.memory_space<vmem_shared>> -> memref<102400x16xf32, #tpu.memory_space<vmem_shared>>
    tpu.enqueue_indirect_dma source(%arg14 : memref<256x16xf32, #tpu.memory_space<vmem>>) target(%dma_start3A_107 : memref<102400x16xf32, #tpu.memory_space<vmem_shared>>) offsets(%dma_start3A_104 : memref<256xi32, #tpu.memory_space<vmem>>) semaphore(%arg39 : memref<!tpu.dma_semaphore, #tpu.memory_space<semaphore_mem>>) {add = true}
    %dma_wait3A_108 = arith.constant 5 : i32
    %dma_wait3A_109 = arith.constant 0 : i32
    %dma_wait3A_110 = tpu.memref_slice %arg8[%dma_wait3A_108, %dma_wait3A_109] : memref<6x256xi32, #tpu.memory_space<vmem>> -> memref<1x256xi32, #tpu.memory_space<vmem>>
    %dma_wait3A_111 = tpu.memref_squeeze %dma_wait3A_110 : memref<1x256xi32, #tpu.memory_space<vmem>> -> memref<256xi32, #tpu.memory_space<vmem>>
    %dma_wait3A_112 = arith.constant 0 : i32
    %dma_wait3A_113 = arith.constant 0 : i32
    %dma_wait3A_114 = tpu.memref_slice %arg4[%dma_wait3A_112, %dma_wait3A_113] : memref<102400x16xf32, #tpu.memory_space<hbm>> -> memref<102400x16xf32, #tpu.memory_space<hbm>>
    tpu.wait_indirect_dma semaphore(%arg34 : memref<!tpu.dma_semaphore, #tpu.memory_space<semaphore_mem>>) src(%dma_wait3A_114 : memref<102400x16xf32, #tpu.memory_space<hbm>>) dst(%arg15 : memref<256x16xf32, #tpu.memory_space<vmem>>)
    %dma_wait3A_115 = arith.constant 0 : i32
    %dma_wait3A_116 = arith.constant 5 : i32
    %dma_wait3A_117 = arith.constant 0 : i32
    %dma_wait3A_118 = tpu.memref_slice %arg9[%dma_wait3A_116, %dma_wait3A_117] : memref<6x256xi32, #tpu.memory_space<vmem>> -> memref<1x256xi32, #tpu.memory_space<vmem>>
    %dma_wait3A_119 = tpu.memref_squeeze %dma_wait3A_118 : memref<1x256xi32, #tpu.memory_space<vmem>> -> memref<256xi32, #tpu.memory_space<vmem>>
    %dma_wait3A_120 = arith.constant 0 : i32
    %dma_wait3A_121 = tpu.memref_slice %arg3[%dma_wait3A_115, %dma_wait3A_120] : memref<12672x256xi32, #tpu.memory_space<hbm>> -> memref<1x256xi32, #tpu.memory_space<hbm>>
    %dma_wait3A_122 = tpu.memref_squeeze %dma_wait3A_121 : memref<1x256xi32, #tpu.memory_space<hbm>> -> memref<256xi32, #tpu.memory_space<hbm>>
    %dma_wait3A_123 = arith.constant 0 : i32
    %dma_wait3A_124 = tpu.memref_slice %arg9[%dma_wait3A_116, %dma_wait3A_123] : memref<6x256xi32, #tpu.memory_space<vmem>> -> memref<1x256xi32, #tpu.memory_space<vmem>>
    %dma_wait3A_125 = tpu.memref_squeeze %dma_wait3A_124 : memref<1x256xi32, #tpu.memory_space<vmem>> -> memref<256xi32, #tpu.memory_space<vmem>>
    %dma_wait3A_126 = arith.constant 0 : i32
    %dma_wait3A_127 = tpu.memref_slice %arg3[%dma_wait3A_115, %dma_wait3A_126] : memref<12672x256xi32, #tpu.memory_space<hbm>> -> memref<1x256xi32, #tpu.memory_space<hbm>>
    %dma_wait3A_128 = tpu.memref_squeeze %dma_wait3A_127 : memref<1x256xi32, #tpu.memory_space<hbm>> -> memref<256xi32, #tpu.memory_space<hbm>>
    tpu.wait_dma2 semaphore(%arg28 : memref<!tpu.dma_semaphore, #tpu.memory_space<semaphore_mem>>) src(%dma_wait3A_128 : memref<256xi32, #tpu.memory_space<hbm>>) dst(%dma_wait3A_125 : memref<256xi32, #tpu.memory_space<vmem>>)
    %dma_start3A_129 = arith.constant 5 : i32
    %dma_start3A_130 = arith.constant 0 : i32
    %dma_start3A_131 = tpu.memref_slice %arg9[%dma_start3A_129, %dma_start3A_130] : memref<6x256xi32, #tpu.memory_space<vmem>> -> memref<1x256xi32, #tpu.memory_space<vmem>>
    %dma_start3A_132 = tpu.memref_squeeze %dma_start3A_131 : memref<1x256xi32, #tpu.memory_space<vmem>> -> memref<256xi32, #tpu.memory_space<vmem>>
    %dma_start3A_133 = arith.constant 0 : i32
    %dma_start3A_134 = arith.constant 0 : i32
    %dma_start3A_135 = tpu.memref_slice %arg16[%dma_start3A_133, %dma_start3A_134] : memref<102400x16xf32, #tpu.memory_space<vmem_shared>> -> memref<102400x16xf32, #tpu.memory_space<vmem_shared>>
    tpu.enqueue_indirect_dma source(%arg15 : memref<256x16xf32, #tpu.memory_space<vmem>>) target(%dma_start3A_135 : memref<102400x16xf32, #tpu.memory_space<vmem_shared>>) offsets(%dma_start3A_132 : memref<256xi32, #tpu.memory_space<vmem>>) semaphore(%arg40 : memref<!tpu.dma_semaphore, #tpu.memory_space<semaphore_mem>>) {add = true}
    %dma_wait3A_136 = arith.constant 0 : i32
    %dma_wait3A_137 = arith.constant 0 : i32
    %dma_wait3A_138 = tpu.memref_slice %arg9[%dma_wait3A_136, %dma_wait3A_137] : memref<6x256xi32, #tpu.memory_space<vmem>> -> memref<1x256xi32, #tpu.memory_space<vmem>>
    %dma_wait3A_139 = tpu.memref_squeeze %dma_wait3A_138 : memref<1x256xi32, #tpu.memory_space<vmem>> -> memref<256xi32, #tpu.memory_space<vmem>>
    %dma_wait3A_140 = arith.constant 0 : i32
    %dma_wait3A_141 = arith.constant 0 : i32
    %dma_wait3A_142 = tpu.memref_slice %arg16[%dma_wait3A_140, %dma_wait3A_141] : memref<102400x16xf32, #tpu.memory_space<vmem_shared>> -> memref<102400x16xf32, #tpu.memory_space<vmem_shared>>
    tpu.wait_indirect_dma semaphore(%arg35 : memref<!tpu.dma_semaphore, #tpu.memory_space<semaphore_mem>>) src(%arg10 : memref<256x16xf32, #tpu.memory_space<vmem>>) dst(%dma_wait3A_142 : memref<102400x16xf32, #tpu.memory_space<vmem_shared>>)
    %dma_wait3A_143 = arith.constant 1 : i32
    %dma_wait3A_144 = arith.constant 0 : i32
    %dma_wait3A_145 = tpu.memref_slice %arg9[%dma_wait3A_143, %dma_wait3A_144] : memref<6x256xi32, #tpu.memory_space<vmem>> -> memref<1x256xi32, #tpu.memory_space<vmem>>
    %dma_wait3A_146 = tpu.memref_squeeze %dma_wait3A_145 : memref<1x256xi32, #tpu.memory_space<vmem>> -> memref<256xi32, #tpu.memory_space<vmem>>
    %dma_wait3A_147 = arith.constant 0 : i32
    %dma_wait3A_148 = arith.constant 0 : i32
    %dma_wait3A_149 = tpu.memref_slice %arg16[%dma_wait3A_147, %dma_wait3A_148] : memref<102400x16xf32, #tpu.memory_space<vmem_shared>> -> memref<102400x16xf32, #tpu.memory_space<vmem_shared>>
    tpu.wait_indirect_dma semaphore(%arg36 : memref<!tpu.dma_semaphore, #tpu.memory_space<semaphore_mem>>) src(%arg11 : memref<256x16xf32, #tpu.memory_space<vmem>>) dst(%dma_wait3A_149 : memref<102400x16xf32, #tpu.memory_space<vmem_shared>>)
    %dma_wait3A_150 = arith.constant 2 : i32
    %dma_wait3A_151 = arith.constant 0 : i32
    %dma_wait3A_152 = tpu.memref_slice %arg9[%dma_wait3A_150, %dma_wait3A_151] : memref<6x256xi32, #tpu.memory_space<vmem>> -> memref<1x256xi32, #tpu.memory_space<vmem>>
    %dma_wait3A_153 = tpu.memref_squeeze %dma_wait3A_152 : memref<1x256xi32, #tpu.memory_space<vmem>> -> memref<256xi32, #tpu.memory_space<vmem>>
    %dma_wait3A_154 = arith.constant 0 : i32
    %dma_wait3A_155 = arith.constant 0 : i32
    %dma_wait3A_156 = tpu.memref_slice %arg16[%dma_wait3A_154, %dma_wait3A_155] : memref<102400x16xf32, #tpu.memory_space<vmem_shared>> -> memref<102400x16xf32, #tpu.memory_space<vmem_shared>>
    tpu.wait_indirect_dma semaphore(%arg37 : memref<!tpu.dma_semaphore, #tpu.memory_space<semaphore_mem>>) src(%arg12 : memref<256x16xf32, #tpu.memory_space<vmem>>) dst(%dma_wait3A_156 : memref<102400x16xf32, #tpu.memory_space<vmem_shared>>)
    %dma_wait3A_157 = arith.constant 3 : i32
    %dma_wait3A_158 = arith.constant 0 : i32
    %dma_wait3A_159 = tpu.memref_slice %arg9[%dma_wait3A_157, %dma_wait3A_158] : memref<6x256xi32, #tpu.memory_space<vmem>> -> memref<1x256xi32, #tpu.memory_space<vmem>>
    %dma_wait3A_160 = tpu.memref_squeeze %dma_wait3A_159 : memref<1x256xi32, #tpu.memory_space<vmem>> -> memref<256xi32, #tpu.memory_space<vmem>>
    %dma_wait3A_161 = arith.constant 0 : i32
    %dma_wait3A_162 = arith.constant 0 : i32
    %dma_wait3A_163 = tpu.memref_slice %arg16[%dma_wait3A_161, %dma_wait3A_162] : memref<102400x16xf32, #tpu.memory_space<vmem_shared>> -> memref<102400x16xf32, #tpu.memory_space<vmem_shared>>
    tpu.wait_indirect_dma semaphore(%arg38 : memref<!tpu.dma_semaphore, #tpu.memory_space<semaphore_mem>>) src(%arg13 : memref<256x16xf32, #tpu.memory_space<vmem>>) dst(%dma_wait3A_163 : memref<102400x16xf32, #tpu.memory_space<vmem_shared>>)
    %dma_wait3A_164 = arith.constant 4 : i32
    %dma_wait3A_165 = arith.constant 0 : i32
    %dma_wait3A_166 = tpu.memref_slice %arg9[%dma_wait3A_164, %dma_wait3A_165] : memref<6x256xi32, #tpu.memory_space<vmem>> -> memref<1x256xi32, #tpu.memory_space<vmem>>
    %dma_wait3A_167 = tpu.memref_squeeze %dma_wait3A_166 : memref<1x256xi32, #tpu.memory_space<vmem>> -> memref<256xi32, #tpu.memory_space<vmem>>
    %dma_wait3A_168 = arith.constant 0 : i32
    %dma_wait3A_169 = arith.constant 0 : i32
    %dma_wait3A_170 = tpu.memref_slice %arg16[%dma_wait3A_168, %dma_wait3A_169] : memref<102400x16xf32, #tpu.memory_space<vmem_shared>> -> memref<102400x16xf32, #tpu.memory_space<vmem_shared>>
    tpu.wait_indirect_dma semaphore(%arg39 : memref<!tpu.dma_semaphore, #tpu.memory_space<semaphore_mem>>) src(%arg14 : memref<256x16xf32, #tpu.memory_space<vmem>>) dst(%dma_wait3A_170 : memref<102400x16xf32, #tpu.memory_space<vmem_shared>>)
    %dma_wait3A_171 = arith.constant 5 : i32
    %dma_wait3A_172 = arith.constant 0 : i32
    %dma_wait3A_173 = tpu.memref_slice %arg9[%dma_wait3A_171, %dma_wait3A_172] : memref<6x256xi32, #tpu.memory_space<vmem>> -> memref<1x256xi32, #tpu.memory_space<vmem>>
    %dma_wait3A_174 = tpu.memref_squeeze %dma_wait3A_173 : memref<1x256xi32, #tpu.memory_space<vmem>> -> memref<256xi32, #tpu.memory_space<vmem>>
    %dma_wait3A_175 = arith.constant 0 : i32
    %dma_wait3A_176 = arith.constant 0 : i32
    %dma_wait3A_177 = tpu.memref_slice %arg16[%dma_wait3A_175, %dma_wait3A_176] : memref<102400x16xf32, #tpu.memory_space<vmem_shared>> -> memref<102400x16xf32, #tpu.memory_space<vmem_shared>>
    tpu.wait_indirect_dma semaphore(%arg40 : memref<!tpu.dma_semaphore, #tpu.memory_space<semaphore_mem>>) src(%arg15 : memref<256x16xf32, #tpu.memory_space<vmem>>) dst(%dma_wait3A_177 : memref<102400x16xf32, #tpu.memory_space<vmem_shared>>)
    %barrier3A_178 = arith.constant 0 : index
    tpu.barrier barrier_id(%barrier3A_178)
    %eq3A = arith.constant 0 : i32
    %eq3A_179 = arith.cmpi eq, %arg0, %eq3A : i32
    %convert_element_type3A = arith.extui %eq3A_179 : i1 to i32
    %cond3A = arith.constant 0 : i32
    %cond3A_180 = arith.cmpi ne, %convert_element_type3A, %cond3A : i32
    scf.if %cond3A_180 {
      "tpu.region"() ({
        %run_scoped3A = tpu.sem_alloc : memref<!tpu.dma_semaphore, #tpu.memory_space<semaphore_mem>>
        %dma_start3A_186 = arith.constant 0 : i32
        %dma_start3A_187 = tpu.memref_slice %arg6[%mul3A_4, %dma_start3A_186] : memref<102400x16xf32, #tpu.memory_space<hbm>> -> memref<6400x16xf32, #tpu.memory_space<hbm>>
        %dma_start3A_188 = arith.constant 0 : i32
        %dma_start3A_189 = tpu.memref_slice %arg16[%mul3A_4, %dma_start3A_188] : memref<102400x16xf32, #tpu.memory_space<vmem_shared>> -> memref<6400x16xf32, #tpu.memory_space<vmem_shared>>
        tpu.enqueue_dma source(%dma_start3A_189 : memref<6400x16xf32, #tpu.memory_space<vmem_shared>>) target(%dma_start3A_187 : memref<6400x16xf32, #tpu.memory_space<hbm>>) target_semaphore(%run_scoped3A : memref<!tpu.dma_semaphore, #tpu.memory_space<semaphore_mem>>)
        %dma_wait3A_190 = arith.constant 0 : i32
        %dma_wait3A_191 = tpu.memref_slice %arg6[%mul3A_4, %dma_wait3A_190] : memref<102400x16xf32, #tpu.memory_space<hbm>> -> memref<6400x16xf32, #tpu.memory_space<hbm>>
        %dma_wait3A_192 = arith.constant 0 : i32
        %dma_wait3A_193 = tpu.memref_slice %arg16[%mul3A_4, %dma_wait3A_192] : memref<102400x16xf32, #tpu.memory_space<vmem_shared>> -> memref<6400x16xf32, #tpu.memory_space<vmem_shared>>
        tpu.wait_dma2 semaphore(%run_scoped3A : memref<!tpu.dma_semaphore, #tpu.memory_space<semaphore_mem>>) src(%dma_wait3A_193 : memref<6400x16xf32, #tpu.memory_space<vmem_shared>>) dst(%dma_wait3A_191 : memref<6400x16xf32, #tpu.memory_space<hbm>>)
        tpu.yield
      }) : () -> ()
    } else {
    }
    %eq3A_181 = arith.constant 1 : i32
    %eq3A_182 = arith.cmpi eq, %arg0, %eq3A_181 : i32
    %convert_element_type3A_183 = arith.extui %eq3A_182 : i1 to i32
    %cond3A_184 = arith.constant 0 : i32
    %cond3A_185 = arith.cmpi ne, %convert_element_type3A_183, %cond3A_184 : i32
    scf.if %cond3A_185 {
      "tpu.region"() ({
        %run_scoped3A = tpu.sem_alloc : memref<!tpu.dma_semaphore, #tpu.memory_space<semaphore_mem>>
        %dma_start3A_186 = arith.constant 0 : i32
        %dma_start3A_187 = tpu.memref_slice %arg7[%mul3A_4, %dma_start3A_186] : memref<102400x16xf32, #tpu.memory_space<hbm>> -> memref<6400x16xf32, #tpu.memory_space<hbm>>
        %dma_start3A_188 = arith.constant 0 : i32
        %dma_start3A_189 = tpu.memref_slice %arg16[%mul3A_4, %dma_start3A_188] : memref<102400x16xf32, #tpu.memory_space<vmem_shared>> -> memref<6400x16xf32, #tpu.memory_space<vmem_shared>>
        tpu.enqueue_dma source(%dma_start3A_189 : memref<6400x16xf32, #tpu.memory_space<vmem_shared>>) target(%dma_start3A_187 : memref<6400x16xf32, #tpu.memory_space<hbm>>) target_semaphore(%run_scoped3A : memref<!tpu.dma_semaphore, #tpu.memory_space<semaphore_mem>>)
        %dma_wait3A_190 = arith.constant 0 : i32
        %dma_wait3A_191 = tpu.memref_slice %arg7[%mul3A_4, %dma_wait3A_190] : memref<102400x16xf32, #tpu.memory_space<hbm>> -> memref<6400x16xf32, #tpu.memory_space<hbm>>
        %dma_wait3A_192 = arith.constant 0 : i32
        %dma_wait3A_193 = tpu.memref_slice %arg16[%mul3A_4, %dma_wait3A_192] : memref<102400x16xf32, #tpu.memory_space<vmem_shared>> -> memref<6400x16xf32, #tpu.memory_space<vmem_shared>>
        tpu.wait_dma2 semaphore(%run_scoped3A : memref<!tpu.dma_semaphore, #tpu.memory_space<semaphore_mem>>) src(%dma_wait3A_193 : memref<6400x16xf32, #tpu.memory_space<vmem_shared>>) dst(%dma_wait3A_191 : memref<6400x16xf32, #tpu.memory_space<hbm>>)
        tpu.yield
      }) : () -> ()
    } else {
    }
    return
  }
}

module attributes {stable_mosaic.version = 14 : i64} {
  func.func @_tc1_body(%arg0: i32, %arg1: memref<800x128xf32, #tpu.memory_space<vmem>>, %arg2: memref<800x128xf32, #tpu.memory_space<vmem>>, %arg3: memref<128x128xf32, #tpu.memory_space<vmem>>, %arg4: memref<800x128xf32, #tpu.memory_space<vmem>>) attributes {dimension_semantics = [#tpu.dimension_semantics<arbitrary>], iteration_bounds = array<i64: 16>, scalar_prefetch = 0 : i64, scratch_operands = 0 : i64, tpu.core_type = #tpu.core_type<tc>, window_params = [{transform_indices = @transform_0, window_bounds = array<i64: 800, 128>}, {transform_indices = @transform_1, window_bounds = array<i64: 800, 128>}, {pipeline_mode = #tpu.pipeline_mode<synchronous>, transform_indices = @transform_2, window_bounds = array<i64: 128, 128>}, {transform_indices = @transform_3, window_bounds = array<i64: 800, 128>}]} {
    %get3A = arith.constant 0 : index
    %get3A_0 = arith.constant 0 : index
    %get3A_1 = vector.load %arg2[%get3A, %get3A_0] : memref<800x128xf32, #tpu.memory_space<vmem>>, vector<800x128xf32>
    %get3A_2 = arith.constant 0 : index
    %get3A_3 = arith.constant 0 : index
    %get3A_4 = vector.load %arg3[%get3A_2, %get3A_3] : memref<128x128xf32, #tpu.memory_space<vmem>>, vector<128x128xf32>
    %dot_general3A = arith.constant dense<0.000000e+00> : vector<800x128xf32>
    %dot_general3A_5 = tpu.matmul %get3A_1, %get3A_4, %dot_general3A {dimension_numbers = #tpu.dot_dimension_numbers<[1], [0], [0], [1], [0, 0, 1, 1], [], []>, transpose_lhs_hint = false} : vector<800x128xf32>, vector<128x128xf32>, vector<800x128xf32> -> vector<800x128xf32>
    %get3A_6 = arith.constant 0 : index
    %get3A_7 = arith.constant 0 : index
    %get3A_8 = vector.load %arg1[%get3A_6, %get3A_7] : memref<800x128xf32, #tpu.memory_space<vmem>>, vector<800x128xf32>
    %mul3A = arith.mulf %dot_general3A_5, %get3A_8 : vector<800x128xf32>
    %swap3A = arith.constant 0 : index
    %swap3A_9 = arith.constant 0 : index
    %swap3A_10 = vector.load %arg4[%swap3A, %swap3A_9] : memref<800x128xf32, #tpu.memory_space<vmem>>, vector<800x128xf32>
    tpu.vector_store %arg4[%swap3A, %swap3A_9], %mul3A {strides = array<i32>} : memref<800x128xf32, #tpu.memory_space<vmem>>, vector<800x128xf32>,
    return
  }
  func.func @transform_0(%arg0: i32) -> (i32, i32) {
    %c0_i32 = arith.constant 0 : i32
    %c0_i32_0 = arith.constant 0 : i32
    return %arg0, %c0_i32 : i32, i32
  }
  func.func @transform_1(%arg0: i32) -> (i32, i32) {
    %c0_i32 = arith.constant 0 : i32
    %c0_i32_0 = arith.constant 0 : i32
    return %arg0, %c0_i32 : i32, i32
  }
  func.func @transform_2(%arg0: i32) -> (i32, i32) {
    %c0_i32 = arith.constant 0 : i32
    %c0_i32_0 = arith.constant 0 : i32
    %c0_i32_1 = arith.constant 0 : i32
    return %c0_i32, %c0_i32_0 : i32, i32
  }
  func.func @transform_3(%arg0: i32) -> (i32, i32) {
    %c0_i32 = arith.constant 0 : i32
    %c0_i32_0 = arith.constant 0 : i32
    return %arg0, %c0_i32 : i32, i32
  }
}

module attributes {stable_mosaic.version = 14 : i64} {
  func.func @_tc2_body(%arg0: i32, %arg1: memref<800x128xf32, #tpu.memory_space<vmem>>, %arg2: memref<800x128xf32, #tpu.memory_space<vmem>>, %arg3: memref<800x128xf32, #tpu.memory_space<vmem>>, %arg4: memref<800x128xf32, #tpu.memory_space<vmem>>, %arg5: memref<128x128xf32, #tpu.memory_space<vmem>>, %arg6: memref<1x128xf32, #tpu.memory_space<vmem>>, %arg7: memref<800x128xf32, #tpu.memory_space<vmem>>) attributes {dimension_semantics = [#tpu.dimension_semantics<arbitrary>], iteration_bounds = array<i64: 16>, scalar_prefetch = 0 : i64, scratch_operands = 0 : i64, tpu.core_type = #tpu.core_type<tc>, window_params = [{transform_indices = @transform_0, window_bounds = array<i64: 800, 128>}, {transform_indices = @transform_1, window_bounds = array<i64: 800, 128>}, {transform_indices = @transform_2, window_bounds = array<i64: 800, 128>}, {transform_indices = @transform_3, window_bounds = array<i64: 800, 128>}, {pipeline_mode = #tpu.pipeline_mode<synchronous>, transform_indices = @transform_4, window_bounds = array<i64: 128, 128>}, {pipeline_mode = #tpu.pipeline_mode<synchronous>, transform_indices = @transform_5, window_bounds = array<i64: 1, 128>}, {transform_indices = @transform_6, window_bounds = array<i64: 800, 128>}]} {
    %get3A = arith.constant 0 : index
    %get3A_0 = arith.constant 0 : index
    %get3A_1 = vector.load %arg1[%get3A, %get3A_0] : memref<800x128xf32, #tpu.memory_space<vmem>>, vector<800x128xf32>
    %get3A_2 = arith.constant 0 : index
    %get3A_3 = arith.constant 0 : index
    %get3A_4 = vector.load %arg3[%get3A_2, %get3A_3] : memref<800x128xf32, #tpu.memory_space<vmem>>, vector<800x128xf32>
    %get3A_5 = arith.constant 0 : index
    %get3A_6 = arith.constant 0 : index
    %get3A_7 = vector.load %arg4[%get3A_5, %get3A_6] : memref<800x128xf32, #tpu.memory_space<vmem>>, vector<800x128xf32>
    %add3A = arith.addf %get3A_4, %get3A_7 : vector<800x128xf32>
    %get3A_8 = arith.constant 0 : index
    %get3A_9 = arith.constant 0 : index
    %get3A_10 = vector.load %arg2[%get3A_8, %get3A_9] : memref<800x128xf32, #tpu.memory_space<vmem>>, vector<800x128xf32>
    %add3A_11 = arith.addf %add3A, %get3A_10 : vector<800x128xf32>
    %mul3A = arith.mulf %get3A_1, %add3A_11 : vector<800x128xf32>
    %get3A_12 = arith.constant 0 : index
    %get3A_13 = arith.constant 0 : index
    %get3A_14 = vector.load %arg6[%get3A_12, %get3A_13] : memref<1x128xf32, #tpu.memory_space<vmem>>, vector<1x128xf32>
    %add3A_15 = vector.broadcast %get3A_14 : vector<1x128xf32> to vector<800x128xf32>
    %add3A_16 = arith.addf %mul3A, %add3A_15 : vector<800x128xf32>
    %max3A = arith.constant 0.000000e+00 : f32
    %max3A_17 = vector.broadcast %max3A : f32 to vector<800x128xf32>
    %max3A_18 = arith.maximumf %add3A_16, %max3A_17 : vector<800x128xf32>
    %get3A_19 = arith.constant 0 : index
    %get3A_20 = arith.constant 0 : index
    %get3A_21 = vector.load %arg5[%get3A_19, %get3A_20] : memref<128x128xf32, #tpu.memory_space<vmem>>, vector<128x128xf32>
    %dot_general3A = arith.constant dense<0.000000e+00> : vector<800x128xf32>
    %dot_general3A_22 = tpu.matmul %max3A_18, %get3A_21, %dot_general3A {dimension_numbers = #tpu.dot_dimension_numbers<[1], [0], [0], [1], [0, 0, 1, 1], [], []>, transpose_lhs_hint = false} : vector<800x128xf32>, vector<128x128xf32>, vector<800x128xf32> -> vector<800x128xf32>
    %mul3A_23 = arith.mulf %dot_general3A_22, %get3A_1 : vector<800x128xf32>
    %swap3A = arith.constant 0 : index
    %swap3A_24 = arith.constant 0 : index
    %swap3A_25 = vector.load %arg7[%swap3A, %swap3A_24] : memref<800x128xf32, #tpu.memory_space<vmem>>, vector<800x128xf32>
    tpu.vector_store %arg7[%swap3A, %swap3A_24], %mul3A_23 {strides = array<i32>} : memref<800x128xf32, #tpu.memory_space<vmem>>, vector<800x128xf32>,
    return
  }
  func.func @transform_0(%arg0: i32) -> (i32, i32) {
    %c0_i32 = arith.constant 0 : i32
    %c0_i32_0 = arith.constant 0 : i32
    return %arg0, %c0_i32 : i32, i32
  }
  func.func @transform_1(%arg0: i32) -> (i32, i32) {
    %c0_i32 = arith.constant 0 : i32
    %c0_i32_0 = arith.constant 0 : i32
    return %arg0, %c0_i32 : i32, i32
  }
  func.func @transform_2(%arg0: i32) -> (i32, i32) {
    %c0_i32 = arith.constant 0 : i32
    %c0_i32_0 = arith.constant 0 : i32
    return %arg0, %c0_i32 : i32, i32
  }
  func.func @transform_3(%arg0: i32) -> (i32, i32) {
    %c0_i32 = arith.constant 0 : i32
    %c0_i32_0 = arith.constant 0 : i32
    return %arg0, %c0_i32 : i32, i32
  }
  func.func @transform_4(%arg0: i32) -> (i32, i32) {
    %c0_i32 = arith.constant 0 : i32
    %c0_i32_0 = arith.constant 0 : i32
    %c0_i32_1 = arith.constant 0 : i32
    return %c0_i32, %c0_i32_0 : i32, i32
  }
  func.func @transform_5(%arg0: i32) -> (i32, i32) {
    %c0_i32 = arith.constant 0 : i32
    %c0_i32_0 = arith.constant 0 : i32
    %c0_i32_1 = arith.constant 0 : i32
    return %c0_i32, %c0_i32_0 : i32, i32
  }
  func.func @transform_6(%arg0: i32) -> (i32, i32) {
    %c0_i32 = arith.constant 0 : i32
    %c0_i32_0 = arith.constant 0 : i32
    return %arg0, %c0_i32 : i32, i32
  }
}

module attributes {stable_mosaic.version = 14 : i64} {
  func.func @_tc3_body(%arg0: i32, %arg1: memref<800x128xf32, #tpu.memory_space<vmem>>, %arg2: memref<800x128xf32, #tpu.memory_space<vmem>>, %arg3: memref<800x128xf32, #tpu.memory_space<vmem>>, %arg4: memref<800x128xf32, #tpu.memory_space<vmem>>, %arg5: memref<1x128xf32, #tpu.memory_space<vmem>>, %arg6: memref<800x128xf32, #tpu.memory_space<vmem>>) attributes {dimension_semantics = [#tpu.dimension_semantics<arbitrary>], iteration_bounds = array<i64: 16>, scalar_prefetch = 0 : i64, scratch_operands = 0 : i64, tpu.core_type = #tpu.core_type<tc>, window_params = [{transform_indices = @transform_0, window_bounds = array<i64: 800, 128>}, {transform_indices = @transform_1, window_bounds = array<i64: 800, 128>}, {transform_indices = @transform_2, window_bounds = array<i64: 800, 128>}, {transform_indices = @transform_3, window_bounds = array<i64: 800, 128>}, {pipeline_mode = #tpu.pipeline_mode<synchronous>, transform_indices = @transform_4, window_bounds = array<i64: 1, 128>}, {transform_indices = @transform_5, window_bounds = array<i64: 800, 128>}]} {
    %get3A = arith.constant 0 : index
    %get3A_0 = arith.constant 0 : index
    %get3A_1 = vector.load %arg1[%get3A, %get3A_0] : memref<800x128xf32, #tpu.memory_space<vmem>>, vector<800x128xf32>
    %get3A_2 = arith.constant 0 : index
    %get3A_3 = arith.constant 0 : index
    %get3A_4 = vector.load %arg3[%get3A_2, %get3A_3] : memref<800x128xf32, #tpu.memory_space<vmem>>, vector<800x128xf32>
    %get3A_5 = arith.constant 0 : index
    %get3A_6 = arith.constant 0 : index
    %get3A_7 = vector.load %arg4[%get3A_5, %get3A_6] : memref<800x128xf32, #tpu.memory_space<vmem>>, vector<800x128xf32>
    %add3A = arith.addf %get3A_4, %get3A_7 : vector<800x128xf32>
    %get3A_8 = arith.constant 0 : index
    %get3A_9 = arith.constant 0 : index
    %get3A_10 = vector.load %arg2[%get3A_8, %get3A_9] : memref<800x128xf32, #tpu.memory_space<vmem>>, vector<800x128xf32>
    %add3A_11 = arith.addf %add3A, %get3A_10 : vector<800x128xf32>
    %mul3A = arith.mulf %get3A_1, %add3A_11 : vector<800x128xf32>
    %get3A_12 = arith.constant 0 : index
    %get3A_13 = arith.constant 0 : index
    %get3A_14 = vector.load %arg5[%get3A_12, %get3A_13] : memref<1x128xf32, #tpu.memory_space<vmem>>, vector<1x128xf32>
    %add3A_15 = vector.broadcast %get3A_14 : vector<1x128xf32> to vector<800x128xf32>
    %add3A_16 = arith.addf %mul3A, %add3A_15 : vector<800x128xf32>
    %swap3A = arith.constant 0 : index
    %swap3A_17 = arith.constant 0 : index
    %swap3A_18 = vector.load %arg6[%swap3A, %swap3A_17] : memref<800x128xf32, #tpu.memory_space<vmem>>, vector<800x128xf32>
    tpu.vector_store %arg6[%swap3A, %swap3A_17], %add3A_16 {strides = array<i32>} : memref<800x128xf32, #tpu.memory_space<vmem>>, vector<800x128xf32>,
    return
  }
  func.func @transform_0(%arg0: i32) -> (i32, i32) {
    %c0_i32 = arith.constant 0 : i32
    %c0_i32_0 = arith.constant 0 : i32
    return %arg0, %c0_i32 : i32, i32
  }
  func.func @transform_1(%arg0: i32) -> (i32, i32) {
    %c0_i32 = arith.constant 0 : i32
    %c0_i32_0 = arith.constant 0 : i32
    return %arg0, %c0_i32 : i32, i32
  }
  func.func @transform_2(%arg0: i32) -> (i32, i32) {
    %c0_i32 = arith.constant 0 : i32
    %c0_i32_0 = arith.constant 0 : i32
    return %arg0, %c0_i32 : i32, i32
  }
  func.func @transform_3(%arg0: i32) -> (i32, i32) {
    %c0_i32 = arith.constant 0 : i32
    %c0_i32_0 = arith.constant 0 : i32
    return %arg0, %c0_i32 : i32, i32
  }
  func.func @transform_4(%arg0: i32) -> (i32, i32) {
    %c0_i32 = arith.constant 0 : i32
    %c0_i32_0 = arith.constant 0 : i32
    %c0_i32_1 = arith.constant 0 : i32
    return %c0_i32, %c0_i32_0 : i32, i32
  }
  func.func @transform_5(%arg0: i32) -> (i32, i32) {
    %c0_i32 = arith.constant 0 : i32
    %c0_i32_0 = arith.constant 0 : i32
    return %arg0, %c0_i32 : i32, i32
  }
}

</mosaic_0001>

<sc_bundles>
// kernel: kernel.11.cloned.1.call-start
scs
__scs_entry_jumppad:
0x0: {  	(pc) =	sbr.rel $0x88, $3  }
0x1: {  	(tag) =	ssettag $0x0;
	lr =	simm.s32 $0x1  }
0x2: {  	[smem:$0x3F9B] =	sst lr;
	_ =	strace $0xD0000000  }
0x3: {  	_ = 	snop  }
0x4: {  	_ = 	snop  }
0x5: {  	_ = 	snop  }
0x6: {  	_ = 	snop  }
0x7: {  	_ = 	snop  }
__scs_overlays_trampoline_lowered:
0x8: {  	[smem:$0x3FAA] =	sst s0  }
0x9: {  	[smem:$0x3FAB] =	sst s1  }
0xa: {  	[smem:$0x3FAC] =	sst s2  }
0xb: {  	[smem:$0x3FAD] =	sst s3  }
0xc: {  	[smem:$0x3FAE] =	sst s4  }
0xd: {  	[smem:$0x3FAF] =	sst s5  }
0xe: {  	[smem:$0x3FB0] =	sst s6  }
0xf: {  	[smem:$0x3FB1] =	sst s7  }
0x10: {  	[smem:$0x3FB2] =	sst s8  }
0x11: {  	[smem:$0x3FB3] =	sst s9;
	s0 =	simm.s32 @!p0 $0x0  }
0x12: {  	s1 =	sld [smem:$0x3F99];
	s0 =	simm.s32 @p0 $0x1  }
0x13: {  	[smem:$0x3FB4] =	sst s0;
	s0 =	simm.s32 @!p1 $0x0  }
0x14: {  	s2 =	sld [smem:$0x3F98];
	s0 =	simm.s32 @p1 $0x1  }
0x15: {  	[smem:$0x3FB5] =	sst s0;
	s0 =	simm.s32 @!p2 $0x0  }
0x16: {  	s3 =	sld [smem:$0x3FDB];
	s0 =	simm.s32 @p2 $0x1  }
0x17: {  	s4 =	simm.s32 $0x1BF5;
	[smem:$0x3FB7] =	sst s0  }
0x18: {  	s0 =	sld [smem:$0x3F9A];
	_ =	swait.ge [sflag:s4], $0x0  }
0x19: {  	s7 =	sld [smem:$0x3F9B]  }
0x1a: {  	s8 =	sadd.s32 $0xFFFFE003, lr  }
0x1b: {  	s9 =	sadd.s32 $0xFFFFFEF7, lr;
	s5 =	simm.s32 $0xFFFFFFFF;
	p2 =	slt.u32 s8, $0xFFFFF086  }
0x1c: {  	p1 =	slt.u32 s9, $0xF7A;
	s5 =	simm.s32 @!p2 $0x0  }
0x1d: {  	s5 =	simm.s32 @p1 $0x1;
	p0 =	seq.s32 s7, s2  }
0x1e: {  	s7 =	smul.u32 @!p0 $0xF7A, s2;
	p2 =	seq.s32 @!p0 s5, $0x0  }
0x1f: {  	s9 =	smul.u32 $0xF7A, s1;
	s8 =	simm.s32 @!p0 $0x1BF5;
	p2 =	por !p2, p0  }
0x20: {  	[sflag:s8] =	ssyncset.s32 @!p0 $0xFFFFF086;
	s6 =	sadd.s32 @!p0 s3, s7;
	s7 =	simm.s32 @!p0 $0x108  }
0x21: {  	s3 =	sadd.s32 s3, s9;
	s6 =	sadd.s32 @!p0 $0x88, s6;
	s7 =	simm.s32 @p2 $0x1082  }
0x22: {  	[simem:s7], [sflag:s8] =	dma.local @!p0 [hbm:s6], $0xF7A  }
0x23: {  	s9 =	sor.u32 $0xD0000000, s2;
	s6 =	simm.s32 $0x108;
	_ =	swait.ge @!p0 [sflag:s8], $0x0  }
0x24: {  	s3 =	sadd.s32 $0x88, s3;
	s6 =	simm.s32 @!p1 $0x1082;
	[sflag:s4] =	ssyncset.s32 $0xFFFFF086  }
0x25: {  	[simem:s6], [sflag:s4] =	dma.local [hbm:s3], $0xF7A  }
0x26: {  	[smem:$0x3F9B] =	sst s1;
	(tag) =	ssettag s2;
	_ =	strace s9  }
0x27: {  	s1 =	sld [smem:$0x3FAB]  }
0x28: {  	s2 =	sld [smem:$0x3FAC]  }
0x29: {  	s4 =	sld [smem:$0x3FAE]  }
0x2a: {  	p0 =	seq.s32 s5, $0x0;
	s5 =	sld [smem:$0x3FAF]  }
0x2b: {  	s6 =	sld [smem:$0x3FB0]  }
0x2c: {  	s7 =	sld [smem:$0x3FB1]  }
0x2d: {  	s3 =	simm.s32 $0x108;
	s8 =	sld [smem:$0x3FB2]  }
0x2e: {  	s3 =	simm.s32 @!p0 $0x1082;
	s9 =	sld [smem:$0x3FB3]  }
0x2f: {  	lr =	sadd.s32 s0, s3;
	s0 =	sld [smem:$0x3FAA]  }
0x30: {  	s3 =	sld [smem:$0x3FAD]  }
0x31: {  	[smem:$0x3FB6] =	sst s10  }
0x32: {  	s10 =	sld [smem:$0x3FB4];
	_ =	sdelay $0x3  }
0x33: {  	p0 =	seq.s32 s10, $0x1;
	s10 =	sld [smem:$0x3FB6];
	_ =	sdelay $0x3  }
0x34: {  	[smem:$0x3FB6] =	sst s10  }
0x35: {  	s10 =	sld [smem:$0x3FB5];
	_ =	sdelay $0x3  }
0x36: {  	p1 =	seq.s32 s10, $0x1;
	s10 =	sld [smem:$0x3FB6];
	_ =	sdelay $0x3  }
0x37: {  	[smem:$0x3FB6] =	sst s10  }
0x38: {  	s10 =	sld [smem:$0x3FB7]  }
0x39: {  	_ = 	snop;
	(pc) =	sbr.ind lr, $3  }
0x3a: {  	_ = 	snop  }
0x3b: {  	_ = 	snop  }
0x3c: {  	p2 =	seq.s32 s10, $0x1;
	s10 =	sld [smem:$0x3FB6]  }
0x3d: {  	_ =	shalt  }
0x3e: {  	_ =	shalt  }
0x3f: {  	_ =	shalt  }
0x40: {  	_ =	shalt  }
0x41: {  	_ =	shalt  }
0x42: {  	_ =	shalt  }
0x43: {  	_ =	shalt  }
0x44: {  	_ =	shalt  }
0x45: {  	_ =	shalt  }
0x46: {  	_ =	shalt  }
0x47: {  	_ =	shalt  }
0x48: {  	_ =	shalt  }
0x49: {  	_ =	shalt  }
0x4a: {  	_ =	shalt  }
0x4b: {  	_ =	shalt  }
0x4c: {  	_ =	shalt  }
0x4d: {  	_ =	shalt  }
0x4e: {  	_ =	shalt  }
0x4f: {  	_ =	shalt  }
0x50: {  	_ =	shalt  }
0x51: {  	_ =	shalt  }
0x52: {  	_ =	shalt  }
0x53: {  	_ =	shalt  }
0x54: {  	_ =	shalt  }
0x55: {  	_ =	shalt  }
0x56: {  	_ =	shalt  }
0x57: {  	_ =	shalt  }
0x58: {  	_ =	shalt  }
0x59: {  	_ =	shalt  }
0x5a: {  	_ =	shalt  }
0x5b: {  	_ =	shalt  }
0x5c: {  	_ =	shalt  }
0x5d: {  	_ =	shalt  }
0x5e: {  	_ =	shalt  }
0x5f: {  	_ =	shalt  }
0x60: {  	_ =	shalt  }
0x61: {  	_ =	shalt  }
0x62: {  	_ =	shalt  }
0x63: {  	_ =	shalt  }
0x64: {  	_ =	shalt  }
0x65: {  	_ =	shalt  }
0x66: {  	_ =	shalt  }
0x67: {  	_ =	shalt  }
0x68: {  	_ =	shalt  }
0x69: {  	_ =	shalt  }
0x6a: {  	_ =	shalt  }
0x6b: {  	_ =	shalt  }
0x6c: {  	_ =	shalt  }
0x6d: {  	_ =	shalt  }
0x6e: {  	_ =	shalt  }
0x6f: {  	_ =	shalt  }
0x70: {  	_ =	shalt  }
0x71: {  	_ =	shalt  }
0x72: {  	_ =	shalt  }
0x73: {  	_ =	shalt  }
0x74: {  	_ =	shalt  }
0x75: {  	_ =	shalt  }
0x76: {  	_ =	shalt  }
0x77: {  	_ =	shalt  }
0x78: {  	_ =	shalt  }
0x79: {  	_ =	shalt  }
0x7a: {  	_ =	shalt  }
0x7b: {  	_ =	shalt  }
0x7c: {  	_ =	shalt  }
0x7d: {  	_ =	shalt  }
0x7e: {  	_ =	shalt  }
0x7f: {  	_ =	shalt  }
0x80: {  	_ =	shalt  }
0x81: {  	_ =	shalt  }
0x82: {  	_ =	shalt  }
0x83: {  	_ =	shalt  }
0x84: {  	_ =	shalt  }
0x85: {  	_ =	shalt  }
0x86: {  	_ =	shalt  }
0x87: {  	_ =	shalt  }
.Lfunc_end0:
.L_simem_size_0:
called_computation.1_lowered:
.L_overlay_start_0:
0x88: {  	s2 =	sld [smem:$0x3FD9]  }
0x89: {  	s3 =	sld [smem:$0x3FFE];
	_ =	sdelay $0x1  }
0x8a: {  	s1 =	srdreg.scid  }
0x8b: {  	s0 =	sand.u32 $0x1, s1  }
0x8c: {  	s17 =	sshll.u32 s0, $0xA;
	s2 =	sadd.s32 s3, s2  }
0x8d: {  	s2 =	sadd.s32 s2, s17  }
0x8e: {  	[smem:$0x3FC2] =	sst s2  }
0x8f: {  	_ = 	snop  }
0x90: {  	s2 =	sld [smem:$0x3FD0];
	(tm) =	ssettm $0x1  }
0x91: {  	s18 =	sld [smem:$0x3FFB];
	_ =	sdelay $0x3  }
0x92: {  	_ =	strace s18  }
0x93: {  	s3 =	sld [smem:$0x3FFC];
	_ =	sdelay $0x3  }
0x94: {  	_ =	strace s3  }
0x95: {  	s3 =	sld [smem:$0x3FFD];
	_ =	sdelay $0x3  }
0x96: {  	_ =	strace s3  }
0x97: {  	_ =	strace $0x8FFFFFFF  }
0x98: {  	s19 =	sld [smem:$0x3FDB];
	_ =	sdelay $0x1  }
0x99: {  	s4 =	simm.s32 $_scs_section_size  }
0x9a: {  	s5 =	simm.s32 $_size__tile_overlayer_lowered;
	s6 =	simm.s32 $_tile_overlayer_lowered  }
0x9b: {  	s22 =	simm.s32 $0x1BFF;
	s21 =	sshll.u32 s6, $0x1;
	s3 =	sadd.s32 s4, s19  }
0x9c: {  	s7 =	simm.s32 $0x0;
	s20 =	sshll.u32 s5, $0x1;
	s5 =	sadd.s32 s21, s3  }
0x9d: {  	[timem:s7], [sflag:s22] =	dma.local [hbm:s5], s20  }
0x9e: {  	_ =	swait.ge [sflag:s22], s20  }
0x9f: {  	s4 =	ssub.s32 $0x0, s20;
	[sflag:s22] =	ssyncset.done $0x0  }
0xa0: {  	[sflag:s22] =	ssyncadd.s32 s4;
	_ =	sdelay $0x1  }
0xa1: {  	s23 =	simm.s32 $0x1B8B  }
0xa2: {  	_ =	swait.ge [sflag:s23], $0x1  }
0xa3: {  	[sflag:s23] =	ssyncset.done $0x0  }
0xa4: {  	s25 =	simm.s32 $0x1B8E;
	s24 =	sld [smem:$0x3FFE];
	[sflag:s23] =	ssyncadd.s32 $0xFFFFFFFF  }
0xa5: {  	s26 =	simm.s32 $execute0_lowered;
	[smem:$0x3FD2] =	sst s25  }
0xa6: {  	s5 =	sshll.u32 s26, $0x1;
	_ =	strace $0x80000049;
	[dreg:$0x1] =	wrdreg $0xFFFFFFFF  }
0xa7: {  	s28 =	simm.s32 $_size_execute0_lowered;
	s3 =	sadd.s32 s3, s5;
	[dreg:$0x0] =	wrdreg $0x0  }
0xa8: {  	s5 =	sshll.u32 s28, $0x1;
	[dreg:$0x2] =	wrdreg s3  }
0xa9: {  	[dreg:$0x3] =	wrdreg s5  }
0xaa: {  	[dreg:$0x4] =	wrdreg $0xC0  }
0xab: {  	_ =	task [dreg:s7], $0x5FFFF  }
0xac: {  	[dreg:$0x1] =	wrdreg $0xFFFFFFFF  }
0xad: {  	[dreg:$0x0] =	wrdreg $0x60  }
0xae: {  	[dreg:$0x2] =	wrdreg s24  }
0xaf: {  	[dreg:$0x3] =	wrdreg s2  }
0xb0: {  	[dreg:$0x4] =	wrdreg $0x6C000  }
0xb1: {  	[dreg:$0x5] =	wrdreg $0x9  }
0xb2: {  	_ =	task.clear_ibuf [dreg:s7], $0x6FFFF;
	_ =	strace $0x90000049  }
0xb3: {  	s29 =	simm.s32 $0x9;
	_ =	strace $0x8000004B  }
0xb4: {  	_ =	swait.ge [sflag:s29], $0x1  }
0xb5: {  	[sflag:s29] =	ssyncadd.s32 $0xFFFFFFFF  }
0xb6: {  	_ =	strace $0x9000004B  }
0xb7: {  	_ =	sfence  }
0xb8: {  	s30 =	sld [smem:$0x0];
	_ =	sdelay $0x2  }
0xb9: {  	s31 =	sshll.u32 s1, $0xD;
	s1 =	sshrl.u32 s1, $0x2  }
0xba: {  	s3 =	sand.u32 $0x4000, s31;
	s1 =	sadd.s32 s1, s30  }
0xbb: {  	s0 =	sor.u32 s3, s0;
	s1 =	sshll.u32 s1, $0x11  }
0xbc: {  	s0 =	sor.u32 s1, s0  }
0xbd: {  	s0 =	sadd.s32 $0x8F2B, s0  }
0xbe: {  	[sflag:s0] =	ssyncadd.remote.s32 $0x1  }
0xbf: {  	_ =	sfence.sel $0xFFFF  }
0xc0: {  	[dreg:$0x0] =	wrdreg $0xFFFFFFFF;
	(pc) =	sbr.abs _section_cstart, $3  }
0xc1: {  	[dreg:$0x1] =	wrdreg $0xFFFFFFFF  }
0xc2: {  	_ =	task.clear_ibuf [dreg:s7], $0x2FFFF;
	_ =	strace $0x9FFFFFFF  }
0xc3: {  	(tm) =	ssettm $0x7FFFFFFF  }
tec
execute0_lowered:
.L_overlay_start_1:
0x0: {  	(tag) =	ssettag $0x1  }
0x1: {  	s0 =	rddreg [dreg:$0x0]  }
0x2: {  	s2 =	rddreg [dreg:$0x2];
	s4 =	simm.s32 $0x0  }
0x3: {  	s12 =	stileid.u32;
	s1 =	srdreg.scid;
	s16 =	simm.s32 $0x100  }
0x4: {  	s19 =	simm.s32 $0x1;
	s28 =	simm.s32 $0xD;
	s29 =	simm.s32 $0x7  }
0x5: {  	s31 =	simm.s32 $0x5;
	s14 =	simm.s32 $0x9;
	s22 =	simm.s32 $0x600  }
0x6: {  	s23 =	simm.s32 $0xC00;
	s24 =	simm.s32 $0x300;
	[smem:$0x7FF] =	sst s4  }
0x7: {  	s3 =	smul.u32 $0x6300, s12;
	s1 =	sand.u32 $0x1, s1;
	s5 =	sshll.u32 s12, $0x1  }
0x8: {  	s7 =	smul.u32 $0x19000, s12;
	s8 =	sadd.s32 $0x98200, s0;
	s12 =	sshll.u32 s12, $0x6  }
0x9: {  	_ =	strace $0x8000004A;
	s6 =	ssub.s32 $0x2, s1;
	s5 =	sor.u32 s1, s5  }
0xa: {  	s15 =	sor.u32 $0x1C19, s12;
	p0 =	seq.s32 s1, $0x1;
	s1 =	smul.u32 $0x3180, s1  }
0xb: {  	s9 =	sshrl.u32 s6, $0x1;
	s10 =	smul.u32 $0x3180, s5;
	s11 =	sadd.s32 s3, s0  }
0xc: {  	s5 =	sadd.s32 $0x66200, s0;
	s25 =	sadd.s32 s7, s2;
	s7 =	sshrl.u32 s7, $0x3  }
0xd: {  	s3 =	sadd.s32 s3, s8;
	[dreg:$0x5] =	wrdreg s15;
	s6 =	ssub.s32 s6, s9  }
0xe: {  	s30 =	sadd.s32 s1, s11;
	s13 =	sadd.s32 s1, s3;
	s9 =	simm.s32 $0x19  }
0xf: {  	s3 =	simm.s32 $0xE;
	s1 =	simm.s32 $0x8;
	s11 =	simm.s32 $0x6  }
0x10: {  	s10 =	sadd.s32 s8, s10;
	s6 =	smax.u32 s6, $0x1;
	s12 =	sadd.s32 $0x3200, s30  }
0x11: {  	s26 =	sadd.s32 $0x20, s10;
	[dreg:$0x4] =	wrdreg s10;
	s10 =	sadd.s32 $0x40, s10  }
.Ltmp0:
0x12: {  	[dreg:$0x7] =	wrdreg s10;
	s10 =	simm.s32 $0x12D200;
	(pc) =	sbr.rel .LBB2_1-.Ltmp0, $4  }
0x13: {  	s8 =	simm.s32 $0x18;
	[dreg:$0x8] =	wrdreg s6;
	s10 =	simm.s32 @!p0 $0xFB200  }
0x14: {  	s6 =	sshrl.u32 s25, $0x3;
	[dreg:$0x6] =	wrdreg s26;
	s0 =	sadd.s32 s10, s0  }
0x15: {  	s25 =	simm.s32 $0x4;
	[dreg:$0xa] =	wrdreg s6;
	s0 =	sadd.s32 s0, s7  }
0x16: {  	s10 =	simm.s32 $0x0;
	s7 =	simm.s32 $0xF;
	[dreg:$0x9] =	wrdreg s0  }
.LBB2_4:
0x17: {  	s0 =	simm.s32 $0x10  }
0x18: {  	_ =	swait.ge [sflag:s0], $0x1000  }
0x19: {  	[sflag:s0] =	ssyncset.done $0x0  }
0x1a: {  	s15 =	simm.s32 $0xA;
	[sflag:s0] =	ssyncadd.s32 $0xFFFFF000  }
0x1b: {  	_ =	swait.ge [sflag:s15], $0x100  }
0x1c: {  	s17 =	simm.s32 $0x900;
	[sflag:s15] =	ssyncset.done $0x0  }
0x1d: {  	s6 =	simm.s32 $0x3C00;
	s18 =	simm.s32 $0x11;
	[sflag:s15] =	ssyncadd.s32 $0xFFFFFF00  }
0x1e: {  	[spmem:s2] =	stream.indirect.scatter.add.f32 [tilespmem:s6], [sflag:$0x16], $0x10, s17, s16, $0xb8;
	[tilespmem:$0x1FC00] =	vst v63  }
0x1f: {  	_ =	swait.ge [sflag:s18], $0x1000  }
0x20: {  	[sflag:s18] =	ssyncset.done $0x0  }
0x21: {  	s20 =	simm.s32 $0xB;
	[sflag:s18] =	ssyncadd.s32 $0xFFFFF000  }
0x22: {  	_ =	swait.ge [sflag:s20], $0x100  }
0x23: {  	s21 =	simm.s32 $0xA00;
	[sflag:s20] =	ssyncset.done $0x0  }
0x24: {  	s26 =	simm.s32 $0x4C00;
	s30 =	simm.s32 $0x12;
	[sflag:s20] =	ssyncadd.s32 $0xFFFFFF00  }
0x25: {  	[spmem:s2] =	stream.indirect.scatter.add.f32 [tilespmem:s26], [sflag:$0x17], $0x10, s21, s16, $0xb8;
	[tilespmem:$0x1FC00] =	vst v63  }
0x26: {  	_ =	swait.ge [sflag:s30], $0x1000  }
0x27: {  	[sflag:s30] =	ssyncset.done $0x0  }
0x28: {  	s6 =	simm.s32 $0xC;
	[sflag:s30] =	ssyncadd.s32 $0xFFFFF000  }
0x29: {  	_ =	swait.ge [sflag:s6], $0x100  }
0x2a: {  	s9 =	simm.s32 $0xB00;
	[sflag:s6] =	ssyncset.done $0x0  }
0x2b: {  	s10 =	simm.s32 $0x5C00;
	s15 =	simm.s32 $0x13;
	[sflag:s6] =	ssyncadd.s32 $0xFFFFFF00  }
0x2c: {  	[spmem:s2] =	stream.indirect.scatter.add.f32 [tilespmem:s10], [sflag:$0x18], $0x10, s9, s16, $0xb8;
	[tilespmem:$0x1FC00] =	vst v63  }
0x2d: {  	_ =	swait.ge [sflag:s15], $0x1000  }
0x2e: {  	[sflag:s15] =	ssyncset.done $0x0  }
0x2f: {  	s17 =	simm.s32 $0x14;
	[sflag:s15] =	ssyncadd.s32 $0xFFFFF000  }
0x30: {  	_ =	swait.ge [sflag:s17], $0x1000  }
0x31: {  	[sflag:s17] =	ssyncset.done $0x0  }
0x32: {  	s18 =	simm.s32 $0x15;
	[sflag:s17] =	ssyncadd.s32 $0xFFFFF000  }
0x33: {  	_ =	swait.ge [sflag:s18], $0x1000  }
0x34: {  	[sflag:s18] =	ssyncset.done $0x0  }
0x35: {  	s20 =	simm.s32 $0x16;
	[sflag:s18] =	ssyncadd.s32 $0xFFFFF000  }
0x36: {  	_ =	swait.ge [sflag:s20], $0x1000  }
0x37: {  	[sflag:s20] =	ssyncset.done $0x0  }
0x38: {  	s21 =	simm.s32 $0x17;
	[sflag:s20] =	ssyncadd.s32 $0xFFFFF000  }
0x39: {  	_ =	swait.ge [sflag:s21], $0x1000  }
0x3a: {  	[sflag:s21] =	ssyncset.done $0x0  }
0x3b: {  	[sflag:s21] =	ssyncadd.s32 $0xFFFFF000  }
0x3c: {  	_ =	swait.ge [sflag:s8], $0x1000  }
0x3d: {  	[sflag:s8] =	ssyncset.done $0x0  }
0x3e: {  	[sflag:s8] =	ssyncadd.s32 $0xFFFFF000  }
0x3f: {  	[bflag:$0x0] =	sbarrier.arrive $0xFFFF  }
0x40: {  	s15 =	rddreg [dreg:$0x5]  }
0x41: {  	s26 =	rddreg [dreg:$0x9]  }
0x42: {  	s9 =	simm.s32 $0x19;
	s6 =	rddreg [dreg:$0xa]  }
0x43: {  	[hbm:s26], [sflag:s15] =	dma.local [spmem:s6], $0x3200  }
0x44: {  	_ =	swait.ge [sflag:s9], $0x3200  }
0x45: {  	s10 =	rddreg [dreg:$0xb]  }
0x46: {  	s30 =	rddreg [dreg:$0x8];
	s10 =	sadd.s32 $0x1, s10  }
0x47: {  	p0 =	sne.s32 s10, s30  }
.Ltmp1:
0x48: {  	_ = 	snop;
	(pc) =	sbr.rel @!p0 .LBB2_5-.Ltmp1, $3  }
0x49: {  	_ =	sdelay $0x1  }
0x4a: {  	[sflag:s9] =	ssyncset.done $0x0  }
0x4b: {  	[sflag:s9] =	ssyncadd.s32 $0xFFFFCE00  }
.LBB2_1:
0x4c: {  	[dreg:$0xb] =	wrdreg s10  }
0x4d: {  	s0 =	rddreg [dreg:$0x1]  }
0x4e: {  	[spmem:s6], [sflag:s15] =	dma.local [hbm:s0], $0x3200  }
0x4f: {  	_ =	swait.ge [sflag:s9], $0x3200  }
0x50: {  	[sflag:s9] =	ssyncset.done $0x0  }
0x51: {  	[sflag:s9] =	ssyncadd.s32 $0xFFFFCE00  }
0x52: {  	[bflag:$0x0] =	sbarrier.arrive $0xFFFF  }
0x53: {  	s20 =	rddreg [dreg:$0x4]  }
0x54: {  	[tilespmem:s4], [sflag:$0x1] =	stream.linear.gather [hbm4b:s20+s4], $0x100, $0x38;
	[tilespmem:$0x1FC00] =	vst v63  }
0x55: {  	s21 =	rddreg [dreg:$0x6]  }
0x56: {  	[tilespmem:s16], [sflag:$0x2] =	stream.linear.gather [hbm4b:s21+s4], $0x100, $0x38;
	[tilespmem:$0x1FC00] =	vst v63  }
0x57: {  	s30 =	simm.s32 $0x200;
	s26 =	rddreg [dreg:$0x7]  }
0x58: {  	[tilespmem:s30], [sflag:$0x3] =	stream.linear.gather [hbm4b:s26+s4], $0x100, $0x38;
	[tilespmem:$0x1FC00] =	vst v63  }
0x59: {  	s26 =	simm.s32 $0x0  }
.LBB2_2:
0x5a: {  	p0 =	seq.s32 s26, $0x0  }
0x5b: {  	s0 =	simm.s32 @!p0 $0x13  }
0x5c: {  	_ =	swait.ge @!p0 [sflag:s0], $0x1000  }
0x5d: {  	[sflag:s0] =	ssyncset.done @!p0 $0x0  }
0x5e: {  	s9 =	sadd.s32 s26, s12;
	[sflag:s0] =	ssyncadd.s32 @!p0 $0xFFFFF000  }
0x5f: {  	[tilespmem:s22], [sflag:$0x7] =	stream.linear.gather [hbm4b:s9+s4], $0x100, $0x38;
	[tilespmem:$0x1FC00] =	vst v63  }
0x60: {  	_ =	swait.ge [sflag:s19], $0x100  }
0x61: {  	[sflag:s19] =	ssyncset.done $0x0  }
0x62: {  	s0 =	simm.s32 @!p0 $0x10;
	[sflag:s19] =	ssyncadd.s32 $0xFFFFFF00  }
0x63: {  	[tilespmem:s23], [sflag:$0xD] =	stream.indirect.gather [hbm4b:s5+s16], $0x10, s4, s16, $0xb8;
	[tilespmem:$0x1FC00] =	vst v63  }
0x64: {  	_ =	swait.ge @!p0 [sflag:s0], $0x1000  }
0x65: {  	[sflag:s0] =	ssyncset.done @!p0 $0x0  }
0x66: {  	[sflag:s0] =	ssyncadd.s32 @!p0 $0xFFFFF000;
	s0 =	simm.s32 @!p0 $0xA  }
0x67: {  	_ =	swait.ge @!p0 [sflag:s0], $0x100  }
0x68: {  	s15 =	simm.s32 @!p0 $0x900;
	[sflag:s0] =	ssyncset.done @!p0 $0x0  }
0x69: {  	s30 =	simm.s32 @!p0 $0x3C00;
	[sflag:s0] =	ssyncadd.s32 @!p0 $0xFFFFFF00;
	s0 =	simm.s32 @!p0 $0x100  }
0x6a: {  	[spmem:s2] =	stream.indirect.scatter.add.f32 @!p0 [tilespmem:s30], [sflag:$0x16], $0x10, s15, s0, $0xb8;
	[tilespmem:$0x1FC00] =	vst v63  }
0x6b: {  	s30 =	sadd.s32 s26, s13  }
0x6c: {  	s15 =	sadd.s32 @p0 s26, s12;
	s18 =	sadd.s32 $0x60, s30  }
0x6d: {  	[tilespmem:s24], [sflag:$0x4] =	stream.linear.gather [hbm4b:s18+s4], $0x100, $0x38;
	[tilespmem:$0x1FC00] =	vst v63  }
0x6e: {  	s10 =	simm.s32 @p0 $0x0;
	s6 =	simm.s32 @p0 $0x700;
	s17 =	sadd.s32 @p0 $0x20, s15  }
0x6f: {  	[tilespmem:s6], [sflag:$0x8] =	stream.linear.gather @p0 [hbm4b:s17+s10], $0x100, $0x38;
	[tilespmem:$0x1FC00] =	vst v63  }
0x70: {  	s6 =	simm.s32 @p0 $0x2  }
0x71: {  	_ =	swait.ge @p0 [sflag:s6], $0x100  }
0x72: {  	[sflag:s6] =	ssyncset.done @p0 $0x0  }
0x73: {  	s17 =	simm.s32 @p0 $0x1C00;
	[sflag:s6] =	ssyncadd.s32 @p0 $0xFFFFFF00;
	s6 =	simm.s32 @p0 $0x100  }
0x74: {  	[tilespmem:s17], [sflag:$0xE] =	stream.indirect.gather @p0 [hbm4b:s5+s6], $0x10, s6, s6, $0xb8;
	[tilespmem:$0x1FC00] =	vst v63  }
0x75: {  	s17 =	simm.s32 @!p0 $0x14  }
0x76: {  	_ =	swait.ge @!p0 [sflag:s17], $0x1000  }
0x77: {  	[sflag:s17] =	ssyncset.done @!p0 $0x0  }
0x78: {  	[sflag:s17] =	ssyncadd.s32 @!p0 $0xFFFFF000;
	s17 =	sadd.s32 @!p0 s26, s12  }
0x79: {  	s20 =	simm.s32 @!p0 $0x0;
	s21 =	simm.s32 @!p0 $0x700;
	s18 =	sadd.s32 @!p0 $0x20, s17  }
0x7a: {  	[tilespmem:s21], [sflag:$0x8] =	stream.linear.gather @!p0 [hbm4b:s18+s20], $0x100, $0x38;
	[tilespmem:$0x1FC00] =	vst v63  }
0x7b: {  	s18 =	simm.s32 @!p0 $0x2  }
0x7c: {  	_ =	swait.ge @!p0 [sflag:s18], $0x100  }
0x7d: {  	[sflag:s18] =	ssyncset.done @!p0 $0x0  }
0x7e: {  	[sflag:s18] =	ssyncadd.s32 @!p0 $0xFFFFFF00;
	s18 =	simm.s32 @!p0 $0x1C00  }
0x7f: {  	[tilespmem:s18], [sflag:$0xE] =	stream.indirect.gather @!p0 [hbm4b:s5+s0], $0x10, s0, s0, $0xb8;
	[tilespmem:$0x1FC00] =	vst v63  }
0x80: {  	s18 =	simm.s32 @!p0 $0x11  }
0x81: {  	_ =	swait.ge @!p0 [sflag:s18], $0x1000  }
0x82: {  	[sflag:s18] =	ssyncset.done @!p0 $0x0  }
0x83: {  	[sflag:s18] =	ssyncadd.s32 @!p0 $0xFFFFF000;
	s18 =	simm.s32 @!p0 $0xB  }
0x84: {  	_ =	swait.ge @!p0 [sflag:s18], $0x100  }
0x85: {  	[sflag:s18] =	ssyncset.done @!p0 $0x0  }
0x86: {  	s21 =	simm.s32 @!p0 $0x4C00;
	[sflag:s18] =	ssyncadd.s32 @!p0 $0xFFFFFF00;
	s18 =	simm.s32 @!p0 $0xA00  }
0x87: {  	[spmem:s2] =	stream.indirect.scatter.add.f32 @!p0 [tilespmem:s21], [sflag:$0x17], $0x10, s18, s0, $0xb8;
	[tilespmem:$0x1FC00] =	vst v63  }
0x88: {  	s18 =	sadd.s32 $0x80, s30;
	s21 =	simm.s32 $0x400  }
0x89: {  	[tilespmem:s21], [sflag:$0x5] =	stream.linear.gather [hbm4b:s18+s4], $0x100, $0x38;
	[tilespmem:$0x1FC00] =	vst v63  }
0x8a: {  	s15 =	sadd.s32 @p0 $0x40, s15;
	s18 =	simm.s32 @p0 $0x800  }
0x8b: {  	[tilespmem:s18], [sflag:$0x9] =	stream.linear.gather @p0 [hbm4b:s15+s10], $0x100, $0x38;
	[tilespmem:$0x1FC00] =	vst v63  }
0x8c: {  	s10 =	simm.s32 @p0 $0x3  }
0x8d: {  	_ =	swait.ge @p0 [sflag:s10], $0x100  }
0x8e: {  	[sflag:s10] =	ssyncset.done @p0 $0x0  }
0x8f: {  	s15 =	simm.s32 @p0 $0x2C00;
	[sflag:s10] =	ssyncadd.s32 @p0 $0xFFFFFF00;
	s10 =	simm.s32 @p0 $0x200  }
0x90: {  	[tilespmem:s15], [sflag:$0xF] =	stream.indirect.gather @p0 [hbm4b:s5+s6], $0x10, s10, s6, $0xb8;
	[tilespmem:$0x1FC00] =	vst v63  }
0x91: {  	s6 =	simm.s32 @!p0 $0x15  }
0x92: {  	_ =	swait.ge @!p0 [sflag:s6], $0x1000  }
0x93: {  	[sflag:s6] =	ssyncset.done @!p0 $0x0  }
0x94: {  	s10 =	simm.s32 @!p0 $0x800;
	[sflag:s6] =	ssyncadd.s32 @!p0 $0xFFFFF000;
	s6 =	sadd.s32 @!p0 $0x40, s17  }
0x95: {  	[tilespmem:s10], [sflag:$0x9] =	stream.linear.gather @!p0 [hbm4b:s6+s20], $0x100, $0x38;
	[tilespmem:$0x1FC00] =	vst v63  }
0x96: {  	s6 =	simm.s32 @!p0 $0x3  }
0x97: {  	_ =	swait.ge @!p0 [sflag:s6], $0x100  }
0x98: {  	[sflag:s6] =	ssyncset.done @!p0 $0x0  }
0x99: {  	s10 =	simm.s32 @!p0 $0x2C00;
	[sflag:s6] =	ssyncadd.s32 @!p0 $0xFFFFFF00;
	s6 =	simm.s32 @!p0 $0x200  }
0x9a: {  	[tilespmem:s10], [sflag:$0xF] =	stream.indirect.gather @!p0 [hbm4b:s5+s0], $0x10, s6, s0, $0xb8;
	[tilespmem:$0x1FC00] =	vst v63  }
0x9b: {  	s6 =	simm.s32 @!p0 $0x12  }
0x9c: {  	_ =	swait.ge @!p0 [sflag:s6], $0x1000  }
0x9d: {  	[sflag:s6] =	ssyncset.done @!p0 $0x0  }
0x9e: {  	[sflag:s6] =	ssyncadd.s32 @!p0 $0xFFFFF000;
	s6 =	simm.s32 @!p0 $0xC  }
0x9f: {  	_ =	swait.ge @!p0 [sflag:s6], $0x100  }
0xa0: {  	[sflag:s6] =	ssyncset.done @!p0 $0x0  }
0xa1: {  	s10 =	simm.s32 @!p0 $0x5C00;
	[sflag:s6] =	ssyncadd.s32 @!p0 $0xFFFFFF00;
	s6 =	simm.s32 @!p0 $0xB00  }
0xa2: {  	[spmem:s2] =	stream.indirect.scatter.add.f32 @!p0 [tilespmem:s10], [sflag:$0x18], $0x10, s6, s0, $0xb8;
	[tilespmem:$0x1FC00] =	vst v63  }
0xa3: {  	s20 =	sadd.s32 $0xA0, s30;
	s10 =	simm.s32 $0x500;
	s0 =	simm.s32 @!p0 $0x16  }
0xa4: {  	[tilespmem:s10], [sflag:$0x6] =	stream.linear.gather [hbm4b:s20+s4], $0x100, $0x38;
	[tilespmem:$0x1FC00] =	vst v63  }
0xa5: {  	_ =	swait.ge @!p0 [sflag:s0], $0x1000  }
0xa6: {  	[sflag:s0] =	ssyncset.done @!p0 $0x0  }
0xa7: {  	s15 =	simm.s32 $0x900;
	s6 =	sadd.s32 $0x60, s9;
	[sflag:s0] =	ssyncadd.s32 @!p0 $0xFFFFF000  }
0xa8: {  	[tilespmem:s15], [sflag:$0xA] =	stream.linear.gather [hbm4b:s6+s4], $0x100, $0x38;
	[tilespmem:$0x1FC00] =	vst v63  }
0xa9: {  	_ =	swait.ge [sflag:s25], $0x100  }
0xaa: {  	[sflag:s25] =	ssyncset.done $0x0  }
0xab: {  	s17 =	simm.s32 $0x3C00;
	[sflag:s25] =	ssyncadd.s32 $0xFFFFFF00  }
0xac: {  	[tilespmem:s17], [sflag:$0x10] =	stream.indirect.gather [hbm4b:s5+s16], $0x10, s24, s16, $0xb8;
	[tilespmem:$0x1FC00] =	vst v63  }
0xad: {  	_ =	swait.ge [sflag:s28], $0x1000  }
0xae: {  	[sflag:s28] =	ssyncset.done $0x0  }
0xaf: {  	[sflag:s28] =	ssyncadd.s32 $0xFFFFF000  }
0xb0: {  	_ =	swait.ge [sflag:s29], $0x100  }
0xb1: {  	p0 =	seq.s32 s26, $0x30C0;
	[sflag:s29] =	ssyncset.done $0x0  }
0xb2: {  	s0 =	sadd.s32 @!p0 s26, s13;
	p1 =	seq.s32 @!p0 s26, $0x0;
	[sflag:s29] =	ssyncadd.s32 $0xFFFFFF00  }
0xb3: {  	[spmem:s2] =	stream.indirect.scatter.add.f32 [tilespmem:s23], [sflag:$0x13], $0x10, s22, s16, $0xb8;
	[tilespmem:$0x1FC00] =	vst v63  }
0xb4: {  	s15 =	simm.s32 @!p0 $0x0;
	s6 =	sadd.s32 @!p0 $0xC0, s0;
	p1 =	por p0, !p1  }
0xb5: {  	[tilespmem:s15], [sflag:$0x1] =	stream.linear.gather @!p0 [hbm4b:s6+s15], $0x100, $0x38;
	[tilespmem:$0x1FC00] =	vst v63  }
0xb6: {  	s6 =	simm.s32 @p1 $0x17  }
0xb7: {  	_ =	swait.ge @p1 [sflag:s6], $0x1000  }
0xb8: {  	[sflag:s6] =	ssyncset.done @p1 $0x0  }
0xb9: {  	s18 =	sadd.s32 $0x80, s9;
	s20 =	simm.s32 $0xA00;
	[sflag:s6] =	ssyncadd.s32 @p1 $0xFFFFF000  }
0xba: {  	[tilespmem:s20], [sflag:$0xB] =	stream.linear.gather [hbm4b:s18+s4], $0x100, $0x38;
	[tilespmem:$0x1FC00] =	vst v63  }
0xbb: {  	_ =	swait.ge [sflag:s31], $0x100  }
0xbc: {  	[sflag:s31] =	ssyncset.done $0x0  }
0xbd: {  	s18 =	simm.s32 $0x4C00;
	[sflag:s31] =	ssyncadd.s32 $0xFFFFFF00  }
0xbe: {  	[tilespmem:s18], [sflag:$0x11] =	stream.indirect.gather [hbm4b:s5+s16], $0x10, s21, s16, $0xb8;
	[tilespmem:$0x1FC00] =	vst v63  }
0xbf: {  	_ =	swait.ge [sflag:s3], $0x1000  }
0xc0: {  	[sflag:s3] =	ssyncset.done $0x0  }
0xc1: {  	[sflag:s3] =	ssyncadd.s32 $0xFFFFF000  }
0xc2: {  	_ =	swait.ge [sflag:s1], $0x100  }
0xc3: {  	[sflag:s1] =	ssyncset.done $0x0  }
0xc4: {  	s20 =	simm.s32 $0x700;
	s21 =	simm.s32 $0x1C00;
	[sflag:s1] =	ssyncadd.s32 $0xFFFFFF00  }
0xc5: {  	[spmem:s2] =	stream.indirect.scatter.add.f32 [tilespmem:s21], [sflag:$0x14], $0x10, s20, s16, $0xb8;
	[tilespmem:$0x1FC00] =	vst v63  }
0xc6: {  	s0 =	sadd.s32 @!p0 $0xE0, s0;
	s6 =	simm.s32 @!p0 $0x100  }
0xc7: {  	[tilespmem:s6], [sflag:$0x2] =	stream.linear.gather @!p0 [hbm4b:s0+s15], $0x100, $0x38;
	[tilespmem:$0x1FC00] =	vst v63  }
0xc8: {  	_ =	swait.ge @p1 [sflag:s8], $0x1000  }
0xc9: {  	[sflag:s8] =	ssyncset.done @p1 $0x0  }
0xca: {  	s17 =	simm.s32 $0xB00;
	s15 =	sadd.s32 $0xA0, s9;
	[sflag:s8] =	ssyncadd.s32 @p1 $0xFFFFF000  }
0xcb: {  	[tilespmem:s17], [sflag:$0xC] =	stream.linear.gather [hbm4b:s15+s4], $0x100, $0x38;
	[tilespmem:$0x1FC00] =	vst v63  }
0xcc: {  	_ =	swait.ge [sflag:s11], $0x100  }
0xcd: {  	[sflag:s11] =	ssyncset.done $0x0  }
0xce: {  	s18 =	simm.s32 $0x5C00;
	[sflag:s11] =	ssyncadd.s32 $0xFFFFFF00  }
0xcf: {  	[tilespmem:s18], [sflag:$0x12] =	stream.indirect.gather [hbm4b:s5+s16], $0x10, s10, s16, $0xb8;
	[tilespmem:$0x1FC00] =	vst v63  }
0xd0: {  	_ =	swait.ge [sflag:s7], $0x1000  }
0xd1: {  	[sflag:s7] =	ssyncset.done $0x0  }
.Ltmp2:
0xd2: {  	[sflag:s7] =	ssyncadd.s32 $0xFFFFF000;
	(pc) =	sbr.rel @p0 .LBB2_4-.Ltmp2, $4  }
0xd3: {  	_ =	swait.ge [sflag:s14], $0x100  }
0xd4: {  	[sflag:s14] =	ssyncset.done $0x0  }
0xd5: {  	s20 =	simm.s32 $0x800;
	s21 =	simm.s32 $0x2C00;
	[sflag:s14] =	ssyncadd.s32 $0xFFFFFF00  }
0xd6: {  	[spmem:s2] =	stream.indirect.scatter.add.f32 [tilespmem:s21], [sflag:$0x15], $0x10, s20, s16, $0xb8;
	[tilespmem:$0x1FC00] =	vst v63  }
.Ltmp3:
0xd7: {  	(pc) =	sbr.rel .LBB2_2-.Ltmp3, $3  }
0xd8: {  	_ =	sdelay $0x1  }
0xd9: {  	s0 =	sadd.s32 $0x100, s30;
	s6 =	simm.s32 $0x200;
	s26 =	sadd.s32 $0xC0, s26  }
0xda: {  	[tilespmem:s6], [sflag:$0x3] =	stream.linear.gather [hbm4b:s0+s4], $0x100, $0x38;
	[tilespmem:$0x1FC00] =	vst v63  }
.LBB2_5:
0xdb: {  	_ =	sfence.sel $0x180000  }
0xdc: {  	[bflag:$0x0] =	sbarrier.arrive $0xFFFF  }
0xdd: {  	_ =	strace $0x9000004A  }
0xde: {  	s0 =	stileid.u32;
	[bflag:$0x2] =	sbarrier.arrive $0xFFFF  }
0xdf: {  	p0 =	sne.s32 s0, $0x0;
	s0 =	rddreg [dreg:$0x3]  }
0xe0: {  	s0 =	sadd.s32 @!p0 $0x100000, s0  }
0xe1: {  	[sflag:s0] =	ssyncadd.tile.s32 @!p0 $0x1;
	_ =	shalt  }
.Lfunc_end2:
_tile_overlayer_lowered:
.L_overlay_start_2:
0xe2: {  	(tag) =	ssettag $0x2  }
0xe3: {  	s0 =	rddreg [dreg:$0x0];
	s2 =	stileid.u32  }
0xe4: {  	s1 =	rddreg [dreg:$0x1];
	p0 =	sne.s32 s2, $0x0  }
0xe5: {  	s3 =	rddreg [dreg:$0x2];
	[bflag:$0x3] =	sbarrier.arrive $0xFFFF;
	s2 =	simm.s32 @!p0 $0x1C19  }
0xe6: {  	[timem:s3], [sflag:s2] =	dma.local @!p0 [hbm:s0], s1  }
0xe7: {  	s0 =	simm.s32 @!p0 $0x19  }
0xe8: {  	_ =	swait.ge @!p0 [sflag:s0], s1  }
0xe9: {  	s1 =	ssub.s32 @!p0 $0x0, s1;
	[sflag:s0] =	ssyncset.done @!p0 $0x0  }
0xea: {  	[sflag:s0] =	ssyncadd.s32 @!p0 s1  }
0xeb: {  	[bflag:$0x3] =	sbarrier.arrive $0xFFFF  }
0xec: {  	_ =	shalt  }

// kernel: kernel.14.cloned.1.call-start
scs
__scs_entry_jumppad:
0x0: {  	(pc) =	sbr.rel $0x88, $3  }
0x1: {  	(tag) =	ssettag $0x0;
	lr =	simm.s32 $0x1  }
0x2: {  	[smem:$0x3F9B] =	sst lr;
	_ =	strace $0xD0000000  }
0x3: {  	_ = 	snop  }
0x4: {  	_ = 	snop  }
0x5: {  	_ = 	snop  }
0x6: {  	_ = 	snop  }
0x7: {  	_ = 	snop  }
__scs_overlays_trampoline_lowered:
0x8: {  	[smem:$0x3FAA] =	sst s0  }
0x9: {  	[smem:$0x3FAB] =	sst s1  }
0xa: {  	[smem:$0x3FAC] =	sst s2  }
0xb: {  	[smem:$0x3FAD] =	sst s3  }
0xc: {  	[smem:$0x3FAE] =	sst s4  }
0xd: {  	[smem:$0x3FAF] =	sst s5  }
0xe: {  	[smem:$0x3FB0] =	sst s6  }
0xf: {  	[smem:$0x3FB1] =	sst s7  }
0x10: {  	[smem:$0x3FB2] =	sst s8  }
0x11: {  	[smem:$0x3FB3] =	sst s9;
	s0 =	simm.s32 @!p0 $0x0  }
0x12: {  	s1 =	sld [smem:$0x3F99];
	s0 =	simm.s32 @p0 $0x1  }
0x13: {  	[smem:$0x3FB4] =	sst s0;
	s0 =	simm.s32 @!p1 $0x0  }
0x14: {  	s2 =	sld [smem:$0x3F98];
	s0 =	simm.s32 @p1 $0x1  }
0x15: {  	[smem:$0x3FB5] =	sst s0;
	s0 =	simm.s32 @!p2 $0x0  }
0x16: {  	s3 =	sld [smem:$0x3FDB];
	s0 =	simm.s32 @p2 $0x1  }
0x17: {  	s4 =	simm.s32 $0x1BF5;
	[smem:$0x3FB7] =	sst s0  }
0x18: {  	s0 =	sld [smem:$0x3F9A];
	_ =	swait.ge [sflag:s4], $0x0  }
0x19: {  	s7 =	sld [smem:$0x3F9B]  }
0x1a: {  	s8 =	sadd.s32 $0xFFFFE003, lr  }
0x1b: {  	s9 =	sadd.s32 $0xFFFFFEF7, lr;
	s5 =	simm.s32 $0xFFFFFFFF;
	p2 =	slt.u32 s8, $0xFFFFF086  }
0x1c: {  	p1 =	slt.u32 s9, $0xF7A;
	s5 =	simm.s32 @!p2 $0x0  }
0x1d: {  	s5 =	simm.s32 @p1 $0x1;
	p0 =	seq.s32 s7, s2  }
0x1e: {  	s7 =	smul.u32 @!p0 $0xF7A, s2;
	p2 =	seq.s32 @!p0 s5, $0x0  }
0x1f: {  	s9 =	smul.u32 $0xF7A, s1;
	s8 =	simm.s32 @!p0 $0x1BF5;
	p2 =	por !p2, p0  }
0x20: {  	[sflag:s8] =	ssyncset.s32 @!p0 $0xFFFFF086;
	s6 =	sadd.s32 @!p0 s3, s7;
	s7 =	simm.s32 @!p0 $0x108  }
0x21: {  	s3 =	sadd.s32 s3, s9;
	s6 =	sadd.s32 @!p0 $0x88, s6;
	s7 =	simm.s32 @p2 $0x1082  }
0x22: {  	[simem:s7], [sflag:s8] =	dma.local @!p0 [hbm:s6], $0xF7A  }
0x23: {  	s9 =	sor.u32 $0xD0000000, s2;
	s6 =	simm.s32 $0x108;
	_ =	swait.ge @!p0 [sflag:s8], $0x0  }
0x24: {  	s3 =	sadd.s32 $0x88, s3;
	s6 =	simm.s32 @!p1 $0x1082;
	[sflag:s4] =	ssyncset.s32 $0xFFFFF086  }
0x25: {  	[simem:s6], [sflag:s4] =	dma.local [hbm:s3], $0xF7A  }
0x26: {  	[smem:$0x3F9B] =	sst s1;
	(tag) =	ssettag s2;
	_ =	strace s9  }
0x27: {  	s1 =	sld [smem:$0x3FAB]  }
0x28: {  	s2 =	sld [smem:$0x3FAC]  }
0x29: {  	s4 =	sld [smem:$0x3FAE]  }
0x2a: {  	p0 =	seq.s32 s5, $0x0;
	s5 =	sld [smem:$0x3FAF]  }
0x2b: {  	s6 =	sld [smem:$0x3FB0]  }
0x2c: {  	s7 =	sld [smem:$0x3FB1]  }
0x2d: {  	s3 =	simm.s32 $0x108;
	s8 =	sld [smem:$0x3FB2]  }
0x2e: {  	s3 =	simm.s32 @!p0 $0x1082;
	s9 =	sld [smem:$0x3FB3]  }
0x2f: {  	lr =	sadd.s32 s0, s3;
	s0 =	sld [smem:$0x3FAA]  }
0x30: {  	s3 =	sld [smem:$0x3FAD]  }
0x31: {  	[smem:$0x3FB6] =	sst s10  }
0x32: {  	s10 =	sld [smem:$0x3FB4];
	_ =	sdelay $0x3  }
0x33: {  	p0 =	seq.s32 s10, $0x1;
	s10 =	sld [smem:$0x3FB6];
	_ =	sdelay $0x3  }
0x34: {  	[smem:$0x3FB6] =	sst s10  }
0x35: {  	s10 =	sld [smem:$0x3FB5];
	_ =	sdelay $0x3  }
0x36: {  	p1 =	seq.s32 s10, $0x1;
	s10 =	sld [smem:$0x3FB6];
	_ =	sdelay $0x3  }
0x37: {  	[smem:$0x3FB6] =	sst s10  }
0x38: {  	s10 =	sld [smem:$0x3FB7]  }
0x39: {  	_ = 	snop;
	(pc) =	sbr.ind lr, $3  }
0x3a: {  	_ = 	snop  }
0x3b: {  	_ = 	snop  }
0x3c: {  	p2 =	seq.s32 s10, $0x1;
	s10 =	sld [smem:$0x3FB6]  }
0x3d: {  	_ =	shalt  }
0x3e: {  	_ =	shalt  }
0x3f: {  	_ =	shalt  }
0x40: {  	_ =	shalt  }
0x41: {  	_ =	shalt  }
0x42: {  	_ =	shalt  }
0x43: {  	_ =	shalt  }
0x44: {  	_ =	shalt  }
0x45: {  	_ =	shalt  }
0x46: {  	_ =	shalt  }
0x47: {  	_ =	shalt  }
0x48: {  	_ =	shalt  }
0x49: {  	_ =	shalt  }
0x4a: {  	_ =	shalt  }
0x4b: {  	_ =	shalt  }
0x4c: {  	_ =	shalt  }
0x4d: {  	_ =	shalt  }
0x4e: {  	_ =	shalt  }
0x4f: {  	_ =	shalt  }
0x50: {  	_ =	shalt  }
0x51: {  	_ =	shalt  }
0x52: {  	_ =	shalt  }
0x53: {  	_ =	shalt  }
0x54: {  	_ =	shalt  }
0x55: {  	_ =	shalt  }
0x56: {  	_ =	shalt  }
0x57: {  	_ =	shalt  }
0x58: {  	_ =	shalt  }
0x59: {  	_ =	shalt  }
0x5a: {  	_ =	shalt  }
0x5b: {  	_ =	shalt  }
0x5c: {  	_ =	shalt  }
0x5d: {  	_ =	shalt  }
0x5e: {  	_ =	shalt  }
0x5f: {  	_ =	shalt  }
0x60: {  	_ =	shalt  }
0x61: {  	_ =	shalt  }
0x62: {  	_ =	shalt  }
0x63: {  	_ =	shalt  }
0x64: {  	_ =	shalt  }
0x65: {  	_ =	shalt  }
0x66: {  	_ =	shalt  }
0x67: {  	_ =	shalt  }
0x68: {  	_ =	shalt  }
0x69: {  	_ =	shalt  }
0x6a: {  	_ =	shalt  }
0x6b: {  	_ =	shalt  }
0x6c: {  	_ =	shalt  }
0x6d: {  	_ =	shalt  }
0x6e: {  	_ =	shalt  }
0x6f: {  	_ =	shalt  }
0x70: {  	_ =	shalt  }
0x71: {  	_ =	shalt  }
0x72: {  	_ =	shalt  }
0x73: {  	_ =	shalt  }
0x74: {  	_ =	shalt  }
0x75: {  	_ =	shalt  }
0x76: {  	_ =	shalt  }
0x77: {  	_ =	shalt  }
0x78: {  	_ =	shalt  }
0x79: {  	_ =	shalt  }
0x7a: {  	_ =	shalt  }
0x7b: {  	_ =	shalt  }
0x7c: {  	_ =	shalt  }
0x7d: {  	_ =	shalt  }
0x7e: {  	_ =	shalt  }
0x7f: {  	_ =	shalt  }
0x80: {  	_ =	shalt  }
0x81: {  	_ =	shalt  }
0x82: {  	_ =	shalt  }
0x83: {  	_ =	shalt  }
0x84: {  	_ =	shalt  }
0x85: {  	_ =	shalt  }
0x86: {  	_ =	shalt  }
0x87: {  	_ =	shalt  }
.Lfunc_end0:
.L_simem_size_0:
called_computation.2_lowered:
.L_overlay_start_0:
0x88: {  	s2 =	sld [smem:$0x3FD9]  }
0x89: {  	s3 =	sld [smem:$0x3FFE];
	_ =	sdelay $0x1  }
0x8a: {  	s1 =	srdreg.scid  }
0x8b: {  	s0 =	sand.u32 $0x1, s1  }
0x8c: {  	s17 =	sshll.u32 s0, $0xA;
	s2 =	sadd.s32 s3, s2  }
0x8d: {  	s2 =	sadd.s32 s2, s17  }
0x8e: {  	[smem:$0x3FC2] =	sst s2  }
0x8f: {  	_ = 	snop  }
0x90: {  	s2 =	sld [smem:$0x3FD0];
	(tm) =	ssettm $0x1  }
0x91: {  	s18 =	sld [smem:$0x3FFB];
	_ =	sdelay $0x3  }
0x92: {  	_ =	strace s18  }
0x93: {  	s3 =	sld [smem:$0x3FFC];
	_ =	sdelay $0x3  }
0x94: {  	_ =	strace s3  }
0x95: {  	s3 =	sld [smem:$0x3FFD];
	_ =	sdelay $0x3  }
0x96: {  	_ =	strace s3  }
0x97: {  	_ =	strace $0x8FFFFFFF  }
0x98: {  	s19 =	sld [smem:$0x3FDB];
	_ =	sdelay $0x1  }
0x99: {  	s4 =	simm.s32 $_scs_section_size  }
0x9a: {  	s5 =	simm.s32 $_size__tile_overlayer_lowered;
	s6 =	simm.s32 $_tile_overlayer_lowered  }
0x9b: {  	s22 =	simm.s32 $0x1BFF;
	s21 =	sshll.u32 s6, $0x1;
	s3 =	sadd.s32 s4, s19  }
0x9c: {  	s7 =	simm.s32 $0x0;
	s20 =	sshll.u32 s5, $0x1;
	s5 =	sadd.s32 s21, s3  }
0x9d: {  	[timem:s7], [sflag:s22] =	dma.local [hbm:s5], s20  }
0x9e: {  	_ =	swait.ge [sflag:s22], s20  }
0x9f: {  	s4 =	ssub.s32 $0x0, s20;
	[sflag:s22] =	ssyncset.done $0x0  }
0xa0: {  	[sflag:s22] =	ssyncadd.s32 s4;
	_ =	sdelay $0x1  }
0xa1: {  	s23 =	simm.s32 $0x1B8B  }
0xa2: {  	_ =	swait.ge [sflag:s23], $0x1  }
0xa3: {  	[sflag:s23] =	ssyncset.done $0x0  }
0xa4: {  	s25 =	simm.s32 $0x1B8E;
	s24 =	sld [smem:$0x3FFE];
	[sflag:s23] =	ssyncadd.s32 $0xFFFFFFFF  }
0xa5: {  	s26 =	simm.s32 $execute0_lowered;
	[smem:$0x3FD2] =	sst s25  }
0xa6: {  	s5 =	sshll.u32 s26, $0x1;
	_ =	strace $0x8000004C;
	[dreg:$0x1] =	wrdreg $0xFFFFFFFF  }
0xa7: {  	s28 =	simm.s32 $_size_execute0_lowered;
	s3 =	sadd.s32 s3, s5;
	[dreg:$0x0] =	wrdreg $0x0  }
0xa8: {  	s5 =	sshll.u32 s28, $0x1;
	[dreg:$0x2] =	wrdreg s3  }
0xa9: {  	[dreg:$0x3] =	wrdreg s5  }
0xaa: {  	[dreg:$0x4] =	wrdreg $0xC0  }
0xab: {  	_ =	task [dreg:s7], $0x5FFFF  }
0xac: {  	[dreg:$0x1] =	wrdreg $0xFFFFFFFF  }
0xad: {  	[dreg:$0x0] =	wrdreg $0x60  }
0xae: {  	[dreg:$0x2] =	wrdreg s24  }
0xaf: {  	[dreg:$0x3] =	wrdreg s2  }
0xb0: {  	[dreg:$0x4] =	wrdreg $0x6C000  }
0xb1: {  	[dreg:$0x5] =	wrdreg $0x9  }
0xb2: {  	_ =	task.clear_ibuf [dreg:s7], $0x6FFFF;
	_ =	strace $0x9000004C  }
0xb3: {  	s29 =	simm.s32 $0x9;
	_ =	strace $0x8000004E  }
0xb4: {  	_ =	swait.ge [sflag:s29], $0x1  }
0xb5: {  	[sflag:s29] =	ssyncadd.s32 $0xFFFFFFFF  }
0xb6: {  	_ =	strace $0x9000004E  }
0xb7: {  	_ =	sfence  }
0xb8: {  	s30 =	sld [smem:$0x0];
	_ =	sdelay $0x2  }
0xb9: {  	s31 =	sshll.u32 s1, $0xD;
	s1 =	sshrl.u32 s1, $0x2  }
0xba: {  	s3 =	sand.u32 $0x4000, s31;
	s1 =	sadd.s32 s1, s30  }
0xbb: {  	s0 =	sor.u32 s3, s0;
	s1 =	sshll.u32 s1, $0x11  }
0xbc: {  	s0 =	sor.u32 s1, s0  }
0xbd: {  	s0 =	sadd.s32 $0x8F2B, s0  }
0xbe: {  	[sflag:s0] =	ssyncadd.remote.s32 $0x1  }
0xbf: {  	_ =	sfence.sel $0xFFFF  }
0xc0: {  	[dreg:$0x0] =	wrdreg $0xFFFFFFFF;
	(pc) =	sbr.abs _section_cstart, $3  }
0xc1: {  	[dreg:$0x1] =	wrdreg $0xFFFFFFFF  }
0xc2: {  	_ =	task.clear_ibuf [dreg:s7], $0x2FFFF;
	_ =	strace $0x9FFFFFFF  }
0xc3: {  	(tm) =	ssettm $0x7FFFFFFF  }
tec
execute0_lowered:
.L_overlay_start_1:
0x0: {  	(tag) =	ssettag $0x1  }
0x1: {  	s0 =	rddreg [dreg:$0x0]  }
0x2: {  	s2 =	rddreg [dreg:$0x2];
	s4 =	simm.s32 $0x0  }
0x3: {  	s12 =	stileid.u32;
	s1 =	srdreg.scid;
	s16 =	simm.s32 $0x100  }
0x4: {  	s19 =	simm.s32 $0x1;
	s28 =	simm.s32 $0xD;
	s29 =	simm.s32 $0x7  }
0x5: {  	s31 =	simm.s32 $0x5;
	s14 =	simm.s32 $0x9;
	s22 =	simm.s32 $0x600  }
0x6: {  	s23 =	simm.s32 $0xC00;
	s24 =	simm.s32 $0x300;
	[smem:$0x7FF] =	sst s4  }
0x7: {  	s3 =	smul.u32 $0x6300, s12;
	s1 =	sand.u32 $0x1, s1;
	s5 =	sshll.u32 s12, $0x1  }
0x8: {  	s7 =	smul.u32 $0x19000, s12;
	s8 =	sadd.s32 $0x98200, s0;
	s12 =	sshll.u32 s12, $0x6  }
0x9: {  	_ =	strace $0x8000004D;
	s6 =	ssub.s32 $0x2, s1;
	s5 =	sor.u32 s1, s5  }
0xa: {  	s15 =	sor.u32 $0x1C19, s12;
	p0 =	seq.s32 s1, $0x1;
	s1 =	smul.u32 $0x3180, s1  }
0xb: {  	s9 =	sshrl.u32 s6, $0x1;
	s10 =	smul.u32 $0x3180, s5;
	s11 =	sadd.s32 s3, s0  }
0xc: {  	s5 =	sadd.s32 $0x66200, s0;
	s25 =	sadd.s32 s7, s2;
	s7 =	sshrl.u32 s7, $0x3  }
0xd: {  	s3 =	sadd.s32 s3, s8;
	[dreg:$0x5] =	wrdreg s15;
	s6 =	ssub.s32 s6, s9  }
0xe: {  	s30 =	sadd.s32 s1, s11;
	s13 =	sadd.s32 s1, s3;
	s9 =	simm.s32 $0x19  }
0xf: {  	s3 =	simm.s32 $0xE;
	s1 =	simm.s32 $0x8;
	s11 =	simm.s32 $0x6  }
0x10: {  	s10 =	sadd.s32 s8, s10;
	s6 =	smax.u32 s6, $0x1;
	s12 =	sadd.s32 $0x3200, s30  }
0x11: {  	s26 =	sadd.s32 $0x20, s10;
	[dreg:$0x4] =	wrdreg s10;
	s10 =	sadd.s32 $0x40, s10  }
.Ltmp0:
0x12: {  	[dreg:$0x7] =	wrdreg s10;
	s10 =	simm.s32 $0x12D200;
	(pc) =	sbr.rel .LBB2_1-.Ltmp0, $4  }
0x13: {  	s8 =	simm.s32 $0x18;
	[dreg:$0x8] =	wrdreg s6;
	s10 =	simm.s32 @!p0 $0xFB200  }
0x14: {  	s6 =	sshrl.u32 s25, $0x3;
	[dreg:$0x6] =	wrdreg s26;
	s0 =	sadd.s32 s10, s0  }
0x15: {  	s25 =	simm.s32 $0x4;
	[dreg:$0xa] =	wrdreg s6;
	s0 =	sadd.s32 s0, s7  }
0x16: {  	s10 =	simm.s32 $0x0;
	s7 =	simm.s32 $0xF;
	[dreg:$0x9] =	wrdreg s0  }
.LBB2_4:
0x17: {  	s0 =	simm.s32 $0x10  }
0x18: {  	_ =	swait.ge [sflag:s0], $0x1000  }
0x19: {  	[sflag:s0] =	ssyncset.done $0x0  }
0x1a: {  	s15 =	simm.s32 $0xA;
	[sflag:s0] =	ssyncadd.s32 $0xFFFFF000  }
0x1b: {  	_ =	swait.ge [sflag:s15], $0x100  }
0x1c: {  	s17 =	simm.s32 $0x900;
	[sflag:s15] =	ssyncset.done $0x0  }
0x1d: {  	s6 =	simm.s32 $0x3C00;
	s18 =	simm.s32 $0x11;
	[sflag:s15] =	ssyncadd.s32 $0xFFFFFF00  }
0x1e: {  	[spmem:s2] =	stream.indirect.scatter.add.f32 [tilespmem:s6], [sflag:$0x16], $0x10, s17, s16, $0xb8;
	[tilespmem:$0x1FC00] =	vst v63  }
0x1f: {  	_ =	swait.ge [sflag:s18], $0x1000  }
0x20: {  	[sflag:s18] =	ssyncset.done $0x0  }
0x21: {  	s20 =	simm.s32 $0xB;
	[sflag:s18] =	ssyncadd.s32 $0xFFFFF000  }
0x22: {  	_ =	swait.ge [sflag:s20], $0x100  }
0x23: {  	s21 =	simm.s32 $0xA00;
	[sflag:s20] =	ssyncset.done $0x0  }
0x24: {  	s26 =	simm.s32 $0x4C00;
	s30 =	simm.s32 $0x12;
	[sflag:s20] =	ssyncadd.s32 $0xFFFFFF00  }
0x25: {  	[spmem:s2] =	stream.indirect.scatter.add.f32 [tilespmem:s26], [sflag:$0x17], $0x10, s21, s16, $0xb8;
	[tilespmem:$0x1FC00] =	vst v63  }
0x26: {  	_ =	swait.ge [sflag:s30], $0x1000  }
0x27: {  	[sflag:s30] =	ssyncset.done $0x0  }
0x28: {  	s6 =	simm.s32 $0xC;
	[sflag:s30] =	ssyncadd.s32 $0xFFFFF000  }
0x29: {  	_ =	swait.ge [sflag:s6], $0x100  }
0x2a: {  	s9 =	simm.s32 $0xB00;
	[sflag:s6] =	ssyncset.done $0x0  }
0x2b: {  	s10 =	simm.s32 $0x5C00;
	s15 =	simm.s32 $0x13;
	[sflag:s6] =	ssyncadd.s32 $0xFFFFFF00  }
0x2c: {  	[spmem:s2] =	stream.indirect.scatter.add.f32 [tilespmem:s10], [sflag:$0x18], $0x10, s9, s16, $0xb8;
	[tilespmem:$0x1FC00] =	vst v63  }
0x2d: {  	_ =	swait.ge [sflag:s15], $0x1000  }
0x2e: {  	[sflag:s15] =	ssyncset.done $0x0  }
0x2f: {  	s17 =	simm.s32 $0x14;
	[sflag:s15] =	ssyncadd.s32 $0xFFFFF000  }
0x30: {  	_ =	swait.ge [sflag:s17], $0x1000  }
0x31: {  	[sflag:s17] =	ssyncset.done $0x0  }
0x32: {  	s18 =	simm.s32 $0x15;
	[sflag:s17] =	ssyncadd.s32 $0xFFFFF000  }
0x33: {  	_ =	swait.ge [sflag:s18], $0x1000  }
0x34: {  	[sflag:s18] =	ssyncset.done $0x0  }
0x35: {  	s20 =	simm.s32 $0x16;
	[sflag:s18] =	ssyncadd.s32 $0xFFFFF000  }
0x36: {  	_ =	swait.ge [sflag:s20], $0x1000  }
0x37: {  	[sflag:s20] =	ssyncset.done $0x0  }
0x38: {  	s21 =	simm.s32 $0x17;
	[sflag:s20] =	ssyncadd.s32 $0xFFFFF000  }
0x39: {  	_ =	swait.ge [sflag:s21], $0x1000  }
0x3a: {  	[sflag:s21] =	ssyncset.done $0x0  }
0x3b: {  	[sflag:s21] =	ssyncadd.s32 $0xFFFFF000  }
0x3c: {  	_ =	swait.ge [sflag:s8], $0x1000  }
0x3d: {  	[sflag:s8] =	ssyncset.done $0x0  }
0x3e: {  	[sflag:s8] =	ssyncadd.s32 $0xFFFFF000  }
0x3f: {  	[bflag:$0x0] =	sbarrier.arrive $0xFFFF  }
0x40: {  	s15 =	rddreg [dreg:$0x5]  }
0x41: {  	s26 =	rddreg [dreg:$0x9]  }
0x42: {  	s9 =	simm.s32 $0x19;
	s6 =	rddreg [dreg:$0xa]  }
0x43: {  	[hbm:s26], [sflag:s15] =	dma.local [spmem:s6], $0x3200  }
0x44: {  	_ =	swait.ge [sflag:s9], $0x3200  }
0x45: {  	s10 =	rddreg [dreg:$0xb]  }
0x46: {  	s30 =	rddreg [dreg:$0x8];
	s10 =	sadd.s32 $0x1, s10  }
0x47: {  	p0 =	sne.s32 s10, s30  }
.Ltmp1:
0x48: {  	_ = 	snop;
	(pc) =	sbr.rel @!p0 .LBB2_5-.Ltmp1, $3  }
0x49: {  	_ =	sdelay $0x1  }
0x4a: {  	[sflag:s9] =	ssyncset.done $0x0  }
0x4b: {  	[sflag:s9] =	ssyncadd.s32 $0xFFFFCE00  }
.LBB2_1:
0x4c: {  	[dreg:$0xb] =	wrdreg s10  }
0x4d: {  	s0 =	rddreg [dreg:$0x1]  }
0x4e: {  	[spmem:s6], [sflag:s15] =	dma.local [hbm:s0], $0x3200  }
0x4f: {  	_ =	swait.ge [sflag:s9], $0x3200  }
0x50: {  	[sflag:s9] =	ssyncset.done $0x0  }
0x51: {  	[sflag:s9] =	ssyncadd.s32 $0xFFFFCE00  }
0x52: {  	[bflag:$0x0] =	sbarrier.arrive $0xFFFF  }
0x53: {  	s20 =	rddreg [dreg:$0x4]  }
0x54: {  	[tilespmem:s4], [sflag:$0x1] =	stream.linear.gather [hbm4b:s20+s4], $0x100, $0x38;
	[tilespmem:$0x1FC00] =	vst v63  }
0x55: {  	s21 =	rddreg [dreg:$0x6]  }
0x56: {  	[tilespmem:s16], [sflag:$0x2] =	stream.linear.gather [hbm4b:s21+s4], $0x100, $0x38;
	[tilespmem:$0x1FC00] =	vst v63  }
0x57: {  	s30 =	simm.s32 $0x200;
	s26 =	rddreg [dreg:$0x7]  }
0x58: {  	[tilespmem:s30], [sflag:$0x3] =	stream.linear.gather [hbm4b:s26+s4], $0x100, $0x38;
	[tilespmem:$0x1FC00] =	vst v63  }
0x59: {  	s26 =	simm.s32 $0x0  }
.LBB2_2:
0x5a: {  	p0 =	seq.s32 s26, $0x0  }
0x5b: {  	s0 =	simm.s32 @!p0 $0x13  }
0x5c: {  	_ =	swait.ge @!p0 [sflag:s0], $0x1000  }
0x5d: {  	[sflag:s0] =	ssyncset.done @!p0 $0x0  }
0x5e: {  	s9 =	sadd.s32 s26, s12;
	[sflag:s0] =	ssyncadd.s32 @!p0 $0xFFFFF000  }
0x5f: {  	[tilespmem:s22], [sflag:$0x7] =	stream.linear.gather [hbm4b:s9+s4], $0x100, $0x38;
	[tilespmem:$0x1FC00] =	vst v63  }
0x60: {  	_ =	swait.ge [sflag:s19], $0x100  }
0x61: {  	[sflag:s19] =	ssyncset.done $0x0  }
0x62: {  	s0 =	simm.s32 @!p0 $0x10;
	[sflag:s19] =	ssyncadd.s32 $0xFFFFFF00  }
0x63: {  	[tilespmem:s23], [sflag:$0xD] =	stream.indirect.gather [hbm4b:s5+s16], $0x10, s4, s16, $0xb8;
	[tilespmem:$0x1FC00] =	vst v63  }
0x64: {  	_ =	swait.ge @!p0 [sflag:s0], $0x1000  }
0x65: {  	[sflag:s0] =	ssyncset.done @!p0 $0x0  }
0x66: {  	[sflag:s0] =	ssyncadd.s32 @!p0 $0xFFFFF000;
	s0 =	simm.s32 @!p0 $0xA  }
0x67: {  	_ =	swait.ge @!p0 [sflag:s0], $0x100  }
0x68: {  	s15 =	simm.s32 @!p0 $0x900;
	[sflag:s0] =	ssyncset.done @!p0 $0x0  }
0x69: {  	s30 =	simm.s32 @!p0 $0x3C00;
	[sflag:s0] =	ssyncadd.s32 @!p0 $0xFFFFFF00;
	s0 =	simm.s32 @!p0 $0x100  }
0x6a: {  	[spmem:s2] =	stream.indirect.scatter.add.f32 @!p0 [tilespmem:s30], [sflag:$0x16], $0x10, s15, s0, $0xb8;
	[tilespmem:$0x1FC00] =	vst v63  }
0x6b: {  	s30 =	sadd.s32 s26, s13  }
0x6c: {  	s15 =	sadd.s32 @p0 s26, s12;
	s18 =	sadd.s32 $0x60, s30  }
0x6d: {  	[tilespmem:s24], [sflag:$0x4] =	stream.linear.gather [hbm4b:s18+s4], $0x100, $0x38;
	[tilespmem:$0x1FC00] =	vst v63  }
0x6e: {  	s10 =	simm.s32 @p0 $0x0;
	s6 =	simm.s32 @p0 $0x700;
	s17 =	sadd.s32 @p0 $0x20, s15  }
0x6f: {  	[tilespmem:s6], [sflag:$0x8] =	stream.linear.gather @p0 [hbm4b:s17+s10], $0x100, $0x38;
	[tilespmem:$0x1FC00] =	vst v63  }
0x70: {  	s6 =	simm.s32 @p0 $0x2  }
0x71: {  	_ =	swait.ge @p0 [sflag:s6], $0x100  }
0x72: {  	[sflag:s6] =	ssyncset.done @p0 $0x0  }
0x73: {  	s17 =	simm.s32 @p0 $0x1C00;
	[sflag:s6] =	ssyncadd.s32 @p0 $0xFFFFFF00;
	s6 =	simm.s32 @p0 $0x100  }
0x74: {  	[tilespmem:s17], [sflag:$0xE] =	stream.indirect.gather @p0 [hbm4b:s5+s6], $0x10, s6, s6, $0xb8;
	[tilespmem:$0x1FC00] =	vst v63  }
0x75: {  	s17 =	simm.s32 @!p0 $0x14  }
0x76: {  	_ =	swait.ge @!p0 [sflag:s17], $0x1000  }
0x77: {  	[sflag:s17] =	ssyncset.done @!p0 $0x0  }
0x78: {  	[sflag:s17] =	ssyncadd.s32 @!p0 $0xFFFFF000;
	s17 =	sadd.s32 @!p0 s26, s12  }
0x79: {  	s20 =	simm.s32 @!p0 $0x0;
	s21 =	simm.s32 @!p0 $0x700;
	s18 =	sadd.s32 @!p0 $0x20, s17  }
0x7a: {  	[tilespmem:s21], [sflag:$0x8] =	stream.linear.gather @!p0 [hbm4b:s18+s20], $0x100, $0x38;
	[tilespmem:$0x1FC00] =	vst v63  }
0x7b: {  	s18 =	simm.s32 @!p0 $0x2  }
0x7c: {  	_ =	swait.ge @!p0 [sflag:s18], $0x100  }
0x7d: {  	[sflag:s18] =	ssyncset.done @!p0 $0x0  }
0x7e: {  	[sflag:s18] =	ssyncadd.s32 @!p0 $0xFFFFFF00;
	s18 =	simm.s32 @!p0 $0x1C00  }
0x7f: {  	[tilespmem:s18], [sflag:$0xE] =	stream.indirect.gather @!p0 [hbm4b:s5+s0], $0x10, s0, s0, $0xb8;
	[tilespmem:$0x1FC00] =	vst v63  }
0x80: {  	s18 =	simm.s32 @!p0 $0x11  }
0x81: {  	_ =	swait.ge @!p0 [sflag:s18], $0x1000  }
0x82: {  	[sflag:s18] =	ssyncset.done @!p0 $0x0  }
0x83: {  	[sflag:s18] =	ssyncadd.s32 @!p0 $0xFFFFF000;
	s18 =	simm.s32 @!p0 $0xB  }
0x84: {  	_ =	swait.ge @!p0 [sflag:s18], $0x100  }
0x85: {  	[sflag:s18] =	ssyncset.done @!p0 $0x0  }
0x86: {  	s21 =	simm.s32 @!p0 $0x4C00;
	[sflag:s18] =	ssyncadd.s32 @!p0 $0xFFFFFF00;
	s18 =	simm.s32 @!p0 $0xA00  }
0x87: {  	[spmem:s2] =	stream.indirect.scatter.add.f32 @!p0 [tilespmem:s21], [sflag:$0x17], $0x10, s18, s0, $0xb8;
	[tilespmem:$0x1FC00] =	vst v63  }
0x88: {  	s18 =	sadd.s32 $0x80, s30;
	s21 =	simm.s32 $0x400  }
0x89: {  	[tilespmem:s21], [sflag:$0x5] =	stream.linear.gather [hbm4b:s18+s4], $0x100, $0x38;
	[tilespmem:$0x1FC00] =	vst v63  }
0x8a: {  	s15 =	sadd.s32 @p0 $0x40, s15;
	s18 =	simm.s32 @p0 $0x800  }
0x8b: {  	[tilespmem:s18], [sflag:$0x9] =	stream.linear.gather @p0 [hbm4b:s15+s10], $0x100, $0x38;
	[tilespmem:$0x1FC00] =	vst v63  }
0x8c: {  	s10 =	simm.s32 @p0 $0x3  }
0x8d: {  	_ =	swait.ge @p0 [sflag:s10], $0x100  }
0x8e: {  	[sflag:s10] =	ssyncset.done @p0 $0x0  }
0x8f: {  	s15 =	simm.s32 @p0 $0x2C00;
	[sflag:s10] =	ssyncadd.s32 @p0 $0xFFFFFF00;
	s10 =	simm.s32 @p0 $0x200  }
0x90: {  	[tilespmem:s15], [sflag:$0xF] =	stream.indirect.gather @p0 [hbm4b:s5+s6], $0x10, s10, s6, $0xb8;
	[tilespmem:$0x1FC00] =	vst v63  }
0x91: {  	s6 =	simm.s32 @!p0 $0x15  }
0x92: {  	_ =	swait.ge @!p0 [sflag:s6], $0x1000  }
0x93: {  	[sflag:s6] =	ssyncset.done @!p0 $0x0  }
0x94: {  	s10 =	simm.s32 @!p0 $0x800;
	[sflag:s6] =	ssyncadd.s32 @!p0 $0xFFFFF000;
	s6 =	sadd.s32 @!p0 $0x40, s17  }
0x95: {  	[tilespmem:s10], [sflag:$0x9] =	stream.linear.gather @!p0 [hbm4b:s6+s20], $0x100, $0x38;
	[tilespmem:$0x1FC00] =	vst v63  }
0x96: {  	s6 =	simm.s32 @!p0 $0x3  }
0x97: {  	_ =	swait.ge @!p0 [sflag:s6], $0x100  }
0x98: {  	[sflag:s6] =	ssyncset.done @!p0 $0x0  }
0x99: {  	s10 =	simm.s32 @!p0 $0x2C00;
	[sflag:s6] =	ssyncadd.s32 @!p0 $0xFFFFFF00;
	s6 =	simm.s32 @!p0 $0x200  }
0x9a: {  	[tilespmem:s10], [sflag:$0xF] =	stream.indirect.gather @!p0 [hbm4b:s5+s0], $0x10, s6, s0, $0xb8;
	[tilespmem:$0x1FC00] =	vst v63  }
0x9b: {  	s6 =	simm.s32 @!p0 $0x12  }
0x9c: {  	_ =	swait.ge @!p0 [sflag:s6], $0x1000  }
0x9d: {  	[sflag:s6] =	ssyncset.done @!p0 $0x0  }
0x9e: {  	[sflag:s6] =	ssyncadd.s32 @!p0 $0xFFFFF000;
	s6 =	simm.s32 @!p0 $0xC  }
0x9f: {  	_ =	swait.ge @!p0 [sflag:s6], $0x100  }
0xa0: {  	[sflag:s6] =	ssyncset.done @!p0 $0x0  }
0xa1: {  	s10 =	simm.s32 @!p0 $0x5C00;
	[sflag:s6] =	ssyncadd.s32 @!p0 $0xFFFFFF00;
	s6 =	simm.s32 @!p0 $0xB00  }
0xa2: {  	[spmem:s2] =	stream.indirect.scatter.add.f32 @!p0 [tilespmem:s10], [sflag:$0x18], $0x10, s6, s0, $0xb8;
	[tilespmem:$0x1FC00] =	vst v63  }
0xa3: {  	s20 =	sadd.s32 $0xA0, s30;
	s10 =	simm.s32 $0x500;
	s0 =	simm.s32 @!p0 $0x16  }
0xa4: {  	[tilespmem:s10], [sflag:$0x6] =	stream.linear.gather [hbm4b:s20+s4], $0x100, $0x38;
	[tilespmem:$0x1FC00] =	vst v63  }
0xa5: {  	_ =	swait.ge @!p0 [sflag:s0], $0x1000  }
0xa6: {  	[sflag:s0] =	ssyncset.done @!p0 $0x0  }
0xa7: {  	s15 =	simm.s32 $0x900;
	s6 =	sadd.s32 $0x60, s9;
	[sflag:s0] =	ssyncadd.s32 @!p0 $0xFFFFF000  }
0xa8: {  	[tilespmem:s15], [sflag:$0xA] =	stream.linear.gather [hbm4b:s6+s4], $0x100, $0x38;
	[tilespmem:$0x1FC00] =	vst v63  }
0xa9: {  	_ =	swait.ge [sflag:s25], $0x100  }
0xaa: {  	[sflag:s25] =	ssyncset.done $0x0  }
0xab: {  	s17 =	simm.s32 $0x3C00;
	[sflag:s25] =	ssyncadd.s32 $0xFFFFFF00  }
0xac: {  	[tilespmem:s17], [sflag:$0x10] =	stream.indirect.gather [hbm4b:s5+s16], $0x10, s24, s16, $0xb8;
	[tilespmem:$0x1FC00] =	vst v63  }
0xad: {  	_ =	swait.ge [sflag:s28], $0x1000  }
0xae: {  	[sflag:s28] =	ssyncset.done $0x0  }
0xaf: {  	[sflag:s28] =	ssyncadd.s32 $0xFFFFF000  }
0xb0: {  	_ =	swait.ge [sflag:s29], $0x100  }
0xb1: {  	p0 =	seq.s32 s26, $0x30C0;
	[sflag:s29] =	ssyncset.done $0x0  }
0xb2: {  	s0 =	sadd.s32 @!p0 s26, s13;
	p1 =	seq.s32 @!p0 s26, $0x0;
	[sflag:s29] =	ssyncadd.s32 $0xFFFFFF00  }
0xb3: {  	[spmem:s2] =	stream.indirect.scatter.add.f32 [tilespmem:s23], [sflag:$0x13], $0x10, s22, s16, $0xb8;
	[tilespmem:$0x1FC00] =	vst v63  }
0xb4: {  	s15 =	simm.s32 @!p0 $0x0;
	s6 =	sadd.s32 @!p0 $0xC0, s0;
	p1 =	por p0, !p1  }
0xb5: {  	[tilespmem:s15], [sflag:$0x1] =	stream.linear.gather @!p0 [hbm4b:s6+s15], $0x100, $0x38;
	[tilespmem:$0x1FC00] =	vst v63  }
0xb6: {  	s6 =	simm.s32 @p1 $0x17  }
0xb7: {  	_ =	swait.ge @p1 [sflag:s6], $0x1000  }
0xb8: {  	[sflag:s6] =	ssyncset.done @p1 $0x0  }
0xb9: {  	s18 =	sadd.s32 $0x80, s9;
	s20 =	simm.s32 $0xA00;
	[sflag:s6] =	ssyncadd.s32 @p1 $0xFFFFF000  }
0xba: {  	[tilespmem:s20], [sflag:$0xB] =	stream.linear.gather [hbm4b:s18+s4], $0x100, $0x38;
	[tilespmem:$0x1FC00] =	vst v63  }
0xbb: {  	_ =	swait.ge [sflag:s31], $0x100  }
0xbc: {  	[sflag:s31] =	ssyncset.done $0x0  }
0xbd: {  	s18 =	simm.s32 $0x4C00;
	[sflag:s31] =	ssyncadd.s32 $0xFFFFFF00  }
0xbe: {  	[tilespmem:s18], [sflag:$0x11] =	stream.indirect.gather [hbm4b:s5+s16], $0x10, s21, s16, $0xb8;
	[tilespmem:$0x1FC00] =	vst v63  }
0xbf: {  	_ =	swait.ge [sflag:s3], $0x1000  }
0xc0: {  	[sflag:s3] =	ssyncset.done $0x0  }
0xc1: {  	[sflag:s3] =	ssyncadd.s32 $0xFFFFF000  }
0xc2: {  	_ =	swait.ge [sflag:s1], $0x100  }
0xc3: {  	[sflag:s1] =	ssyncset.done $0x0  }
0xc4: {  	s20 =	simm.s32 $0x700;
	s21 =	simm.s32 $0x1C00;
	[sflag:s1] =	ssyncadd.s32 $0xFFFFFF00  }
0xc5: {  	[spmem:s2] =	stream.indirect.scatter.add.f32 [tilespmem:s21], [sflag:$0x14], $0x10, s20, s16, $0xb8;
	[tilespmem:$0x1FC00] =	vst v63  }
0xc6: {  	s0 =	sadd.s32 @!p0 $0xE0, s0;
	s6 =	simm.s32 @!p0 $0x100  }
0xc7: {  	[tilespmem:s6], [sflag:$0x2] =	stream.linear.gather @!p0 [hbm4b:s0+s15], $0x100, $0x38;
	[tilespmem:$0x1FC00] =	vst v63  }
0xc8: {  	_ =	swait.ge @p1 [sflag:s8], $0x1000  }
0xc9: {  	[sflag:s8] =	ssyncset.done @p1 $0x0  }
0xca: {  	s17 =	simm.s32 $0xB00;
	s15 =	sadd.s32 $0xA0, s9;
	[sflag:s8] =	ssyncadd.s32 @p1 $0xFFFFF000  }
0xcb: {  	[tilespmem:s17], [sflag:$0xC] =	stream.linear.gather [hbm4b:s15+s4], $0x100, $0x38;
	[tilespmem:$0x1FC00] =	vst v63  }
0xcc: {  	_ =	swait.ge [sflag:s11], $0x100  }
0xcd: {  	[sflag:s11] =	ssyncset.done $0x0  }
0xce: {  	s18 =	simm.s32 $0x5C00;
	[sflag:s11] =	ssyncadd.s32 $0xFFFFFF00  }
0xcf: {  	[tilespmem:s18], [sflag:$0x12] =	stream.indirect.gather [hbm4b:s5+s16], $0x10, s10, s16, $0xb8;
	[tilespmem:$0x1FC00] =	vst v63  }
0xd0: {  	_ =	swait.ge [sflag:s7], $0x1000  }
0xd1: {  	[sflag:s7] =	ssyncset.done $0x0  }
.Ltmp2:
0xd2: {  	[sflag:s7] =	ssyncadd.s32 $0xFFFFF000;
	(pc) =	sbr.rel @p0 .LBB2_4-.Ltmp2, $4  }
0xd3: {  	_ =	swait.ge [sflag:s14], $0x100  }
0xd4: {  	[sflag:s14] =	ssyncset.done $0x0  }
0xd5: {  	s20 =	simm.s32 $0x800;
	s21 =	simm.s32 $0x2C00;
	[sflag:s14] =	ssyncadd.s32 $0xFFFFFF00  }
0xd6: {  	[spmem:s2] =	stream.indirect.scatter.add.f32 [tilespmem:s21], [sflag:$0x15], $0x10, s20, s16, $0xb8;
	[tilespmem:$0x1FC00] =	vst v63  }
.Ltmp3:
0xd7: {  	(pc) =	sbr.rel .LBB2_2-.Ltmp3, $3  }
0xd8: {  	_ =	sdelay $0x1  }
0xd9: {  	s0 =	sadd.s32 $0x100, s30;
	s6 =	simm.s32 $0x200;
	s26 =	sadd.s32 $0xC0, s26  }
0xda: {  	[tilespmem:s6], [sflag:$0x3] =	stream.linear.gather [hbm4b:s0+s4], $0x100, $0x38;
	[tilespmem:$0x1FC00] =	vst v63  }
.LBB2_5:
0xdb: {  	_ =	sfence.sel $0x180000  }
0xdc: {  	[bflag:$0x0] =	sbarrier.arrive $0xFFFF  }
0xdd: {  	_ =	strace $0x9000004D  }
0xde: {  	s0 =	stileid.u32;
	[bflag:$0x2] =	sbarrier.arrive $0xFFFF  }
0xdf: {  	p0 =	sne.s32 s0, $0x0;
	s0 =	rddreg [dreg:$0x3]  }
0xe0: {  	s0 =	sadd.s32 @!p0 $0x100000, s0  }
0xe1: {  	[sflag:s0] =	ssyncadd.tile.s32 @!p0 $0x1;
	_ =	shalt  }
.Lfunc_end2:
_tile_overlayer_lowered:
.L_overlay_start_2:
0xe2: {  	(tag) =	ssettag $0x2  }
0xe3: {  	s0 =	rddreg [dreg:$0x0];
	s2 =	stileid.u32  }
0xe4: {  	s1 =	rddreg [dreg:$0x1];
	p0 =	sne.s32 s2, $0x0  }
0xe5: {  	s3 =	rddreg [dreg:$0x2];
	[bflag:$0x3] =	sbarrier.arrive $0xFFFF;
	s2 =	simm.s32 @!p0 $0x1C19  }
0xe6: {  	[timem:s3], [sflag:s2] =	dma.local @!p0 [hbm:s0], s1  }
0xe7: {  	s0 =	simm.s32 @!p0 $0x19  }
0xe8: {  	_ =	swait.ge @!p0 [sflag:s0], s1  }
0xe9: {  	s1 =	ssub.s32 @!p0 $0x0, s1;
	[sflag:s0] =	ssyncset.done @!p0 $0x0  }
0xea: {  	[sflag:s0] =	ssyncadd.s32 @!p0 s1  }
0xeb: {  	[bflag:$0x3] =	sbarrier.arrive $0xFFFF  }
0xec: {  	_ =	shalt  }

// kernel: kernel.8.cloned.1.call-start
scs
__scs_entry_jumppad:
0x0: {  	(pc) =	sbr.rel $0x88, $3  }
0x1: {  	(tag) =	ssettag $0x0;
	lr =	simm.s32 $0x1  }
0x2: {  	[smem:$0x3F9B] =	sst lr;
	_ =	strace $0xD0000000  }
0x3: {  	_ = 	snop  }
0x4: {  	_ = 	snop  }
0x5: {  	_ = 	snop  }
0x6: {  	_ = 	snop  }
0x7: {  	_ = 	snop  }
__scs_overlays_trampoline_lowered:
0x8: {  	[smem:$0x3FAA] =	sst s0  }
0x9: {  	[smem:$0x3FAB] =	sst s1  }
0xa: {  	[smem:$0x3FAC] =	sst s2  }
0xb: {  	[smem:$0x3FAD] =	sst s3  }
0xc: {  	[smem:$0x3FAE] =	sst s4  }
0xd: {  	[smem:$0x3FAF] =	sst s5  }
0xe: {  	[smem:$0x3FB0] =	sst s6  }
0xf: {  	[smem:$0x3FB1] =	sst s7  }
0x10: {  	[smem:$0x3FB2] =	sst s8  }
0x11: {  	[smem:$0x3FB3] =	sst s9;
	s0 =	simm.s32 @!p0 $0x0  }
0x12: {  	s1 =	sld [smem:$0x3F99];
	s0 =	simm.s32 @p0 $0x1  }
0x13: {  	[smem:$0x3FB4] =	sst s0;
	s0 =	simm.s32 @!p1 $0x0  }
0x14: {  	s2 =	sld [smem:$0x3F98];
	s0 =	simm.s32 @p1 $0x1  }
0x15: {  	[smem:$0x3FB5] =	sst s0;
	s0 =	simm.s32 @!p2 $0x0  }
0x16: {  	s3 =	sld [smem:$0x3FDB];
	s0 =	simm.s32 @p2 $0x1  }
0x17: {  	s4 =	simm.s32 $0x1BF5;
	[smem:$0x3FB7] =	sst s0  }
0x18: {  	s0 =	sld [smem:$0x3F9A];
	_ =	swait.ge [sflag:s4], $0x0  }
0x19: {  	s7 =	sld [smem:$0x3F9B]  }
0x1a: {  	s8 =	sadd.s32 $0xFFFFE003, lr  }
0x1b: {  	s9 =	sadd.s32 $0xFFFFFEF7, lr;
	s5 =	simm.s32 $0xFFFFFFFF;
	p2 =	slt.u32 s8, $0xFFFFF086  }
0x1c: {  	p1 =	slt.u32 s9, $0xF7A;
	s5 =	simm.s32 @!p2 $0x0  }
0x1d: {  	s5 =	simm.s32 @p1 $0x1;
	p0 =	seq.s32 s7, s2  }
0x1e: {  	s7 =	smul.u32 @!p0 $0xF7A, s2;
	p2 =	seq.s32 @!p0 s5, $0x0  }
0x1f: {  	s9 =	smul.u32 $0xF7A, s1;
	s8 =	simm.s32 @!p0 $0x1BF5;
	p2 =	por !p2, p0  }
0x20: {  	[sflag:s8] =	ssyncset.s32 @!p0 $0xFFFFF086;
	s6 =	sadd.s32 @!p0 s3, s7;
	s7 =	simm.s32 @!p0 $0x108  }
0x21: {  	s3 =	sadd.s32 s3, s9;
	s6 =	sadd.s32 @!p0 $0x88, s6;
	s7 =	simm.s32 @p2 $0x1082  }
0x22: {  	[simem:s7], [sflag:s8] =	dma.local @!p0 [hbm:s6], $0xF7A  }
0x23: {  	s9 =	sor.u32 $0xD0000000, s2;
	s6 =	simm.s32 $0x108;
	_ =	swait.ge @!p0 [sflag:s8], $0x0  }
0x24: {  	s3 =	sadd.s32 $0x88, s3;
	s6 =	simm.s32 @!p1 $0x1082;
	[sflag:s4] =	ssyncset.s32 $0xFFFFF086  }
0x25: {  	[simem:s6], [sflag:s4] =	dma.local [hbm:s3], $0xF7A  }
0x26: {  	[smem:$0x3F9B] =	sst s1;
	(tag) =	ssettag s2;
	_ =	strace s9  }
0x27: {  	s1 =	sld [smem:$0x3FAB]  }
0x28: {  	s2 =	sld [smem:$0x3FAC]  }
0x29: {  	s4 =	sld [smem:$0x3FAE]  }
0x2a: {  	p0 =	seq.s32 s5, $0x0;
	s5 =	sld [smem:$0x3FAF]  }
0x2b: {  	s6 =	sld [smem:$0x3FB0]  }
0x2c: {  	s7 =	sld [smem:$0x3FB1]  }
0x2d: {  	s3 =	simm.s32 $0x108;
	s8 =	sld [smem:$0x3FB2]  }
0x2e: {  	s3 =	simm.s32 @!p0 $0x1082;
	s9 =	sld [smem:$0x3FB3]  }
0x2f: {  	lr =	sadd.s32 s0, s3;
	s0 =	sld [smem:$0x3FAA]  }
0x30: {  	s3 =	sld [smem:$0x3FAD]  }
0x31: {  	[smem:$0x3FB6] =	sst s10  }
0x32: {  	s10 =	sld [smem:$0x3FB4];
	_ =	sdelay $0x3  }
0x33: {  	p0 =	seq.s32 s10, $0x1;
	s10 =	sld [smem:$0x3FB6];
	_ =	sdelay $0x3  }
0x34: {  	[smem:$0x3FB6] =	sst s10  }
0x35: {  	s10 =	sld [smem:$0x3FB5];
	_ =	sdelay $0x3  }
0x36: {  	p1 =	seq.s32 s10, $0x1;
	s10 =	sld [smem:$0x3FB6];
	_ =	sdelay $0x3  }
0x37: {  	[smem:$0x3FB6] =	sst s10  }
0x38: {  	s10 =	sld [smem:$0x3FB7]  }
0x39: {  	_ = 	snop;
	(pc) =	sbr.ind lr, $3  }
0x3a: {  	_ = 	snop  }
0x3b: {  	_ = 	snop  }
0x3c: {  	p2 =	seq.s32 s10, $0x1;
	s10 =	sld [smem:$0x3FB6]  }
0x3d: {  	_ =	shalt  }
0x3e: {  	_ =	shalt  }
0x3f: {  	_ =	shalt  }
0x40: {  	_ =	shalt  }
0x41: {  	_ =	shalt  }
0x42: {  	_ =	shalt  }
0x43: {  	_ =	shalt  }
0x44: {  	_ =	shalt  }
0x45: {  	_ =	shalt  }
0x46: {  	_ =	shalt  }
0x47: {  	_ =	shalt  }
0x48: {  	_ =	shalt  }
0x49: {  	_ =	shalt  }
0x4a: {  	_ =	shalt  }
0x4b: {  	_ =	shalt  }
0x4c: {  	_ =	shalt  }
0x4d: {  	_ =	shalt  }
0x4e: {  	_ =	shalt  }
0x4f: {  	_ =	shalt  }
0x50: {  	_ =	shalt  }
0x51: {  	_ =	shalt  }
0x52: {  	_ =	shalt  }
0x53: {  	_ =	shalt  }
0x54: {  	_ =	shalt  }
0x55: {  	_ =	shalt  }
0x56: {  	_ =	shalt  }
0x57: {  	_ =	shalt  }
0x58: {  	_ =	shalt  }
0x59: {  	_ =	shalt  }
0x5a: {  	_ =	shalt  }
0x5b: {  	_ =	shalt  }
0x5c: {  	_ =	shalt  }
0x5d: {  	_ =	shalt  }
0x5e: {  	_ =	shalt  }
0x5f: {  	_ =	shalt  }
0x60: {  	_ =	shalt  }
0x61: {  	_ =	shalt  }
0x62: {  	_ =	shalt  }
0x63: {  	_ =	shalt  }
0x64: {  	_ =	shalt  }
0x65: {  	_ =	shalt  }
0x66: {  	_ =	shalt  }
0x67: {  	_ =	shalt  }
0x68: {  	_ =	shalt  }
0x69: {  	_ =	shalt  }
0x6a: {  	_ =	shalt  }
0x6b: {  	_ =	shalt  }
0x6c: {  	_ =	shalt  }
0x6d: {  	_ =	shalt  }
0x6e: {  	_ =	shalt  }
0x6f: {  	_ =	shalt  }
0x70: {  	_ =	shalt  }
0x71: {  	_ =	shalt  }
0x72: {  	_ =	shalt  }
0x73: {  	_ =	shalt  }
0x74: {  	_ =	shalt  }
0x75: {  	_ =	shalt  }
0x76: {  	_ =	shalt  }
0x77: {  	_ =	shalt  }
0x78: {  	_ =	shalt  }
0x79: {  	_ =	shalt  }
0x7a: {  	_ =	shalt  }
0x7b: {  	_ =	shalt  }
0x7c: {  	_ =	shalt  }
0x7d: {  	_ =	shalt  }
0x7e: {  	_ =	shalt  }
0x7f: {  	_ =	shalt  }
0x80: {  	_ =	shalt  }
0x81: {  	_ =	shalt  }
0x82: {  	_ =	shalt  }
0x83: {  	_ =	shalt  }
0x84: {  	_ =	shalt  }
0x85: {  	_ =	shalt  }
0x86: {  	_ =	shalt  }
0x87: {  	_ =	shalt  }
.Lfunc_end0:
.L_simem_size_0:
called_computation_lowered:
.L_overlay_start_0:
0x88: {  	s2 =	sld [smem:$0x3FD9]  }
0x89: {  	s3 =	sld [smem:$0x3FFE];
	_ =	sdelay $0x1  }
0x8a: {  	s1 =	srdreg.scid  }
0x8b: {  	s0 =	sand.u32 $0x1, s1  }
0x8c: {  	s17 =	sshll.u32 s0, $0xA;
	s2 =	sadd.s32 s3, s2  }
0x8d: {  	s2 =	sadd.s32 s2, s17  }
0x8e: {  	[smem:$0x3FC2] =	sst s2  }
0x8f: {  	_ = 	snop  }
0x90: {  	s2 =	sld [smem:$0x3FD0];
	(tm) =	ssettm $0x1  }
0x91: {  	s18 =	sld [smem:$0x3FFB];
	_ =	sdelay $0x3  }
0x92: {  	_ =	strace s18  }
0x93: {  	s3 =	sld [smem:$0x3FFC];
	_ =	sdelay $0x3  }
0x94: {  	_ =	strace s3  }
0x95: {  	s3 =	sld [smem:$0x3FFD];
	_ =	sdelay $0x3  }
0x96: {  	_ =	strace s3  }
0x97: {  	_ =	strace $0x8FFFFFFF  }
0x98: {  	s19 =	sld [smem:$0x3FDB];
	_ =	sdelay $0x1  }
0x99: {  	s4 =	simm.s32 $_scs_section_size  }
0x9a: {  	s5 =	simm.s32 $_size__tile_overlayer_lowered;
	s6 =	simm.s32 $_tile_overlayer_lowered  }
0x9b: {  	s22 =	simm.s32 $0x1BFF;
	s21 =	sshll.u32 s6, $0x1;
	s3 =	sadd.s32 s4, s19  }
0x9c: {  	s7 =	simm.s32 $0x0;
	s20 =	sshll.u32 s5, $0x1;
	s5 =	sadd.s32 s21, s3  }
0x9d: {  	[timem:s7], [sflag:s22] =	dma.local [hbm:s5], s20  }
0x9e: {  	_ =	swait.ge [sflag:s22], s20  }
0x9f: {  	s4 =	ssub.s32 $0x0, s20;
	[sflag:s22] =	ssyncset.done $0x0  }
0xa0: {  	[sflag:s22] =	ssyncadd.s32 s4;
	_ =	sdelay $0x1  }
0xa1: {  	s23 =	simm.s32 $0x1B8B  }
0xa2: {  	_ =	swait.ge [sflag:s23], $0x1  }
0xa3: {  	[sflag:s23] =	ssyncset.done $0x0  }
0xa4: {  	s25 =	simm.s32 $0x1B8E;
	s24 =	sld [smem:$0x3FFE];
	[sflag:s23] =	ssyncadd.s32 $0xFFFFFFFF  }
0xa5: {  	s26 =	simm.s32 $execute0_lowered;
	[smem:$0x3FD2] =	sst s25  }
0xa6: {  	s5 =	sshll.u32 s26, $0x1;
	_ =	strace $0x80000046;
	[dreg:$0x1] =	wrdreg $0xFFFFFFFF  }
0xa7: {  	s28 =	simm.s32 $_size_execute0_lowered;
	s3 =	sadd.s32 s3, s5;
	[dreg:$0x0] =	wrdreg $0x0  }
0xa8: {  	s5 =	sshll.u32 s28, $0x1;
	[dreg:$0x2] =	wrdreg s3  }
0xa9: {  	[dreg:$0x3] =	wrdreg s5  }
0xaa: {  	[dreg:$0x4] =	wrdreg $0xC0  }
0xab: {  	_ =	task [dreg:s7], $0x5FFFF  }
0xac: {  	[dreg:$0x1] =	wrdreg $0xFFFFFFFF  }
0xad: {  	[dreg:$0x0] =	wrdreg $0x60  }
0xae: {  	[dreg:$0x2] =	wrdreg s24  }
0xaf: {  	[dreg:$0x3] =	wrdreg s2  }
0xb0: {  	[dreg:$0x4] =	wrdreg $0xF4800  }
0xb1: {  	[dreg:$0x5] =	wrdreg $0x9  }
0xb2: {  	_ =	task.clear_ibuf [dreg:s7], $0x6FFFF;
	_ =	strace $0x90000046  }
0xb3: {  	s29 =	simm.s32 $0x9;
	_ =	strace $0x80000048  }
0xb4: {  	_ =	swait.ge [sflag:s29], $0x1  }
0xb5: {  	[sflag:s29] =	ssyncadd.s32 $0xFFFFFFFF  }
0xb6: {  	_ =	strace $0x90000048  }
0xb7: {  	_ =	sfence  }
0xb8: {  	s30 =	sld [smem:$0x0];
	_ =	sdelay $0x2  }
0xb9: {  	s31 =	sshll.u32 s1, $0xD;
	s1 =	sshrl.u32 s1, $0x2  }
0xba: {  	s3 =	sand.u32 $0x4000, s31;
	s1 =	sadd.s32 s1, s30  }
0xbb: {  	s0 =	sor.u32 s3, s0;
	s1 =	sshll.u32 s1, $0x11  }
0xbc: {  	s0 =	sor.u32 s1, s0  }
0xbd: {  	s0 =	sadd.s32 $0x8F2B, s0  }
0xbe: {  	[sflag:s0] =	ssyncadd.remote.s32 $0x1  }
0xbf: {  	_ =	sfence.sel $0xFFFF  }
0xc0: {  	[dreg:$0x0] =	wrdreg $0xFFFFFFFF;
	(pc) =	sbr.abs _section_cstart, $3  }
0xc1: {  	[dreg:$0x1] =	wrdreg $0xFFFFFFFF  }
0xc2: {  	_ =	task.clear_ibuf [dreg:s7], $0x2FFFF;
	_ =	strace $0x9FFFFFFF  }
0xc3: {  	(tm) =	ssettm $0x7FFFFFFF  }
tec
execute0_lowered:
.L_overlay_start_1:
0x0: {  	(tag) =	ssettag $0x1  }
0x1: {  	s5 =	rddreg [dreg:$0x0]  }
0x2: {  	s1 =	rddreg [dreg:$0x1]  }
0x3: {  	s0 =	srdreg.scid;
	s3 =	rddreg [dreg:$0x2]  }
0x4: {  	s2 =	stileid.u32;
	s4 =	simm.s32 $0x0;
	s13 =	simm.s32 $0x7  }
0x5: {  	s14 =	simm.s32 $0x800;
	s15 =	simm.s32 $0x1000;
	s16 =	simm.s32 $0x1  }
0x6: {  	s17 =	simm.s32 $0x1800;
	s18 =	simm.s32 $0x4;
	s19 =	simm.s32 $0x2  }
0x7: {  	s20 =	simm.s32 $0x5;
	s21 =	simm.s32 $0x3;
	s22 =	simm.s32 $0x6  }
0x8: {  	s23 =	simm.s32 $0x2000;
	s24 =	simm.s32 $0x2C80;
	s25 =	simm.s32 $0x0  }
0x9: {  	s6 =	sand.u32 $0x1, s0;
	s0 =	rddreg [dreg:$0x3];
	s8 =	smul.u32 $0x6300, s2  }
0xa: {  	[smem:$0x7FF] =	sst s4;
	s10 =	smul.u32 $0x6400, s2;
	s7 =	sshll.u32 s6, $0x4  }
0xb: {  	s30 =	sshll.u32 s2, $0x6;
	_ =	strace $0x80000047;
	s7 =	sor.u32 s2, s7  }
0xc: {  	s6 =	ssub.s32 $0x2, s6;
	s11 =	sadd.s32 s8, s5;
	s9 =	smul.u32 $0x1900, s7  }
0xd: {  	s28 =	sshrl.u32 s6, $0x1;
	s29 =	sshrl.u32 s10, $0x2;
	s7 =	smul.u32 $0x3200, s7  }
0xe: {  	s8 =	ssub.s32 s6, s28;
	s12 =	sadd.s32 s29, s3;
	s10 =	sadd.s32 $0x3300, s11  }
0xf: {  	s8 =	smax.u32 s8, $0x1;
	s12 =	sshrl.u32 s12, $0x3;
	s31 =	sshrl.u32 s7, $0x2  }
0x10: {  	s9 =	sadd.s32 s9, s5;
	s5 =	sor.u32 $0x1C07, s30;
	s6 =	sadd.s32 s31, s3  }
0x11: {  	v0 =	vimm.f32 $1.000000000e+00;
	s7 =	sadd.s32 $0x66200, s9;
	s9 =	sadd.s32 $0x3200, s11;
	s11 =	sadd.s32 $0x3400, s11  }
.LBB2_1:
0x12: {  	[tilespmem:$0x1800] =	vst v0  }
0x13: {  	[tilespmem:$0x1810] =	vst v0  }
0x14: {  	[tilespmem:$0x1820] =	vst v0  }
0x15: {  	[tilespmem:$0x1830] =	vst v0  }
0x16: {  	[tilespmem:$0x1840] =	vst v0  }
0x17: {  	[tilespmem:$0x1850] =	vst v0  }
0x18: {  	[tilespmem:$0x1860] =	vst v0  }
0x19: {  	[tilespmem:$0x1870] =	vst v0  }
0x1a: {  	[tilespmem:$0x1880] =	vst v0  }
0x1b: {  	[tilespmem:$0x1890] =	vst v0  }
0x1c: {  	[tilespmem:$0x18A0] =	vst v0  }
0x1d: {  	[tilespmem:$0x18B0] =	vst v0  }
0x1e: {  	[tilespmem:$0x18C0] =	vst v0  }
0x1f: {  	[tilespmem:$0x18D0] =	vst v0  }
0x20: {  	[tilespmem:$0x18E0] =	vst v0  }
0x21: {  	[tilespmem:$0x18F0] =	vst v0  }
0x22: {  	[tilespmem:$0x1900] =	vst v0  }
0x23: {  	[tilespmem:$0x1910] =	vst v0  }
0x24: {  	[tilespmem:$0x1920] =	vst v0  }
0x25: {  	[tilespmem:$0x1930] =	vst v0  }
0x26: {  	[tilespmem:$0x1940] =	vst v0  }
0x27: {  	[tilespmem:$0x1950] =	vst v0  }
0x28: {  	[tilespmem:$0x1960] =	vst v0  }
0x29: {  	[tilespmem:$0x1970] =	vst v0  }
0x2a: {  	[tilespmem:$0x1980] =	vst v0  }
0x2b: {  	[tilespmem:$0x1990] =	vst v0  }
0x2c: {  	[tilespmem:$0x19A0] =	vst v0  }
0x2d: {  	[tilespmem:$0x19B0] =	vst v0  }
0x2e: {  	[tilespmem:$0x19C0] =	vst v0  }
0x2f: {  	[tilespmem:$0x19D0] =	vst v0  }
0x30: {  	[tilespmem:$0x19E0] =	vst v0  }
0x31: {  	[tilespmem:$0x19F0] =	vst v0  }
0x32: {  	[tilespmem:$0x1A00] =	vst v0  }
0x33: {  	[tilespmem:$0x1A10] =	vst v0  }
0x34: {  	[tilespmem:$0x1A20] =	vst v0  }
0x35: {  	[tilespmem:$0x1A30] =	vst v0  }
0x36: {  	[tilespmem:$0x1A40] =	vst v0  }
0x37: {  	[tilespmem:$0x1A50] =	vst v0  }
0x38: {  	[tilespmem:$0x1A60] =	vst v0  }
0x39: {  	[tilespmem:$0x1A70] =	vst v0  }
0x3a: {  	[tilespmem:$0x1A80] =	vst v0  }
0x3b: {  	[tilespmem:$0x1A90] =	vst v0  }
0x3c: {  	[tilespmem:$0x1AA0] =	vst v0  }
0x3d: {  	[tilespmem:$0x1AB0] =	vst v0  }
0x3e: {  	[tilespmem:$0x1AC0] =	vst v0  }
0x3f: {  	[tilespmem:$0x1AD0] =	vst v0  }
0x40: {  	[tilespmem:$0x1AE0] =	vst v0  }
0x41: {  	[tilespmem:$0x1AF0] =	vst v0  }
0x42: {  	[tilespmem:$0x1B00] =	vst v0  }
0x43: {  	[tilespmem:$0x1B10] =	vst v0  }
0x44: {  	[tilespmem:$0x1B20] =	vst v0  }
0x45: {  	[tilespmem:$0x1B30] =	vst v0  }
0x46: {  	[tilespmem:$0x1B40] =	vst v0  }
0x47: {  	[tilespmem:$0x1B50] =	vst v0  }
0x48: {  	[tilespmem:$0x1B60] =	vst v0  }
0x49: {  	[tilespmem:$0x1B70] =	vst v0  }
0x4a: {  	[tilespmem:$0x1B80] =	vst v0  }
0x4b: {  	[tilespmem:$0x1B90] =	vst v0  }
0x4c: {  	[tilespmem:$0x1BA0] =	vst v0  }
0x4d: {  	[tilespmem:$0x1BB0] =	vst v0  }
0x4e: {  	[tilespmem:$0x1BC0] =	vst v0  }
0x4f: {  	[tilespmem:$0x1BD0] =	vst v0  }
0x50: {  	[tilespmem:$0x1BE0] =	vst v0  }
0x51: {  	[tilespmem:$0x1BF0] =	vst v0  }
0x52: {  	[tilespmem:$0x1C00] =	vst v0  }
0x53: {  	[tilespmem:$0x1C10] =	vst v0  }
0x54: {  	[tilespmem:$0x1C20] =	vst v0  }
0x55: {  	[tilespmem:$0x1C30] =	vst v0  }
0x56: {  	[tilespmem:$0x1C40] =	vst v0  }
0x57: {  	[tilespmem:$0x1C50] =	vst v0  }
0x58: {  	[tilespmem:$0x1C60] =	vst v0  }
0x59: {  	[tilespmem:$0x1C70] =	vst v0  }
0x5a: {  	[tilespmem:$0x1C80] =	vst v0  }
0x5b: {  	[tilespmem:$0x1C90] =	vst v0  }
0x5c: {  	[tilespmem:$0x1CA0] =	vst v0  }
0x5d: {  	[tilespmem:$0x1CB0] =	vst v0  }
0x5e: {  	[tilespmem:$0x1CC0] =	vst v0  }
0x5f: {  	[tilespmem:$0x1CD0] =	vst v0  }
0x60: {  	[tilespmem:$0x1CE0] =	vst v0  }
0x61: {  	[tilespmem:$0x1CF0] =	vst v0  }
0x62: {  	[tilespmem:$0x1D00] =	vst v0  }
0x63: {  	[tilespmem:$0x1D10] =	vst v0  }
0x64: {  	[tilespmem:$0x1D20] =	vst v0  }
0x65: {  	[tilespmem:$0x1D30] =	vst v0  }
0x66: {  	[tilespmem:$0x1D40] =	vst v0  }
0x67: {  	[tilespmem:$0x1D50] =	vst v0  }
0x68: {  	[tilespmem:$0x1D60] =	vst v0  }
0x69: {  	[tilespmem:$0x1D70] =	vst v0  }
0x6a: {  	[tilespmem:$0x1D80] =	vst v0  }
0x6b: {  	[tilespmem:$0x1D90] =	vst v0  }
0x6c: {  	[tilespmem:$0x1DA0] =	vst v0  }
0x6d: {  	[tilespmem:$0x1DB0] =	vst v0  }
0x6e: {  	[tilespmem:$0x1DC0] =	vst v0  }
0x6f: {  	[tilespmem:$0x1DD0] =	vst v0  }
0x70: {  	[tilespmem:$0x1DE0] =	vst v0  }
0x71: {  	[tilespmem:$0x1DF0] =	vst v0  }
0x72: {  	[tilespmem:$0x1E00] =	vst v0  }
0x73: {  	[tilespmem:$0x1E10] =	vst v0  }
0x74: {  	[tilespmem:$0x1E20] =	vst v0  }
0x75: {  	[tilespmem:$0x1E30] =	vst v0  }
0x76: {  	[tilespmem:$0x1E40] =	vst v0  }
0x77: {  	[tilespmem:$0x1E50] =	vst v0  }
0x78: {  	[tilespmem:$0x1E60] =	vst v0  }
0x79: {  	[tilespmem:$0x1E70] =	vst v0  }
0x7a: {  	[tilespmem:$0x1E80] =	vst v0  }
0x7b: {  	[tilespmem:$0x1E90] =	vst v0  }
0x7c: {  	[tilespmem:$0x1EA0] =	vst v0  }
0x7d: {  	[tilespmem:$0x1EB0] =	vst v0  }
0x7e: {  	[tilespmem:$0x1EC0] =	vst v0  }
0x7f: {  	[tilespmem:$0x1ED0] =	vst v0  }
0x80: {  	[tilespmem:$0x1EE0] =	vst v0  }
0x81: {  	[tilespmem:$0x1EF0] =	vst v0  }
0x82: {  	[tilespmem:$0x1F00] =	vst v0  }
0x83: {  	[tilespmem:$0x1F10] =	vst v0  }
0x84: {  	[tilespmem:$0x1F20] =	vst v0  }
0x85: {  	[tilespmem:$0x1F30] =	vst v0  }
0x86: {  	[tilespmem:$0x1F40] =	vst v0  }
0x87: {  	[tilespmem:$0x1F50] =	vst v0  }
0x88: {  	[tilespmem:$0x1F60] =	vst v0  }
0x89: {  	[tilespmem:$0x1F70] =	vst v0  }
0x8a: {  	[tilespmem:$0x1F80] =	vst v0  }
0x8b: {  	[tilespmem:$0x1F90] =	vst v0  }
0x8c: {  	[tilespmem:$0x1FA0] =	vst v0  }
0x8d: {  	[tilespmem:$0x1FB0] =	vst v0  }
0x8e: {  	[tilespmem:$0x1FC0] =	vst v0  }
0x8f: {  	[tilespmem:$0x1FD0] =	vst v0  }
0x90: {  	[tilespmem:$0x1FE0] =	vst v0  }
0x91: {  	[tilespmem:$0x1FF0] =	vst v0  }
0x92: {  	[spmem:s12], [sflag:s5] =	dma.local [hbm:s1], $0x320  }
0x93: {  	_ =	swait.ge [sflag:s13], $0x320  }
0x94: {  	[sflag:s13] =	ssyncset.done $0x0  }
0x95: {  	[sflag:s13] =	ssyncadd.s32 $0xFFFFFCE0  }
0x96: {  	[bflag:$0x0] =	sbarrier.arrive $0xFFFF  }
0x97: {  	[tilespmem:s4], [sflag:$0x1] =	stream.linear.gather [hbm4b:s9+s4], $0x800, $0x38;
	[tilespmem:$0x10D80] =	vst v63  }
0x98: {  	_ = 	snop  }
0x99: {  	[tilespmem:s14], [sflag:$0x2] =	stream.linear.gather [hbm4b:s10+s4], $0x800, $0x38;
	[tilespmem:$0x10D80] =	vst v63  }
0x9a: {  	_ = 	snop  }
0x9b: {  	[tilespmem:s15], [sflag:$0x3] =	stream.linear.gather [hbm4b:s11+s4], $0x800, $0x38;
	[tilespmem:$0x10D80] =	vst v63  }
0x9c: {  	_ =	swait.ge [sflag:s16], $0x800  }
0x9d: {  	[sflag:s16] =	ssyncset.done $0x0  }
0x9e: {  	[sflag:s16] =	ssyncadd.s32 $0xFFFFF800  }
0x9f: {  	[spmem:s3] =	stream.indirect.scatter.add.f32 [tilespmem:s17], [sflag:$0x4], $0x1, s4, s14, $0xb8;
	[tilespmem:$0x10D80] =	vst v63  }
0xa0: {  	_ =	swait.ge [sflag:s18], $0x800  }
0xa1: {  	s26 =	sadd.s32 $0xFFFFA000, s9;
	[sflag:s18] =	ssyncset.done $0x0  }
0xa2: {  	s28 =	sadd.s32 $0x6300, s26;
	[sflag:s18] =	ssyncadd.s32 $0xFFFFF800  }
0xa3: {  	[tilespmem:s4], [sflag:$0x1] =	stream.linear.gather [hbm4b:s28+s4], $0x800, $0x38;
	[tilespmem:$0x10D80] =	vst v63  }
0xa4: {  	_ =	swait.ge [sflag:s19], $0x800  }
0xa5: {  	[sflag:s19] =	ssyncset.done $0x0  }
0xa6: {  	[sflag:s19] =	ssyncadd.s32 $0xFFFFF800  }
0xa7: {  	[spmem:s3] =	stream.indirect.scatter.add.f32 [tilespmem:s17], [sflag:$0x5], $0x1, s14, s14, $0xb8;
	[tilespmem:$0x10D80] =	vst v63  }
0xa8: {  	_ =	swait.ge [sflag:s20], $0x800  }
0xa9: {  	[sflag:s20] =	ssyncset.done $0x0  }
0xaa: {  	s31 =	sadd.s32 $0x6400, s26;
	[sflag:s20] =	ssyncadd.s32 $0xFFFFF800  }
0xab: {  	[tilespmem:s14], [sflag:$0x2] =	stream.linear.gather [hbm4b:s31+s4], $0x800, $0x38;
	[tilespmem:$0x10D80] =	vst v63  }
0xac: {  	_ =	swait.ge [sflag:s21], $0x800  }
0xad: {  	[sflag:s21] =	ssyncset.done $0x0  }
0xae: {  	[sflag:s21] =	ssyncadd.s32 $0xFFFFF800  }
0xaf: {  	[spmem:s3] =	stream.indirect.scatter.add.f32 [tilespmem:s17], [sflag:$0x6], $0x1, s15, s14, $0xb8;
	[tilespmem:$0x10D80] =	vst v63  }
0xb0: {  	_ =	swait.ge [sflag:s22], $0x800  }
0xb1: {  	[sflag:s22] =	ssyncset.done $0x0  }
0xb2: {  	s26 =	sadd.s32 $0x6500, s26;
	[sflag:s22] =	ssyncadd.s32 $0xFFFFF800  }
0xb3: {  	[tilespmem:s15], [sflag:$0x3] =	stream.linear.gather [hbm4b:s26+s4], $0x800, $0x38;
	[tilespmem:$0x10D80] =	vst v63  }
0xb4: {  	_ =	swait.ge [sflag:s16], $0x800  }
0xb5: {  	[sflag:s16] =	ssyncset.done $0x0  }
0xb6: {  	s26 =	simm.s32 $0xFFFFA300;
	[sflag:s16] =	ssyncadd.s32 $0xFFFFF800  }
.LBB2_2:
0xb7: {  	[spmem:s3] =	stream.indirect.scatter.add.f32 [tilespmem:s17], [sflag:$0x4], $0x1, s4, s14, $0xb8;
	[tilespmem:$0x10D80] =	vst v63  }
0xb8: {  	s28 =	smov.u32 s26  }
0xb9: {  	p0 =	sne.s32 s26, $0xFFFFFD00;
	s26 =	sadd.s32 $0x300, s26;
	_ =	swait.ge [sflag:s18], $0x800  }
0xba: {  	s28 =	sadd.s32 s28, s9;
	[sflag:s18] =	ssyncset.done $0x0  }
0xbb: {  	s29 =	sadd.s32 $0x6300, s28;
	[sflag:s18] =	ssyncadd.s32 $0xFFFFF800  }
0xbc: {  	[tilespmem:s4], [sflag:$0x1] =	stream.linear.gather [hbm4b:s29+s4], $0x800, $0x38;
	[tilespmem:$0x10D80] =	vst v63  }
0xbd: {  	_ =	swait.ge [sflag:s19], $0x800  }
0xbe: {  	[sflag:s19] =	ssyncset.done $0x0  }
0xbf: {  	[sflag:s19] =	ssyncadd.s32 $0xFFFFF800  }
0xc0: {  	[spmem:s3] =	stream.indirect.scatter.add.f32 [tilespmem:s17], [sflag:$0x5], $0x1, s14, s14, $0xb8;
	[tilespmem:$0x10D80] =	vst v63  }
0xc1: {  	_ =	swait.ge [sflag:s20], $0x800  }
0xc2: {  	[sflag:s20] =	ssyncset.done $0x0  }
0xc3: {  	s29 =	sadd.s32 $0x6400, s28;
	[sflag:s20] =	ssyncadd.s32 $0xFFFFF800  }
0xc4: {  	[tilespmem:s14], [sflag:$0x2] =	stream.linear.gather [hbm4b:s29+s4], $0x800, $0x38;
	[tilespmem:$0x10D80] =	vst v63  }
0xc5: {  	_ =	swait.ge [sflag:s21], $0x800  }
0xc6: {  	[sflag:s21] =	ssyncset.done $0x0  }
0xc7: {  	[sflag:s21] =	ssyncadd.s32 $0xFFFFF800  }
0xc8: {  	[spmem:s3] =	stream.indirect.scatter.add.f32 [tilespmem:s17], [sflag:$0x6], $0x1, s15, s14, $0xb8;
	[tilespmem:$0x10D80] =	vst v63  }
0xc9: {  	_ =	swait.ge [sflag:s22], $0x800  }
0xca: {  	[sflag:s22] =	ssyncset.done $0x0  }
.Ltmp0:
0xcb: {  	s28 =	sadd.s32 $0x6500, s28;
	[sflag:s22] =	ssyncadd.s32 $0xFFFFF800;
	(pc) =	sbr.rel @p0 .LBB2_2-.Ltmp0, $4  }
0xcc: {  	[tilespmem:s15], [sflag:$0x3] =	stream.linear.gather [hbm4b:s28+s4], $0x800, $0x38;
	[tilespmem:$0x10D80] =	vst v63  }
0xcd: {  	_ =	swait.ge [sflag:s16], $0x800  }
0xce: {  	[sflag:s16] =	ssyncset.done $0x0  }
0xcf: {  	[sflag:s16] =	ssyncadd.s32 $0xFFFFF800  }
0xd0: {  	[spmem:s3] =	stream.indirect.scatter.add.f32 [tilespmem:s17], [sflag:$0x4], $0x1, s4, s14, $0xb8;
	[tilespmem:$0x10D80] =	vst v63  }
0xd1: {  	_ =	swait.ge [sflag:s19], $0x800  }
0xd2: {  	[sflag:s19] =	ssyncset.done $0x0  }
0xd3: {  	[sflag:s19] =	ssyncadd.s32 $0xFFFFF800  }
0xd4: {  	[spmem:s3] =	stream.indirect.scatter.add.f32 [tilespmem:s17], [sflag:$0x5], $0x1, s14, s14, $0xb8;
	[tilespmem:$0x10D80] =	vst v63  }
0xd5: {  	_ =	swait.ge [sflag:s21], $0x800  }
0xd6: {  	[sflag:s21] =	ssyncset.done $0x0  }
0xd7: {  	[sflag:s21] =	ssyncadd.s32 $0xFFFFF800  }
0xd8: {  	[spmem:s3] =	stream.indirect.scatter.add.f32 [tilespmem:s17], [sflag:$0x6], $0x1, s15, s14, $0xb8;
	[tilespmem:$0x10D80] =	vst v63  }
0xd9: {  	_ =	swait.ge [sflag:s18], $0x800  }
0xda: {  	[sflag:s18] =	ssyncset.done $0x0  }
0xdb: {  	[sflag:s18] =	ssyncadd.s32 $0xFFFFF800  }
0xdc: {  	_ =	swait.ge [sflag:s20], $0x800  }
0xdd: {  	[sflag:s20] =	ssyncset.done $0x0  }
0xde: {  	[sflag:s20] =	ssyncadd.s32 $0xFFFFF800  }
0xdf: {  	_ =	swait.ge [sflag:s22], $0x800  }
0xe0: {  	[sflag:s22] =	ssyncset.done $0x0  }
0xe1: {  	[sflag:s22] =	ssyncadd.s32 $0xFFFFF800  }
0xe2: {  	[bflag:$0x0] =	sbarrier.arrive $0xFFFF  }
0xe3: {  	[tilespmem:s23], [sflag:$0x7] =	stream.linear.gather [spmem:s6], $0xC80, $0x38;
	[tilespmem:$0x10D80] =	vst v63  }
0xe4: {  	_ =	swait.ge [sflag:s13], $0xC80  }
0xe5: {  	[sflag:s13] =	ssyncset.done $0x0  }
0xe6: {  	s26 =	simm.s32 $0x0;
	[sflag:s13] =	ssyncadd.s32 $0xFFFFF380  }
0xe7: {  	v1 =	vld [tilespmem:s26+$0x2000];
	_ =	sdelay $0x4  }
0xe8: {  	v1 =	vadd.f32 $1.000000000e+00, v1;
	_ =	sdelay $0x1  }
0xe9: {  	v2 =	vshra.s32 v1, $0x1;
	v1 =	vmul.f32 $5.000000000e-01, v1  }
0xea: {  	v2 =	vsub.s32 $0x5F3759DF, v2  }
0xeb: {  	v3 =	vmul.f32 v2, v1;
	_ =	sdelay $0x1  }
0xec: {  	v3 =	vmul.f32 v2, v3;
	_ =	sdelay $0x1  }
0xed: {  	v3 =	vsub.f32 $1.500000000e+00, v3;
	_ =	sdelay $0x1  }
0xee: {  	v2 =	vmul.f32 v2, v3;
	_ =	sdelay $0x1  }
0xef: {  	v3 =	vmul.f32 v2, v1;
	_ =	sdelay $0x1  }
0xf0: {  	v3 =	vmul.f32 v3, v2;
	_ =	sdelay $0x1  }
0xf1: {  	v3 =	vsub.f32 $1.500000000e+00, v3;
	_ =	sdelay $0x1  }
0xf2: {  	v2 =	vmul.f32 v3, v2;
	_ =	sdelay $0x1  }
0xf3: {  	v1 =	vmul.f32 v2, v1;
	_ =	sdelay $0x1  }
0xf4: {  	v1 =	vmul.f32 v1, v2;
	_ =	sdelay $0x1  }
0xf5: {  	v1 =	vsub.f32 $1.500000000e+00, v1;
	_ =	sdelay $0x1  }
0xf6: {  	v1 =	vmul.f32 v1, v2;
	_ =	sdelay $0x1  }
0xf7: {  	v2 =	vbroadcast v1, $0x0  }
0xf8: {  	s26 =	simm.s32 $0x2D00;
	v3 =	vbroadcast v1, $0x1  }
0xf9: {  	v4 =	vbroadcast v1, $0x2;
	[tilespmem:s26+$0xFFFFFF80] =	vst v2  }
0xfa: {  	v60 =	vbroadcast v1, $0x5;
	[tilespmem:s26+$0xFFFFFF90] =	vst v3  }
0xfb: {  	v61 =	vbroadcast v1, $0x8;
	[tilespmem:s26+$0xFFFFFFA0] =	vst v4  }
0xfc: {  	v62 =	vbroadcast v1, $0xB;
	[tilespmem:s26+$0xFFFFFFD0] =	vst v60  }
0xfd: {  	v63 =	vbroadcast v1, $0xE;
	[tilespmem:s26+$0x0] =	vst v61  }
0xfe: {  	v2 =	vbroadcast v1, $0x3;
	[tilespmem:s26+$0x30] =	vst v62  }
0xff: {  	v3 =	vbroadcast v1, $0x4;
	[tilespmem:s26+$0x60] =	vst v63  }
0x100: {  	[tilespmem:s26+$0xFFFFFFB0] =	vst v2;
	v2 =	vbroadcast v1, $0x6  }
0x101: {  	[tilespmem:s26+$0xFFFFFFC0] =	vst v3;
	v3 =	vbroadcast v1, $0x7  }
0x102: {  	[tilespmem:s26+$0xFFFFFFE0] =	vst v2;
	v2 =	vbroadcast v1, $0x9  }
0x103: {  	[tilespmem:s26+$0xFFFFFFF0] =	vst v3;
	v3 =	vbroadcast v1, $0xA  }
0x104: {  	[tilespmem:s26+$0x10] =	vst v2;
	v2 =	vbroadcast v1, $0xC  }
0x105: {  	[tilespmem:s26+$0x20] =	vst v3;
	v3 =	vbroadcast v1, $0xD  }
0x106: {  	v1 =	vbroadcast v1, $0xF;
	[tilespmem:s26+$0x40] =	vst v2  }
0x107: {  	[tilespmem:s26+$0x50] =	vst v3  }
0x108: {  	s29 =	simm.s32 $0x10;
	s28 =	simm.s32 $0x80;
	[tilespmem:s26+$0x70] =	vst v1  }
.LBB2_4:
0x109: {  	p0 =	sne.s32 s28, $0x31C0;
	v1 =	vld [tilespmem:s29+$0x2000];
	_ =	sdelay $0x4  }
0x10a: {  	v1 =	vadd.f32 $1.000000000e+00, v1;
	_ =	sdelay $0x1  }
0x10b: {  	v2 =	vshra.s32 v1, $0x1;
	v1 =	vmul.f32 $5.000000000e-01, v1  }
0x10c: {  	v2 =	vsub.s32 $0x5F3759DF, v2  }
0x10d: {  	v3 =	vmul.f32 v2, v1;
	_ =	sdelay $0x1  }
0x10e: {  	v3 =	vmul.f32 v2, v3;
	_ =	sdelay $0x1  }
0x10f: {  	v3 =	vsub.f32 $1.500000000e+00, v3;
	_ =	sdelay $0x1  }
0x110: {  	v2 =	vmul.f32 v2, v3;
	_ =	sdelay $0x1  }
0x111: {  	v3 =	vmul.f32 v2, v1;
	_ =	sdelay $0x1  }
0x112: {  	v3 =	vmul.f32 v3, v2;
	_ =	sdelay $0x1  }
0x113: {  	v3 =	vsub.f32 $1.500000000e+00, v3;
	_ =	sdelay $0x1  }
0x114: {  	v2 =	vmul.f32 v3, v2;
	_ =	sdelay $0x1  }
0x115: {  	v1 =	vmul.f32 v2, v1;
	_ =	sdelay $0x1  }
0x116: {  	v1 =	vmul.f32 v1, v2;
	_ =	sdelay $0x1  }
0x117: {  	v1 =	vsub.f32 $1.500000000e+00, v1;
	_ =	sdelay $0x1  }
0x118: {  	v1 =	vmul.f32 v1, v2;
	_ =	sdelay $0x1  }
0x119: {  	v2 =	vbroadcast v1, $0x0;
	v3 =	vbroadcast v1, $0x1  }
0x11a: {  	s26 =	sadd.s32 $0x100, s26;
	v4 =	vbroadcast v1, $0x2;
	v5 =	vbroadcast v1, $0x3  }
0x11b: {  	v6 =	vbroadcast v1, $0x5;
	[tilespmem:s26+$0xFFFFFF80] =	vst v2;
	v2 =	vbroadcast v1, $0x4  }
0x11c: {  	v7 =	vbroadcast v1, $0x7;
	[tilespmem:s26+$0xFFFFFF90] =	vst v3;
	v3 =	vbroadcast v1, $0x6  }
0x11d: {  	v8 =	vbroadcast v1, $0x9;
	[tilespmem:s26+$0xFFFFFFA0] =	vst v4;
	v4 =	vbroadcast v1, $0x8  }
0x11e: {  	v9 =	vbroadcast v1, $0xB;
	[tilespmem:s26+$0xFFFFFFB0] =	vst v5;
	v5 =	vbroadcast v1, $0xA  }
0x11f: {  	v10 =	vbroadcast v1, $0xD;
	[tilespmem:s26+$0xFFFFFFC0] =	vst v2;
	v2 =	vbroadcast v1, $0xC  }
0x120: {  	[tilespmem:s26+$0xFFFFFFD0] =	vst v6;
	v6 =	vbroadcast v1, $0xE;
	v1 =	vbroadcast v1, $0xF  }
0x121: {  	[tilespmem:s26+$0xFFFFFFE0] =	vst v3  }
0x122: {  	[tilespmem:s26+$0xFFFFFFF0] =	vst v7  }
0x123: {  	[tilespmem:s26+$0x0] =	vst v4  }
0x124: {  	[tilespmem:s26+$0x10] =	vst v8  }
0x125: {  	[tilespmem:s26+$0x20] =	vst v5  }
.Ltmp1:
0x126: {  	[tilespmem:s26+$0x30] =	vst v9;
	(pc) =	sbr.rel @p0 .LBB2_4-.Ltmp1, $4  }
0x127: {  	[tilespmem:s26+$0x40] =	vst v2  }
0x128: {  	[tilespmem:s26+$0x50] =	vst v10  }
0x129: {  	[tilespmem:s26+$0x60] =	vst v6  }
0x12a: {  	s29 =	sshra.s32 s28, $0x2;
	s28 =	sadd.s32 $0x40, s28;
	[tilespmem:s26+$0x70] =	vst v1  }
0x12b: {  	v1 =	vld [tilespmem:s29+$0x2000];
	_ =	sdelay $0x4  }
0x12c: {  	v1 =	vadd.f32 $1.000000000e+00, v1;
	_ =	sdelay $0x1  }
0x12d: {  	v2 =	vshra.s32 v1, $0x1;
	v1 =	vmul.f32 $5.000000000e-01, v1  }
0x12e: {  	v2 =	vsub.s32 $0x5F3759DF, v2  }
0x12f: {  	v3 =	vmul.f32 v2, v1;
	_ =	sdelay $0x1  }
0x130: {  	v3 =	vmul.f32 v2, v3;
	_ =	sdelay $0x1  }
0x131: {  	v3 =	vsub.f32 $1.500000000e+00, v3;
	_ =	sdelay $0x1  }
0x132: {  	v2 =	vmul.f32 v2, v3;
	_ =	sdelay $0x1  }
0x133: {  	v3 =	vmul.f32 v2, v1;
	_ =	sdelay $0x1  }
0x134: {  	v3 =	vmul.f32 v3, v2;
	_ =	sdelay $0x1  }
0x135: {  	v3 =	vsub.f32 $1.500000000e+00, v3;
	_ =	sdelay $0x1  }
0x136: {  	v2 =	vmul.f32 v3, v2;
	_ =	sdelay $0x1  }
0x137: {  	v1 =	vmul.f32 v2, v1;
	_ =	sdelay $0x1  }
0x138: {  	v1 =	vmul.f32 v1, v2;
	_ =	sdelay $0x1  }
0x139: {  	v1 =	vsub.f32 $1.500000000e+00, v1;
	_ =	sdelay $0x1  }
0x13a: {  	v1 =	vmul.f32 v1, v2;
	_ =	sdelay $0x1  }
0x13b: {  	v2 =	vbroadcast v1, $0x0  }
0x13c: {  	s26 =	sadd.s32 $0x100, s26;
	v3 =	vbroadcast v1, $0x1  }
0x13d: {  	v4 =	vbroadcast v1, $0x2;
	[tilespmem:s26+$0xFFFFFF80] =	vst v2  }
0x13e: {  	v60 =	vbroadcast v1, $0x5;
	[tilespmem:s26+$0xFFFFFF90] =	vst v3  }
0x13f: {  	v61 =	vbroadcast v1, $0x8;
	[tilespmem:s26+$0xFFFFFFA0] =	vst v4  }
0x140: {  	v62 =	vbroadcast v1, $0xB;
	[tilespmem:s26+$0xFFFFFFD0] =	vst v60  }
0x141: {  	v63 =	vbroadcast v1, $0xE;
	[tilespmem:s26+$0x0] =	vst v61  }
0x142: {  	v2 =	vbroadcast v1, $0x3;
	[tilespmem:s26+$0x30] =	vst v62  }
0x143: {  	v3 =	vbroadcast v1, $0x4;
	[tilespmem:s26+$0x60] =	vst v63  }
0x144: {  	[tilespmem:s26+$0xFFFFFFB0] =	vst v2;
	v2 =	vbroadcast v1, $0x6  }
0x145: {  	[tilespmem:s26+$0xFFFFFFC0] =	vst v3;
	v3 =	vbroadcast v1, $0x7  }
0x146: {  	[tilespmem:s26+$0xFFFFFFE0] =	vst v2;
	v2 =	vbroadcast v1, $0x9  }
0x147: {  	[tilespmem:s26+$0xFFFFFFF0] =	vst v3;
	v3 =	vbroadcast v1, $0xA  }
0x148: {  	[tilespmem:s26+$0x10] =	vst v2;
	v2 =	vbroadcast v1, $0xC  }
0x149: {  	[tilespmem:s26+$0x20] =	vst v3;
	v3 =	vbroadcast v1, $0xD  }
0x14a: {  	s25 =	sadd.s32 $0x1, s25;
	v1 =	vbroadcast v1, $0xF;
	[tilespmem:s26+$0x40] =	vst v2  }
0x14b: {  	p0 =	sne.s32 s25, s8;
	[tilespmem:s26+$0x50] =	vst v3  }
.Ltmp2:
0x14c: {  	[tilespmem:s26+$0x70] =	vst v1;
	(pc) =	sbr.rel @p0 .LBB2_1-.Ltmp2, $4  }
0x14d: {  	[hbm4b:s7+s4] =	stream.linear.scatter [tilespmem:s24], [sflag:$0x7], $0xC800, $0x38;
	[tilespmem:$0x10D80] =	vst v63  }
0x14e: {  	_ =	swait.ge [sflag:s13], $0xC800  }
0x14f: {  	[sflag:s13] =	ssyncset.done $0x0  }
0x150: {  	[sflag:s13] =	ssyncadd.s32 $0xFFFF3800  }
0x151: {  	_ =	sfence.sel $0x180000  }
0x152: {  	[bflag:$0x0] =	sbarrier.arrive $0xFFFF  }
0x153: {  	p0 =	sne.s32 s2, $0x0;
	_ =	strace $0x90000047  }
0x154: {  	s0 =	sadd.s32 @!p0 $0x100000, s0;
	[bflag:$0x2] =	sbarrier.arrive $0xFFFF  }
0x155: {  	[sflag:s0] =	ssyncadd.tile.s32 @!p0 $0x1;
	_ =	shalt  }
.Lfunc_end2:
_tile_overlayer_lowered:
.L_overlay_start_2:
0x156: {  	(tag) =	ssettag $0x2  }
0x157: {  	s0 =	rddreg [dreg:$0x0];
	s2 =	stileid.u32  }
0x158: {  	s1 =	rddreg [dreg:$0x1];
	p0 =	sne.s32 s2, $0x0  }
0x159: {  	s3 =	rddreg [dreg:$0x2];
	[bflag:$0x3] =	sbarrier.arrive $0xFFFF;
	s2 =	simm.s32 @!p0 $0x1C07  }
0x15a: {  	[timem:s3], [sflag:s2] =	dma.local @!p0 [hbm:s0], s1  }
0x15b: {  	s0 =	simm.s32 @!p0 $0x7  }
0x15c: {  	_ =	swait.ge @!p0 [sflag:s0], s1  }
0x15d: {  	s1 =	ssub.s32 @!p0 $0x0, s1;
	[sflag:s0] =	ssyncset.done @!p0 $0x0  }
0x15e: {  	[sflag:s0] =	ssyncadd.s32 @!p0 s1  }
0x15f: {  	[bflag:$0x3] =	sbarrier.arrive $0xFFFF  }
0x160: {  	_ =	shalt  }

</sc_bundles>
